<compile_context>
chip_gen: v7x
topology: tpu7x:2x2x1
jax: 0.10.2.dev20260603
libtpu: 0.0.44.dev20260713+nightly
codegen_flags: <defaults>
</compile_context>

<pallas_src>
import functools

import jax
import jax.numpy as jnp
from jax import lax
from jax.experimental import pallas as pl
from jax.experimental.pallas import tpu as pltpu
from jax.experimental.pallas import tpu_sc as plsc

NC = 2
NS = 16
K = 50
NB = 4
KD = 100


def _fill(ref, nrows, ncols, val):
    v = jnp.full((16,), val, jnp.float32)
    npieces = ncols // 16

    def body(k, _):
        i = k // npieces
        j = k % npieces
        ref[i, pl.ds(j * 16, 16)] = v
        return 0

    lax.fori_loop(0, nrows * npieces, body, 0)


def _make_sc_agg(N, E, D):
    n_chunk_rows = E // K
    n = n_chunk_rows // (NC * NS)
    units = N // K
    rounds = (units + NS - 1) // NS
    assert n_chunk_rows * K == E and n * NC * NS == n_chunk_rows
    assert units * K == N
    assert n % NB == 0 and n >= 2 * NB

    scratch = [
        pltpu.VMEM((n, K), jnp.int32),
        pltpu.VMEM((n, K), jnp.int32),
        pltpu.VMEM_SHARED((N, D), jnp.float32),
    ]
    scratch += [pltpu.VMEM((K, D), jnp.float32) for _ in range(NB)]
    scratch += [pltpu.SemaphoreType.DMA for _ in range(2 * NB)]

    mesh = plsc.VectorSubcoreMesh(core_axis_name="c", subcore_axis_name="s")

    @functools.partial(
        pl.kernel,
        mesh=mesh,
        out_type=jax.ShapeDtypeStruct((NC * N, D), jnp.float32),
        scratch_types=scratch,
        compiler_params=pltpu.CompilerParams(use_tc_tiling_on_sc=False),
    )
    def k(x_hbm, ei_hbm, agg_out, idx_s, idx_d, agg_sh, *bufsem):
        bufs = bufsem[:NB]
        gsem = bufsem[NB:2 * NB]
        ssem = bufsem[2 * NB:]
        cid = lax.axis_index("c")
        sid = lax.axis_index("s")

        _fill(bufs[0], K, D, 0.0)
        for r in range(rounds):
            u = r * NS + sid

            @pl.when(u < units)
            def _():
                pltpu.sync_copy(bufs[0], agg_sh.at[pl.ds(u * K, K)])

        plsc.subcore_barrier()

        base = (cid * NS + sid) * n
        pltpu.sync_copy(ei_hbm.at[0, pl.ds(base, n)], idx_s)
        pltpu.sync_copy(ei_hbm.at[1, pl.ds(base, n)], idx_d)

        def g_start(c, b):
            pltpu.async_copy(x_hbm.at[idx_s.at[c]], bufs[b], gsem[b])

        def g_wait(c, b):
            pltpu.make_async_copy(x_hbm.at[idx_s.at[c]], bufs[b], gsem[b]).wait()

        def s_start(c, b):
            pltpu.async_copy(bufs[b], agg_sh.at[idx_d.at[c]], ssem[b], add=True)

        def s_wait(c, b):
            pltpu.make_async_copy(bufs[b], agg_sh.at[idx_d.at[c]], ssem[b]).wait()

        for b in range(NB - 1):
            g_start(b, b)

        def body(g, _):
            for b in range(NB):
                c = g * NB + b
                g_wait(c, b)
                s_start(c, b)
                if b == 0:
                    @pl.when(g >= 1)
                    def _():
                        s_wait(c - 1, NB - 1)
                else:
                    s_wait(c - 1, b - 1)
                if b == 0:
                    g_start(c + NB - 1, NB - 1)
                else:
                    @pl.when(g < n // NB - 1)
                    def _():
                        g_start(c + NB - 1, b - 1)

            return 0

        lax.fori_loop(0, n // NB, body, 0)
        s_wait(n - 1, (n - 1) % NB)
        plsc.subcore_barrier()

        for r in range(rounds):
            u = r * NS + sid

            @pl.when(u < units)
            def _():
                pltpu.sync_copy(
                    agg_sh.at[pl.ds(u * K, K)],
                    agg_out.at[pl.ds(cid * N + u * K, K)],
                )

    return k


def _make_sc_deg(N, E, deg_w=16):
    n_chunk_rows = E // KD
    n = n_chunk_rows // (NC * NS)
    units = N // KD
    rounds = (units + NS - 1) // NS
    batch = 10
    assert n_chunk_rows * KD == E and n * NC * NS == n_chunk_rows
    assert units * KD == N and n % batch == 0

    mesh = plsc.VectorSubcoreMesh(core_axis_name="c", subcore_axis_name="s")

    @functools.partial(
        pl.kernel,
        mesh=mesh,
        out_type=jax.ShapeDtypeStruct((NC * N, deg_w), jnp.float32),
        scratch_types=[
            pltpu.VMEM((n, KD), jnp.int32),
            pltpu.VMEM((KD, deg_w), jnp.float32),
            pltpu.VMEM_SHARED((N, deg_w), jnp.float32),
            pltpu.SemaphoreType.DMA,
        ],
        compiler_params=pltpu.CompilerParams(use_tc_tiling_on_sc=False),
    )
    def k(ei_hbm, deg_out, idx_d, ones_v, deg_sh, sem):
        cid = lax.axis_index("c")
        sid = lax.axis_index("s")

        _fill(ones_v, KD, deg_w, 0.0)
        for r in range(rounds):
            u = r * NS + sid

            @pl.when(u < units)
            def _():
                pltpu.sync_copy(ones_v, deg_sh.at[pl.ds(u * KD, KD)])

        _fill(ones_v, KD, deg_w, 1.0)
        plsc.subcore_barrier()

        base = (cid * NS + sid) * n
        pltpu.sync_copy(ei_hbm.at[1, pl.ds(base, n)], idx_d)

        def body(g, _):
            for j in range(batch):
                c = g * batch + j
                pltpu.async_copy(ones_v, deg_sh.at[idx_d.at[c]], sem, add=True)
            for j in range(batch):
                c = g * batch + j
                pltpu.make_async_copy(ones_v, deg_sh.at[idx_d.at[c]], sem).wait()
            return 0

        lax.fori_loop(0, n // batch, body, 0)
        plsc.subcore_barrier()

        for r in range(rounds):
            u = r * NS + sid

            @pl.when(u < units)
            def _():
                pltpu.sync_copy(
                    deg_sh.at[pl.ds(u * KD, KD)],
                    deg_out.at[pl.ds(cid * N + u * KD, KD)],
                )

    return k


def _tc_layer(N, D, H, bn, deg_w, relu, w2_cols=None):
    grid = (N // bn,)

    def body(x_ref, agg_ref, agg2_ref, deg_ref, deg2_ref, ws_ref, wn_ref, b_ref,
             *rest):
        deg = (deg_ref[...] + deg2_ref[...])[:, :1]
        mean = (agg_ref[...] + agg2_ref[...]) / jnp.maximum(deg, 1.0)
        h = (
            jnp.dot(x_ref[...], ws_ref[...], preferred_element_type=jnp.float32)
            + jnp.dot(mean, wn_ref[...], preferred_element_type=jnp.float32)
            + b_ref[...]
        )
        if relu:
            h = jnp.maximum(h, 0.0)
        if w2_cols is not None:
            w2_ref, o_ref, y_ref = rest
            o_ref[...] = h
            y_ref[...] = jnp.dot(h, w2_ref[...], preferred_element_type=jnp.float32)
        else:
            (o_ref,) = rest
            o_ref[...] = h

    in_specs = [
        pl.BlockSpec((bn, D), lambda i: (i, 0)),
        pl.BlockSpec((bn, H), lambda i: (i, 0)),
        pl.BlockSpec((bn, H), lambda i: (i + N // bn, 0)),
        pl.BlockSpec((bn, deg_w), lambda i: (i, 0)),
        pl.BlockSpec((bn, deg_w), lambda i: (i + N // bn, 0)),
        pl.BlockSpec((D, H), lambda i: (0, 0)),
        pl.BlockSpec((H, H), lambda i: (0, 0)),
        pl.BlockSpec((1, H), lambda i: (0, 0)),
    ]
    out_shape = [jax.ShapeDtypeStruct((N, H), jnp.float32)]
    out_specs = [pl.BlockSpec((bn, H), lambda i: (i, 0))]
    if w2_cols is not None:
        in_specs.append(pl.BlockSpec((H, w2_cols), lambda i: (0, 0)))
        out_shape.append(jax.ShapeDtypeStruct((N, w2_cols), jnp.float32))
        out_specs.append(pl.BlockSpec((bn, w2_cols), lambda i: (i, 0)))

    return pl.pallas_call(
        body,
        grid=grid,
        in_specs=in_specs,
        out_specs=out_specs if w2_cols is not None else out_specs[0],
        out_shape=out_shape if w2_cols is not None else out_shape[0],
    )


def _tc_layer3(N, D, CP, C, bn, deg_w):
    grid = (N // bn,)

    def body(x_ref, agg_ref, agg2_ref, deg_ref, deg2_ref, ws_ref, b_ref, o_ref):
        deg = (deg_ref[...] + deg2_ref[...])[:, :1]
        mean = (agg_ref[...] + agg2_ref[...]) / jnp.maximum(deg, 1.0)
        h = (
            jnp.dot(x_ref[...], ws_ref[...], preferred_element_type=jnp.float32)
            + mean
            + b_ref[...]
        )
        col = lax.broadcasted_iota(jnp.int32, h.shape, 1)
        hm = jnp.where(col < C, h, -1e30)
        m = jnp.max(hm, axis=-1, keepdims=True)
        e = jnp.where(col < C, jnp.exp(hm - m), 0.0)
        s = jnp.sum(e, axis=-1, keepdims=True)
        o_ref[...] = (hm - m - jnp.log(s))[:, :C]

    return pl.pallas_call(
        body,
        grid=grid,
        in_specs=[
            pl.BlockSpec((bn, D), lambda i: (i, 0)),
            pl.BlockSpec((bn, CP), lambda i: (i, 0)),
            pl.BlockSpec((bn, CP), lambda i: (i + N // bn, 0)),
            pl.BlockSpec((bn, deg_w), lambda i: (i, 0)),
            pl.BlockSpec((bn, deg_w), lambda i: (i + N // bn, 0)),
            pl.BlockSpec((D, CP), lambda i: (0, 0)),
            pl.BlockSpec((1, CP), lambda i: (0, 0)),
        ],
        out_specs=pl.BlockSpec((bn, C), lambda i: (i, 0)),
        out_shape=jax.ShapeDtypeStruct((N, C), jnp.float32),
    )


def kernel(nfeat, edge_index, W_self1, W_neigh1, b1, W_self2, W_neigh2, b2,
           W_self3, W_neigh3, b3):
    N, D = nfeat.shape
    E = edge_index.shape[1]
    H = W_self1.shape[1]
    C = W_self3.shape[1]
    CP = 48
    deg_w = 16
    bn = 2000

    ei3 = edge_index.reshape(2, E // K, K)
    ei3_deg = edge_index.reshape(2, E // KD, KD)

    Wn3p = jnp.pad(W_neigh3, ((0, 0), (0, CP - C)))
    Ws3p = jnp.pad(W_self3, ((0, 0), (0, CP - C)))
    b3p = jnp.pad(b3, (0, CP - C)).reshape(1, CP)

    deg = _make_sc_deg(N, E, deg_w)(ei3_deg)
    agg1 = _make_sc_agg(N, E, D)(nfeat, ei3)
    h1 = _tc_layer(N, D, H, bn, deg_w, True)(
        nfeat, agg1, agg1, deg, deg, W_self1, W_neigh1, b1.reshape(1, H)
    )
    agg2 = _make_sc_agg(N, E, H)(h1, ei3)
    h2, y3 = _tc_layer(N, H, H, bn, deg_w, True, w2_cols=CP)(
        h1, agg2, agg2, deg, deg, W_self2, W_neigh2, b2.reshape(1, H), Wn3p
    )
    agg3 = _make_sc_agg(N, E, CP)(y3, ei3)
    return _tc_layer3(N, H, CP, C, bn, deg_w)(h2, agg3, agg3, deg, deg, Ws3p, b3p)

# --- scband reference (transcript-rebuilt; emitter-appended) ---
"""Pipeline reference for scband-sage-32160715112814 (READ-ONLY COPY).

The authoritative reference and input builder live on the scoring server;
editing this copy changes nothing except your own understanding.
"""

import jax, jax.numpy as jnp
import numpy as np

N = 10000
E = 320000
D = 128
H = 128
C = 47


def _glorot(key, shape):
    lim = 1.0 / np.sqrt(shape[0])
    return jax.random.uniform(key, shape, jnp.float32, -lim, lim)


def setup_inputs(seed: int = 0) -> dict:
    key = jax.random.key(seed)
    ks = jax.random.split(key, 12)
    nfeat = jax.random.normal(ks[0], (N, D), jnp.float32)
    edge_index = jax.random.randint(ks[1], (2, E), 0, N, jnp.int32)
    return {
        "nfeat": nfeat,
        "edge_index": edge_index,
        "W_self1": _glorot(ks[2], (D, H)),
        "W_neigh1": _glorot(ks[3], (D, H)),
        "b1": jnp.zeros((H,), jnp.float32),
        "W_self2": _glorot(ks[4], (H, H)),
        "W_neigh2": _glorot(ks[5], (H, H)),
        "b2": jnp.zeros((H,), jnp.float32),
        "W_self3": _glorot(ks[6], (H, C)),
        "W_neigh3": _glorot(ks[7], (H, C)),
        "b3": jnp.zeros((C,), jnp.float32),
    }


def _sage_conv(x, edge_index, W_self, W_neigh, b):
    src = edge_index[0]
    dst = edge_index[1]
    msg = jnp.take(x, src, axis=0)
    agg = jax.ops.segment_sum(msg, dst, num_segments=N)
    deg = jax.ops.segment_sum(jnp.ones((E,), x.dtype), dst, num_segments=N)
    mean = agg / jnp.clip(deg, 1.0, None)[:, None]
    return x @ W_self + mean @ W_neigh + b


def reference(nfeat, edge_index, W_self1, W_neigh1, b1, W_self2, W_neigh2, b2, W_self3, W_neigh3, b3):
    # 3-layer GraphSAGE (mean aggregator), eval mode (dropout inactive)
    h = _sage_conv(nfeat, edge_index, W_self1, W_neigh1, b1)
    h = jax.nn.relu(h)
    h = _sage_conv(h, edge_index, W_self2, W_neigh2, b2)
    h = jax.nn.relu(h)
    h = _sage_conv(h, edge_index, W_self3, W_neigh3, b3)
    return jax.nn.log_softmax(h, axis=-1)

if __name__ == "__main__":
    import jax
    _d = setup_inputs()
    print(jax.jit(kernel)(*tuple(_d.values())))

</pallas_src>

<mosaic_0001>
#map = affine_map<(d0, d1) -> (0, 0, 0)>
#map1 = affine_map<(d0, d1) -> (0, 0)>
module attributes {stable_mosaic.version = 14 : i64} {
  func.func @k(%arg0: i32, %arg1: i32, %arg2: memref<2x3200x100xi32, #tpu.memory_space<hbm>>, %arg3: memref<20000x16xf32, #tpu.memory_space<hbm>>, %arg4: memref<100x100xi32, #tpu.memory_space<vmem>>, %arg5: memref<100x16xf32, #tpu.memory_space<vmem>>, %arg6: memref<10000x16xf32, #tpu.memory_space<vmem_shared>>, %arg7: memref<!tpu.dma_semaphore, #tpu.memory_space<semaphore_mem>>) attributes {dimension_semantics = [#tpu.dimension_semantics<core_parallel>, #tpu.dimension_semantics<subcore_parallel>], iteration_bounds = array<i64: 2, 16>, scalar_prefetch = 0 : i64, scratch_operands = 4 : i64, tpu.core_type = #tpu.core_type<sc_vector_subcore>, window_params = [{transform_indices = #map}, {transform_indices = #map1}]} {
    %broadcast_in_dim3A = arith.constant 0.000000e+00 : f32
    %broadcast_in_dim3A_0 = vector.broadcast %broadcast_in_dim3A : f32 to vector<16xf32>
    %scan3A = arith.constant 0 : i32
    %scan3A_1 = arith.constant 0 : i32
    %scan3A_2 = arith.constant 100 : i32
    %scan3A_3 = arith.addi %scan3A_1, %scan3A_2 : i32
    %scan3A_4 = arith.constant 1 : i32
    %scan3A_5 = scf.for %scan3A_122 = %scan3A_1 to %scan3A_3 step %scan3A_4 iter_args(%scan3A_123 = %scan3A) -> (i32)  : i32 {
      %jit3A = arith.constant 1 : i32
      %div3A = arith.divsi %scan3A_122, %jit3A : i32
      %sign3A = arith.constant 0 : i32
      %sign3A_124 = arith.cmpi sgt, %scan3A_122, %sign3A : i32
      %sign3A_125 = arith.extui %sign3A_124 : i1 to i32
      %sign3A_126 = arith.constant 0 : i32
      %sign3A_127 = arith.cmpi slt, %scan3A_122, %sign3A_126 : i32
      %sign3A_128 = arith.extui %sign3A_127 : i1 to i32
      %sign3A_129 = arith.subi %sign3A_125, %sign3A_128 : i32
      %sign3A_130 = arith.constant 0 : i32
      %sign3A_131 = arith.cmpi sgt, %jit3A, %sign3A_130 : i32
      %sign3A_132 = arith.extui %sign3A_131 : i1 to i32
      %sign3A_133 = arith.constant 0 : i32
      %sign3A_134 = arith.cmpi slt, %jit3A, %sign3A_133 : i32
      %sign3A_135 = arith.extui %sign3A_134 : i1 to i32
      %sign3A_136 = arith.subi %sign3A_132, %sign3A_135 : i32
      %ne3A = arith.cmpi ne, %sign3A_129, %sign3A_136 : i32
      %rem3A = arith.remsi %scan3A_122, %jit3A : i32
      %ne3A_137 = arith.constant 0 : i32
      %ne3A_138 = arith.cmpi ne, %rem3A, %ne3A_137 : i32
      %and3A = arith.andi %ne3A, %ne3A_138 : i1
      %sub3A = arith.constant 1 : i32
      %sub3A_139 = arith.subi %div3A, %sub3A : i32
      %select_n3A = arith.select %and3A, %sub3A_139, %div3A : i32
      %jit3A_140 = arith.constant 1 : i32
      %eq3A = arith.constant 0 : i32
      %eq3A_141 = arith.cmpi eq, %jit3A_140, %eq3A : i32
      %jit3A_142 = arith.constant 1 : i32
      %select_n3A_143 = arith.select %eq3A_141, %jit3A_142, %jit3A_140 : i32
      %rem3A_144 = arith.remsi %scan3A_122, %select_n3A_143 : i32
      %ne3A_145 = arith.constant 0 : i32
      %ne3A_146 = arith.cmpi ne, %rem3A_144, %ne3A_145 : i32
      %lt3A_147 = arith.constant 0 : i32
      %lt3A_148 = arith.cmpi slt, %rem3A_144, %lt3A_147 : i32
      %lt3A_149 = arith.constant 0 : i32
      %lt3A_150 = arith.cmpi slt, %select_n3A_143, %lt3A_149 : i32
      %ne3A_151 = arith.xori %lt3A_148, %lt3A_150 : i1
      %and3A_152 = arith.andi %ne3A_151, %ne3A_146 : i1
      %add3A_153 = arith.addi %rem3A_144, %select_n3A_143 : i32
      %select_n3A_154 = arith.select %and3A_152, %add3A_153, %rem3A_144 : i32
      %mul3A_155 = arith.constant 16 : i32
      %mul3A_156 = arith.muli %select_n3A_154, %mul3A_155 : i32
      %swap3A = arith.index_cast %select_n3A : i32 to index
      %swap3A_157 = arith.index_cast %mul3A_156 : i32 to index
      %swap3A_158 = tpu.vector_load %arg5[%swap3A, %swap3A_157] {strides = array<i32>} : memref<100x16xf32, #tpu.memory_space<vmem>>, vector<1x16xf32>,
      %swap3A_159 = vector.shape_cast %swap3A_158 : vector<1x16xf32> to vector<16xf32>
      %swap3A_160 = vector.shape_cast %broadcast_in_dim3A_0 : vector<16xf32> to vector<1x16xf32>
      tpu.vector_store %arg5[%swap3A, %swap3A_157], %swap3A_160 {strides = array<i32>} : memref<100x16xf32, #tpu.memory_space<vmem>>, vector<1x16xf32>,
      %scan3A_161 = arith.constant 0 : i32
      scf.yield %scan3A_161 : i32
    }
    %scan3A_6 = arith.constant 100 : i32
    %add3A = arith.constant 0 : i32
    %add3A_7 = arith.addi %add3A, %arg1 : i32
    %lt3A = arith.constant 100 : i32
    %lt3A_8 = arith.cmpi slt, %add3A_7, %lt3A : i32
    %convert_element_type3A = arith.extui %lt3A_8 : i1 to i32
    %cond3A = arith.constant 0 : i32
    %cond3A_9 = arith.cmpi ne, %convert_element_type3A, %cond3A : i32
    scf.if %cond3A_9 {
      %mul3A_122 = arith.constant 100 : i32
      %mul3A_123 = arith.muli %add3A_7, %mul3A_122 : i32
      "tpu.region"() ({
        %run_scoped3A_124 = tpu.sem_alloc : memref<!tpu.dma_semaphore, #tpu.memory_space<semaphore_mem>>
        %dma_start3A = arith.constant 0 : i32
        %dma_start3A_125 = tpu.memref_slice %arg6[%mul3A_123, %dma_start3A] : memref<10000x16xf32, #tpu.memory_space<vmem_shared>> -> memref<100x16xf32, #tpu.memory_space<vmem_shared>>
        %dma_start3A_126 = arith.constant 0 : i32
        %dma_start3A_127 = tpu.memref_slice %arg6[%mul3A_123, %dma_start3A_126] : memref<10000x16xf32, #tpu.memory_space<vmem_shared>> -> memref<100x16xf32, #tpu.memory_space<vmem_shared>>
        tpu.enqueue_dma source(%arg5 : memref<100x16xf32, #tpu.memory_space<vmem>>) target(%dma_start3A_127 : memref<100x16xf32, #tpu.memory_space<vmem_shared>>) target_semaphore(%run_scoped3A_124 : memref<!tpu.dma_semaphore, #tpu.memory_space<semaphore_mem>>)
        %dma_wait3A = arith.constant 0 : i32
        %dma_wait3A_128 = tpu.memref_slice %arg6[%mul3A_123, %dma_wait3A] : memref<10000x16xf32, #tpu.memory_space<vmem_shared>> -> memref<100x16xf32, #tpu.memory_space<vmem_shared>>
        %dma_wait3A_129 = arith.constant 0 : i32
        %dma_wait3A_130 = tpu.memref_slice %arg6[%mul3A_123, %dma_wait3A_129] : memref<10000x16xf32, #tpu.memory_space<vmem_shared>> -> memref<100x16xf32, #tpu.memory_space<vmem_shared>>
        tpu.wait_dma2 semaphore(%run_scoped3A_124 : memref<!tpu.dma_semaphore, #tpu.memory_space<semaphore_mem>>) src(%arg5 : memref<100x16xf32, #tpu.memory_space<vmem>>) dst(%dma_wait3A_130 : memref<100x16xf32, #tpu.memory_space<vmem_shared>>)
        tpu.yield
      }) : () -> ()
    } else {
    }
    %add3A_10 = arith.constant 16 : i32
    %add3A_11 = arith.addi %add3A_10, %arg1 : i32
    %lt3A_12 = arith.constant 100 : i32
    %lt3A_13 = arith.cmpi slt, %add3A_11, %lt3A_12 : i32
    %convert_element_type3A_14 = arith.extui %lt3A_13 : i1 to i32
    %cond3A_15 = arith.constant 0 : i32
    %cond3A_16 = arith.cmpi ne, %convert_element_type3A_14, %cond3A_15 : i32
    scf.if %cond3A_16 {
      %mul3A_122 = arith.constant 100 : i32
      %mul3A_123 = arith.muli %add3A_11, %mul3A_122 : i32
      "tpu.region"() ({
        %run_scoped3A_124 = tpu.sem_alloc : memref<!tpu.dma_semaphore, #tpu.memory_space<semaphore_mem>>
        %dma_start3A = arith.constant 0 : i32
        %dma_start3A_125 = tpu.memref_slice %arg6[%mul3A_123, %dma_start3A] : memref<10000x16xf32, #tpu.memory_space<vmem_shared>> -> memref<100x16xf32, #tpu.memory_space<vmem_shared>>
        %dma_start3A_126 = arith.constant 0 : i32
        %dma_start3A_127 = tpu.memref_slice %arg6[%mul3A_123, %dma_start3A_126] : memref<10000x16xf32, #tpu.memory_space<vmem_shared>> -> memref<100x16xf32, #tpu.memory_space<vmem_shared>>
        tpu.enqueue_dma source(%arg5 : memref<100x16xf32, #tpu.memory_space<vmem>>) target(%dma_start3A_127 : memref<100x16xf32, #tpu.memory_space<vmem_shared>>) target_semaphore(%run_scoped3A_124 : memref<!tpu.dma_semaphore, #tpu.memory_space<semaphore_mem>>)
        %dma_wait3A = arith.constant 0 : i32
        %dma_wait3A_128 = tpu.memref_slice %arg6[%mul3A_123, %dma_wait3A] : memref<10000x16xf32, #tpu.memory_space<vmem_shared>> -> memref<100x16xf32, #tpu.memory_space<vmem_shared>>
        %dma_wait3A_129 = arith.constant 0 : i32
        %dma_wait3A_130 = tpu.memref_slice %arg6[%mul3A_123, %dma_wait3A_129] : memref<10000x16xf32, #tpu.memory_space<vmem_shared>> -> memref<100x16xf32, #tpu.memory_space<vmem_shared>>
        tpu.wait_dma2 semaphore(%run_scoped3A_124 : memref<!tpu.dma_semaphore, #tpu.memory_space<semaphore_mem>>) src(%arg5 : memref<100x16xf32, #tpu.memory_space<vmem>>) dst(%dma_wait3A_130 : memref<100x16xf32, #tpu.memory_space<vmem_shared>>)
        tpu.yield
      }) : () -> ()
    } else {
    }
    %add3A_17 = arith.constant 32 : i32
    %add3A_18 = arith.addi %add3A_17, %arg1 : i32
    %lt3A_19 = arith.constant 100 : i32
    %lt3A_20 = arith.cmpi slt, %add3A_18, %lt3A_19 : i32
    %convert_element_type3A_21 = arith.extui %lt3A_20 : i1 to i32
    %cond3A_22 = arith.constant 0 : i32
    %cond3A_23 = arith.cmpi ne, %convert_element_type3A_21, %cond3A_22 : i32
    scf.if %cond3A_23 {
      %mul3A_122 = arith.constant 100 : i32
      %mul3A_123 = arith.muli %add3A_18, %mul3A_122 : i32
      "tpu.region"() ({
        %run_scoped3A_124 = tpu.sem_alloc : memref<!tpu.dma_semaphore, #tpu.memory_space<semaphore_mem>>
        %dma_start3A = arith.constant 0 : i32
        %dma_start3A_125 = tpu.memref_slice %arg6[%mul3A_123, %dma_start3A] : memref<10000x16xf32, #tpu.memory_space<vmem_shared>> -> memref<100x16xf32, #tpu.memory_space<vmem_shared>>
        %dma_start3A_126 = arith.constant 0 : i32
        %dma_start3A_127 = tpu.memref_slice %arg6[%mul3A_123, %dma_start3A_126] : memref<10000x16xf32, #tpu.memory_space<vmem_shared>> -> memref<100x16xf32, #tpu.memory_space<vmem_shared>>
        tpu.enqueue_dma source(%arg5 : memref<100x16xf32, #tpu.memory_space<vmem>>) target(%dma_start3A_127 : memref<100x16xf32, #tpu.memory_space<vmem_shared>>) target_semaphore(%run_scoped3A_124 : memref<!tpu.dma_semaphore, #tpu.memory_space<semaphore_mem>>)
        %dma_wait3A = arith.constant 0 : i32
        %dma_wait3A_128 = tpu.memref_slice %arg6[%mul3A_123, %dma_wait3A] : memref<10000x16xf32, #tpu.memory_space<vmem_shared>> -> memref<100x16xf32, #tpu.memory_space<vmem_shared>>
        %dma_wait3A_129 = arith.constant 0 : i32
        %dma_wait3A_130 = tpu.memref_slice %arg6[%mul3A_123, %dma_wait3A_129] : memref<10000x16xf32, #tpu.memory_space<vmem_shared>> -> memref<100x16xf32, #tpu.memory_space<vmem_shared>>
        tpu.wait_dma2 semaphore(%run_scoped3A_124 : memref<!tpu.dma_semaphore, #tpu.memory_space<semaphore_mem>>) src(%arg5 : memref<100x16xf32, #tpu.memory_space<vmem>>) dst(%dma_wait3A_130 : memref<100x16xf32, #tpu.memory_space<vmem_shared>>)
        tpu.yield
      }) : () -> ()
    } else {
    }
    %add3A_24 = arith.constant 48 : i32
    %add3A_25 = arith.addi %add3A_24, %arg1 : i32
    %lt3A_26 = arith.constant 100 : i32
    %lt3A_27 = arith.cmpi slt, %add3A_25, %lt3A_26 : i32
    %convert_element_type3A_28 = arith.extui %lt3A_27 : i1 to i32
    %cond3A_29 = arith.constant 0 : i32
    %cond3A_30 = arith.cmpi ne, %convert_element_type3A_28, %cond3A_29 : i32
    scf.if %cond3A_30 {
      %mul3A_122 = arith.constant 100 : i32
      %mul3A_123 = arith.muli %add3A_25, %mul3A_122 : i32
      "tpu.region"() ({
        %run_scoped3A_124 = tpu.sem_alloc : memref<!tpu.dma_semaphore, #tpu.memory_space<semaphore_mem>>
        %dma_start3A = arith.constant 0 : i32
        %dma_start3A_125 = tpu.memref_slice %arg6[%mul3A_123, %dma_start3A] : memref<10000x16xf32, #tpu.memory_space<vmem_shared>> -> memref<100x16xf32, #tpu.memory_space<vmem_shared>>
        %dma_start3A_126 = arith.constant 0 : i32
        %dma_start3A_127 = tpu.memref_slice %arg6[%mul3A_123, %dma_start3A_126] : memref<10000x16xf32, #tpu.memory_space<vmem_shared>> -> memref<100x16xf32, #tpu.memory_space<vmem_shared>>
        tpu.enqueue_dma source(%arg5 : memref<100x16xf32, #tpu.memory_space<vmem>>) target(%dma_start3A_127 : memref<100x16xf32, #tpu.memory_space<vmem_shared>>) target_semaphore(%run_scoped3A_124 : memref<!tpu.dma_semaphore, #tpu.memory_space<semaphore_mem>>)
        %dma_wait3A = arith.constant 0 : i32
        %dma_wait3A_128 = tpu.memref_slice %arg6[%mul3A_123, %dma_wait3A] : memref<10000x16xf32, #tpu.memory_space<vmem_shared>> -> memref<100x16xf32, #tpu.memory_space<vmem_shared>>
        %dma_wait3A_129 = arith.constant 0 : i32
        %dma_wait3A_130 = tpu.memref_slice %arg6[%mul3A_123, %dma_wait3A_129] : memref<10000x16xf32, #tpu.memory_space<vmem_shared>> -> memref<100x16xf32, #tpu.memory_space<vmem_shared>>
        tpu.wait_dma2 semaphore(%run_scoped3A_124 : memref<!tpu.dma_semaphore, #tpu.memory_space<semaphore_mem>>) src(%arg5 : memref<100x16xf32, #tpu.memory_space<vmem>>) dst(%dma_wait3A_130 : memref<100x16xf32, #tpu.memory_space<vmem_shared>>)
        tpu.yield
      }) : () -> ()
    } else {
    }
    %add3A_31 = arith.constant 64 : i32
    %add3A_32 = arith.addi %add3A_31, %arg1 : i32
    %lt3A_33 = arith.constant 100 : i32
    %lt3A_34 = arith.cmpi slt, %add3A_32, %lt3A_33 : i32
    %convert_element_type3A_35 = arith.extui %lt3A_34 : i1 to i32
    %cond3A_36 = arith.constant 0 : i32
    %cond3A_37 = arith.cmpi ne, %convert_element_type3A_35, %cond3A_36 : i32
    scf.if %cond3A_37 {
      %mul3A_122 = arith.constant 100 : i32
      %mul3A_123 = arith.muli %add3A_32, %mul3A_122 : i32
      "tpu.region"() ({
        %run_scoped3A_124 = tpu.sem_alloc : memref<!tpu.dma_semaphore, #tpu.memory_space<semaphore_mem>>
        %dma_start3A = arith.constant 0 : i32
        %dma_start3A_125 = tpu.memref_slice %arg6[%mul3A_123, %dma_start3A] : memref<10000x16xf32, #tpu.memory_space<vmem_shared>> -> memref<100x16xf32, #tpu.memory_space<vmem_shared>>
        %dma_start3A_126 = arith.constant 0 : i32
        %dma_start3A_127 = tpu.memref_slice %arg6[%mul3A_123, %dma_start3A_126] : memref<10000x16xf32, #tpu.memory_space<vmem_shared>> -> memref<100x16xf32, #tpu.memory_space<vmem_shared>>
        tpu.enqueue_dma source(%arg5 : memref<100x16xf32, #tpu.memory_space<vmem>>) target(%dma_start3A_127 : memref<100x16xf32, #tpu.memory_space<vmem_shared>>) target_semaphore(%run_scoped3A_124 : memref<!tpu.dma_semaphore, #tpu.memory_space<semaphore_mem>>)
        %dma_wait3A = arith.constant 0 : i32
        %dma_wait3A_128 = tpu.memref_slice %arg6[%mul3A_123, %dma_wait3A] : memref<10000x16xf32, #tpu.memory_space<vmem_shared>> -> memref<100x16xf32, #tpu.memory_space<vmem_shared>>
        %dma_wait3A_129 = arith.constant 0 : i32
        %dma_wait3A_130 = tpu.memref_slice %arg6[%mul3A_123, %dma_wait3A_129] : memref<10000x16xf32, #tpu.memory_space<vmem_shared>> -> memref<100x16xf32, #tpu.memory_space<vmem_shared>>
        tpu.wait_dma2 semaphore(%run_scoped3A_124 : memref<!tpu.dma_semaphore, #tpu.memory_space<semaphore_mem>>) src(%arg5 : memref<100x16xf32, #tpu.memory_space<vmem>>) dst(%dma_wait3A_130 : memref<100x16xf32, #tpu.memory_space<vmem_shared>>)
        tpu.yield
      }) : () -> ()
    } else {
    }
    %add3A_38 = arith.constant 80 : i32
    %add3A_39 = arith.addi %add3A_38, %arg1 : i32
    %lt3A_40 = arith.constant 100 : i32
    %lt3A_41 = arith.cmpi slt, %add3A_39, %lt3A_40 : i32
    %convert_element_type3A_42 = arith.extui %lt3A_41 : i1 to i32
    %cond3A_43 = arith.constant 0 : i32
    %cond3A_44 = arith.cmpi ne, %convert_element_type3A_42, %cond3A_43 : i32
    scf.if %cond3A_44 {
      %mul3A_122 = arith.constant 100 : i32
      %mul3A_123 = arith.muli %add3A_39, %mul3A_122 : i32
      "tpu.region"() ({
        %run_scoped3A_124 = tpu.sem_alloc : memref<!tpu.dma_semaphore, #tpu.memory_space<semaphore_mem>>
        %dma_start3A = arith.constant 0 : i32
        %dma_start3A_125 = tpu.memref_slice %arg6[%mul3A_123, %dma_start3A] : memref<10000x16xf32, #tpu.memory_space<vmem_shared>> -> memref<100x16xf32, #tpu.memory_space<vmem_shared>>
        %dma_start3A_126 = arith.constant 0 : i32
        %dma_start3A_127 = tpu.memref_slice %arg6[%mul3A_123, %dma_start3A_126] : memref<10000x16xf32, #tpu.memory_space<vmem_shared>> -> memref<100x16xf32, #tpu.memory_space<vmem_shared>>
        tpu.enqueue_dma source(%arg5 : memref<100x16xf32, #tpu.memory_space<vmem>>) target(%dma_start3A_127 : memref<100x16xf32, #tpu.memory_space<vmem_shared>>) target_semaphore(%run_scoped3A_124 : memref<!tpu.dma_semaphore, #tpu.memory_space<semaphore_mem>>)
        %dma_wait3A = arith.constant 0 : i32
        %dma_wait3A_128 = tpu.memref_slice %arg6[%mul3A_123, %dma_wait3A] : memref<10000x16xf32, #tpu.memory_space<vmem_shared>> -> memref<100x16xf32, #tpu.memory_space<vmem_shared>>
        %dma_wait3A_129 = arith.constant 0 : i32
        %dma_wait3A_130 = tpu.memref_slice %arg6[%mul3A_123, %dma_wait3A_129] : memref<10000x16xf32, #tpu.memory_space<vmem_shared>> -> memref<100x16xf32, #tpu.memory_space<vmem_shared>>
        tpu.wait_dma2 semaphore(%run_scoped3A_124 : memref<!tpu.dma_semaphore, #tpu.memory_space<semaphore_mem>>) src(%arg5 : memref<100x16xf32, #tpu.memory_space<vmem>>) dst(%dma_wait3A_130 : memref<100x16xf32, #tpu.memory_space<vmem_shared>>)
        tpu.yield
      }) : () -> ()
    } else {
    }
    %add3A_45 = arith.constant 96 : i32
    %add3A_46 = arith.addi %add3A_45, %arg1 : i32
    %lt3A_47 = arith.constant 100 : i32
    %lt3A_48 = arith.cmpi slt, %add3A_46, %lt3A_47 : i32
    %convert_element_type3A_49 = arith.extui %lt3A_48 : i1 to i32
    %cond3A_50 = arith.constant 0 : i32
    %cond3A_51 = arith.cmpi ne, %convert_element_type3A_49, %cond3A_50 : i32
    scf.if %cond3A_51 {
      %mul3A_122 = arith.constant 100 : i32
      %mul3A_123 = arith.muli %add3A_46, %mul3A_122 : i32
      "tpu.region"() ({
        %run_scoped3A_124 = tpu.sem_alloc : memref<!tpu.dma_semaphore, #tpu.memory_space<semaphore_mem>>
        %dma_start3A = arith.constant 0 : i32
        %dma_start3A_125 = tpu.memref_slice %arg6[%mul3A_123, %dma_start3A] : memref<10000x16xf32, #tpu.memory_space<vmem_shared>> -> memref<100x16xf32, #tpu.memory_space<vmem_shared>>
        %dma_start3A_126 = arith.constant 0 : i32
        %dma_start3A_127 = tpu.memref_slice %arg6[%mul3A_123, %dma_start3A_126] : memref<10000x16xf32, #tpu.memory_space<vmem_shared>> -> memref<100x16xf32, #tpu.memory_space<vmem_shared>>
        tpu.enqueue_dma source(%arg5 : memref<100x16xf32, #tpu.memory_space<vmem>>) target(%dma_start3A_127 : memref<100x16xf32, #tpu.memory_space<vmem_shared>>) target_semaphore(%run_scoped3A_124 : memref<!tpu.dma_semaphore, #tpu.memory_space<semaphore_mem>>)
        %dma_wait3A = arith.constant 0 : i32
        %dma_wait3A_128 = tpu.memref_slice %arg6[%mul3A_123, %dma_wait3A] : memref<10000x16xf32, #tpu.memory_space<vmem_shared>> -> memref<100x16xf32, #tpu.memory_space<vmem_shared>>
        %dma_wait3A_129 = arith.constant 0 : i32
        %dma_wait3A_130 = tpu.memref_slice %arg6[%mul3A_123, %dma_wait3A_129] : memref<10000x16xf32, #tpu.memory_space<vmem_shared>> -> memref<100x16xf32, #tpu.memory_space<vmem_shared>>
        tpu.wait_dma2 semaphore(%run_scoped3A_124 : memref<!tpu.dma_semaphore, #tpu.memory_space<semaphore_mem>>) src(%arg5 : memref<100x16xf32, #tpu.memory_space<vmem>>) dst(%dma_wait3A_130 : memref<100x16xf32, #tpu.memory_space<vmem_shared>>)
        tpu.yield
      }) : () -> ()
    } else {
    }
    %broadcast_in_dim3A_52 = arith.constant 1.000000e+00 : f32
    %broadcast_in_dim3A_53 = vector.broadcast %broadcast_in_dim3A_52 : f32 to vector<16xf32>
    %scan3A_54 = arith.constant 0 : i32
    %scan3A_55 = arith.constant 0 : i32
    %scan3A_56 = arith.constant 100 : i32
    %scan3A_57 = arith.addi %scan3A_55, %scan3A_56 : i32
    %scan3A_58 = arith.constant 1 : i32
    %scan3A_59 = scf.for %scan3A_122 = %scan3A_55 to %scan3A_57 step %scan3A_58 iter_args(%scan3A_123 = %scan3A_54) -> (i32)  : i32 {
      %jit3A = arith.constant 1 : i32
      %div3A = arith.divsi %scan3A_122, %jit3A : i32
      %sign3A = arith.constant 0 : i32
      %sign3A_124 = arith.cmpi sgt, %scan3A_122, %sign3A : i32
      %sign3A_125 = arith.extui %sign3A_124 : i1 to i32
      %sign3A_126 = arith.constant 0 : i32
      %sign3A_127 = arith.cmpi slt, %scan3A_122, %sign3A_126 : i32
      %sign3A_128 = arith.extui %sign3A_127 : i1 to i32
      %sign3A_129 = arith.subi %sign3A_125, %sign3A_128 : i32
      %sign3A_130 = arith.constant 0 : i32
      %sign3A_131 = arith.cmpi sgt, %jit3A, %sign3A_130 : i32
      %sign3A_132 = arith.extui %sign3A_131 : i1 to i32
      %sign3A_133 = arith.constant 0 : i32
      %sign3A_134 = arith.cmpi slt, %jit3A, %sign3A_133 : i32
      %sign3A_135 = arith.extui %sign3A_134 : i1 to i32
      %sign3A_136 = arith.subi %sign3A_132, %sign3A_135 : i32
      %ne3A = arith.cmpi ne, %sign3A_129, %sign3A_136 : i32
      %rem3A = arith.remsi %scan3A_122, %jit3A : i32
      %ne3A_137 = arith.constant 0 : i32
      %ne3A_138 = arith.cmpi ne, %rem3A, %ne3A_137 : i32
      %and3A = arith.andi %ne3A, %ne3A_138 : i1
      %sub3A = arith.constant 1 : i32
      %sub3A_139 = arith.subi %div3A, %sub3A : i32
      %select_n3A = arith.select %and3A, %sub3A_139, %div3A : i32
      %jit3A_140 = arith.constant 1 : i32
      %eq3A = arith.constant 0 : i32
      %eq3A_141 = arith.cmpi eq, %jit3A_140, %eq3A : i32
      %jit3A_142 = arith.constant 1 : i32
      %select_n3A_143 = arith.select %eq3A_141, %jit3A_142, %jit3A_140 : i32
      %rem3A_144 = arith.remsi %scan3A_122, %select_n3A_143 : i32
      %ne3A_145 = arith.constant 0 : i32
      %ne3A_146 = arith.cmpi ne, %rem3A_144, %ne3A_145 : i32
      %lt3A_147 = arith.constant 0 : i32
      %lt3A_148 = arith.cmpi slt, %rem3A_144, %lt3A_147 : i32
      %lt3A_149 = arith.constant 0 : i32
      %lt3A_150 = arith.cmpi slt, %select_n3A_143, %lt3A_149 : i32
      %ne3A_151 = arith.xori %lt3A_148, %lt3A_150 : i1
      %and3A_152 = arith.andi %ne3A_151, %ne3A_146 : i1
      %add3A_153 = arith.addi %rem3A_144, %select_n3A_143 : i32
      %select_n3A_154 = arith.select %and3A_152, %add3A_153, %rem3A_144 : i32
      %mul3A_155 = arith.constant 16 : i32
      %mul3A_156 = arith.muli %select_n3A_154, %mul3A_155 : i32
      %swap3A = arith.index_cast %select_n3A : i32 to index
      %swap3A_157 = arith.index_cast %mul3A_156 : i32 to index
      %swap3A_158 = tpu.vector_load %arg5[%swap3A, %swap3A_157] {strides = array<i32>} : memref<100x16xf32, #tpu.memory_space<vmem>>, vector<1x16xf32>,
      %swap3A_159 = vector.shape_cast %swap3A_158 : vector<1x16xf32> to vector<16xf32>
      %swap3A_160 = vector.shape_cast %broadcast_in_dim3A_53 : vector<16xf32> to vector<1x16xf32>
      tpu.vector_store %arg5[%swap3A, %swap3A_157], %swap3A_160 {strides = array<i32>} : memref<100x16xf32, #tpu.memory_space<vmem>>, vector<1x16xf32>,
      %scan3A_161 = arith.constant 0 : i32
      scf.yield %scan3A_161 : i32
    }
    %scan3A_60 = arith.constant 100 : i32
    %barrier3A = arith.constant 0 : index
    tpu.barrier barrier_id(%barrier3A)
    %mul3A = arith.constant 16 : i32
    %mul3A_61 = arith.muli %arg0, %mul3A : i32
    %add3A_62 = arith.addi %mul3A_61, %arg1 : i32
    %mul3A_63 = arith.constant 100 : i32
    %mul3A_64 = arith.muli %add3A_62, %mul3A_63 : i32
    %run_scoped3A = arith.constant 1 : i32
    "tpu.region"() ({
      %run_scoped3A_122 = tpu.sem_alloc : memref<!tpu.dma_semaphore, #tpu.memory_space<semaphore_mem>>
      %dma_start3A = arith.constant 0 : i32
      %dma_start3A_123 = tpu.memref_slice %arg2[%run_scoped3A, %mul3A_64, %dma_start3A] : memref<2x3200x100xi32, #tpu.memory_space<hbm>> -> memref<1x100x100xi32, #tpu.memory_space<hbm>>
      %dma_start3A_124 = tpu.memref_squeeze %dma_start3A_123 : memref<1x100x100xi32, #tpu.memory_space<hbm>> -> memref<100x100xi32, #tpu.memory_space<hbm>>
      %dma_start3A_125 = arith.constant 0 : i32
      %dma_start3A_126 = tpu.memref_slice %arg2[%run_scoped3A, %mul3A_64, %dma_start3A_125] : memref<2x3200x100xi32, #tpu.memory_space<hbm>> -> memref<1x100x100xi32, #tpu.memory_space<hbm>>
      %dma_start3A_127 = tpu.memref_squeeze %dma_start3A_126 : memref<1x100x100xi32, #tpu.memory_space<hbm>> -> memref<100x100xi32, #tpu.memory_space<hbm>>
      tpu.enqueue_dma source(%dma_start3A_127 : memref<100x100xi32, #tpu.memory_space<hbm>>) target(%arg4 : memref<100x100xi32, #tpu.memory_space<vmem>>) target_semaphore(%run_scoped3A_122 : memref<!tpu.dma_semaphore, #tpu.memory_space<semaphore_mem>>)
      %dma_wait3A = arith.constant 0 : i32
      %dma_wait3A_128 = tpu.memref_slice %arg2[%run_scoped3A, %mul3A_64, %dma_wait3A] : memref<2x3200x100xi32, #tpu.memory_space<hbm>> -> memref<1x100x100xi32, #tpu.memory_space<hbm>>
      %dma_wait3A_129 = tpu.memref_squeeze %dma_wait3A_128 : memref<1x100x100xi32, #tpu.memory_space<hbm>> -> memref<100x100xi32, #tpu.memory_space<hbm>>
      %dma_wait3A_130 = arith.constant 0 : i32
      %dma_wait3A_131 = tpu.memref_slice %arg2[%run_scoped3A, %mul3A_64, %dma_wait3A_130] : memref<2x3200x100xi32, #tpu.memory_space<hbm>> -> memref<1x100x100xi32, #tpu.memory_space<hbm>>
      %dma_wait3A_132 = tpu.memref_squeeze %dma_wait3A_131 : memref<1x100x100xi32, #tpu.memory_space<hbm>> -> memref<100x100xi32, #tpu.memory_space<hbm>>
      tpu.wait_dma2 semaphore(%run_scoped3A_122 : memref<!tpu.dma_semaphore, #tpu.memory_space<semaphore_mem>>) src(%dma_wait3A_132 : memref<100x100xi32, #tpu.memory_space<hbm>>) dst(%arg4 : memref<100x100xi32, #tpu.memory_space<vmem>>)
      tpu.yield
    }) : () -> ()
    %scan3A_65 = arith.constant 0 : i32
    %scan3A_66 = arith.constant 0 : i32
    %scan3A_67 = arith.constant 10 : i32
    %scan3A_68 = arith.addi %scan3A_66, %scan3A_67 : i32
    %scan3A_69 = arith.constant 1 : i32
    %scan3A_70 = scf.for %scan3A_122 = %scan3A_66 to %scan3A_68 step %scan3A_69 iter_args(%scan3A_123 = %scan3A_65) -> (i32)  : i32 {
      %mul3A_124 = arith.constant 10 : i32
      %mul3A_125 = arith.muli %scan3A_122, %mul3A_124 : i32
      %add3A_126 = arith.constant 0 : i32
      %add3A_127 = arith.addi %mul3A_125, %add3A_126 : i32
      %dma_start3A = arith.constant 0 : i32
      %dma_start3A_128 = tpu.memref_slice %arg4[%add3A_127, %dma_start3A] : memref<100x100xi32, #tpu.memory_space<vmem>> -> memref<1x100xi32, #tpu.memory_space<vmem>>
      %dma_start3A_129 = tpu.memref_squeeze %dma_start3A_128 : memref<1x100xi32, #tpu.memory_space<vmem>> -> memref<100xi32, #tpu.memory_space<vmem>>
      %dma_start3A_130 = arith.constant 0 : i32
      %dma_start3A_131 = arith.constant 0 : i32
      %dma_start3A_132 = tpu.memref_slice %arg6[%dma_start3A_130, %dma_start3A_131] : memref<10000x16xf32, #tpu.memory_space<vmem_shared>> -> memref<10000x16xf32, #tpu.memory_space<vmem_shared>>
      tpu.enqueue_indirect_dma source(%arg5 : memref<100x16xf32, #tpu.memory_space<vmem>>) target(%dma_start3A_132 : memref<10000x16xf32, #tpu.memory_space<vmem_shared>>) offsets(%dma_start3A_129 : memref<100xi32, #tpu.memory_space<vmem>>) semaphore(%arg7 : memref<!tpu.dma_semaphore, #tpu.memory_space<semaphore_mem>>) {add = true}
      %mul3A_133 = arith.constant 10 : i32
      %mul3A_134 = arith.muli %scan3A_122, %mul3A_133 : i32
      %add3A_135 = arith.constant 1 : i32
      %add3A_136 = arith.addi %mul3A_134, %add3A_135 : i32
      %dma_start3A_137 = arith.constant 0 : i32
      %dma_start3A_138 = tpu.memref_slice %arg4[%add3A_136, %dma_start3A_137] : memref<100x100xi32, #tpu.memory_space<vmem>> -> memref<1x100xi32, #tpu.memory_space<vmem>>
      %dma_start3A_139 = tpu.memref_squeeze %dma_start3A_138 : memref<1x100xi32, #tpu.memory_space<vmem>> -> memref<100xi32, #tpu.memory_space<vmem>>
      %dma_start3A_140 = arith.constant 0 : i32
      %dma_start3A_141 = arith.constant 0 : i32
      %dma_start3A_142 = tpu.memref_slice %arg6[%dma_start3A_140, %dma_start3A_141] : memref<10000x16xf32, #tpu.memory_space<vmem_shared>> -> memref<10000x16xf32, #tpu.memory_space<vmem_shared>>
      tpu.enqueue_indirect_dma source(%arg5 : memref<100x16xf32, #tpu.memory_space<vmem>>) target(%dma_start3A_142 : memref<10000x16xf32, #tpu.memory_space<vmem_shared>>) offsets(%dma_start3A_139 : memref<100xi32, #tpu.memory_space<vmem>>) semaphore(%arg7 : memref<!tpu.dma_semaphore, #tpu.memory_space<semaphore_mem>>) {add = true}
      %mul3A_143 = arith.constant 10 : i32
      %mul3A_144 = arith.muli %scan3A_122, %mul3A_143 : i32
      %add3A_145 = arith.constant 2 : i32
      %add3A_146 = arith.addi %mul3A_144, %add3A_145 : i32
      %dma_start3A_147 = arith.constant 0 : i32
      %dma_start3A_148 = tpu.memref_slice %arg4[%add3A_146, %dma_start3A_147] : memref<100x100xi32, #tpu.memory_space<vmem>> -> memref<1x100xi32, #tpu.memory_space<vmem>>
      %dma_start3A_149 = tpu.memref_squeeze %dma_start3A_148 : memref<1x100xi32, #tpu.memory_space<vmem>> -> memref<100xi32, #tpu.memory_space<vmem>>
      %dma_start3A_150 = arith.constant 0 : i32
      %dma_start3A_151 = arith.constant 0 : i32
      %dma_start3A_152 = tpu.memref_slice %arg6[%dma_start3A_150, %dma_start3A_151] : memref<10000x16xf32, #tpu.memory_space<vmem_shared>> -> memref<10000x16xf32, #tpu.memory_space<vmem_shared>>
      tpu.enqueue_indirect_dma source(%arg5 : memref<100x16xf32, #tpu.memory_space<vmem>>) target(%dma_start3A_152 : memref<10000x16xf32, #tpu.memory_space<vmem_shared>>) offsets(%dma_start3A_149 : memref<100xi32, #tpu.memory_space<vmem>>) semaphore(%arg7 : memref<!tpu.dma_semaphore, #tpu.memory_space<semaphore_mem>>) {add = true}
      %mul3A_153 = arith.constant 10 : i32
      %mul3A_154 = arith.muli %scan3A_122, %mul3A_153 : i32
      %add3A_155 = arith.constant 3 : i32
      %add3A_156 = arith.addi %mul3A_154, %add3A_155 : i32
      %dma_start3A_157 = arith.constant 0 : i32
      %dma_start3A_158 = tpu.memref_slice %arg4[%add3A_156, %dma_start3A_157] : memref<100x100xi32, #tpu.memory_space<vmem>> -> memref<1x100xi32, #tpu.memory_space<vmem>>
      %dma_start3A_159 = tpu.memref_squeeze %dma_start3A_158 : memref<1x100xi32, #tpu.memory_space<vmem>> -> memref<100xi32, #tpu.memory_space<vmem>>
      %dma_start3A_160 = arith.constant 0 : i32
      %dma_start3A_161 = arith.constant 0 : i32
      %dma_start3A_162 = tpu.memref_slice %arg6[%dma_start3A_160, %dma_start3A_161] : memref<10000x16xf32, #tpu.memory_space<vmem_shared>> -> memref<10000x16xf32, #tpu.memory_space<vmem_shared>>
      tpu.enqueue_indirect_dma source(%arg5 : memref<100x16xf32, #tpu.memory_space<vmem>>) target(%dma_start3A_162 : memref<10000x16xf32, #tpu.memory_space<vmem_shared>>) offsets(%dma_start3A_159 : memref<100xi32, #tpu.memory_space<vmem>>) semaphore(%arg7 : memref<!tpu.dma_semaphore, #tpu.memory_space<semaphore_mem>>) {add = true}
      %mul3A_163 = arith.constant 10 : i32
      %mul3A_164 = arith.muli %scan3A_122, %mul3A_163 : i32
      %add3A_165 = arith.constant 4 : i32
      %add3A_166 = arith.addi %mul3A_164, %add3A_165 : i32
      %dma_start3A_167 = arith.constant 0 : i32
      %dma_start3A_168 = tpu.memref_slice %arg4[%add3A_166, %dma_start3A_167] : memref<100x100xi32, #tpu.memory_space<vmem>> -> memref<1x100xi32, #tpu.memory_space<vmem>>
      %dma_start3A_169 = tpu.memref_squeeze %dma_start3A_168 : memref<1x100xi32, #tpu.memory_space<vmem>> -> memref<100xi32, #tpu.memory_space<vmem>>
      %dma_start3A_170 = arith.constant 0 : i32
      %dma_start3A_171 = arith.constant 0 : i32
      %dma_start3A_172 = tpu.memref_slice %arg6[%dma_start3A_170, %dma_start3A_171] : memref<10000x16xf32, #tpu.memory_space<vmem_shared>> -> memref<10000x16xf32, #tpu.memory_space<vmem_shared>>
      tpu.enqueue_indirect_dma source(%arg5 : memref<100x16xf32, #tpu.memory_space<vmem>>) target(%dma_start3A_172 : memref<10000x16xf32, #tpu.memory_space<vmem_shared>>) offsets(%dma_start3A_169 : memref<100xi32, #tpu.memory_space<vmem>>) semaphore(%arg7 : memref<!tpu.dma_semaphore, #tpu.memory_space<semaphore_mem>>) {add = true}
      %mul3A_173 = arith.constant 10 : i32
      %mul3A_174 = arith.muli %scan3A_122, %mul3A_173 : i32
      %add3A_175 = arith.constant 5 : i32
      %add3A_176 = arith.addi %mul3A_174, %add3A_175 : i32
      %dma_start3A_177 = arith.constant 0 : i32
      %dma_start3A_178 = tpu.memref_slice %arg4[%add3A_176, %dma_start3A_177] : memref<100x100xi32, #tpu.memory_space<vmem>> -> memref<1x100xi32, #tpu.memory_space<vmem>>
      %dma_start3A_179 = tpu.memref_squeeze %dma_start3A_178 : memref<1x100xi32, #tpu.memory_space<vmem>> -> memref<100xi32, #tpu.memory_space<vmem>>
      %dma_start3A_180 = arith.constant 0 : i32
      %dma_start3A_181 = arith.constant 0 : i32
      %dma_start3A_182 = tpu.memref_slice %arg6[%dma_start3A_180, %dma_start3A_181] : memref<10000x16xf32, #tpu.memory_space<vmem_shared>> -> memref<10000x16xf32, #tpu.memory_space<vmem_shared>>
      tpu.enqueue_indirect_dma source(%arg5 : memref<100x16xf32, #tpu.memory_space<vmem>>) target(%dma_start3A_182 : memref<10000x16xf32, #tpu.memory_space<vmem_shared>>) offsets(%dma_start3A_179 : memref<100xi32, #tpu.memory_space<vmem>>) semaphore(%arg7 : memref<!tpu.dma_semaphore, #tpu.memory_space<semaphore_mem>>) {add = true}
      %mul3A_183 = arith.constant 10 : i32
      %mul3A_184 = arith.muli %scan3A_122, %mul3A_183 : i32
      %add3A_185 = arith.constant 6 : i32
      %add3A_186 = arith.addi %mul3A_184, %add3A_185 : i32
      %dma_start3A_187 = arith.constant 0 : i32
      %dma_start3A_188 = tpu.memref_slice %arg4[%add3A_186, %dma_start3A_187] : memref<100x100xi32, #tpu.memory_space<vmem>> -> memref<1x100xi32, #tpu.memory_space<vmem>>
      %dma_start3A_189 = tpu.memref_squeeze %dma_start3A_188 : memref<1x100xi32, #tpu.memory_space<vmem>> -> memref<100xi32, #tpu.memory_space<vmem>>
      %dma_start3A_190 = arith.constant 0 : i32
      %dma_start3A_191 = arith.constant 0 : i32
      %dma_start3A_192 = tpu.memref_slice %arg6[%dma_start3A_190, %dma_start3A_191] : memref<10000x16xf32, #tpu.memory_space<vmem_shared>> -> memref<10000x16xf32, #tpu.memory_space<vmem_shared>>
      tpu.enqueue_indirect_dma source(%arg5 : memref<100x16xf32, #tpu.memory_space<vmem>>) target(%dma_start3A_192 : memref<10000x16xf32, #tpu.memory_space<vmem_shared>>) offsets(%dma_start3A_189 : memref<100xi32, #tpu.memory_space<vmem>>) semaphore(%arg7 : memref<!tpu.dma_semaphore, #tpu.memory_space<semaphore_mem>>) {add = true}
      %mul3A_193 = arith.constant 10 : i32
      %mul3A_194 = arith.muli %scan3A_122, %mul3A_193 : i32
      %add3A_195 = arith.constant 7 : i32
      %add3A_196 = arith.addi %mul3A_194, %add3A_195 : i32
      %dma_start3A_197 = arith.constant 0 : i32
      %dma_start3A_198 = tpu.memref_slice %arg4[%add3A_196, %dma_start3A_197] : memref<100x100xi32, #tpu.memory_space<vmem>> -> memref<1x100xi32, #tpu.memory_space<vmem>>
      %dma_start3A_199 = tpu.memref_squeeze %dma_start3A_198 : memref<1x100xi32, #tpu.memory_space<vmem>> -> memref<100xi32, #tpu.memory_space<vmem>>
      %dma_start3A_200 = arith.constant 0 : i32
      %dma_start3A_201 = arith.constant 0 : i32
      %dma_start3A_202 = tpu.memref_slice %arg6[%dma_start3A_200, %dma_start3A_201] : memref<10000x16xf32, #tpu.memory_space<vmem_shared>> -> memref<10000x16xf32, #tpu.memory_space<vmem_shared>>
      tpu.enqueue_indirect_dma source(%arg5 : memref<100x16xf32, #tpu.memory_space<vmem>>) target(%dma_start3A_202 : memref<10000x16xf32, #tpu.memory_space<vmem_shared>>) offsets(%dma_start3A_199 : memref<100xi32, #tpu.memory_space<vmem>>) semaphore(%arg7 : memref<!tpu.dma_semaphore, #tpu.memory_space<semaphore_mem>>) {add = true}
      %mul3A_203 = arith.constant 10 : i32
      %mul3A_204 = arith.muli %scan3A_122, %mul3A_203 : i32
      %add3A_205 = arith.constant 8 : i32
      %add3A_206 = arith.addi %mul3A_204, %add3A_205 : i32
      %dma_start3A_207 = arith.constant 0 : i32
      %dma_start3A_208 = tpu.memref_slice %arg4[%add3A_206, %dma_start3A_207] : memref<100x100xi32, #tpu.memory_space<vmem>> -> memref<1x100xi32, #tpu.memory_space<vmem>>
      %dma_start3A_209 = tpu.memref_squeeze %dma_start3A_208 : memref<1x100xi32, #tpu.memory_space<vmem>> -> memref<100xi32, #tpu.memory_space<vmem>>
      %dma_start3A_210 = arith.constant 0 : i32
      %dma_start3A_211 = arith.constant 0 : i32
      %dma_start3A_212 = tpu.memref_slice %arg6[%dma_start3A_210, %dma_start3A_211] : memref<10000x16xf32, #tpu.memory_space<vmem_shared>> -> memref<10000x16xf32, #tpu.memory_space<vmem_shared>>
      tpu.enqueue_indirect_dma source(%arg5 : memref<100x16xf32, #tpu.memory_space<vmem>>) target(%dma_start3A_212 : memref<10000x16xf32, #tpu.memory_space<vmem_shared>>) offsets(%dma_start3A_209 : memref<100xi32, #tpu.memory_space<vmem>>) semaphore(%arg7 : memref<!tpu.dma_semaphore, #tpu.memory_space<semaphore_mem>>) {add = true}
      %mul3A_213 = arith.constant 10 : i32
      %mul3A_214 = arith.muli %scan3A_122, %mul3A_213 : i32
      %add3A_215 = arith.constant 9 : i32
      %add3A_216 = arith.addi %mul3A_214, %add3A_215 : i32
      %dma_start3A_217 = arith.constant 0 : i32
      %dma_start3A_218 = tpu.memref_slice %arg4[%add3A_216, %dma_start3A_217] : memref<100x100xi32, #tpu.memory_space<vmem>> -> memref<1x100xi32, #tpu.memory_space<vmem>>
      %dma_start3A_219 = tpu.memref_squeeze %dma_start3A_218 : memref<1x100xi32, #tpu.memory_space<vmem>> -> memref<100xi32, #tpu.memory_space<vmem>>
      %dma_start3A_220 = arith.constant 0 : i32
      %dma_start3A_221 = arith.constant 0 : i32
      %dma_start3A_222 = tpu.memref_slice %arg6[%dma_start3A_220, %dma_start3A_221] : memref<10000x16xf32, #tpu.memory_space<vmem_shared>> -> memref<10000x16xf32, #tpu.memory_space<vmem_shared>>
      tpu.enqueue_indirect_dma source(%arg5 : memref<100x16xf32, #tpu.memory_space<vmem>>) target(%dma_start3A_222 : memref<10000x16xf32, #tpu.memory_space<vmem_shared>>) offsets(%dma_start3A_219 : memref<100xi32, #tpu.memory_space<vmem>>) semaphore(%arg7 : memref<!tpu.dma_semaphore, #tpu.memory_space<semaphore_mem>>) {add = true}
      %mul3A_223 = arith.constant 10 : i32
      %mul3A_224 = arith.muli %scan3A_122, %mul3A_223 : i32
      %add3A_225 = arith.constant 0 : i32
      %add3A_226 = arith.addi %mul3A_224, %add3A_225 : i32
      %dma_wait3A = arith.constant 0 : i32
      %dma_wait3A_227 = tpu.memref_slice %arg4[%add3A_226, %dma_wait3A] : memref<100x100xi32, #tpu.memory_space<vmem>> -> memref<1x100xi32, #tpu.memory_space<vmem>>
      %dma_wait3A_228 = tpu.memref_squeeze %dma_wait3A_227 : memref<1x100xi32, #tpu.memory_space<vmem>> -> memref<100xi32, #tpu.memory_space<vmem>>
      %dma_wait3A_229 = arith.constant 0 : i32
      %dma_wait3A_230 = arith.constant 0 : i32
      %dma_wait3A_231 = tpu.memref_slice %arg6[%dma_wait3A_229, %dma_wait3A_230] : memref<10000x16xf32, #tpu.memory_space<vmem_shared>> -> memref<10000x16xf32, #tpu.memory_space<vmem_shared>>
      tpu.wait_indirect_dma semaphore(%arg7 : memref<!tpu.dma_semaphore, #tpu.memory_space<semaphore_mem>>) src(%arg5 : memref<100x16xf32, #tpu.memory_space<vmem>>) dst(%dma_wait3A_231 : memref<10000x16xf32, #tpu.memory_space<vmem_shared>>)
      %mul3A_232 = arith.constant 10 : i32
      %mul3A_233 = arith.muli %scan3A_122, %mul3A_232 : i32
      %add3A_234 = arith.constant 1 : i32
      %add3A_235 = arith.addi %mul3A_233, %add3A_234 : i32
      %dma_wait3A_236 = arith.constant 0 : i32
      %dma_wait3A_237 = tpu.memref_slice %arg4[%add3A_235, %dma_wait3A_236] : memref<100x100xi32, #tpu.memory_space<vmem>> -> memref<1x100xi32, #tpu.memory_space<vmem>>
      %dma_wait3A_238 = tpu.memref_squeeze %dma_wait3A_237 : memref<1x100xi32, #tpu.memory_space<vmem>> -> memref<100xi32, #tpu.memory_space<vmem>>
      %dma_wait3A_239 = arith.constant 0 : i32
      %dma_wait3A_240 = arith.constant 0 : i32
      %dma_wait3A_241 = tpu.memref_slice %arg6[%dma_wait3A_239, %dma_wait3A_240] : memref<10000x16xf32, #tpu.memory_space<vmem_shared>> -> memref<10000x16xf32, #tpu.memory_space<vmem_shared>>
      tpu.wait_indirect_dma semaphore(%arg7 : memref<!tpu.dma_semaphore, #tpu.memory_space<semaphore_mem>>) src(%arg5 : memref<100x16xf32, #tpu.memory_space<vmem>>) dst(%dma_wait3A_241 : memref<10000x16xf32, #tpu.memory_space<vmem_shared>>)
      %mul3A_242 = arith.constant 10 : i32
      %mul3A_243 = arith.muli %scan3A_122, %mul3A_242 : i32
      %add3A_244 = arith.constant 2 : i32
      %add3A_245 = arith.addi %mul3A_243, %add3A_244 : i32
      %dma_wait3A_246 = arith.constant 0 : i32
      %dma_wait3A_247 = tpu.memref_slice %arg4[%add3A_245, %dma_wait3A_246] : memref<100x100xi32, #tpu.memory_space<vmem>> -> memref<1x100xi32, #tpu.memory_space<vmem>>
      %dma_wait3A_248 = tpu.memref_squeeze %dma_wait3A_247 : memref<1x100xi32, #tpu.memory_space<vmem>> -> memref<100xi32, #tpu.memory_space<vmem>>
      %dma_wait3A_249 = arith.constant 0 : i32
      %dma_wait3A_250 = arith.constant 0 : i32
      %dma_wait3A_251 = tpu.memref_slice %arg6[%dma_wait3A_249, %dma_wait3A_250] : memref<10000x16xf32, #tpu.memory_space<vmem_shared>> -> memref<10000x16xf32, #tpu.memory_space<vmem_shared>>
      tpu.wait_indirect_dma semaphore(%arg7 : memref<!tpu.dma_semaphore, #tpu.memory_space<semaphore_mem>>) src(%arg5 : memref<100x16xf32, #tpu.memory_space<vmem>>) dst(%dma_wait3A_251 : memref<10000x16xf32, #tpu.memory_space<vmem_shared>>)
      %mul3A_252 = arith.constant 10 : i32
      %mul3A_253 = arith.muli %scan3A_122, %mul3A_252 : i32
      %add3A_254 = arith.constant 3 : i32
      %add3A_255 = arith.addi %mul3A_253, %add3A_254 : i32
      %dma_wait3A_256 = arith.constant 0 : i32
      %dma_wait3A_257 = tpu.memref_slice %arg4[%add3A_255, %dma_wait3A_256] : memref<100x100xi32, #tpu.memory_space<vmem>> -> memref<1x100xi32, #tpu.memory_space<vmem>>
      %dma_wait3A_258 = tpu.memref_squeeze %dma_wait3A_257 : memref<1x100xi32, #tpu.memory_space<vmem>> -> memref<100xi32, #tpu.memory_space<vmem>>
      %dma_wait3A_259 = arith.constant 0 : i32
      %dma_wait3A_260 = arith.constant 0 : i32
      %dma_wait3A_261 = tpu.memref_slice %arg6[%dma_wait3A_259, %dma_wait3A_260] : memref<10000x16xf32, #tpu.memory_space<vmem_shared>> -> memref<10000x16xf32, #tpu.memory_space<vmem_shared>>
      tpu.wait_indirect_dma semaphore(%arg7 : memref<!tpu.dma_semaphore, #tpu.memory_space<semaphore_mem>>) src(%arg5 : memref<100x16xf32, #tpu.memory_space<vmem>>) dst(%dma_wait3A_261 : memref<10000x16xf32, #tpu.memory_space<vmem_shared>>)
      %mul3A_262 = arith.constant 10 : i32
      %mul3A_263 = arith.muli %scan3A_122, %mul3A_262 : i32
      %add3A_264 = arith.constant 4 : i32
      %add3A_265 = arith.addi %mul3A_263, %add3A_264 : i32
      %dma_wait3A_266 = arith.constant 0 : i32
      %dma_wait3A_267 = tpu.memref_slice %arg4[%add3A_265, %dma_wait3A_266] : memref<100x100xi32, #tpu.memory_space<vmem>> -> memref<1x100xi32, #tpu.memory_space<vmem>>
      %dma_wait3A_268 = tpu.memref_squeeze %dma_wait3A_267 : memref<1x100xi32, #tpu.memory_space<vmem>> -> memref<100xi32, #tpu.memory_space<vmem>>
      %dma_wait3A_269 = arith.constant 0 : i32
      %dma_wait3A_270 = arith.constant 0 : i32
      %dma_wait3A_271 = tpu.memref_slice %arg6[%dma_wait3A_269, %dma_wait3A_270] : memref<10000x16xf32, #tpu.memory_space<vmem_shared>> -> memref<10000x16xf32, #tpu.memory_space<vmem_shared>>
      tpu.wait_indirect_dma semaphore(%arg7 : memref<!tpu.dma_semaphore, #tpu.memory_space<semaphore_mem>>) src(%arg5 : memref<100x16xf32, #tpu.memory_space<vmem>>) dst(%dma_wait3A_271 : memref<10000x16xf32, #tpu.memory_space<vmem_shared>>)
      %mul3A_272 = arith.constant 10 : i32
      %mul3A_273 = arith.muli %scan3A_122, %mul3A_272 : i32
      %add3A_274 = arith.constant 5 : i32
      %add3A_275 = arith.addi %mul3A_273, %add3A_274 : i32
      %dma_wait3A_276 = arith.constant 0 : i32
      %dma_wait3A_277 = tpu.memref_slice %arg4[%add3A_275, %dma_wait3A_276] : memref<100x100xi32, #tpu.memory_space<vmem>> -> memref<1x100xi32, #tpu.memory_space<vmem>>
      %dma_wait3A_278 = tpu.memref_squeeze %dma_wait3A_277 : memref<1x100xi32, #tpu.memory_space<vmem>> -> memref<100xi32, #tpu.memory_space<vmem>>
      %dma_wait3A_279 = arith.constant 0 : i32
      %dma_wait3A_280 = arith.constant 0 : i32
      %dma_wait3A_281 = tpu.memref_slice %arg6[%dma_wait3A_279, %dma_wait3A_280] : memref<10000x16xf32, #tpu.memory_space<vmem_shared>> -> memref<10000x16xf32, #tpu.memory_space<vmem_shared>>
      tpu.wait_indirect_dma semaphore(%arg7 : memref<!tpu.dma_semaphore, #tpu.memory_space<semaphore_mem>>) src(%arg5 : memref<100x16xf32, #tpu.memory_space<vmem>>) dst(%dma_wait3A_281 : memref<10000x16xf32, #tpu.memory_space<vmem_shared>>)
      %mul3A_282 = arith.constant 10 : i32
      %mul3A_283 = arith.muli %scan3A_122, %mul3A_282 : i32
      %add3A_284 = arith.constant 6 : i32
      %add3A_285 = arith.addi %mul3A_283, %add3A_284 : i32
      %dma_wait3A_286 = arith.constant 0 : i32
      %dma_wait3A_287 = tpu.memref_slice %arg4[%add3A_285, %dma_wait3A_286] : memref<100x100xi32, #tpu.memory_space<vmem>> -> memref<1x100xi32, #tpu.memory_space<vmem>>
      %dma_wait3A_288 = tpu.memref_squeeze %dma_wait3A_287 : memref<1x100xi32, #tpu.memory_space<vmem>> -> memref<100xi32, #tpu.memory_space<vmem>>
      %dma_wait3A_289 = arith.constant 0 : i32
      %dma_wait3A_290 = arith.constant 0 : i32
      %dma_wait3A_291 = tpu.memref_slice %arg6[%dma_wait3A_289, %dma_wait3A_290] : memref<10000x16xf32, #tpu.memory_space<vmem_shared>> -> memref<10000x16xf32, #tpu.memory_space<vmem_shared>>
      tpu.wait_indirect_dma semaphore(%arg7 : memref<!tpu.dma_semaphore, #tpu.memory_space<semaphore_mem>>) src(%arg5 : memref<100x16xf32, #tpu.memory_space<vmem>>) dst(%dma_wait3A_291 : memref<10000x16xf32, #tpu.memory_space<vmem_shared>>)
      %mul3A_292 = arith.constant 10 : i32
      %mul3A_293 = arith.muli %scan3A_122, %mul3A_292 : i32
      %add3A_294 = arith.constant 7 : i32
      %add3A_295 = arith.addi %mul3A_293, %add3A_294 : i32
      %dma_wait3A_296 = arith.constant 0 : i32
      %dma_wait3A_297 = tpu.memref_slice %arg4[%add3A_295, %dma_wait3A_296] : memref<100x100xi32, #tpu.memory_space<vmem>> -> memref<1x100xi32, #tpu.memory_space<vmem>>
      %dma_wait3A_298 = tpu.memref_squeeze %dma_wait3A_297 : memref<1x100xi32, #tpu.memory_space<vmem>> -> memref<100xi32, #tpu.memory_space<vmem>>
      %dma_wait3A_299 = arith.constant 0 : i32
      %dma_wait3A_300 = arith.constant 0 : i32
      %dma_wait3A_301 = tpu.memref_slice %arg6[%dma_wait3A_299, %dma_wait3A_300] : memref<10000x16xf32, #tpu.memory_space<vmem_shared>> -> memref<10000x16xf32, #tpu.memory_space<vmem_shared>>
      tpu.wait_indirect_dma semaphore(%arg7 : memref<!tpu.dma_semaphore, #tpu.memory_space<semaphore_mem>>) src(%arg5 : memref<100x16xf32, #tpu.memory_space<vmem>>) dst(%dma_wait3A_301 : memref<10000x16xf32, #tpu.memory_space<vmem_shared>>)
      %mul3A_302 = arith.constant 10 : i32
      %mul3A_303 = arith.muli %scan3A_122, %mul3A_302 : i32
      %add3A_304 = arith.constant 8 : i32
      %add3A_305 = arith.addi %mul3A_303, %add3A_304 : i32
      %dma_wait3A_306 = arith.constant 0 : i32
      %dma_wait3A_307 = tpu.memref_slice %arg4[%add3A_305, %dma_wait3A_306] : memref<100x100xi32, #tpu.memory_space<vmem>> -> memref<1x100xi32, #tpu.memory_space<vmem>>
      %dma_wait3A_308 = tpu.memref_squeeze %dma_wait3A_307 : memref<1x100xi32, #tpu.memory_space<vmem>> -> memref<100xi32, #tpu.memory_space<vmem>>
      %dma_wait3A_309 = arith.constant 0 : i32
      %dma_wait3A_310 = arith.constant 0 : i32
      %dma_wait3A_311 = tpu.memref_slice %arg6[%dma_wait3A_309, %dma_wait3A_310] : memref<10000x16xf32, #tpu.memory_space<vmem_shared>> -> memref<10000x16xf32, #tpu.memory_space<vmem_shared>>
      tpu.wait_indirect_dma semaphore(%arg7 : memref<!tpu.dma_semaphore, #tpu.memory_space<semaphore_mem>>) src(%arg5 : memref<100x16xf32, #tpu.memory_space<vmem>>) dst(%dma_wait3A_311 : memref<10000x16xf32, #tpu.memory_space<vmem_shared>>)
      %mul3A_312 = arith.constant 10 : i32
      %mul3A_313 = arith.muli %scan3A_122, %mul3A_312 : i32
      %add3A_314 = arith.constant 9 : i32
      %add3A_315 = arith.addi %mul3A_313, %add3A_314 : i32
      %dma_wait3A_316 = arith.constant 0 : i32
      %dma_wait3A_317 = tpu.memref_slice %arg4[%add3A_315, %dma_wait3A_316] : memref<100x100xi32, #tpu.memory_space<vmem>> -> memref<1x100xi32, #tpu.memory_space<vmem>>
      %dma_wait3A_318 = tpu.memref_squeeze %dma_wait3A_317 : memref<1x100xi32, #tpu.memory_space<vmem>> -> memref<100xi32, #tpu.memory_space<vmem>>
      %dma_wait3A_319 = arith.constant 0 : i32
      %dma_wait3A_320 = arith.constant 0 : i32
      %dma_wait3A_321 = tpu.memref_slice %arg6[%dma_wait3A_319, %dma_wait3A_320] : memref<10000x16xf32, #tpu.memory_space<vmem_shared>> -> memref<10000x16xf32, #tpu.memory_space<vmem_shared>>
      tpu.wait_indirect_dma semaphore(%arg7 : memref<!tpu.dma_semaphore, #tpu.memory_space<semaphore_mem>>) src(%arg5 : memref<100x16xf32, #tpu.memory_space<vmem>>) dst(%dma_wait3A_321 : memref<10000x16xf32, #tpu.memory_space<vmem_shared>>)
      %scan3A_322 = arith.constant 0 : i32
      scf.yield %scan3A_322 : i32
    }
    %scan3A_71 = arith.constant 10 : i32
    %barrier3A_72 = arith.constant 0 : index
    tpu.barrier barrier_id(%barrier3A_72)
    %add3A_73 = arith.constant 0 : i32
    %add3A_74 = arith.addi %add3A_73, %arg1 : i32
    %lt3A_75 = arith.constant 100 : i32
    %lt3A_76 = arith.cmpi slt, %add3A_74, %lt3A_75 : i32
    %convert_element_type3A_77 = arith.extui %lt3A_76 : i1 to i32
    %cond3A_78 = arith.constant 0 : i32
    %cond3A_79 = arith.cmpi ne, %convert_element_type3A_77, %cond3A_78 : i32
    scf.if %cond3A_79 {
      %mul3A_122 = arith.constant 100 : i32
      %mul3A_123 = arith.muli %add3A_74, %mul3A_122 : i32
      %mul3A_124 = arith.constant 10000 : i32
      %mul3A_125 = arith.muli %arg0, %mul3A_124 : i32
      %mul3A_126 = arith.constant 100 : i32
      %mul3A_127 = arith.muli %add3A_74, %mul3A_126 : i32
      %add3A_128 = arith.addi %mul3A_125, %mul3A_127 : i32
      "tpu.region"() ({
        %run_scoped3A_129 = tpu.sem_alloc : memref<!tpu.dma_semaphore, #tpu.memory_space<semaphore_mem>>
        %dma_start3A = arith.constant 0 : i32
        %dma_start3A_130 = tpu.memref_slice %arg3[%add3A_128, %dma_start3A] : memref<20000x16xf32, #tpu.memory_space<hbm>> -> memref<100x16xf32, #tpu.memory_space<hbm>>
        %dma_start3A_131 = arith.constant 0 : i32
        %dma_start3A_132 = tpu.memref_slice %arg6[%mul3A_123, %dma_start3A_131] : memref<10000x16xf32, #tpu.memory_space<vmem_shared>> -> memref<100x16xf32, #tpu.memory_space<vmem_shared>>
        tpu.enqueue_dma source(%dma_start3A_132 : memref<100x16xf32, #tpu.memory_space<vmem_shared>>) target(%dma_start3A_130 : memref<100x16xf32, #tpu.memory_space<hbm>>) target_semaphore(%run_scoped3A_129 : memref<!tpu.dma_semaphore, #tpu.memory_space<semaphore_mem>>)
        %dma_wait3A = arith.constant 0 : i32
        %dma_wait3A_133 = tpu.memref_slice %arg3[%add3A_128, %dma_wait3A] : memref<20000x16xf32, #tpu.memory_space<hbm>> -> memref<100x16xf32, #tpu.memory_space<hbm>>
        %dma_wait3A_134 = arith.constant 0 : i32
        %dma_wait3A_135 = tpu.memref_slice %arg6[%mul3A_123, %dma_wait3A_134] : memref<10000x16xf32, #tpu.memory_space<vmem_shared>> -> memref<100x16xf32, #tpu.memory_space<vmem_shared>>
        tpu.wait_dma2 semaphore(%run_scoped3A_129 : memref<!tpu.dma_semaphore, #tpu.memory_space<semaphore_mem>>) src(%dma_wait3A_135 : memref<100x16xf32, #tpu.memory_space<vmem_shared>>) dst(%dma_wait3A_133 : memref<100x16xf32, #tpu.memory_space<hbm>>)
        tpu.yield
      }) : () -> ()
    } else {
    }
    %add3A_80 = arith.constant 16 : i32
    %add3A_81 = arith.addi %add3A_80, %arg1 : i32
    %lt3A_82 = arith.constant 100 : i32
    %lt3A_83 = arith.cmpi slt, %add3A_81, %lt3A_82 : i32
    %convert_element_type3A_84 = arith.extui %lt3A_83 : i1 to i32
    %cond3A_85 = arith.constant 0 : i32
    %cond3A_86 = arith.cmpi ne, %convert_element_type3A_84, %cond3A_85 : i32
    scf.if %cond3A_86 {
      %mul3A_122 = arith.constant 100 : i32
      %mul3A_123 = arith.muli %add3A_81, %mul3A_122 : i32
      %mul3A_124 = arith.constant 10000 : i32
      %mul3A_125 = arith.muli %arg0, %mul3A_124 : i32
      %mul3A_126 = arith.constant 100 : i32
      %mul3A_127 = arith.muli %add3A_81, %mul3A_126 : i32
      %add3A_128 = arith.addi %mul3A_125, %mul3A_127 : i32
      "tpu.region"() ({
        %run_scoped3A_129 = tpu.sem_alloc : memref<!tpu.dma_semaphore, #tpu.memory_space<semaphore_mem>>
        %dma_start3A = arith.constant 0 : i32
        %dma_start3A_130 = tpu.memref_slice %arg3[%add3A_128, %dma_start3A] : memref<20000x16xf32, #tpu.memory_space<hbm>> -> memref<100x16xf32, #tpu.memory_space<hbm>>
        %dma_start3A_131 = arith.constant 0 : i32
        %dma_start3A_132 = tpu.memref_slice %arg6[%mul3A_123, %dma_start3A_131] : memref<10000x16xf32, #tpu.memory_space<vmem_shared>> -> memref<100x16xf32, #tpu.memory_space<vmem_shared>>
        tpu.enqueue_dma source(%dma_start3A_132 : memref<100x16xf32, #tpu.memory_space<vmem_shared>>) target(%dma_start3A_130 : memref<100x16xf32, #tpu.memory_space<hbm>>) target_semaphore(%run_scoped3A_129 : memref<!tpu.dma_semaphore, #tpu.memory_space<semaphore_mem>>)
        %dma_wait3A = arith.constant 0 : i32
        %dma_wait3A_133 = tpu.memref_slice %arg3[%add3A_128, %dma_wait3A] : memref<20000x16xf32, #tpu.memory_space<hbm>> -> memref<100x16xf32, #tpu.memory_space<hbm>>
        %dma_wait3A_134 = arith.constant 0 : i32
        %dma_wait3A_135 = tpu.memref_slice %arg6[%mul3A_123, %dma_wait3A_134] : memref<10000x16xf32, #tpu.memory_space<vmem_shared>> -> memref<100x16xf32, #tpu.memory_space<vmem_shared>>
        tpu.wait_dma2 semaphore(%run_scoped3A_129 : memref<!tpu.dma_semaphore, #tpu.memory_space<semaphore_mem>>) src(%dma_wait3A_135 : memref<100x16xf32, #tpu.memory_space<vmem_shared>>) dst(%dma_wait3A_133 : memref<100x16xf32, #tpu.memory_space<hbm>>)
        tpu.yield
      }) : () -> ()
    } else {
    }
    %add3A_87 = arith.constant 32 : i32
    %add3A_88 = arith.addi %add3A_87, %arg1 : i32
    %lt3A_89 = arith.constant 100 : i32
    %lt3A_90 = arith.cmpi slt, %add3A_88, %lt3A_89 : i32
    %convert_element_type3A_91 = arith.extui %lt3A_90 : i1 to i32
    %cond3A_92 = arith.constant 0 : i32
    %cond3A_93 = arith.cmpi ne, %convert_element_type3A_91, %cond3A_92 : i32
    scf.if %cond3A_93 {
      %mul3A_122 = arith.constant 100 : i32
      %mul3A_123 = arith.muli %add3A_88, %mul3A_122 : i32
      %mul3A_124 = arith.constant 10000 : i32
      %mul3A_125 = arith.muli %arg0, %mul3A_124 : i32
      %mul3A_126 = arith.constant 100 : i32
      %mul3A_127 = arith.muli %add3A_88, %mul3A_126 : i32
      %add3A_128 = arith.addi %mul3A_125, %mul3A_127 : i32
      "tpu.region"() ({
        %run_scoped3A_129 = tpu.sem_alloc : memref<!tpu.dma_semaphore, #tpu.memory_space<semaphore_mem>>
        %dma_start3A = arith.constant 0 : i32
        %dma_start3A_130 = tpu.memref_slice %arg3[%add3A_128, %dma_start3A] : memref<20000x16xf32, #tpu.memory_space<hbm>> -> memref<100x16xf32, #tpu.memory_space<hbm>>
        %dma_start3A_131 = arith.constant 0 : i32
        %dma_start3A_132 = tpu.memref_slice %arg6[%mul3A_123, %dma_start3A_131] : memref<10000x16xf32, #tpu.memory_space<vmem_shared>> -> memref<100x16xf32, #tpu.memory_space<vmem_shared>>
        tpu.enqueue_dma source(%dma_start3A_132 : memref<100x16xf32, #tpu.memory_space<vmem_shared>>) target(%dma_start3A_130 : memref<100x16xf32, #tpu.memory_space<hbm>>) target_semaphore(%run_scoped3A_129 : memref<!tpu.dma_semaphore, #tpu.memory_space<semaphore_mem>>)
        %dma_wait3A = arith.constant 0 : i32
        %dma_wait3A_133 = tpu.memref_slice %arg3[%add3A_128, %dma_wait3A] : memref<20000x16xf32, #tpu.memory_space<hbm>> -> memref<100x16xf32, #tpu.memory_space<hbm>>
        %dma_wait3A_134 = arith.constant 0 : i32
        %dma_wait3A_135 = tpu.memref_slice %arg6[%mul3A_123, %dma_wait3A_134] : memref<10000x16xf32, #tpu.memory_space<vmem_shared>> -> memref<100x16xf32, #tpu.memory_space<vmem_shared>>
        tpu.wait_dma2 semaphore(%run_scoped3A_129 : memref<!tpu.dma_semaphore, #tpu.memory_space<semaphore_mem>>) src(%dma_wait3A_135 : memref<100x16xf32, #tpu.memory_space<vmem_shared>>) dst(%dma_wait3A_133 : memref<100x16xf32, #tpu.memory_space<hbm>>)
        tpu.yield
      }) : () -> ()
    } else {
    }
    %add3A_94 = arith.constant 48 : i32
    %add3A_95 = arith.addi %add3A_94, %arg1 : i32
    %lt3A_96 = arith.constant 100 : i32
    %lt3A_97 = arith.cmpi slt, %add3A_95, %lt3A_96 : i32
    %convert_element_type3A_98 = arith.extui %lt3A_97 : i1 to i32
    %cond3A_99 = arith.constant 0 : i32
    %cond3A_100 = arith.cmpi ne, %convert_element_type3A_98, %cond3A_99 : i32
    scf.if %cond3A_100 {
      %mul3A_122 = arith.constant 100 : i32
      %mul3A_123 = arith.muli %add3A_95, %mul3A_122 : i32
      %mul3A_124 = arith.constant 10000 : i32
      %mul3A_125 = arith.muli %arg0, %mul3A_124 : i32
      %mul3A_126 = arith.constant 100 : i32
      %mul3A_127 = arith.muli %add3A_95, %mul3A_126 : i32
      %add3A_128 = arith.addi %mul3A_125, %mul3A_127 : i32
      "tpu.region"() ({
        %run_scoped3A_129 = tpu.sem_alloc : memref<!tpu.dma_semaphore, #tpu.memory_space<semaphore_mem>>
        %dma_start3A = arith.constant 0 : i32
        %dma_start3A_130 = tpu.memref_slice %arg3[%add3A_128, %dma_start3A] : memref<20000x16xf32, #tpu.memory_space<hbm>> -> memref<100x16xf32, #tpu.memory_space<hbm>>
        %dma_start3A_131 = arith.constant 0 : i32
        %dma_start3A_132 = tpu.memref_slice %arg6[%mul3A_123, %dma_start3A_131] : memref<10000x16xf32, #tpu.memory_space<vmem_shared>> -> memref<100x16xf32, #tpu.memory_space<vmem_shared>>
        tpu.enqueue_dma source(%dma_start3A_132 : memref<100x16xf32, #tpu.memory_space<vmem_shared>>) target(%dma_start3A_130 : memref<100x16xf32, #tpu.memory_space<hbm>>) target_semaphore(%run_scoped3A_129 : memref<!tpu.dma_semaphore, #tpu.memory_space<semaphore_mem>>)
        %dma_wait3A = arith.constant 0 : i32
        %dma_wait3A_133 = tpu.memref_slice %arg3[%add3A_128, %dma_wait3A] : memref<20000x16xf32, #tpu.memory_space<hbm>> -> memref<100x16xf32, #tpu.memory_space<hbm>>
        %dma_wait3A_134 = arith.constant 0 : i32
        %dma_wait3A_135 = tpu.memref_slice %arg6[%mul3A_123, %dma_wait3A_134] : memref<10000x16xf32, #tpu.memory_space<vmem_shared>> -> memref<100x16xf32, #tpu.memory_space<vmem_shared>>
        tpu.wait_dma2 semaphore(%run_scoped3A_129 : memref<!tpu.dma_semaphore, #tpu.memory_space<semaphore_mem>>) src(%dma_wait3A_135 : memref<100x16xf32, #tpu.memory_space<vmem_shared>>) dst(%dma_wait3A_133 : memref<100x16xf32, #tpu.memory_space<hbm>>)
        tpu.yield
      }) : () -> ()
    } else {
    }
    %add3A_101 = arith.constant 64 : i32
    %add3A_102 = arith.addi %add3A_101, %arg1 : i32
    %lt3A_103 = arith.constant 100 : i32
    %lt3A_104 = arith.cmpi slt, %add3A_102, %lt3A_103 : i32
    %convert_element_type3A_105 = arith.extui %lt3A_104 : i1 to i32
    %cond3A_106 = arith.constant 0 : i32
    %cond3A_107 = arith.cmpi ne, %convert_element_type3A_105, %cond3A_106 : i32
    scf.if %cond3A_107 {
      %mul3A_122 = arith.constant 100 : i32
      %mul3A_123 = arith.muli %add3A_102, %mul3A_122 : i32
      %mul3A_124 = arith.constant 10000 : i32
      %mul3A_125 = arith.muli %arg0, %mul3A_124 : i32
      %mul3A_126 = arith.constant 100 : i32
      %mul3A_127 = arith.muli %add3A_102, %mul3A_126 : i32
      %add3A_128 = arith.addi %mul3A_125, %mul3A_127 : i32
      "tpu.region"() ({
        %run_scoped3A_129 = tpu.sem_alloc : memref<!tpu.dma_semaphore, #tpu.memory_space<semaphore_mem>>
        %dma_start3A = arith.constant 0 : i32
        %dma_start3A_130 = tpu.memref_slice %arg3[%add3A_128, %dma_start3A] : memref<20000x16xf32, #tpu.memory_space<hbm>> -> memref<100x16xf32, #tpu.memory_space<hbm>>
        %dma_start3A_131 = arith.constant 0 : i32
        %dma_start3A_132 = tpu.memref_slice %arg6[%mul3A_123, %dma_start3A_131] : memref<10000x16xf32, #tpu.memory_space<vmem_shared>> -> memref<100x16xf32, #tpu.memory_space<vmem_shared>>
        tpu.enqueue_dma source(%dma_start3A_132 : memref<100x16xf32, #tpu.memory_space<vmem_shared>>) target(%dma_start3A_130 : memref<100x16xf32, #tpu.memory_space<hbm>>) target_semaphore(%run_scoped3A_129 : memref<!tpu.dma_semaphore, #tpu.memory_space<semaphore_mem>>)
        %dma_wait3A = arith.constant 0 : i32
        %dma_wait3A_133 = tpu.memref_slice %arg3[%add3A_128, %dma_wait3A] : memref<20000x16xf32, #tpu.memory_space<hbm>> -> memref<100x16xf32, #tpu.memory_space<hbm>>
        %dma_wait3A_134 = arith.constant 0 : i32
        %dma_wait3A_135 = tpu.memref_slice %arg6[%mul3A_123, %dma_wait3A_134] : memref<10000x16xf32, #tpu.memory_space<vmem_shared>> -> memref<100x16xf32, #tpu.memory_space<vmem_shared>>
        tpu.wait_dma2 semaphore(%run_scoped3A_129 : memref<!tpu.dma_semaphore, #tpu.memory_space<semaphore_mem>>) src(%dma_wait3A_135 : memref<100x16xf32, #tpu.memory_space<vmem_shared>>) dst(%dma_wait3A_133 : memref<100x16xf32, #tpu.memory_space<hbm>>)
        tpu.yield
      }) : () -> ()
    } else {
    }
    %add3A_108 = arith.constant 80 : i32
    %add3A_109 = arith.addi %add3A_108, %arg1 : i32
    %lt3A_110 = arith.constant 100 : i32
    %lt3A_111 = arith.cmpi slt, %add3A_109, %lt3A_110 : i32
    %convert_element_type3A_112 = arith.extui %lt3A_111 : i1 to i32
    %cond3A_113 = arith.constant 0 : i32
    %cond3A_114 = arith.cmpi ne, %convert_element_type3A_112, %cond3A_113 : i32
    scf.if %cond3A_114 {
      %mul3A_122 = arith.constant 100 : i32
      %mul3A_123 = arith.muli %add3A_109, %mul3A_122 : i32
      %mul3A_124 = arith.constant 10000 : i32
      %mul3A_125 = arith.muli %arg0, %mul3A_124 : i32
      %mul3A_126 = arith.constant 100 : i32
      %mul3A_127 = arith.muli %add3A_109, %mul3A_126 : i32
      %add3A_128 = arith.addi %mul3A_125, %mul3A_127 : i32
      "tpu.region"() ({
        %run_scoped3A_129 = tpu.sem_alloc : memref<!tpu.dma_semaphore, #tpu.memory_space<semaphore_mem>>
        %dma_start3A = arith.constant 0 : i32
        %dma_start3A_130 = tpu.memref_slice %arg3[%add3A_128, %dma_start3A] : memref<20000x16xf32, #tpu.memory_space<hbm>> -> memref<100x16xf32, #tpu.memory_space<hbm>>
        %dma_start3A_131 = arith.constant 0 : i32
        %dma_start3A_132 = tpu.memref_slice %arg6[%mul3A_123, %dma_start3A_131] : memref<10000x16xf32, #tpu.memory_space<vmem_shared>> -> memref<100x16xf32, #tpu.memory_space<vmem_shared>>
        tpu.enqueue_dma source(%dma_start3A_132 : memref<100x16xf32, #tpu.memory_space<vmem_shared>>) target(%dma_start3A_130 : memref<100x16xf32, #tpu.memory_space<hbm>>) target_semaphore(%run_scoped3A_129 : memref<!tpu.dma_semaphore, #tpu.memory_space<semaphore_mem>>)
        %dma_wait3A = arith.constant 0 : i32
        %dma_wait3A_133 = tpu.memref_slice %arg3[%add3A_128, %dma_wait3A] : memref<20000x16xf32, #tpu.memory_space<hbm>> -> memref<100x16xf32, #tpu.memory_space<hbm>>
        %dma_wait3A_134 = arith.constant 0 : i32
        %dma_wait3A_135 = tpu.memref_slice %arg6[%mul3A_123, %dma_wait3A_134] : memref<10000x16xf32, #tpu.memory_space<vmem_shared>> -> memref<100x16xf32, #tpu.memory_space<vmem_shared>>
        tpu.wait_dma2 semaphore(%run_scoped3A_129 : memref<!tpu.dma_semaphore, #tpu.memory_space<semaphore_mem>>) src(%dma_wait3A_135 : memref<100x16xf32, #tpu.memory_space<vmem_shared>>) dst(%dma_wait3A_133 : memref<100x16xf32, #tpu.memory_space<hbm>>)
        tpu.yield
      }) : () -> ()
    } else {
    }
    %add3A_115 = arith.constant 96 : i32
    %add3A_116 = arith.addi %add3A_115, %arg1 : i32
    %lt3A_117 = arith.constant 100 : i32
    %lt3A_118 = arith.cmpi slt, %add3A_116, %lt3A_117 : i32
    %convert_element_type3A_119 = arith.extui %lt3A_118 : i1 to i32
    %cond3A_120 = arith.constant 0 : i32
    %cond3A_121 = arith.cmpi ne, %convert_element_type3A_119, %cond3A_120 : i32
    scf.if %cond3A_121 {
      %mul3A_122 = arith.constant 100 : i32
      %mul3A_123 = arith.muli %add3A_116, %mul3A_122 : i32
      %mul3A_124 = arith.constant 10000 : i32
      %mul3A_125 = arith.muli %arg0, %mul3A_124 : i32
      %mul3A_126 = arith.constant 100 : i32
      %mul3A_127 = arith.muli %add3A_116, %mul3A_126 : i32
      %add3A_128 = arith.addi %mul3A_125, %mul3A_127 : i32
      "tpu.region"() ({
        %run_scoped3A_129 = tpu.sem_alloc : memref<!tpu.dma_semaphore, #tpu.memory_space<semaphore_mem>>
        %dma_start3A = arith.constant 0 : i32
        %dma_start3A_130 = tpu.memref_slice %arg3[%add3A_128, %dma_start3A] : memref<20000x16xf32, #tpu.memory_space<hbm>> -> memref<100x16xf32, #tpu.memory_space<hbm>>
        %dma_start3A_131 = arith.constant 0 : i32
        %dma_start3A_132 = tpu.memref_slice %arg6[%mul3A_123, %dma_start3A_131] : memref<10000x16xf32, #tpu.memory_space<vmem_shared>> -> memref<100x16xf32, #tpu.memory_space<vmem_shared>>
        tpu.enqueue_dma source(%dma_start3A_132 : memref<100x16xf32, #tpu.memory_space<vmem_shared>>) target(%dma_start3A_130 : memref<100x16xf32, #tpu.memory_space<hbm>>) target_semaphore(%run_scoped3A_129 : memref<!tpu.dma_semaphore, #tpu.memory_space<semaphore_mem>>)
        %dma_wait3A = arith.constant 0 : i32
        %dma_wait3A_133 = tpu.memref_slice %arg3[%add3A_128, %dma_wait3A] : memref<20000x16xf32, #tpu.memory_space<hbm>> -> memref<100x16xf32, #tpu.memory_space<hbm>>
        %dma_wait3A_134 = arith.constant 0 : i32
        %dma_wait3A_135 = tpu.memref_slice %arg6[%mul3A_123, %dma_wait3A_134] : memref<10000x16xf32, #tpu.memory_space<vmem_shared>> -> memref<100x16xf32, #tpu.memory_space<vmem_shared>>
        tpu.wait_dma2 semaphore(%run_scoped3A_129 : memref<!tpu.dma_semaphore, #tpu.memory_space<semaphore_mem>>) src(%dma_wait3A_135 : memref<100x16xf32, #tpu.memory_space<vmem_shared>>) dst(%dma_wait3A_133 : memref<100x16xf32, #tpu.memory_space<hbm>>)
        tpu.yield
      }) : () -> ()
    } else {
    }
    return
  }
}

#map = affine_map<(d0, d1) -> (0, 0)>
#map1 = affine_map<(d0, d1) -> (0, 0, 0)>
module attributes {stable_mosaic.version = 14 : i64} {
  func.func @k(%arg0: i32, %arg1: i32, %arg2: memref<10000x48xf32, #tpu.memory_space<hbm>>, %arg3: memref<2x6400x50xi32, #tpu.memory_space<hbm>>, %arg4: memref<20000x48xf32, #tpu.memory_space<hbm>>, %arg5: memref<200x50xi32, #tpu.memory_space<vmem>>, %arg6: memref<200x50xi32, #tpu.memory_space<vmem>>, %arg7: memref<10000x48xf32, #tpu.memory_space<vmem_shared>>, %arg8: memref<50x48xf32, #tpu.memory_space<vmem>>, %arg9: memref<50x48xf32, #tpu.memory_space<vmem>>, %arg10: memref<50x48xf32, #tpu.memory_space<vmem>>, %arg11: memref<50x48xf32, #tpu.memory_space<vmem>>, %arg12: memref<!tpu.dma_semaphore, #tpu.memory_space<semaphore_mem>>, %arg13: memref<!tpu.dma_semaphore, #tpu.memory_space<semaphore_mem>>, %arg14: memref<!tpu.dma_semaphore, #tpu.memory_space<semaphore_mem>>, %arg15: memref<!tpu.dma_semaphore, #tpu.memory_space<semaphore_mem>>, %arg16: memref<!tpu.dma_semaphore, #tpu.memory_space<semaphore_mem>>, %arg17: memref<!tpu.dma_semaphore, #tpu.memory_space<semaphore_mem>>, %arg18: memref<!tpu.dma_semaphore, #tpu.memory_space<semaphore_mem>>, %arg19: memref<!tpu.dma_semaphore, #tpu.memory_space<semaphore_mem>>) attributes {dimension_semantics = [#tpu.dimension_semantics<core_parallel>, #tpu.dimension_semantics<subcore_parallel>], iteration_bounds = array<i64: 2, 16>, scalar_prefetch = 0 : i64, scratch_operands = 15 : i64, tpu.core_type = #tpu.core_type<sc_vector_subcore>, window_params = [{transform_indices = #map}, {transform_indices = #map1}, {transform_indices = #map}]} {
    %broadcast_in_dim3A = arith.constant 0.000000e+00 : f32
    %broadcast_in_dim3A_0 = vector.broadcast %broadcast_in_dim3A : f32 to vector<16xf32>
    %scan3A = arith.constant 0 : i32
    %scan3A_1 = arith.constant 0 : i32
    %scan3A_2 = arith.constant 150 : i32
    %scan3A_3 = arith.addi %scan3A_1, %scan3A_2 : i32
    %scan3A_4 = arith.constant 1 : i32
    %scan3A_5 = scf.for %scan3A_224 = %scan3A_1 to %scan3A_3 step %scan3A_4 iter_args(%scan3A_225 = %scan3A) -> (i32)  : i32 {
      %jit3A = arith.constant 3 : i32
      %div3A = arith.divsi %scan3A_224, %jit3A : i32
      %sign3A = arith.constant 0 : i32
      %sign3A_226 = arith.cmpi sgt, %scan3A_224, %sign3A : i32
      %sign3A_227 = arith.extui %sign3A_226 : i1 to i32
      %sign3A_228 = arith.constant 0 : i32
      %sign3A_229 = arith.cmpi slt, %scan3A_224, %sign3A_228 : i32
      %sign3A_230 = arith.extui %sign3A_229 : i1 to i32
      %sign3A_231 = arith.subi %sign3A_227, %sign3A_230 : i32
      %sign3A_232 = arith.constant 0 : i32
      %sign3A_233 = arith.cmpi sgt, %jit3A, %sign3A_232 : i32
      %sign3A_234 = arith.extui %sign3A_233 : i1 to i32
      %sign3A_235 = arith.constant 0 : i32
      %sign3A_236 = arith.cmpi slt, %jit3A, %sign3A_235 : i32
      %sign3A_237 = arith.extui %sign3A_236 : i1 to i32
      %sign3A_238 = arith.subi %sign3A_234, %sign3A_237 : i32
      %ne3A = arith.cmpi ne, %sign3A_231, %sign3A_238 : i32
      %rem3A = arith.remsi %scan3A_224, %jit3A : i32
      %ne3A_239 = arith.constant 0 : i32
      %ne3A_240 = arith.cmpi ne, %rem3A, %ne3A_239 : i32
      %and3A = arith.andi %ne3A, %ne3A_240 : i1
      %sub3A = arith.constant 1 : i32
      %sub3A_241 = arith.subi %div3A, %sub3A : i32
      %select_n3A = arith.select %and3A, %sub3A_241, %div3A : i32
      %jit3A_242 = arith.constant 3 : i32
      %eq3A = arith.constant 0 : i32
      %eq3A_243 = arith.cmpi eq, %jit3A_242, %eq3A : i32
      %jit3A_244 = arith.constant 1 : i32
      %select_n3A_245 = arith.select %eq3A_243, %jit3A_244, %jit3A_242 : i32
      %rem3A_246 = arith.remsi %scan3A_224, %select_n3A_245 : i32
      %ne3A_247 = arith.constant 0 : i32
      %ne3A_248 = arith.cmpi ne, %rem3A_246, %ne3A_247 : i32
      %lt3A_249 = arith.constant 0 : i32
      %lt3A_250 = arith.cmpi slt, %rem3A_246, %lt3A_249 : i32
      %lt3A_251 = arith.constant 0 : i32
      %lt3A_252 = arith.cmpi slt, %select_n3A_245, %lt3A_251 : i32
      %ne3A_253 = arith.xori %lt3A_250, %lt3A_252 : i1
      %and3A_254 = arith.andi %ne3A_253, %ne3A_248 : i1
      %add3A_255 = arith.addi %rem3A_246, %select_n3A_245 : i32
      %select_n3A_256 = arith.select %and3A_254, %add3A_255, %rem3A_246 : i32
      %mul3A_257 = arith.constant 16 : i32
      %mul3A_258 = arith.muli %select_n3A_256, %mul3A_257 : i32
      %swap3A = arith.index_cast %select_n3A : i32 to index
      %swap3A_259 = arith.index_cast %mul3A_258 : i32 to index
      %swap3A_260 = tpu.vector_load %arg8[%swap3A, %swap3A_259] {strides = array<i32>} : memref<50x48xf32, #tpu.memory_space<vmem>>, vector<1x16xf32>,
      %swap3A_261 = vector.shape_cast %swap3A_260 : vector<1x16xf32> to vector<16xf32>
      %swap3A_262 = vector.shape_cast %broadcast_in_dim3A_0 : vector<16xf32> to vector<1x16xf32>
      tpu.vector_store %arg8[%swap3A, %swap3A_259], %swap3A_262 {strides = array<i32>} : memref<50x48xf32, #tpu.memory_space<vmem>>, vector<1x16xf32>,
      %scan3A_263 = arith.constant 0 : i32
      scf.yield %scan3A_263 : i32
    }
    %scan3A_6 = arith.constant 150 : i32
    %add3A = arith.constant 0 : i32
    %add3A_7 = arith.addi %add3A, %arg1 : i32
    %lt3A = arith.constant 200 : i32
    %lt3A_8 = arith.cmpi slt, %add3A_7, %lt3A : i32
    %convert_element_type3A = arith.extui %lt3A_8 : i1 to i32
    %cond3A = arith.constant 0 : i32
    %cond3A_9 = arith.cmpi ne, %convert_element_type3A, %cond3A : i32
    scf.if %cond3A_9 {
      %mul3A_224 = arith.constant 50 : i32
      %mul3A_225 = arith.muli %add3A_7, %mul3A_224 : i32
      "tpu.region"() ({
        %run_scoped3A_226 = tpu.sem_alloc : memref<!tpu.dma_semaphore, #tpu.memory_space<semaphore_mem>>
        %dma_start3A_227 = arith.constant 0 : i32
        %dma_start3A_228 = tpu.memref_slice %arg7[%mul3A_225, %dma_start3A_227] : memref<10000x48xf32, #tpu.memory_space<vmem_shared>> -> memref<50x48xf32, #tpu.memory_space<vmem_shared>>
        %dma_start3A_229 = arith.constant 0 : i32
        %dma_start3A_230 = tpu.memref_slice %arg7[%mul3A_225, %dma_start3A_229] : memref<10000x48xf32, #tpu.memory_space<vmem_shared>> -> memref<50x48xf32, #tpu.memory_space<vmem_shared>>
        tpu.enqueue_dma source(%arg8 : memref<50x48xf32, #tpu.memory_space<vmem>>) target(%dma_start3A_230 : memref<50x48xf32, #tpu.memory_space<vmem_shared>>) target_semaphore(%run_scoped3A_226 : memref<!tpu.dma_semaphore, #tpu.memory_space<semaphore_mem>>)
        %dma_wait3A_231 = arith.constant 0 : i32
        %dma_wait3A_232 = tpu.memref_slice %arg7[%mul3A_225, %dma_wait3A_231] : memref<10000x48xf32, #tpu.memory_space<vmem_shared>> -> memref<50x48xf32, #tpu.memory_space<vmem_shared>>
        %dma_wait3A_233 = arith.constant 0 : i32
        %dma_wait3A_234 = tpu.memref_slice %arg7[%mul3A_225, %dma_wait3A_233] : memref<10000x48xf32, #tpu.memory_space<vmem_shared>> -> memref<50x48xf32, #tpu.memory_space<vmem_shared>>
        tpu.wait_dma2 semaphore(%run_scoped3A_226 : memref<!tpu.dma_semaphore, #tpu.memory_space<semaphore_mem>>) src(%arg8 : memref<50x48xf32, #tpu.memory_space<vmem>>) dst(%dma_wait3A_234 : memref<50x48xf32, #tpu.memory_space<vmem_shared>>)
        tpu.yield
      }) : () -> ()
    } else {
    }
    %add3A_10 = arith.constant 16 : i32
    %add3A_11 = arith.addi %add3A_10, %arg1 : i32
    %lt3A_12 = arith.constant 200 : i32
    %lt3A_13 = arith.cmpi slt, %add3A_11, %lt3A_12 : i32
    %convert_element_type3A_14 = arith.extui %lt3A_13 : i1 to i32
    %cond3A_15 = arith.constant 0 : i32
    %cond3A_16 = arith.cmpi ne, %convert_element_type3A_14, %cond3A_15 : i32
    scf.if %cond3A_16 {
      %mul3A_224 = arith.constant 50 : i32
      %mul3A_225 = arith.muli %add3A_11, %mul3A_224 : i32
      "tpu.region"() ({
        %run_scoped3A_226 = tpu.sem_alloc : memref<!tpu.dma_semaphore, #tpu.memory_space<semaphore_mem>>
        %dma_start3A_227 = arith.constant 0 : i32
        %dma_start3A_228 = tpu.memref_slice %arg7[%mul3A_225, %dma_start3A_227] : memref<10000x48xf32, #tpu.memory_space<vmem_shared>> -> memref<50x48xf32, #tpu.memory_space<vmem_shared>>
        %dma_start3A_229 = arith.constant 0 : i32
        %dma_start3A_230 = tpu.memref_slice %arg7[%mul3A_225, %dma_start3A_229] : memref<10000x48xf32, #tpu.memory_space<vmem_shared>> -> memref<50x48xf32, #tpu.memory_space<vmem_shared>>
        tpu.enqueue_dma source(%arg8 : memref<50x48xf32, #tpu.memory_space<vmem>>) target(%dma_start3A_230 : memref<50x48xf32, #tpu.memory_space<vmem_shared>>) target_semaphore(%run_scoped3A_226 : memref<!tpu.dma_semaphore, #tpu.memory_space<semaphore_mem>>)
        %dma_wait3A_231 = arith.constant 0 : i32
        %dma_wait3A_232 = tpu.memref_slice %arg7[%mul3A_225, %dma_wait3A_231] : memref<10000x48xf32, #tpu.memory_space<vmem_shared>> -> memref<50x48xf32, #tpu.memory_space<vmem_shared>>
        %dma_wait3A_233 = arith.constant 0 : i32
        %dma_wait3A_234 = tpu.memref_slice %arg7[%mul3A_225, %dma_wait3A_233] : memref<10000x48xf32, #tpu.memory_space<vmem_shared>> -> memref<50x48xf32, #tpu.memory_space<vmem_shared>>
        tpu.wait_dma2 semaphore(%run_scoped3A_226 : memref<!tpu.dma_semaphore, #tpu.memory_space<semaphore_mem>>) src(%arg8 : memref<50x48xf32, #tpu.memory_space<vmem>>) dst(%dma_wait3A_234 : memref<50x48xf32, #tpu.memory_space<vmem_shared>>)
        tpu.yield
      }) : () -> ()
    } else {
    }
    %add3A_17 = arith.constant 32 : i32
    %add3A_18 = arith.addi %add3A_17, %arg1 : i32
    %lt3A_19 = arith.constant 200 : i32
    %lt3A_20 = arith.cmpi slt, %add3A_18, %lt3A_19 : i32
    %convert_element_type3A_21 = arith.extui %lt3A_20 : i1 to i32
    %cond3A_22 = arith.constant 0 : i32
    %cond3A_23 = arith.cmpi ne, %convert_element_type3A_21, %cond3A_22 : i32
    scf.if %cond3A_23 {
      %mul3A_224 = arith.constant 50 : i32
      %mul3A_225 = arith.muli %add3A_18, %mul3A_224 : i32
      "tpu.region"() ({
        %run_scoped3A_226 = tpu.sem_alloc : memref<!tpu.dma_semaphore, #tpu.memory_space<semaphore_mem>>
        %dma_start3A_227 = arith.constant 0 : i32
        %dma_start3A_228 = tpu.memref_slice %arg7[%mul3A_225, %dma_start3A_227] : memref<10000x48xf32, #tpu.memory_space<vmem_shared>> -> memref<50x48xf32, #tpu.memory_space<vmem_shared>>
        %dma_start3A_229 = arith.constant 0 : i32
        %dma_start3A_230 = tpu.memref_slice %arg7[%mul3A_225, %dma_start3A_229] : memref<10000x48xf32, #tpu.memory_space<vmem_shared>> -> memref<50x48xf32, #tpu.memory_space<vmem_shared>>
        tpu.enqueue_dma source(%arg8 : memref<50x48xf32, #tpu.memory_space<vmem>>) target(%dma_start3A_230 : memref<50x48xf32, #tpu.memory_space<vmem_shared>>) target_semaphore(%run_scoped3A_226 : memref<!tpu.dma_semaphore, #tpu.memory_space<semaphore_mem>>)
        %dma_wait3A_231 = arith.constant 0 : i32
        %dma_wait3A_232 = tpu.memref_slice %arg7[%mul3A_225, %dma_wait3A_231] : memref<10000x48xf32, #tpu.memory_space<vmem_shared>> -> memref<50x48xf32, #tpu.memory_space<vmem_shared>>
        %dma_wait3A_233 = arith.constant 0 : i32
        %dma_wait3A_234 = tpu.memref_slice %arg7[%mul3A_225, %dma_wait3A_233] : memref<10000x48xf32, #tpu.memory_space<vmem_shared>> -> memref<50x48xf32, #tpu.memory_space<vmem_shared>>
        tpu.wait_dma2 semaphore(%run_scoped3A_226 : memref<!tpu.dma_semaphore, #tpu.memory_space<semaphore_mem>>) src(%arg8 : memref<50x48xf32, #tpu.memory_space<vmem>>) dst(%dma_wait3A_234 : memref<50x48xf32, #tpu.memory_space<vmem_shared>>)
        tpu.yield
      }) : () -> ()
    } else {
    }
    %add3A_24 = arith.constant 48 : i32
    %add3A_25 = arith.addi %add3A_24, %arg1 : i32
    %lt3A_26 = arith.constant 200 : i32
    %lt3A_27 = arith.cmpi slt, %add3A_25, %lt3A_26 : i32
    %convert_element_type3A_28 = arith.extui %lt3A_27 : i1 to i32
    %cond3A_29 = arith.constant 0 : i32
    %cond3A_30 = arith.cmpi ne, %convert_element_type3A_28, %cond3A_29 : i32
    scf.if %cond3A_30 {
      %mul3A_224 = arith.constant 50 : i32
      %mul3A_225 = arith.muli %add3A_25, %mul3A_224 : i32
      "tpu.region"() ({
        %run_scoped3A_226 = tpu.sem_alloc : memref<!tpu.dma_semaphore, #tpu.memory_space<semaphore_mem>>
        %dma_start3A_227 = arith.constant 0 : i32
        %dma_start3A_228 = tpu.memref_slice %arg7[%mul3A_225, %dma_start3A_227] : memref<10000x48xf32, #tpu.memory_space<vmem_shared>> -> memref<50x48xf32, #tpu.memory_space<vmem_shared>>
        %dma_start3A_229 = arith.constant 0 : i32
        %dma_start3A_230 = tpu.memref_slice %arg7[%mul3A_225, %dma_start3A_229] : memref<10000x48xf32, #tpu.memory_space<vmem_shared>> -> memref<50x48xf32, #tpu.memory_space<vmem_shared>>
        tpu.enqueue_dma source(%arg8 : memref<50x48xf32, #tpu.memory_space<vmem>>) target(%dma_start3A_230 : memref<50x48xf32, #tpu.memory_space<vmem_shared>>) target_semaphore(%run_scoped3A_226 : memref<!tpu.dma_semaphore, #tpu.memory_space<semaphore_mem>>)
        %dma_wait3A_231 = arith.constant 0 : i32
        %dma_wait3A_232 = tpu.memref_slice %arg7[%mul3A_225, %dma_wait3A_231] : memref<10000x48xf32, #tpu.memory_space<vmem_shared>> -> memref<50x48xf32, #tpu.memory_space<vmem_shared>>
        %dma_wait3A_233 = arith.constant 0 : i32
        %dma_wait3A_234 = tpu.memref_slice %arg7[%mul3A_225, %dma_wait3A_233] : memref<10000x48xf32, #tpu.memory_space<vmem_shared>> -> memref<50x48xf32, #tpu.memory_space<vmem_shared>>
        tpu.wait_dma2 semaphore(%run_scoped3A_226 : memref<!tpu.dma_semaphore, #tpu.memory_space<semaphore_mem>>) src(%arg8 : memref<50x48xf32, #tpu.memory_space<vmem>>) dst(%dma_wait3A_234 : memref<50x48xf32, #tpu.memory_space<vmem_shared>>)
        tpu.yield
      }) : () -> ()
    } else {
    }
    %add3A_31 = arith.constant 64 : i32
    %add3A_32 = arith.addi %add3A_31, %arg1 : i32
    %lt3A_33 = arith.constant 200 : i32
    %lt3A_34 = arith.cmpi slt, %add3A_32, %lt3A_33 : i32
    %convert_element_type3A_35 = arith.extui %lt3A_34 : i1 to i32
    %cond3A_36 = arith.constant 0 : i32
    %cond3A_37 = arith.cmpi ne, %convert_element_type3A_35, %cond3A_36 : i32
    scf.if %cond3A_37 {
      %mul3A_224 = arith.constant 50 : i32
      %mul3A_225 = arith.muli %add3A_32, %mul3A_224 : i32
      "tpu.region"() ({
        %run_scoped3A_226 = tpu.sem_alloc : memref<!tpu.dma_semaphore, #tpu.memory_space<semaphore_mem>>
        %dma_start3A_227 = arith.constant 0 : i32
        %dma_start3A_228 = tpu.memref_slice %arg7[%mul3A_225, %dma_start3A_227] : memref<10000x48xf32, #tpu.memory_space<vmem_shared>> -> memref<50x48xf32, #tpu.memory_space<vmem_shared>>
        %dma_start3A_229 = arith.constant 0 : i32
        %dma_start3A_230 = tpu.memref_slice %arg7[%mul3A_225, %dma_start3A_229] : memref<10000x48xf32, #tpu.memory_space<vmem_shared>> -> memref<50x48xf32, #tpu.memory_space<vmem_shared>>
        tpu.enqueue_dma source(%arg8 : memref<50x48xf32, #tpu.memory_space<vmem>>) target(%dma_start3A_230 : memref<50x48xf32, #tpu.memory_space<vmem_shared>>) target_semaphore(%run_scoped3A_226 : memref<!tpu.dma_semaphore, #tpu.memory_space<semaphore_mem>>)
        %dma_wait3A_231 = arith.constant 0 : i32
        %dma_wait3A_232 = tpu.memref_slice %arg7[%mul3A_225, %dma_wait3A_231] : memref<10000x48xf32, #tpu.memory_space<vmem_shared>> -> memref<50x48xf32, #tpu.memory_space<vmem_shared>>
        %dma_wait3A_233 = arith.constant 0 : i32
        %dma_wait3A_234 = tpu.memref_slice %arg7[%mul3A_225, %dma_wait3A_233] : memref<10000x48xf32, #tpu.memory_space<vmem_shared>> -> memref<50x48xf32, #tpu.memory_space<vmem_shared>>
        tpu.wait_dma2 semaphore(%run_scoped3A_226 : memref<!tpu.dma_semaphore, #tpu.memory_space<semaphore_mem>>) src(%arg8 : memref<50x48xf32, #tpu.memory_space<vmem>>) dst(%dma_wait3A_234 : memref<50x48xf32, #tpu.memory_space<vmem_shared>>)
        tpu.yield
      }) : () -> ()
    } else {
    }
    %add3A_38 = arith.constant 80 : i32
    %add3A_39 = arith.addi %add3A_38, %arg1 : i32
    %lt3A_40 = arith.constant 200 : i32
    %lt3A_41 = arith.cmpi slt, %add3A_39, %lt3A_40 : i32
    %convert_element_type3A_42 = arith.extui %lt3A_41 : i1 to i32
    %cond3A_43 = arith.constant 0 : i32
    %cond3A_44 = arith.cmpi ne, %convert_element_type3A_42, %cond3A_43 : i32
    scf.if %cond3A_44 {
      %mul3A_224 = arith.constant 50 : i32
      %mul3A_225 = arith.muli %add3A_39, %mul3A_224 : i32
      "tpu.region"() ({
        %run_scoped3A_226 = tpu.sem_alloc : memref<!tpu.dma_semaphore, #tpu.memory_space<semaphore_mem>>
        %dma_start3A_227 = arith.constant 0 : i32
        %dma_start3A_228 = tpu.memref_slice %arg7[%mul3A_225, %dma_start3A_227] : memref<10000x48xf32, #tpu.memory_space<vmem_shared>> -> memref<50x48xf32, #tpu.memory_space<vmem_shared>>
        %dma_start3A_229 = arith.constant 0 : i32
        %dma_start3A_230 = tpu.memref_slice %arg7[%mul3A_225, %dma_start3A_229] : memref<10000x48xf32, #tpu.memory_space<vmem_shared>> -> memref<50x48xf32, #tpu.memory_space<vmem_shared>>
        tpu.enqueue_dma source(%arg8 : memref<50x48xf32, #tpu.memory_space<vmem>>) target(%dma_start3A_230 : memref<50x48xf32, #tpu.memory_space<vmem_shared>>) target_semaphore(%run_scoped3A_226 : memref<!tpu.dma_semaphore, #tpu.memory_space<semaphore_mem>>)
        %dma_wait3A_231 = arith.constant 0 : i32
        %dma_wait3A_232 = tpu.memref_slice %arg7[%mul3A_225, %dma_wait3A_231] : memref<10000x48xf32, #tpu.memory_space<vmem_shared>> -> memref<50x48xf32, #tpu.memory_space<vmem_shared>>
        %dma_wait3A_233 = arith.constant 0 : i32
        %dma_wait3A_234 = tpu.memref_slice %arg7[%mul3A_225, %dma_wait3A_233] : memref<10000x48xf32, #tpu.memory_space<vmem_shared>> -> memref<50x48xf32, #tpu.memory_space<vmem_shared>>
        tpu.wait_dma2 semaphore(%run_scoped3A_226 : memref<!tpu.dma_semaphore, #tpu.memory_space<semaphore_mem>>) src(%arg8 : memref<50x48xf32, #tpu.memory_space<vmem>>) dst(%dma_wait3A_234 : memref<50x48xf32, #tpu.memory_space<vmem_shared>>)
        tpu.yield
      }) : () -> ()
    } else {
    }
    %add3A_45 = arith.constant 96 : i32
    %add3A_46 = arith.addi %add3A_45, %arg1 : i32
    %lt3A_47 = arith.constant 200 : i32
    %lt3A_48 = arith.cmpi slt, %add3A_46, %lt3A_47 : i32
    %convert_element_type3A_49 = arith.extui %lt3A_48 : i1 to i32
    %cond3A_50 = arith.constant 0 : i32
    %cond3A_51 = arith.cmpi ne, %convert_element_type3A_49, %cond3A_50 : i32
    scf.if %cond3A_51 {
      %mul3A_224 = arith.constant 50 : i32
      %mul3A_225 = arith.muli %add3A_46, %mul3A_224 : i32
      "tpu.region"() ({
        %run_scoped3A_226 = tpu.sem_alloc : memref<!tpu.dma_semaphore, #tpu.memory_space<semaphore_mem>>
        %dma_start3A_227 = arith.constant 0 : i32
        %dma_start3A_228 = tpu.memref_slice %arg7[%mul3A_225, %dma_start3A_227] : memref<10000x48xf32, #tpu.memory_space<vmem_shared>> -> memref<50x48xf32, #tpu.memory_space<vmem_shared>>
        %dma_start3A_229 = arith.constant 0 : i32
        %dma_start3A_230 = tpu.memref_slice %arg7[%mul3A_225, %dma_start3A_229] : memref<10000x48xf32, #tpu.memory_space<vmem_shared>> -> memref<50x48xf32, #tpu.memory_space<vmem_shared>>
        tpu.enqueue_dma source(%arg8 : memref<50x48xf32, #tpu.memory_space<vmem>>) target(%dma_start3A_230 : memref<50x48xf32, #tpu.memory_space<vmem_shared>>) target_semaphore(%run_scoped3A_226 : memref<!tpu.dma_semaphore, #tpu.memory_space<semaphore_mem>>)
        %dma_wait3A_231 = arith.constant 0 : i32
        %dma_wait3A_232 = tpu.memref_slice %arg7[%mul3A_225, %dma_wait3A_231] : memref<10000x48xf32, #tpu.memory_space<vmem_shared>> -> memref<50x48xf32, #tpu.memory_space<vmem_shared>>
        %dma_wait3A_233 = arith.constant 0 : i32
        %dma_wait3A_234 = tpu.memref_slice %arg7[%mul3A_225, %dma_wait3A_233] : memref<10000x48xf32, #tpu.memory_space<vmem_shared>> -> memref<50x48xf32, #tpu.memory_space<vmem_shared>>
        tpu.wait_dma2 semaphore(%run_scoped3A_226 : memref<!tpu.dma_semaphore, #tpu.memory_space<semaphore_mem>>) src(%arg8 : memref<50x48xf32, #tpu.memory_space<vmem>>) dst(%dma_wait3A_234 : memref<50x48xf32, #tpu.memory_space<vmem_shared>>)
        tpu.yield
      }) : () -> ()
    } else {
    }
    %add3A_52 = arith.constant 112 : i32
    %add3A_53 = arith.addi %add3A_52, %arg1 : i32
    %lt3A_54 = arith.constant 200 : i32
    %lt3A_55 = arith.cmpi slt, %add3A_53, %lt3A_54 : i32
    %convert_element_type3A_56 = arith.extui %lt3A_55 : i1 to i32
    %cond3A_57 = arith.constant 0 : i32
    %cond3A_58 = arith.cmpi ne, %convert_element_type3A_56, %cond3A_57 : i32
    scf.if %cond3A_58 {
      %mul3A_224 = arith.constant 50 : i32
      %mul3A_225 = arith.muli %add3A_53, %mul3A_224 : i32
      "tpu.region"() ({
        %run_scoped3A_226 = tpu.sem_alloc : memref<!tpu.dma_semaphore, #tpu.memory_space<semaphore_mem>>
        %dma_start3A_227 = arith.constant 0 : i32
        %dma_start3A_228 = tpu.memref_slice %arg7[%mul3A_225, %dma_start3A_227] : memref<10000x48xf32, #tpu.memory_space<vmem_shared>> -> memref<50x48xf32, #tpu.memory_space<vmem_shared>>
        %dma_start3A_229 = arith.constant 0 : i32
        %dma_start3A_230 = tpu.memref_slice %arg7[%mul3A_225, %dma_start3A_229] : memref<10000x48xf32, #tpu.memory_space<vmem_shared>> -> memref<50x48xf32, #tpu.memory_space<vmem_shared>>
        tpu.enqueue_dma source(%arg8 : memref<50x48xf32, #tpu.memory_space<vmem>>) target(%dma_start3A_230 : memref<50x48xf32, #tpu.memory_space<vmem_shared>>) target_semaphore(%run_scoped3A_226 : memref<!tpu.dma_semaphore, #tpu.memory_space<semaphore_mem>>)
        %dma_wait3A_231 = arith.constant 0 : i32
        %dma_wait3A_232 = tpu.memref_slice %arg7[%mul3A_225, %dma_wait3A_231] : memref<10000x48xf32, #tpu.memory_space<vmem_shared>> -> memref<50x48xf32, #tpu.memory_space<vmem_shared>>
        %dma_wait3A_233 = arith.constant 0 : i32
        %dma_wait3A_234 = tpu.memref_slice %arg7[%mul3A_225, %dma_wait3A_233] : memref<10000x48xf32, #tpu.memory_space<vmem_shared>> -> memref<50x48xf32, #tpu.memory_space<vmem_shared>>
        tpu.wait_dma2 semaphore(%run_scoped3A_226 : memref<!tpu.dma_semaphore, #tpu.memory_space<semaphore_mem>>) src(%arg8 : memref<50x48xf32, #tpu.memory_space<vmem>>) dst(%dma_wait3A_234 : memref<50x48xf32, #tpu.memory_space<vmem_shared>>)
        tpu.yield
      }) : () -> ()
    } else {
    }
    %add3A_59 = arith.constant 128 : i32
    %add3A_60 = arith.addi %add3A_59, %arg1 : i32
    %lt3A_61 = arith.constant 200 : i32
    %lt3A_62 = arith.cmpi slt, %add3A_60, %lt3A_61 : i32
    %convert_element_type3A_63 = arith.extui %lt3A_62 : i1 to i32
    %cond3A_64 = arith.constant 0 : i32
    %cond3A_65 = arith.cmpi ne, %convert_element_type3A_63, %cond3A_64 : i32
    scf.if %cond3A_65 {
      %mul3A_224 = arith.constant 50 : i32
      %mul3A_225 = arith.muli %add3A_60, %mul3A_224 : i32
      "tpu.region"() ({
        %run_scoped3A_226 = tpu.sem_alloc : memref<!tpu.dma_semaphore, #tpu.memory_space<semaphore_mem>>
        %dma_start3A_227 = arith.constant 0 : i32
        %dma_start3A_228 = tpu.memref_slice %arg7[%mul3A_225, %dma_start3A_227] : memref<10000x48xf32, #tpu.memory_space<vmem_shared>> -> memref<50x48xf32, #tpu.memory_space<vmem_shared>>
        %dma_start3A_229 = arith.constant 0 : i32
        %dma_start3A_230 = tpu.memref_slice %arg7[%mul3A_225, %dma_start3A_229] : memref<10000x48xf32, #tpu.memory_space<vmem_shared>> -> memref<50x48xf32, #tpu.memory_space<vmem_shared>>
        tpu.enqueue_dma source(%arg8 : memref<50x48xf32, #tpu.memory_space<vmem>>) target(%dma_start3A_230 : memref<50x48xf32, #tpu.memory_space<vmem_shared>>) target_semaphore(%run_scoped3A_226 : memref<!tpu.dma_semaphore, #tpu.memory_space<semaphore_mem>>)
        %dma_wait3A_231 = arith.constant 0 : i32
        %dma_wait3A_232 = tpu.memref_slice %arg7[%mul3A_225, %dma_wait3A_231] : memref<10000x48xf32, #tpu.memory_space<vmem_shared>> -> memref<50x48xf32, #tpu.memory_space<vmem_shared>>
        %dma_wait3A_233 = arith.constant 0 : i32
        %dma_wait3A_234 = tpu.memref_slice %arg7[%mul3A_225, %dma_wait3A_233] : memref<10000x48xf32, #tpu.memory_space<vmem_shared>> -> memref<50x48xf32, #tpu.memory_space<vmem_shared>>
        tpu.wait_dma2 semaphore(%run_scoped3A_226 : memref<!tpu.dma_semaphore, #tpu.memory_space<semaphore_mem>>) src(%arg8 : memref<50x48xf32, #tpu.memory_space<vmem>>) dst(%dma_wait3A_234 : memref<50x48xf32, #tpu.memory_space<vmem_shared>>)
        tpu.yield
      }) : () -> ()
    } else {
    }
    %add3A_66 = arith.constant 144 : i32
    %add3A_67 = arith.addi %add3A_66, %arg1 : i32
    %lt3A_68 = arith.constant 200 : i32
    %lt3A_69 = arith.cmpi slt, %add3A_67, %lt3A_68 : i32
    %convert_element_type3A_70 = arith.extui %lt3A_69 : i1 to i32
    %cond3A_71 = arith.constant 0 : i32
    %cond3A_72 = arith.cmpi ne, %convert_element_type3A_70, %cond3A_71 : i32
    scf.if %cond3A_72 {
      %mul3A_224 = arith.constant 50 : i32
      %mul3A_225 = arith.muli %add3A_67, %mul3A_224 : i32
      "tpu.region"() ({
        %run_scoped3A_226 = tpu.sem_alloc : memref<!tpu.dma_semaphore, #tpu.memory_space<semaphore_mem>>
        %dma_start3A_227 = arith.constant 0 : i32
        %dma_start3A_228 = tpu.memref_slice %arg7[%mul3A_225, %dma_start3A_227] : memref<10000x48xf32, #tpu.memory_space<vmem_shared>> -> memref<50x48xf32, #tpu.memory_space<vmem_shared>>
        %dma_start3A_229 = arith.constant 0 : i32
        %dma_start3A_230 = tpu.memref_slice %arg7[%mul3A_225, %dma_start3A_229] : memref<10000x48xf32, #tpu.memory_space<vmem_shared>> -> memref<50x48xf32, #tpu.memory_space<vmem_shared>>
        tpu.enqueue_dma source(%arg8 : memref<50x48xf32, #tpu.memory_space<vmem>>) target(%dma_start3A_230 : memref<50x48xf32, #tpu.memory_space<vmem_shared>>) target_semaphore(%run_scoped3A_226 : memref<!tpu.dma_semaphore, #tpu.memory_space<semaphore_mem>>)
        %dma_wait3A_231 = arith.constant 0 : i32
        %dma_wait3A_232 = tpu.memref_slice %arg7[%mul3A_225, %dma_wait3A_231] : memref<10000x48xf32, #tpu.memory_space<vmem_shared>> -> memref<50x48xf32, #tpu.memory_space<vmem_shared>>
        %dma_wait3A_233 = arith.constant 0 : i32
        %dma_wait3A_234 = tpu.memref_slice %arg7[%mul3A_225, %dma_wait3A_233] : memref<10000x48xf32, #tpu.memory_space<vmem_shared>> -> memref<50x48xf32, #tpu.memory_space<vmem_shared>>
        tpu.wait_dma2 semaphore(%run_scoped3A_226 : memref<!tpu.dma_semaphore, #tpu.memory_space<semaphore_mem>>) src(%arg8 : memref<50x48xf32, #tpu.memory_space<vmem>>) dst(%dma_wait3A_234 : memref<50x48xf32, #tpu.memory_space<vmem_shared>>)
        tpu.yield
      }) : () -> ()
    } else {
    }
    %add3A_73 = arith.constant 160 : i32
    %add3A_74 = arith.addi %add3A_73, %arg1 : i32
    %lt3A_75 = arith.constant 200 : i32
    %lt3A_76 = arith.cmpi slt, %add3A_74, %lt3A_75 : i32
    %convert_element_type3A_77 = arith.extui %lt3A_76 : i1 to i32
    %cond3A_78 = arith.constant 0 : i32
    %cond3A_79 = arith.cmpi ne, %convert_element_type3A_77, %cond3A_78 : i32
    scf.if %cond3A_79 {
      %mul3A_224 = arith.constant 50 : i32
      %mul3A_225 = arith.muli %add3A_74, %mul3A_224 : i32
      "tpu.region"() ({
        %run_scoped3A_226 = tpu.sem_alloc : memref<!tpu.dma_semaphore, #tpu.memory_space<semaphore_mem>>
        %dma_start3A_227 = arith.constant 0 : i32
        %dma_start3A_228 = tpu.memref_slice %arg7[%mul3A_225, %dma_start3A_227] : memref<10000x48xf32, #tpu.memory_space<vmem_shared>> -> memref<50x48xf32, #tpu.memory_space<vmem_shared>>
        %dma_start3A_229 = arith.constant 0 : i32
        %dma_start3A_230 = tpu.memref_slice %arg7[%mul3A_225, %dma_start3A_229] : memref<10000x48xf32, #tpu.memory_space<vmem_shared>> -> memref<50x48xf32, #tpu.memory_space<vmem_shared>>
        tpu.enqueue_dma source(%arg8 : memref<50x48xf32, #tpu.memory_space<vmem>>) target(%dma_start3A_230 : memref<50x48xf32, #tpu.memory_space<vmem_shared>>) target_semaphore(%run_scoped3A_226 : memref<!tpu.dma_semaphore, #tpu.memory_space<semaphore_mem>>)
        %dma_wait3A_231 = arith.constant 0 : i32
        %dma_wait3A_232 = tpu.memref_slice %arg7[%mul3A_225, %dma_wait3A_231] : memref<10000x48xf32, #tpu.memory_space<vmem_shared>> -> memref<50x48xf32, #tpu.memory_space<vmem_shared>>
        %dma_wait3A_233 = arith.constant 0 : i32
        %dma_wait3A_234 = tpu.memref_slice %arg7[%mul3A_225, %dma_wait3A_233] : memref<10000x48xf32, #tpu.memory_space<vmem_shared>> -> memref<50x48xf32, #tpu.memory_space<vmem_shared>>
        tpu.wait_dma2 semaphore(%run_scoped3A_226 : memref<!tpu.dma_semaphore, #tpu.memory_space<semaphore_mem>>) src(%arg8 : memref<50x48xf32, #tpu.memory_space<vmem>>) dst(%dma_wait3A_234 : memref<50x48xf32, #tpu.memory_space<vmem_shared>>)
        tpu.yield
      }) : () -> ()
    } else {
    }
    %add3A_80 = arith.constant 176 : i32
    %add3A_81 = arith.addi %add3A_80, %arg1 : i32
    %lt3A_82 = arith.constant 200 : i32
    %lt3A_83 = arith.cmpi slt, %add3A_81, %lt3A_82 : i32
    %convert_element_type3A_84 = arith.extui %lt3A_83 : i1 to i32
    %cond3A_85 = arith.constant 0 : i32
    %cond3A_86 = arith.cmpi ne, %convert_element_type3A_84, %cond3A_85 : i32
    scf.if %cond3A_86 {
      %mul3A_224 = arith.constant 50 : i32
      %mul3A_225 = arith.muli %add3A_81, %mul3A_224 : i32
      "tpu.region"() ({
        %run_scoped3A_226 = tpu.sem_alloc : memref<!tpu.dma_semaphore, #tpu.memory_space<semaphore_mem>>
        %dma_start3A_227 = arith.constant 0 : i32
        %dma_start3A_228 = tpu.memref_slice %arg7[%mul3A_225, %dma_start3A_227] : memref<10000x48xf32, #tpu.memory_space<vmem_shared>> -> memref<50x48xf32, #tpu.memory_space<vmem_shared>>
        %dma_start3A_229 = arith.constant 0 : i32
        %dma_start3A_230 = tpu.memref_slice %arg7[%mul3A_225, %dma_start3A_229] : memref<10000x48xf32, #tpu.memory_space<vmem_shared>> -> memref<50x48xf32, #tpu.memory_space<vmem_shared>>
        tpu.enqueue_dma source(%arg8 : memref<50x48xf32, #tpu.memory_space<vmem>>) target(%dma_start3A_230 : memref<50x48xf32, #tpu.memory_space<vmem_shared>>) target_semaphore(%run_scoped3A_226 : memref<!tpu.dma_semaphore, #tpu.memory_space<semaphore_mem>>)
        %dma_wait3A_231 = arith.constant 0 : i32
        %dma_wait3A_232 = tpu.memref_slice %arg7[%mul3A_225, %dma_wait3A_231] : memref<10000x48xf32, #tpu.memory_space<vmem_shared>> -> memref<50x48xf32, #tpu.memory_space<vmem_shared>>
        %dma_wait3A_233 = arith.constant 0 : i32
        %dma_wait3A_234 = tpu.memref_slice %arg7[%mul3A_225, %dma_wait3A_233] : memref<10000x48xf32, #tpu.memory_space<vmem_shared>> -> memref<50x48xf32, #tpu.memory_space<vmem_shared>>
        tpu.wait_dma2 semaphore(%run_scoped3A_226 : memref<!tpu.dma_semaphore, #tpu.memory_space<semaphore_mem>>) src(%arg8 : memref<50x48xf32, #tpu.memory_space<vmem>>) dst(%dma_wait3A_234 : memref<50x48xf32, #tpu.memory_space<vmem_shared>>)
        tpu.yield
      }) : () -> ()
    } else {
    }
    %add3A_87 = arith.constant 192 : i32
    %add3A_88 = arith.addi %add3A_87, %arg1 : i32
    %lt3A_89 = arith.constant 200 : i32
    %lt3A_90 = arith.cmpi slt, %add3A_88, %lt3A_89 : i32
    %convert_element_type3A_91 = arith.extui %lt3A_90 : i1 to i32
    %cond3A_92 = arith.constant 0 : i32
    %cond3A_93 = arith.cmpi ne, %convert_element_type3A_91, %cond3A_92 : i32
    scf.if %cond3A_93 {
      %mul3A_224 = arith.constant 50 : i32
      %mul3A_225 = arith.muli %add3A_88, %mul3A_224 : i32
      "tpu.region"() ({
        %run_scoped3A_226 = tpu.sem_alloc : memref<!tpu.dma_semaphore, #tpu.memory_space<semaphore_mem>>
        %dma_start3A_227 = arith.constant 0 : i32
        %dma_start3A_228 = tpu.memref_slice %arg7[%mul3A_225, %dma_start3A_227] : memref<10000x48xf32, #tpu.memory_space<vmem_shared>> -> memref<50x48xf32, #tpu.memory_space<vmem_shared>>
        %dma_start3A_229 = arith.constant 0 : i32
        %dma_start3A_230 = tpu.memref_slice %arg7[%mul3A_225, %dma_start3A_229] : memref<10000x48xf32, #tpu.memory_space<vmem_shared>> -> memref<50x48xf32, #tpu.memory_space<vmem_shared>>
        tpu.enqueue_dma source(%arg8 : memref<50x48xf32, #tpu.memory_space<vmem>>) target(%dma_start3A_230 : memref<50x48xf32, #tpu.memory_space<vmem_shared>>) target_semaphore(%run_scoped3A_226 : memref<!tpu.dma_semaphore, #tpu.memory_space<semaphore_mem>>)
        %dma_wait3A_231 = arith.constant 0 : i32
        %dma_wait3A_232 = tpu.memref_slice %arg7[%mul3A_225, %dma_wait3A_231] : memref<10000x48xf32, #tpu.memory_space<vmem_shared>> -> memref<50x48xf32, #tpu.memory_space<vmem_shared>>
        %dma_wait3A_233 = arith.constant 0 : i32
        %dma_wait3A_234 = tpu.memref_slice %arg7[%mul3A_225, %dma_wait3A_233] : memref<10000x48xf32, #tpu.memory_space<vmem_shared>> -> memref<50x48xf32, #tpu.memory_space<vmem_shared>>
        tpu.wait_dma2 semaphore(%run_scoped3A_226 : memref<!tpu.dma_semaphore, #tpu.memory_space<semaphore_mem>>) src(%arg8 : memref<50x48xf32, #tpu.memory_space<vmem>>) dst(%dma_wait3A_234 : memref<50x48xf32, #tpu.memory_space<vmem_shared>>)
        tpu.yield
      }) : () -> ()
    } else {
    }
    %barrier3A = arith.constant 0 : index
    tpu.barrier barrier_id(%barrier3A)
    %mul3A = arith.constant 16 : i32
    %mul3A_94 = arith.muli %arg0, %mul3A : i32
    %add3A_95 = arith.addi %mul3A_94, %arg1 : i32
    %mul3A_96 = arith.constant 200 : i32
    %mul3A_97 = arith.muli %add3A_95, %mul3A_96 : i32
    %run_scoped3A = arith.constant 0 : i32
    "tpu.region"() ({
      %run_scoped3A_224 = tpu.sem_alloc : memref<!tpu.dma_semaphore, #tpu.memory_space<semaphore_mem>>
      %dma_start3A_225 = arith.constant 0 : i32
      %dma_start3A_226 = tpu.memref_slice %arg3[%run_scoped3A, %mul3A_97, %dma_start3A_225] : memref<2x6400x50xi32, #tpu.memory_space<hbm>> -> memref<1x200x50xi32, #tpu.memory_space<hbm>>
      %dma_start3A_227 = tpu.memref_squeeze %dma_start3A_226 : memref<1x200x50xi32, #tpu.memory_space<hbm>> -> memref<200x50xi32, #tpu.memory_space<hbm>>
      %dma_start3A_228 = arith.constant 0 : i32
      %dma_start3A_229 = tpu.memref_slice %arg3[%run_scoped3A, %mul3A_97, %dma_start3A_228] : memref<2x6400x50xi32, #tpu.memory_space<hbm>> -> memref<1x200x50xi32, #tpu.memory_space<hbm>>
      %dma_start3A_230 = tpu.memref_squeeze %dma_start3A_229 : memref<1x200x50xi32, #tpu.memory_space<hbm>> -> memref<200x50xi32, #tpu.memory_space<hbm>>
      tpu.enqueue_dma source(%dma_start3A_230 : memref<200x50xi32, #tpu.memory_space<hbm>>) target(%arg5 : memref<200x50xi32, #tpu.memory_space<vmem>>) target_semaphore(%run_scoped3A_224 : memref<!tpu.dma_semaphore, #tpu.memory_space<semaphore_mem>>)
      %dma_wait3A_231 = arith.constant 0 : i32
      %dma_wait3A_232 = tpu.memref_slice %arg3[%run_scoped3A, %mul3A_97, %dma_wait3A_231] : memref<2x6400x50xi32, #tpu.memory_space<hbm>> -> memref<1x200x50xi32, #tpu.memory_space<hbm>>
      %dma_wait3A_233 = tpu.memref_squeeze %dma_wait3A_232 : memref<1x200x50xi32, #tpu.memory_space<hbm>> -> memref<200x50xi32, #tpu.memory_space<hbm>>
      %dma_wait3A_234 = arith.constant 0 : i32
      %dma_wait3A_235 = tpu.memref_slice %arg3[%run_scoped3A, %mul3A_97, %dma_wait3A_234] : memref<2x6400x50xi32, #tpu.memory_space<hbm>> -> memref<1x200x50xi32, #tpu.memory_space<hbm>>
      %dma_wait3A_236 = tpu.memref_squeeze %dma_wait3A_235 : memref<1x200x50xi32, #tpu.memory_space<hbm>> -> memref<200x50xi32, #tpu.memory_space<hbm>>
      tpu.wait_dma2 semaphore(%run_scoped3A_224 : memref<!tpu.dma_semaphore, #tpu.memory_space<semaphore_mem>>) src(%dma_wait3A_236 : memref<200x50xi32, #tpu.memory_space<hbm>>) dst(%arg5 : memref<200x50xi32, #tpu.memory_space<vmem>>)
      tpu.yield
    }) : () -> ()
    %run_scoped3A_98 = arith.constant 1 : i32
    "tpu.region"() ({
      %run_scoped3A_224 = tpu.sem_alloc : memref<!tpu.dma_semaphore, #tpu.memory_space<semaphore_mem>>
      %dma_start3A_225 = arith.constant 0 : i32
      %dma_start3A_226 = tpu.memref_slice %arg3[%run_scoped3A_98, %mul3A_97, %dma_start3A_225] : memref<2x6400x50xi32, #tpu.memory_space<hbm>> -> memref<1x200x50xi32, #tpu.memory_space<hbm>>
      %dma_start3A_227 = tpu.memref_squeeze %dma_start3A_226 : memref<1x200x50xi32, #tpu.memory_space<hbm>> -> memref<200x50xi32, #tpu.memory_space<hbm>>
      %dma_start3A_228 = arith.constant 0 : i32
      %dma_start3A_229 = tpu.memref_slice %arg3[%run_scoped3A_98, %mul3A_97, %dma_start3A_228] : memref<2x6400x50xi32, #tpu.memory_space<hbm>> -> memref<1x200x50xi32, #tpu.memory_space<hbm>>
      %dma_start3A_230 = tpu.memref_squeeze %dma_start3A_229 : memref<1x200x50xi32, #tpu.memory_space<hbm>> -> memref<200x50xi32, #tpu.memory_space<hbm>>
      tpu.enqueue_dma source(%dma_start3A_230 : memref<200x50xi32, #tpu.memory_space<hbm>>) target(%arg6 : memref<200x50xi32, #tpu.memory_space<vmem>>) target_semaphore(%run_scoped3A_224 : memref<!tpu.dma_semaphore, #tpu.memory_space<semaphore_mem>>)
      %dma_wait3A_231 = arith.constant 0 : i32
      %dma_wait3A_232 = tpu.memref_slice %arg3[%run_scoped3A_98, %mul3A_97, %dma_wait3A_231] : memref<2x6400x50xi32, #tpu.memory_space<hbm>> -> memref<1x200x50xi32, #tpu.memory_space<hbm>>
      %dma_wait3A_233 = tpu.memref_squeeze %dma_wait3A_232 : memref<1x200x50xi32, #tpu.memory_space<hbm>> -> memref<200x50xi32, #tpu.memory_space<hbm>>
      %dma_wait3A_234 = arith.constant 0 : i32
      %dma_wait3A_235 = tpu.memref_slice %arg3[%run_scoped3A_98, %mul3A_97, %dma_wait3A_234] : memref<2x6400x50xi32, #tpu.memory_space<hbm>> -> memref<1x200x50xi32, #tpu.memory_space<hbm>>
      %dma_wait3A_236 = tpu.memref_squeeze %dma_wait3A_235 : memref<1x200x50xi32, #tpu.memory_space<hbm>> -> memref<200x50xi32, #tpu.memory_space<hbm>>
      tpu.wait_dma2 semaphore(%run_scoped3A_224 : memref<!tpu.dma_semaphore, #tpu.memory_space<semaphore_mem>>) src(%dma_wait3A_236 : memref<200x50xi32, #tpu.memory_space<hbm>>) dst(%arg6 : memref<200x50xi32, #tpu.memory_space<vmem>>)
      tpu.yield
    }) : () -> ()
    %dma_start3A = arith.constant 0 : i32
    %dma_start3A_99 = arith.constant 0 : i32
    %dma_start3A_100 = tpu.memref_slice %arg5[%dma_start3A, %dma_start3A_99] : memref<200x50xi32, #tpu.memory_space<vmem>> -> memref<1x50xi32, #tpu.memory_space<vmem>>
    %dma_start3A_101 = tpu.memref_squeeze %dma_start3A_100 : memref<1x50xi32, #tpu.memory_space<vmem>> -> memref<50xi32, #tpu.memory_space<vmem>>
    %dma_start3A_102 = arith.constant 0 : i32
    %dma_start3A_103 = arith.constant 0 : i32
    %dma_start3A_104 = tpu.memref_slice %arg2[%dma_start3A_102, %dma_start3A_103] : memref<10000x48xf32, #tpu.memory_space<hbm>> -> memref<10000x48xf32, #tpu.memory_space<hbm>>
    tpu.enqueue_indirect_dma source(%dma_start3A_104 : memref<10000x48xf32, #tpu.memory_space<hbm>>) target(%arg8 : memref<50x48xf32, #tpu.memory_space<vmem>>) offsets(%dma_start3A_101 : memref<50xi32, #tpu.memory_space<vmem>>) semaphore(%arg12 : memref<!tpu.dma_semaphore, #tpu.memory_space<semaphore_mem>>)
    %dma_start3A_105 = arith.constant 1 : i32
    %dma_start3A_106 = arith.constant 0 : i32
    %dma_start3A_107 = tpu.memref_slice %arg5[%dma_start3A_105, %dma_start3A_106] : memref<200x50xi32, #tpu.memory_space<vmem>> -> memref<1x50xi32, #tpu.memory_space<vmem>>
    %dma_start3A_108 = tpu.memref_squeeze %dma_start3A_107 : memref<1x50xi32, #tpu.memory_space<vmem>> -> memref<50xi32, #tpu.memory_space<vmem>>
    %dma_start3A_109 = arith.constant 0 : i32
    %dma_start3A_110 = arith.constant 0 : i32
    %dma_start3A_111 = tpu.memref_slice %arg2[%dma_start3A_109, %dma_start3A_110] : memref<10000x48xf32, #tpu.memory_space<hbm>> -> memref<10000x48xf32, #tpu.memory_space<hbm>>
    tpu.enqueue_indirect_dma source(%dma_start3A_111 : memref<10000x48xf32, #tpu.memory_space<hbm>>) target(%arg9 : memref<50x48xf32, #tpu.memory_space<vmem>>) offsets(%dma_start3A_108 : memref<50xi32, #tpu.memory_space<vmem>>) semaphore(%arg13 : memref<!tpu.dma_semaphore, #tpu.memory_space<semaphore_mem>>)
    %dma_start3A_112 = arith.constant 2 : i32
    %dma_start3A_113 = arith.constant 0 : i32
    %dma_start3A_114 = tpu.memref_slice %arg5[%dma_start3A_112, %dma_start3A_113] : memref<200x50xi32, #tpu.memory_space<vmem>> -> memref<1x50xi32, #tpu.memory_space<vmem>>
    %dma_start3A_115 = tpu.memref_squeeze %dma_start3A_114 : memref<1x50xi32, #tpu.memory_space<vmem>> -> memref<50xi32, #tpu.memory_space<vmem>>
    %dma_start3A_116 = arith.constant 0 : i32
    %dma_start3A_117 = arith.constant 0 : i32
    %dma_start3A_118 = tpu.memref_slice %arg2[%dma_start3A_116, %dma_start3A_117] : memref<10000x48xf32, #tpu.memory_space<hbm>> -> memref<10000x48xf32, #tpu.memory_space<hbm>>
    tpu.enqueue_indirect_dma source(%dma_start3A_118 : memref<10000x48xf32, #tpu.memory_space<hbm>>) target(%arg10 : memref<50x48xf32, #tpu.memory_space<vmem>>) offsets(%dma_start3A_115 : memref<50xi32, #tpu.memory_space<vmem>>) semaphore(%arg14 : memref<!tpu.dma_semaphore, #tpu.memory_space<semaphore_mem>>)
    %scan3A_119 = arith.constant 0 : i32
    %scan3A_120 = arith.constant 0 : i32
    %scan3A_121 = arith.constant 50 : i32
    %scan3A_122 = arith.addi %scan3A_120, %scan3A_121 : i32
    %scan3A_123 = arith.constant 1 : i32
    %scan3A_124 = scf.for %scan3A_224 = %scan3A_120 to %scan3A_122 step %scan3A_123 iter_args(%scan3A_225 = %scan3A_119) -> (i32)  : i32 {
      %mul3A_226 = arith.constant 4 : i32
      %mul3A_227 = arith.muli %scan3A_224, %mul3A_226 : i32
      %add3A_228 = arith.constant 0 : i32
      %add3A_229 = arith.addi %mul3A_227, %add3A_228 : i32
      %dma_wait3A_230 = arith.constant 0 : i32
      %dma_wait3A_231 = tpu.memref_slice %arg5[%add3A_229, %dma_wait3A_230] : memref<200x50xi32, #tpu.memory_space<vmem>> -> memref<1x50xi32, #tpu.memory_space<vmem>>
      %dma_wait3A_232 = tpu.memref_squeeze %dma_wait3A_231 : memref<1x50xi32, #tpu.memory_space<vmem>> -> memref<50xi32, #tpu.memory_space<vmem>>
      %dma_wait3A_233 = arith.constant 0 : i32
      %dma_wait3A_234 = arith.constant 0 : i32
      %dma_wait3A_235 = tpu.memref_slice %arg2[%dma_wait3A_233, %dma_wait3A_234] : memref<10000x48xf32, #tpu.memory_space<hbm>> -> memref<10000x48xf32, #tpu.memory_space<hbm>>
      tpu.wait_indirect_dma semaphore(%arg12 : memref<!tpu.dma_semaphore, #tpu.memory_space<semaphore_mem>>) src(%dma_wait3A_235 : memref<10000x48xf32, #tpu.memory_space<hbm>>) dst(%arg8 : memref<50x48xf32, #tpu.memory_space<vmem>>)
      %dma_start3A_236 = arith.constant 0 : i32
      %dma_start3A_237 = tpu.memref_slice %arg6[%add3A_229, %dma_start3A_236] : memref<200x50xi32, #tpu.memory_space<vmem>> -> memref<1x50xi32, #tpu.memory_space<vmem>>
      %dma_start3A_238 = tpu.memref_squeeze %dma_start3A_237 : memref<1x50xi32, #tpu.memory_space<vmem>> -> memref<50xi32, #tpu.memory_space<vmem>>
      %dma_start3A_239 = arith.constant 0 : i32
      %dma_start3A_240 = arith.constant 0 : i32
      %dma_start3A_241 = tpu.memref_slice %arg7[%dma_start3A_239, %dma_start3A_240] : memref<10000x48xf32, #tpu.memory_space<vmem_shared>> -> memref<10000x48xf32, #tpu.memory_space<vmem_shared>>
      tpu.enqueue_indirect_dma source(%arg8 : memref<50x48xf32, #tpu.memory_space<vmem>>) target(%dma_start3A_241 : memref<10000x48xf32, #tpu.memory_space<vmem_shared>>) offsets(%dma_start3A_238 : memref<50xi32, #tpu.memory_space<vmem>>) semaphore(%arg16 : memref<!tpu.dma_semaphore, #tpu.memory_space<semaphore_mem>>) {add = true}
      %ge3A = arith.constant 1 : i32
      %ge3A_242 = arith.cmpi sge, %scan3A_224, %ge3A : i32
      %convert_element_type3A_243 = arith.extui %ge3A_242 : i1 to i32
      %cond3A_244 = arith.constant 0 : i32
      %cond3A_245 = arith.cmpi ne, %convert_element_type3A_243, %cond3A_244 : i32
      scf.if %cond3A_245 {
        %sub3A_343 = arith.constant 1 : i32
        %sub3A_344 = arith.subi %add3A_229, %sub3A_343 : i32
        %dma_wait3A_345 = arith.constant 0 : i32
        %dma_wait3A_346 = tpu.memref_slice %arg6[%sub3A_344, %dma_wait3A_345] : memref<200x50xi32, #tpu.memory_space<vmem>> -> memref<1x50xi32, #tpu.memory_space<vmem>>
        %dma_wait3A_347 = tpu.memref_squeeze %dma_wait3A_346 : memref<1x50xi32, #tpu.memory_space<vmem>> -> memref<50xi32, #tpu.memory_space<vmem>>
        %dma_wait3A_348 = arith.constant 0 : i32
        %dma_wait3A_349 = arith.constant 0 : i32
        %dma_wait3A_350 = tpu.memref_slice %arg7[%dma_wait3A_348, %dma_wait3A_349] : memref<10000x48xf32, #tpu.memory_space<vmem_shared>> -> memref<10000x48xf32, #tpu.memory_space<vmem_shared>>
        tpu.wait_indirect_dma semaphore(%arg19 : memref<!tpu.dma_semaphore, #tpu.memory_space<semaphore_mem>>) src(%arg11 : memref<50x48xf32, #tpu.memory_space<vmem>>) dst(%dma_wait3A_350 : memref<10000x48xf32, #tpu.memory_space<vmem_shared>>)
      } else {
      }
      %add3A_246 = arith.constant 4 : i32
      %add3A_247 = arith.addi %add3A_229, %add3A_246 : i32
      %sub3A = arith.constant 1 : i32
      %sub3A_248 = arith.subi %add3A_247, %sub3A : i32
      %dma_start3A_249 = arith.constant 0 : i32
      %dma_start3A_250 = tpu.memref_slice %arg5[%sub3A_248, %dma_start3A_249] : memref<200x50xi32, #tpu.memory_space<vmem>> -> memref<1x50xi32, #tpu.memory_space<vmem>>
      %dma_start3A_251 = tpu.memref_squeeze %dma_start3A_250 : memref<1x50xi32, #tpu.memory_space<vmem>> -> memref<50xi32, #tpu.memory_space<vmem>>
      %dma_start3A_252 = arith.constant 0 : i32
      %dma_start3A_253 = arith.constant 0 : i32
      %dma_start3A_254 = tpu.memref_slice %arg2[%dma_start3A_252, %dma_start3A_253] : memref<10000x48xf32, #tpu.memory_space<hbm>> -> memref<10000x48xf32, #tpu.memory_space<hbm>>
      tpu.enqueue_indirect_dma source(%dma_start3A_254 : memref<10000x48xf32, #tpu.memory_space<hbm>>) target(%arg11 : memref<50x48xf32, #tpu.memory_space<vmem>>) offsets(%dma_start3A_251 : memref<50xi32, #tpu.memory_space<vmem>>) semaphore(%arg15 : memref<!tpu.dma_semaphore, #tpu.memory_space<semaphore_mem>>)
      %mul3A_255 = arith.constant 4 : i32
      %mul3A_256 = arith.muli %scan3A_224, %mul3A_255 : i32
      %add3A_257 = arith.constant 1 : i32
      %add3A_258 = arith.addi %mul3A_256, %add3A_257 : i32
      %dma_wait3A_259 = arith.constant 0 : i32
      %dma_wait3A_260 = tpu.memref_slice %arg5[%add3A_258, %dma_wait3A_259] : memref<200x50xi32, #tpu.memory_space<vmem>> -> memref<1x50xi32, #tpu.memory_space<vmem>>
      %dma_wait3A_261 = tpu.memref_squeeze %dma_wait3A_260 : memref<1x50xi32, #tpu.memory_space<vmem>> -> memref<50xi32, #tpu.memory_space<vmem>>
      %dma_wait3A_262 = arith.constant 0 : i32
      %dma_wait3A_263 = arith.constant 0 : i32
      %dma_wait3A_264 = tpu.memref_slice %arg2[%dma_wait3A_262, %dma_wait3A_263] : memref<10000x48xf32, #tpu.memory_space<hbm>> -> memref<10000x48xf32, #tpu.memory_space<hbm>>
      tpu.wait_indirect_dma semaphore(%arg13 : memref<!tpu.dma_semaphore, #tpu.memory_space<semaphore_mem>>) src(%dma_wait3A_264 : memref<10000x48xf32, #tpu.memory_space<hbm>>) dst(%arg9 : memref<50x48xf32, #tpu.memory_space<vmem>>)
      %dma_start3A_265 = arith.constant 0 : i32
      %dma_start3A_266 = tpu.memref_slice %arg6[%add3A_258, %dma_start3A_265] : memref<200x50xi32, #tpu.memory_space<vmem>> -> memref<1x50xi32, #tpu.memory_space<vmem>>
      %dma_start3A_267 = tpu.memref_squeeze %dma_start3A_266 : memref<1x50xi32, #tpu.memory_space<vmem>> -> memref<50xi32, #tpu.memory_space<vmem>>
      %dma_start3A_268 = arith.constant 0 : i32
      %dma_start3A_269 = arith.constant 0 : i32
      %dma_start3A_270 = tpu.memref_slice %arg7[%dma_start3A_268, %dma_start3A_269] : memref<10000x48xf32, #tpu.memory_space<vmem_shared>> -> memref<10000x48xf32, #tpu.memory_space<vmem_shared>>
      tpu.enqueue_indirect_dma source(%arg9 : memref<50x48xf32, #tpu.memory_space<vmem>>) target(%dma_start3A_270 : memref<10000x48xf32, #tpu.memory_space<vmem_shared>>) offsets(%dma_start3A_267 : memref<50xi32, #tpu.memory_space<vmem>>) semaphore(%arg17 : memref<!tpu.dma_semaphore, #tpu.memory_space<semaphore_mem>>) {add = true}
      %sub3A_271 = arith.constant 1 : i32
      %sub3A_272 = arith.subi %add3A_258, %sub3A_271 : i32
      %dma_wait3A_273 = arith.constant 0 : i32
      %dma_wait3A_274 = tpu.memref_slice %arg6[%sub3A_272, %dma_wait3A_273] : memref<200x50xi32, #tpu.memory_space<vmem>> -> memref<1x50xi32, #tpu.memory_space<vmem>>
      %dma_wait3A_275 = tpu.memref_squeeze %dma_wait3A_274 : memref<1x50xi32, #tpu.memory_space<vmem>> -> memref<50xi32, #tpu.memory_space<vmem>>
      %dma_wait3A_276 = arith.constant 0 : i32
      %dma_wait3A_277 = arith.constant 0 : i32
      %dma_wait3A_278 = tpu.memref_slice %arg7[%dma_wait3A_276, %dma_wait3A_277] : memref<10000x48xf32, #tpu.memory_space<vmem_shared>> -> memref<10000x48xf32, #tpu.memory_space<vmem_shared>>
      tpu.wait_indirect_dma semaphore(%arg16 : memref<!tpu.dma_semaphore, #tpu.memory_space<semaphore_mem>>) src(%arg8 : memref<50x48xf32, #tpu.memory_space<vmem>>) dst(%dma_wait3A_278 : memref<10000x48xf32, #tpu.memory_space<vmem_shared>>)
      %lt3A_279 = arith.constant 49 : i32
      %lt3A_280 = arith.cmpi slt, %scan3A_224, %lt3A_279 : i32
      %convert_element_type3A_281 = arith.extui %lt3A_280 : i1 to i32
      %cond3A_282 = arith.constant 0 : i32
      %cond3A_283 = arith.cmpi ne, %convert_element_type3A_281, %cond3A_282 : i32
      scf.if %cond3A_283 {
        %add3A_343 = arith.constant 4 : i32
        %add3A_344 = arith.addi %add3A_258, %add3A_343 : i32
        %sub3A_345 = arith.constant 1 : i32
        %sub3A_346 = arith.subi %add3A_344, %sub3A_345 : i32
        %dma_start3A_347 = arith.constant 0 : i32
        %dma_start3A_348 = tpu.memref_slice %arg5[%sub3A_346, %dma_start3A_347] : memref<200x50xi32, #tpu.memory_space<vmem>> -> memref<1x50xi32, #tpu.memory_space<vmem>>
        %dma_start3A_349 = tpu.memref_squeeze %dma_start3A_348 : memref<1x50xi32, #tpu.memory_space<vmem>> -> memref<50xi32, #tpu.memory_space<vmem>>
        %dma_start3A_350 = arith.constant 0 : i32
        %dma_start3A_351 = arith.constant 0 : i32
        %dma_start3A_352 = tpu.memref_slice %arg2[%dma_start3A_350, %dma_start3A_351] : memref<10000x48xf32, #tpu.memory_space<hbm>> -> memref<10000x48xf32, #tpu.memory_space<hbm>>
        tpu.enqueue_indirect_dma source(%dma_start3A_352 : memref<10000x48xf32, #tpu.memory_space<hbm>>) target(%arg8 : memref<50x48xf32, #tpu.memory_space<vmem>>) offsets(%dma_start3A_349 : memref<50xi32, #tpu.memory_space<vmem>>) semaphore(%arg12 : memref<!tpu.dma_semaphore, #tpu.memory_space<semaphore_mem>>)
      } else {
      }
      %mul3A_284 = arith.constant 4 : i32
      %mul3A_285 = arith.muli %scan3A_224, %mul3A_284 : i32
      %add3A_286 = arith.constant 2 : i32
      %add3A_287 = arith.addi %mul3A_285, %add3A_286 : i32
      %dma_wait3A_288 = arith.constant 0 : i32
      %dma_wait3A_289 = tpu.memref_slice %arg5[%add3A_287, %dma_wait3A_288] : memref<200x50xi32, #tpu.memory_space<vmem>> -> memref<1x50xi32, #tpu.memory_space<vmem>>
      %dma_wait3A_290 = tpu.memref_squeeze %dma_wait3A_289 : memref<1x50xi32, #tpu.memory_space<vmem>> -> memref<50xi32, #tpu.memory_space<vmem>>
      %dma_wait3A_291 = arith.constant 0 : i32
      %dma_wait3A_292 = arith.constant 0 : i32
      %dma_wait3A_293 = tpu.memref_slice %arg2[%dma_wait3A_291, %dma_wait3A_292] : memref<10000x48xf32, #tpu.memory_space<hbm>> -> memref<10000x48xf32, #tpu.memory_space<hbm>>
      tpu.wait_indirect_dma semaphore(%arg14 : memref<!tpu.dma_semaphore, #tpu.memory_space<semaphore_mem>>) src(%dma_wait3A_293 : memref<10000x48xf32, #tpu.memory_space<hbm>>) dst(%arg10 : memref<50x48xf32, #tpu.memory_space<vmem>>)
      %dma_start3A_294 = arith.constant 0 : i32
      %dma_start3A_295 = tpu.memref_slice %arg6[%add3A_287, %dma_start3A_294] : memref<200x50xi32, #tpu.memory_space<vmem>> -> memref<1x50xi32, #tpu.memory_space<vmem>>
      %dma_start3A_296 = tpu.memref_squeeze %dma_start3A_295 : memref<1x50xi32, #tpu.memory_space<vmem>> -> memref<50xi32, #tpu.memory_space<vmem>>
      %dma_start3A_297 = arith.constant 0 : i32
      %dma_start3A_298 = arith.constant 0 : i32
      %dma_start3A_299 = tpu.memref_slice %arg7[%dma_start3A_297, %dma_start3A_298] : memref<10000x48xf32, #tpu.memory_space<vmem_shared>> -> memref<10000x48xf32, #tpu.memory_space<vmem_shared>>
      tpu.enqueue_indirect_dma source(%arg10 : memref<50x48xf32, #tpu.memory_space<vmem>>) target(%dma_start3A_299 : memref<10000x48xf32, #tpu.memory_space<vmem_shared>>) offsets(%dma_start3A_296 : memref<50xi32, #tpu.memory_space<vmem>>) semaphore(%arg18 : memref<!tpu.dma_semaphore, #tpu.memory_space<semaphore_mem>>) {add = true}
      %sub3A_300 = arith.constant 1 : i32
      %sub3A_301 = arith.subi %add3A_287, %sub3A_300 : i32
      %dma_wait3A_302 = arith.constant 0 : i32
      %dma_wait3A_303 = tpu.memref_slice %arg6[%sub3A_301, %dma_wait3A_302] : memref<200x50xi32, #tpu.memory_space<vmem>> -> memref<1x50xi32, #tpu.memory_space<vmem>>
      %dma_wait3A_304 = tpu.memref_squeeze %dma_wait3A_303 : memref<1x50xi32, #tpu.memory_space<vmem>> -> memref<50xi32, #tpu.memory_space<vmem>>
      %dma_wait3A_305 = arith.constant 0 : i32
      %dma_wait3A_306 = arith.constant 0 : i32
      %dma_wait3A_307 = tpu.memref_slice %arg7[%dma_wait3A_305, %dma_wait3A_306] : memref<10000x48xf32, #tpu.memory_space<vmem_shared>> -> memref<10000x48xf32, #tpu.memory_space<vmem_shared>>
      tpu.wait_indirect_dma semaphore(%arg17 : memref<!tpu.dma_semaphore, #tpu.memory_space<semaphore_mem>>) src(%arg9 : memref<50x48xf32, #tpu.memory_space<vmem>>) dst(%dma_wait3A_307 : memref<10000x48xf32, #tpu.memory_space<vmem_shared>>)
      %lt3A_308 = arith.constant 49 : i32
      %lt3A_309 = arith.cmpi slt, %scan3A_224, %lt3A_308 : i32
      %convert_element_type3A_310 = arith.extui %lt3A_309 : i1 to i32
      %cond3A_311 = arith.constant 0 : i32
      %cond3A_312 = arith.cmpi ne, %convert_element_type3A_310, %cond3A_311 : i32
      scf.if %cond3A_312 {
        %add3A_343 = arith.constant 4 : i32
        %add3A_344 = arith.addi %add3A_287, %add3A_343 : i32
        %sub3A_345 = arith.constant 1 : i32
        %sub3A_346 = arith.subi %add3A_344, %sub3A_345 : i32
        %dma_start3A_347 = arith.constant 0 : i32
        %dma_start3A_348 = tpu.memref_slice %arg5[%sub3A_346, %dma_start3A_347] : memref<200x50xi32, #tpu.memory_space<vmem>> -> memref<1x50xi32, #tpu.memory_space<vmem>>
        %dma_start3A_349 = tpu.memref_squeeze %dma_start3A_348 : memref<1x50xi32, #tpu.memory_space<vmem>> -> memref<50xi32, #tpu.memory_space<vmem>>
        %dma_start3A_350 = arith.constant 0 : i32
        %dma_start3A_351 = arith.constant 0 : i32
        %dma_start3A_352 = tpu.memref_slice %arg2[%dma_start3A_350, %dma_start3A_351] : memref<10000x48xf32, #tpu.memory_space<hbm>> -> memref<10000x48xf32, #tpu.memory_space<hbm>>
        tpu.enqueue_indirect_dma source(%dma_start3A_352 : memref<10000x48xf32, #tpu.memory_space<hbm>>) target(%arg9 : memref<50x48xf32, #tpu.memory_space<vmem>>) offsets(%dma_start3A_349 : memref<50xi32, #tpu.memory_space<vmem>>) semaphore(%arg13 : memref<!tpu.dma_semaphore, #tpu.memory_space<semaphore_mem>>)
      } else {
      }
      %mul3A_313 = arith.constant 4 : i32
      %mul3A_314 = arith.muli %scan3A_224, %mul3A_313 : i32
      %add3A_315 = arith.constant 3 : i32
      %add3A_316 = arith.addi %mul3A_314, %add3A_315 : i32
      %dma_wait3A_317 = arith.constant 0 : i32
      %dma_wait3A_318 = tpu.memref_slice %arg5[%add3A_316, %dma_wait3A_317] : memref<200x50xi32, #tpu.memory_space<vmem>> -> memref<1x50xi32, #tpu.memory_space<vmem>>
      %dma_wait3A_319 = tpu.memref_squeeze %dma_wait3A_318 : memref<1x50xi32, #tpu.memory_space<vmem>> -> memref<50xi32, #tpu.memory_space<vmem>>
      %dma_wait3A_320 = arith.constant 0 : i32
      %dma_wait3A_321 = arith.constant 0 : i32
      %dma_wait3A_322 = tpu.memref_slice %arg2[%dma_wait3A_320, %dma_wait3A_321] : memref<10000x48xf32, #tpu.memory_space<hbm>> -> memref<10000x48xf32, #tpu.memory_space<hbm>>
      tpu.wait_indirect_dma semaphore(%arg15 : memref<!tpu.dma_semaphore, #tpu.memory_space<semaphore_mem>>) src(%dma_wait3A_322 : memref<10000x48xf32, #tpu.memory_space<hbm>>) dst(%arg11 : memref<50x48xf32, #tpu.memory_space<vmem>>)
      %dma_start3A_323 = arith.constant 0 : i32
      %dma_start3A_324 = tpu.memref_slice %arg6[%add3A_316, %dma_start3A_323] : memref<200x50xi32, #tpu.memory_space<vmem>> -> memref<1x50xi32, #tpu.memory_space<vmem>>
      %dma_start3A_325 = tpu.memref_squeeze %dma_start3A_324 : memref<1x50xi32, #tpu.memory_space<vmem>> -> memref<50xi32, #tpu.memory_space<vmem>>
      %dma_start3A_326 = arith.constant 0 : i32
      %dma_start3A_327 = arith.constant 0 : i32
      %dma_start3A_328 = tpu.memref_slice %arg7[%dma_start3A_326, %dma_start3A_327] : memref<10000x48xf32, #tpu.memory_space<vmem_shared>> -> memref<10000x48xf32, #tpu.memory_space<vmem_shared>>
      tpu.enqueue_indirect_dma source(%arg11 : memref<50x48xf32, #tpu.memory_space<vmem>>) target(%dma_start3A_328 : memref<10000x48xf32, #tpu.memory_space<vmem_shared>>) offsets(%dma_start3A_325 : memref<50xi32, #tpu.memory_space<vmem>>) semaphore(%arg19 : memref<!tpu.dma_semaphore, #tpu.memory_space<semaphore_mem>>) {add = true}
      %sub3A_329 = arith.constant 1 : i32
      %sub3A_330 = arith.subi %add3A_316, %sub3A_329 : i32
      %dma_wait3A_331 = arith.constant 0 : i32
      %dma_wait3A_332 = tpu.memref_slice %arg6[%sub3A_330, %dma_wait3A_331] : memref<200x50xi32, #tpu.memory_space<vmem>> -> memref<1x50xi32, #tpu.memory_space<vmem>>
      %dma_wait3A_333 = tpu.memref_squeeze %dma_wait3A_332 : memref<1x50xi32, #tpu.memory_space<vmem>> -> memref<50xi32, #tpu.memory_space<vmem>>
      %dma_wait3A_334 = arith.constant 0 : i32
      %dma_wait3A_335 = arith.constant 0 : i32
      %dma_wait3A_336 = tpu.memref_slice %arg7[%dma_wait3A_334, %dma_wait3A_335] : memref<10000x48xf32, #tpu.memory_space<vmem_shared>> -> memref<10000x48xf32, #tpu.memory_space<vmem_shared>>
      tpu.wait_indirect_dma semaphore(%arg18 : memref<!tpu.dma_semaphore, #tpu.memory_space<semaphore_mem>>) src(%arg10 : memref<50x48xf32, #tpu.memory_space<vmem>>) dst(%dma_wait3A_336 : memref<10000x48xf32, #tpu.memory_space<vmem_shared>>)
      %lt3A_337 = arith.constant 49 : i32
      %lt3A_338 = arith.cmpi slt, %scan3A_224, %lt3A_337 : i32
      %convert_element_type3A_339 = arith.extui %lt3A_338 : i1 to i32
      %cond3A_340 = arith.constant 0 : i32
      %cond3A_341 = arith.cmpi ne, %convert_element_type3A_339, %cond3A_340 : i32
      scf.if %cond3A_341 {
        %add3A_343 = arith.constant 4 : i32
        %add3A_344 = arith.addi %add3A_316, %add3A_343 : i32
        %sub3A_345 = arith.constant 1 : i32
        %sub3A_346 = arith.subi %add3A_344, %sub3A_345 : i32
        %dma_start3A_347 = arith.constant 0 : i32
        %dma_start3A_348 = tpu.memref_slice %arg5[%sub3A_346, %dma_start3A_347] : memref<200x50xi32, #tpu.memory_space<vmem>> -> memref<1x50xi32, #tpu.memory_space<vmem>>
        %dma_start3A_349 = tpu.memref_squeeze %dma_start3A_348 : memref<1x50xi32, #tpu.memory_space<vmem>> -> memref<50xi32, #tpu.memory_space<vmem>>
        %dma_start3A_350 = arith.constant 0 : i32
        %dma_start3A_351 = arith.constant 0 : i32
        %dma_start3A_352 = tpu.memref_slice %arg2[%dma_start3A_350, %dma_start3A_351] : memref<10000x48xf32, #tpu.memory_space<hbm>> -> memref<10000x48xf32, #tpu.memory_space<hbm>>
        tpu.enqueue_indirect_dma source(%dma_start3A_352 : memref<10000x48xf32, #tpu.memory_space<hbm>>) target(%arg10 : memref<50x48xf32, #tpu.memory_space<vmem>>) offsets(%dma_start3A_349 : memref<50xi32, #tpu.memory_space<vmem>>) semaphore(%arg14 : memref<!tpu.dma_semaphore, #tpu.memory_space<semaphore_mem>>)
      } else {
      }
      %scan3A_342 = arith.constant 0 : i32
      scf.yield %scan3A_342 : i32
    }
    %scan3A_125 = arith.constant 50 : i32
    %dma_wait3A = arith.constant 199 : i32
    %dma_wait3A_126 = arith.constant 0 : i32
    %dma_wait3A_127 = tpu.memref_slice %arg6[%dma_wait3A, %dma_wait3A_126] : memref<200x50xi32, #tpu.memory_space<vmem>> -> memref<1x50xi32, #tpu.memory_space<vmem>>
    %dma_wait3A_128 = tpu.memref_squeeze %dma_wait3A_127 : memref<1x50xi32, #tpu.memory_space<vmem>> -> memref<50xi32, #tpu.memory_space<vmem>>
    %dma_wait3A_129 = arith.constant 0 : i32
    %dma_wait3A_130 = arith.constant 0 : i32
    %dma_wait3A_131 = tpu.memref_slice %arg7[%dma_wait3A_129, %dma_wait3A_130] : memref<10000x48xf32, #tpu.memory_space<vmem_shared>> -> memref<10000x48xf32, #tpu.memory_space<vmem_shared>>
    tpu.wait_indirect_dma semaphore(%arg19 : memref<!tpu.dma_semaphore, #tpu.memory_space<semaphore_mem>>) src(%arg11 : memref<50x48xf32, #tpu.memory_space<vmem>>) dst(%dma_wait3A_131 : memref<10000x48xf32, #tpu.memory_space<vmem_shared>>)
    %barrier3A_132 = arith.constant 0 : index
    tpu.barrier barrier_id(%barrier3A_132)
    %add3A_133 = arith.constant 0 : i32
    %add3A_134 = arith.addi %add3A_133, %arg1 : i32
    %lt3A_135 = arith.constant 200 : i32
    %lt3A_136 = arith.cmpi slt, %add3A_134, %lt3A_135 : i32
    %convert_element_type3A_137 = arith.extui %lt3A_136 : i1 to i32
    %cond3A_138 = arith.constant 0 : i32
    %cond3A_139 = arith.cmpi ne, %convert_element_type3A_137, %cond3A_138 : i32
    scf.if %cond3A_139 {
      %mul3A_224 = arith.constant 50 : i32
      %mul3A_225 = arith.muli %add3A_134, %mul3A_224 : i32
      %mul3A_226 = arith.constant 10000 : i32
      %mul3A_227 = arith.muli %arg0, %mul3A_226 : i32
      %mul3A_228 = arith.constant 50 : i32
      %mul3A_229 = arith.muli %add3A_134, %mul3A_228 : i32
      %add3A_230 = arith.addi %mul3A_227, %mul3A_229 : i32
      "tpu.region"() ({
        %run_scoped3A_231 = tpu.sem_alloc : memref<!tpu.dma_semaphore, #tpu.memory_space<semaphore_mem>>
        %dma_start3A_232 = arith.constant 0 : i32
        %dma_start3A_233 = tpu.memref_slice %arg4[%add3A_230, %dma_start3A_232] : memref<20000x48xf32, #tpu.memory_space<hbm>> -> memref<50x48xf32, #tpu.memory_space<hbm>>
        %dma_start3A_234 = arith.constant 0 : i32
        %dma_start3A_235 = tpu.memref_slice %arg7[%mul3A_225, %dma_start3A_234] : memref<10000x48xf32, #tpu.memory_space<vmem_shared>> -> memref<50x48xf32, #tpu.memory_space<vmem_shared>>
        tpu.enqueue_dma source(%dma_start3A_235 : memref<50x48xf32, #tpu.memory_space<vmem_shared>>) target(%dma_start3A_233 : memref<50x48xf32, #tpu.memory_space<hbm>>) target_semaphore(%run_scoped3A_231 : memref<!tpu.dma_semaphore, #tpu.memory_space<semaphore_mem>>)
        %dma_wait3A_236 = arith.constant 0 : i32
        %dma_wait3A_237 = tpu.memref_slice %arg4[%add3A_230, %dma_wait3A_236] : memref<20000x48xf32, #tpu.memory_space<hbm>> -> memref<50x48xf32, #tpu.memory_space<hbm>>
        %dma_wait3A_238 = arith.constant 0 : i32
        %dma_wait3A_239 = tpu.memref_slice %arg7[%mul3A_225, %dma_wait3A_238] : memref<10000x48xf32, #tpu.memory_space<vmem_shared>> -> memref<50x48xf32, #tpu.memory_space<vmem_shared>>
        tpu.wait_dma2 semaphore(%run_scoped3A_231 : memref<!tpu.dma_semaphore, #tpu.memory_space<semaphore_mem>>) src(%dma_wait3A_239 : memref<50x48xf32, #tpu.memory_space<vmem_shared>>) dst(%dma_wait3A_237 : memref<50x48xf32, #tpu.memory_space<hbm>>)
        tpu.yield
      }) : () -> ()
    } else {
    }
    %add3A_140 = arith.constant 16 : i32
    %add3A_141 = arith.addi %add3A_140, %arg1 : i32
    %lt3A_142 = arith.constant 200 : i32
    %lt3A_143 = arith.cmpi slt, %add3A_141, %lt3A_142 : i32
    %convert_element_type3A_144 = arith.extui %lt3A_143 : i1 to i32
    %cond3A_145 = arith.constant 0 : i32
    %cond3A_146 = arith.cmpi ne, %convert_element_type3A_144, %cond3A_145 : i32
    scf.if %cond3A_146 {
      %mul3A_224 = arith.constant 50 : i32
      %mul3A_225 = arith.muli %add3A_141, %mul3A_224 : i32
      %mul3A_226 = arith.constant 10000 : i32
      %mul3A_227 = arith.muli %arg0, %mul3A_226 : i32
      %mul3A_228 = arith.constant 50 : i32
      %mul3A_229 = arith.muli %add3A_141, %mul3A_228 : i32
      %add3A_230 = arith.addi %mul3A_227, %mul3A_229 : i32
      "tpu.region"() ({
        %run_scoped3A_231 = tpu.sem_alloc : memref<!tpu.dma_semaphore, #tpu.memory_space<semaphore_mem>>
        %dma_start3A_232 = arith.constant 0 : i32
        %dma_start3A_233 = tpu.memref_slice %arg4[%add3A_230, %dma_start3A_232] : memref<20000x48xf32, #tpu.memory_space<hbm>> -> memref<50x48xf32, #tpu.memory_space<hbm>>
        %dma_start3A_234 = arith.constant 0 : i32
        %dma_start3A_235 = tpu.memref_slice %arg7[%mul3A_225, %dma_start3A_234] : memref<10000x48xf32, #tpu.memory_space<vmem_shared>> -> memref<50x48xf32, #tpu.memory_space<vmem_shared>>
        tpu.enqueue_dma source(%dma_start3A_235 : memref<50x48xf32, #tpu.memory_space<vmem_shared>>) target(%dma_start3A_233 : memref<50x48xf32, #tpu.memory_space<hbm>>) target_semaphore(%run_scoped3A_231 : memref<!tpu.dma_semaphore, #tpu.memory_space<semaphore_mem>>)
        %dma_wait3A_236 = arith.constant 0 : i32
        %dma_wait3A_237 = tpu.memref_slice %arg4[%add3A_230, %dma_wait3A_236] : memref<20000x48xf32, #tpu.memory_space<hbm>> -> memref<50x48xf32, #tpu.memory_space<hbm>>
        %dma_wait3A_238 = arith.constant 0 : i32
        %dma_wait3A_239 = tpu.memref_slice %arg7[%mul3A_225, %dma_wait3A_238] : memref<10000x48xf32, #tpu.memory_space<vmem_shared>> -> memref<50x48xf32, #tpu.memory_space<vmem_shared>>
        tpu.wait_dma2 semaphore(%run_scoped3A_231 : memref<!tpu.dma_semaphore, #tpu.memory_space<semaphore_mem>>) src(%dma_wait3A_239 : memref<50x48xf32, #tpu.memory_space<vmem_shared>>) dst(%dma_wait3A_237 : memref<50x48xf32, #tpu.memory_space<hbm>>)
        tpu.yield
      }) : () -> ()
    } else {
    }
    %add3A_147 = arith.constant 32 : i32
    %add3A_148 = arith.addi %add3A_147, %arg1 : i32
    %lt3A_149 = arith.constant 200 : i32
    %lt3A_150 = arith.cmpi slt, %add3A_148, %lt3A_149 : i32
    %convert_element_type3A_151 = arith.extui %lt3A_150 : i1 to i32
    %cond3A_152 = arith.constant 0 : i32
    %cond3A_153 = arith.cmpi ne, %convert_element_type3A_151, %cond3A_152 : i32
    scf.if %cond3A_153 {
      %mul3A_224 = arith.constant 50 : i32
      %mul3A_225 = arith.muli %add3A_148, %mul3A_224 : i32
      %mul3A_226 = arith.constant 10000 : i32
      %mul3A_227 = arith.muli %arg0, %mul3A_226 : i32
      %mul3A_228 = arith.constant 50 : i32
      %mul3A_229 = arith.muli %add3A_148, %mul3A_228 : i32
      %add3A_230 = arith.addi %mul3A_227, %mul3A_229 : i32
      "tpu.region"() ({
        %run_scoped3A_231 = tpu.sem_alloc : memref<!tpu.dma_semaphore, #tpu.memory_space<semaphore_mem>>
        %dma_start3A_232 = arith.constant 0 : i32
        %dma_start3A_233 = tpu.memref_slice %arg4[%add3A_230, %dma_start3A_232] : memref<20000x48xf32, #tpu.memory_space<hbm>> -> memref<50x48xf32, #tpu.memory_space<hbm>>
        %dma_start3A_234 = arith.constant 0 : i32
        %dma_start3A_235 = tpu.memref_slice %arg7[%mul3A_225, %dma_start3A_234] : memref<10000x48xf32, #tpu.memory_space<vmem_shared>> -> memref<50x48xf32, #tpu.memory_space<vmem_shared>>
        tpu.enqueue_dma source(%dma_start3A_235 : memref<50x48xf32, #tpu.memory_space<vmem_shared>>) target(%dma_start3A_233 : memref<50x48xf32, #tpu.memory_space<hbm>>) target_semaphore(%run_scoped3A_231 : memref<!tpu.dma_semaphore, #tpu.memory_space<semaphore_mem>>)
        %dma_wait3A_236 = arith.constant 0 : i32
        %dma_wait3A_237 = tpu.memref_slice %arg4[%add3A_230, %dma_wait3A_236] : memref<20000x48xf32, #tpu.memory_space<hbm>> -> memref<50x48xf32, #tpu.memory_space<hbm>>
        %dma_wait3A_238 = arith.constant 0 : i32
        %dma_wait3A_239 = tpu.memref_slice %arg7[%mul3A_225, %dma_wait3A_238] : memref<10000x48xf32, #tpu.memory_space<vmem_shared>> -> memref<50x48xf32, #tpu.memory_space<vmem_shared>>
        tpu.wait_dma2 semaphore(%run_scoped3A_231 : memref<!tpu.dma_semaphore, #tpu.memory_space<semaphore_mem>>) src(%dma_wait3A_239 : memref<50x48xf32, #tpu.memory_space<vmem_shared>>) dst(%dma_wait3A_237 : memref<50x48xf32, #tpu.memory_space<hbm>>)
        tpu.yield
      }) : () -> ()
    } else {
    }
    %add3A_154 = arith.constant 48 : i32
    %add3A_155 = arith.addi %add3A_154, %arg1 : i32
    %lt3A_156 = arith.constant 200 : i32
    %lt3A_157 = arith.cmpi slt, %add3A_155, %lt3A_156 : i32
    %convert_element_type3A_158 = arith.extui %lt3A_157 : i1 to i32
    %cond3A_159 = arith.constant 0 : i32
    %cond3A_160 = arith.cmpi ne, %convert_element_type3A_158, %cond3A_159 : i32
    scf.if %cond3A_160 {
      %mul3A_224 = arith.constant 50 : i32
      %mul3A_225 = arith.muli %add3A_155, %mul3A_224 : i32
      %mul3A_226 = arith.constant 10000 : i32
      %mul3A_227 = arith.muli %arg0, %mul3A_226 : i32
      %mul3A_228 = arith.constant 50 : i32
      %mul3A_229 = arith.muli %add3A_155, %mul3A_228 : i32
      %add3A_230 = arith.addi %mul3A_227, %mul3A_229 : i32
      "tpu.region"() ({
        %run_scoped3A_231 = tpu.sem_alloc : memref<!tpu.dma_semaphore, #tpu.memory_space<semaphore_mem>>
        %dma_start3A_232 = arith.constant 0 : i32
        %dma_start3A_233 = tpu.memref_slice %arg4[%add3A_230, %dma_start3A_232] : memref<20000x48xf32, #tpu.memory_space<hbm>> -> memref<50x48xf32, #tpu.memory_space<hbm>>
        %dma_start3A_234 = arith.constant 0 : i32
        %dma_start3A_235 = tpu.memref_slice %arg7[%mul3A_225, %dma_start3A_234] : memref<10000x48xf32, #tpu.memory_space<vmem_shared>> -> memref<50x48xf32, #tpu.memory_space<vmem_shared>>
        tpu.enqueue_dma source(%dma_start3A_235 : memref<50x48xf32, #tpu.memory_space<vmem_shared>>) target(%dma_start3A_233 : memref<50x48xf32, #tpu.memory_space<hbm>>) target_semaphore(%run_scoped3A_231 : memref<!tpu.dma_semaphore, #tpu.memory_space<semaphore_mem>>)
        %dma_wait3A_236 = arith.constant 0 : i32
        %dma_wait3A_237 = tpu.memref_slice %arg4[%add3A_230, %dma_wait3A_236] : memref<20000x48xf32, #tpu.memory_space<hbm>> -> memref<50x48xf32, #tpu.memory_space<hbm>>
        %dma_wait3A_238 = arith.constant 0 : i32
        %dma_wait3A_239 = tpu.memref_slice %arg7[%mul3A_225, %dma_wait3A_238] : memref<10000x48xf32, #tpu.memory_space<vmem_shared>> -> memref<50x48xf32, #tpu.memory_space<vmem_shared>>
        tpu.wait_dma2 semaphore(%run_scoped3A_231 : memref<!tpu.dma_semaphore, #tpu.memory_space<semaphore_mem>>) src(%dma_wait3A_239 : memref<50x48xf32, #tpu.memory_space<vmem_shared>>) dst(%dma_wait3A_237 : memref<50x48xf32, #tpu.memory_space<hbm>>)
        tpu.yield
      }) : () -> ()
    } else {
    }
    %add3A_161 = arith.constant 64 : i32
    %add3A_162 = arith.addi %add3A_161, %arg1 : i32
    %lt3A_163 = arith.constant 200 : i32
    %lt3A_164 = arith.cmpi slt, %add3A_162, %lt3A_163 : i32
    %convert_element_type3A_165 = arith.extui %lt3A_164 : i1 to i32
    %cond3A_166 = arith.constant 0 : i32
    %cond3A_167 = arith.cmpi ne, %convert_element_type3A_165, %cond3A_166 : i32
    scf.if %cond3A_167 {
      %mul3A_224 = arith.constant 50 : i32
      %mul3A_225 = arith.muli %add3A_162, %mul3A_224 : i32
      %mul3A_226 = arith.constant 10000 : i32
      %mul3A_227 = arith.muli %arg0, %mul3A_226 : i32
      %mul3A_228 = arith.constant 50 : i32
      %mul3A_229 = arith.muli %add3A_162, %mul3A_228 : i32
      %add3A_230 = arith.addi %mul3A_227, %mul3A_229 : i32
      "tpu.region"() ({
        %run_scoped3A_231 = tpu.sem_alloc : memref<!tpu.dma_semaphore, #tpu.memory_space<semaphore_mem>>
        %dma_start3A_232 = arith.constant 0 : i32
        %dma_start3A_233 = tpu.memref_slice %arg4[%add3A_230, %dma_start3A_232] : memref<20000x48xf32, #tpu.memory_space<hbm>> -> memref<50x48xf32, #tpu.memory_space<hbm>>
        %dma_start3A_234 = arith.constant 0 : i32
        %dma_start3A_235 = tpu.memref_slice %arg7[%mul3A_225, %dma_start3A_234] : memref<10000x48xf32, #tpu.memory_space<vmem_shared>> -> memref<50x48xf32, #tpu.memory_space<vmem_shared>>
        tpu.enqueue_dma source(%dma_start3A_235 : memref<50x48xf32, #tpu.memory_space<vmem_shared>>) target(%dma_start3A_233 : memref<50x48xf32, #tpu.memory_space<hbm>>) target_semaphore(%run_scoped3A_231 : memref<!tpu.dma_semaphore, #tpu.memory_space<semaphore_mem>>)
        %dma_wait3A_236 = arith.constant 0 : i32
        %dma_wait3A_237 = tpu.memref_slice %arg4[%add3A_230, %dma_wait3A_236] : memref<20000x48xf32, #tpu.memory_space<hbm>> -> memref<50x48xf32, #tpu.memory_space<hbm>>
        %dma_wait3A_238 = arith.constant 0 : i32
        %dma_wait3A_239 = tpu.memref_slice %arg7[%mul3A_225, %dma_wait3A_238] : memref<10000x48xf32, #tpu.memory_space<vmem_shared>> -> memref<50x48xf32, #tpu.memory_space<vmem_shared>>
        tpu.wait_dma2 semaphore(%run_scoped3A_231 : memref<!tpu.dma_semaphore, #tpu.memory_space<semaphore_mem>>) src(%dma_wait3A_239 : memref<50x48xf32, #tpu.memory_space<vmem_shared>>) dst(%dma_wait3A_237 : memref<50x48xf32, #tpu.memory_space<hbm>>)
        tpu.yield
      }) : () -> ()
    } else {
    }
    %add3A_168 = arith.constant 80 : i32
    %add3A_169 = arith.addi %add3A_168, %arg1 : i32
    %lt3A_170 = arith.constant 200 : i32
    %lt3A_171 = arith.cmpi slt, %add3A_169, %lt3A_170 : i32
    %convert_element_type3A_172 = arith.extui %lt3A_171 : i1 to i32
    %cond3A_173 = arith.constant 0 : i32
    %cond3A_174 = arith.cmpi ne, %convert_element_type3A_172, %cond3A_173 : i32
    scf.if %cond3A_174 {
      %mul3A_224 = arith.constant 50 : i32
      %mul3A_225 = arith.muli %add3A_169, %mul3A_224 : i32
      %mul3A_226 = arith.constant 10000 : i32
      %mul3A_227 = arith.muli %arg0, %mul3A_226 : i32
      %mul3A_228 = arith.constant 50 : i32
      %mul3A_229 = arith.muli %add3A_169, %mul3A_228 : i32
      %add3A_230 = arith.addi %mul3A_227, %mul3A_229 : i32
      "tpu.region"() ({
        %run_scoped3A_231 = tpu.sem_alloc : memref<!tpu.dma_semaphore, #tpu.memory_space<semaphore_mem>>
        %dma_start3A_232 = arith.constant 0 : i32
        %dma_start3A_233 = tpu.memref_slice %arg4[%add3A_230, %dma_start3A_232] : memref<20000x48xf32, #tpu.memory_space<hbm>> -> memref<50x48xf32, #tpu.memory_space<hbm>>
        %dma_start3A_234 = arith.constant 0 : i32
        %dma_start3A_235 = tpu.memref_slice %arg7[%mul3A_225, %dma_start3A_234] : memref<10000x48xf32, #tpu.memory_space<vmem_shared>> -> memref<50x48xf32, #tpu.memory_space<vmem_shared>>
        tpu.enqueue_dma source(%dma_start3A_235 : memref<50x48xf32, #tpu.memory_space<vmem_shared>>) target(%dma_start3A_233 : memref<50x48xf32, #tpu.memory_space<hbm>>) target_semaphore(%run_scoped3A_231 : memref<!tpu.dma_semaphore, #tpu.memory_space<semaphore_mem>>)
        %dma_wait3A_236 = arith.constant 0 : i32
        %dma_wait3A_237 = tpu.memref_slice %arg4[%add3A_230, %dma_wait3A_236] : memref<20000x48xf32, #tpu.memory_space<hbm>> -> memref<50x48xf32, #tpu.memory_space<hbm>>
        %dma_wait3A_238 = arith.constant 0 : i32
        %dma_wait3A_239 = tpu.memref_slice %arg7[%mul3A_225, %dma_wait3A_238] : memref<10000x48xf32, #tpu.memory_space<vmem_shared>> -> memref<50x48xf32, #tpu.memory_space<vmem_shared>>
        tpu.wait_dma2 semaphore(%run_scoped3A_231 : memref<!tpu.dma_semaphore, #tpu.memory_space<semaphore_mem>>) src(%dma_wait3A_239 : memref<50x48xf32, #tpu.memory_space<vmem_shared>>) dst(%dma_wait3A_237 : memref<50x48xf32, #tpu.memory_space<hbm>>)
        tpu.yield
      }) : () -> ()
    } else {
    }
    %add3A_175 = arith.constant 96 : i32
    %add3A_176 = arith.addi %add3A_175, %arg1 : i32
    %lt3A_177 = arith.constant 200 : i32
    %lt3A_178 = arith.cmpi slt, %add3A_176, %lt3A_177 : i32
    %convert_element_type3A_179 = arith.extui %lt3A_178 : i1 to i32
    %cond3A_180 = arith.constant 0 : i32
    %cond3A_181 = arith.cmpi ne, %convert_element_type3A_179, %cond3A_180 : i32
    scf.if %cond3A_181 {
      %mul3A_224 = arith.constant 50 : i32
      %mul3A_225 = arith.muli %add3A_176, %mul3A_224 : i32
      %mul3A_226 = arith.constant 10000 : i32
      %mul3A_227 = arith.muli %arg0, %mul3A_226 : i32
      %mul3A_228 = arith.constant 50 : i32
      %mul3A_229 = arith.muli %add3A_176, %mul3A_228 : i32
      %add3A_230 = arith.addi %mul3A_227, %mul3A_229 : i32
      "tpu.region"() ({
        %run_scoped3A_231 = tpu.sem_alloc : memref<!tpu.dma_semaphore, #tpu.memory_space<semaphore_mem>>
        %dma_start3A_232 = arith.constant 0 : i32
        %dma_start3A_233 = tpu.memref_slice %arg4[%add3A_230, %dma_start3A_232] : memref<20000x48xf32, #tpu.memory_space<hbm>> -> memref<50x48xf32, #tpu.memory_space<hbm>>
        %dma_start3A_234 = arith.constant 0 : i32
        %dma_start3A_235 = tpu.memref_slice %arg7[%mul3A_225, %dma_start3A_234] : memref<10000x48xf32, #tpu.memory_space<vmem_shared>> -> memref<50x48xf32, #tpu.memory_space<vmem_shared>>
        tpu.enqueue_dma source(%dma_start3A_235 : memref<50x48xf32, #tpu.memory_space<vmem_shared>>) target(%dma_start3A_233 : memref<50x48xf32, #tpu.memory_space<hbm>>) target_semaphore(%run_scoped3A_231 : memref<!tpu.dma_semaphore, #tpu.memory_space<semaphore_mem>>)
        %dma_wait3A_236 = arith.constant 0 : i32
        %dma_wait3A_237 = tpu.memref_slice %arg4[%add3A_230, %dma_wait3A_236] : memref<20000x48xf32, #tpu.memory_space<hbm>> -> memref<50x48xf32, #tpu.memory_space<hbm>>
        %dma_wait3A_238 = arith.constant 0 : i32
        %dma_wait3A_239 = tpu.memref_slice %arg7[%mul3A_225, %dma_wait3A_238] : memref<10000x48xf32, #tpu.memory_space<vmem_shared>> -> memref<50x48xf32, #tpu.memory_space<vmem_shared>>
        tpu.wait_dma2 semaphore(%run_scoped3A_231 : memref<!tpu.dma_semaphore, #tpu.memory_space<semaphore_mem>>) src(%dma_wait3A_239 : memref<50x48xf32, #tpu.memory_space<vmem_shared>>) dst(%dma_wait3A_237 : memref<50x48xf32, #tpu.memory_space<hbm>>)
        tpu.yield
      }) : () -> ()
    } else {
    }
    %add3A_182 = arith.constant 112 : i32
    %add3A_183 = arith.addi %add3A_182, %arg1 : i32
    %lt3A_184 = arith.constant 200 : i32
    %lt3A_185 = arith.cmpi slt, %add3A_183, %lt3A_184 : i32
    %convert_element_type3A_186 = arith.extui %lt3A_185 : i1 to i32
    %cond3A_187 = arith.constant 0 : i32
    %cond3A_188 = arith.cmpi ne, %convert_element_type3A_186, %cond3A_187 : i32
    scf.if %cond3A_188 {
      %mul3A_224 = arith.constant 50 : i32
      %mul3A_225 = arith.muli %add3A_183, %mul3A_224 : i32
      %mul3A_226 = arith.constant 10000 : i32
      %mul3A_227 = arith.muli %arg0, %mul3A_226 : i32
      %mul3A_228 = arith.constant 50 : i32
      %mul3A_229 = arith.muli %add3A_183, %mul3A_228 : i32
      %add3A_230 = arith.addi %mul3A_227, %mul3A_229 : i32
      "tpu.region"() ({
        %run_scoped3A_231 = tpu.sem_alloc : memref<!tpu.dma_semaphore, #tpu.memory_space<semaphore_mem>>
        %dma_start3A_232 = arith.constant 0 : i32
        %dma_start3A_233 = tpu.memref_slice %arg4[%add3A_230, %dma_start3A_232] : memref<20000x48xf32, #tpu.memory_space<hbm>> -> memref<50x48xf32, #tpu.memory_space<hbm>>
        %dma_start3A_234 = arith.constant 0 : i32
        %dma_start3A_235 = tpu.memref_slice %arg7[%mul3A_225, %dma_start3A_234] : memref<10000x48xf32, #tpu.memory_space<vmem_shared>> -> memref<50x48xf32, #tpu.memory_space<vmem_shared>>
        tpu.enqueue_dma source(%dma_start3A_235 : memref<50x48xf32, #tpu.memory_space<vmem_shared>>) target(%dma_start3A_233 : memref<50x48xf32, #tpu.memory_space<hbm>>) target_semaphore(%run_scoped3A_231 : memref<!tpu.dma_semaphore, #tpu.memory_space<semaphore_mem>>)
        %dma_wait3A_236 = arith.constant 0 : i32
        %dma_wait3A_237 = tpu.memref_slice %arg4[%add3A_230, %dma_wait3A_236] : memref<20000x48xf32, #tpu.memory_space<hbm>> -> memref<50x48xf32, #tpu.memory_space<hbm>>
        %dma_wait3A_238 = arith.constant 0 : i32
        %dma_wait3A_239 = tpu.memref_slice %arg7[%mul3A_225, %dma_wait3A_238] : memref<10000x48xf32, #tpu.memory_space<vmem_shared>> -> memref<50x48xf32, #tpu.memory_space<vmem_shared>>
        tpu.wait_dma2 semaphore(%run_scoped3A_231 : memref<!tpu.dma_semaphore, #tpu.memory_space<semaphore_mem>>) src(%dma_wait3A_239 : memref<50x48xf32, #tpu.memory_space<vmem_shared>>) dst(%dma_wait3A_237 : memref<50x48xf32, #tpu.memory_space<hbm>>)
        tpu.yield
      }) : () -> ()
    } else {
    }
    %add3A_189 = arith.constant 128 : i32
    %add3A_190 = arith.addi %add3A_189, %arg1 : i32
    %lt3A_191 = arith.constant 200 : i32
    %lt3A_192 = arith.cmpi slt, %add3A_190, %lt3A_191 : i32
    %convert_element_type3A_193 = arith.extui %lt3A_192 : i1 to i32
    %cond3A_194 = arith.constant 0 : i32
    %cond3A_195 = arith.cmpi ne, %convert_element_type3A_193, %cond3A_194 : i32
    scf.if %cond3A_195 {
      %mul3A_224 = arith.constant 50 : i32
      %mul3A_225 = arith.muli %add3A_190, %mul3A_224 : i32
      %mul3A_226 = arith.constant 10000 : i32
      %mul3A_227 = arith.muli %arg0, %mul3A_226 : i32
      %mul3A_228 = arith.constant 50 : i32
      %mul3A_229 = arith.muli %add3A_190, %mul3A_228 : i32
      %add3A_230 = arith.addi %mul3A_227, %mul3A_229 : i32
      "tpu.region"() ({
        %run_scoped3A_231 = tpu.sem_alloc : memref<!tpu.dma_semaphore, #tpu.memory_space<semaphore_mem>>
        %dma_start3A_232 = arith.constant 0 : i32
        %dma_start3A_233 = tpu.memref_slice %arg4[%add3A_230, %dma_start3A_232] : memref<20000x48xf32, #tpu.memory_space<hbm>> -> memref<50x48xf32, #tpu.memory_space<hbm>>
        %dma_start3A_234 = arith.constant 0 : i32
        %dma_start3A_235 = tpu.memref_slice %arg7[%mul3A_225, %dma_start3A_234] : memref<10000x48xf32, #tpu.memory_space<vmem_shared>> -> memref<50x48xf32, #tpu.memory_space<vmem_shared>>
        tpu.enqueue_dma source(%dma_start3A_235 : memref<50x48xf32, #tpu.memory_space<vmem_shared>>) target(%dma_start3A_233 : memref<50x48xf32, #tpu.memory_space<hbm>>) target_semaphore(%run_scoped3A_231 : memref<!tpu.dma_semaphore, #tpu.memory_space<semaphore_mem>>)
        %dma_wait3A_236 = arith.constant 0 : i32
        %dma_wait3A_237 = tpu.memref_slice %arg4[%add3A_230, %dma_wait3A_236] : memref<20000x48xf32, #tpu.memory_space<hbm>> -> memref<50x48xf32, #tpu.memory_space<hbm>>
        %dma_wait3A_238 = arith.constant 0 : i32
        %dma_wait3A_239 = tpu.memref_slice %arg7[%mul3A_225, %dma_wait3A_238] : memref<10000x48xf32, #tpu.memory_space<vmem_shared>> -> memref<50x48xf32, #tpu.memory_space<vmem_shared>>
        tpu.wait_dma2 semaphore(%run_scoped3A_231 : memref<!tpu.dma_semaphore, #tpu.memory_space<semaphore_mem>>) src(%dma_wait3A_239 : memref<50x48xf32, #tpu.memory_space<vmem_shared>>) dst(%dma_wait3A_237 : memref<50x48xf32, #tpu.memory_space<hbm>>)
        tpu.yield
      }) : () -> ()
    } else {
    }
    %add3A_196 = arith.constant 144 : i32
    %add3A_197 = arith.addi %add3A_196, %arg1 : i32
    %lt3A_198 = arith.constant 200 : i32
    %lt3A_199 = arith.cmpi slt, %add3A_197, %lt3A_198 : i32
    %convert_element_type3A_200 = arith.extui %lt3A_199 : i1 to i32
    %cond3A_201 = arith.constant 0 : i32
    %cond3A_202 = arith.cmpi ne, %convert_element_type3A_200, %cond3A_201 : i32
    scf.if %cond3A_202 {
      %mul3A_224 = arith.constant 50 : i32
      %mul3A_225 = arith.muli %add3A_197, %mul3A_224 : i32
      %mul3A_226 = arith.constant 10000 : i32
      %mul3A_227 = arith.muli %arg0, %mul3A_226 : i32
      %mul3A_228 = arith.constant 50 : i32
      %mul3A_229 = arith.muli %add3A_197, %mul3A_228 : i32
      %add3A_230 = arith.addi %mul3A_227, %mul3A_229 : i32
      "tpu.region"() ({
        %run_scoped3A_231 = tpu.sem_alloc : memref<!tpu.dma_semaphore, #tpu.memory_space<semaphore_mem>>
        %dma_start3A_232 = arith.constant 0 : i32
        %dma_start3A_233 = tpu.memref_slice %arg4[%add3A_230, %dma_start3A_232] : memref<20000x48xf32, #tpu.memory_space<hbm>> -> memref<50x48xf32, #tpu.memory_space<hbm>>
        %dma_start3A_234 = arith.constant 0 : i32
        %dma_start3A_235 = tpu.memref_slice %arg7[%mul3A_225, %dma_start3A_234] : memref<10000x48xf32, #tpu.memory_space<vmem_shared>> -> memref<50x48xf32, #tpu.memory_space<vmem_shared>>
        tpu.enqueue_dma source(%dma_start3A_235 : memref<50x48xf32, #tpu.memory_space<vmem_shared>>) target(%dma_start3A_233 : memref<50x48xf32, #tpu.memory_space<hbm>>) target_semaphore(%run_scoped3A_231 : memref<!tpu.dma_semaphore, #tpu.memory_space<semaphore_mem>>)
        %dma_wait3A_236 = arith.constant 0 : i32
        %dma_wait3A_237 = tpu.memref_slice %arg4[%add3A_230, %dma_wait3A_236] : memref<20000x48xf32, #tpu.memory_space<hbm>> -> memref<50x48xf32, #tpu.memory_space<hbm>>
        %dma_wait3A_238 = arith.constant 0 : i32
        %dma_wait3A_239 = tpu.memref_slice %arg7[%mul3A_225, %dma_wait3A_238] : memref<10000x48xf32, #tpu.memory_space<vmem_shared>> -> memref<50x48xf32, #tpu.memory_space<vmem_shared>>
        tpu.wait_dma2 semaphore(%run_scoped3A_231 : memref<!tpu.dma_semaphore, #tpu.memory_space<semaphore_mem>>) src(%dma_wait3A_239 : memref<50x48xf32, #tpu.memory_space<vmem_shared>>) dst(%dma_wait3A_237 : memref<50x48xf32, #tpu.memory_space<hbm>>)
        tpu.yield
      }) : () -> ()
    } else {
    }
    %add3A_203 = arith.constant 160 : i32
    %add3A_204 = arith.addi %add3A_203, %arg1 : i32
    %lt3A_205 = arith.constant 200 : i32
    %lt3A_206 = arith.cmpi slt, %add3A_204, %lt3A_205 : i32
    %convert_element_type3A_207 = arith.extui %lt3A_206 : i1 to i32
    %cond3A_208 = arith.constant 0 : i32
    %cond3A_209 = arith.cmpi ne, %convert_element_type3A_207, %cond3A_208 : i32
    scf.if %cond3A_209 {
      %mul3A_224 = arith.constant 50 : i32
      %mul3A_225 = arith.muli %add3A_204, %mul3A_224 : i32
      %mul3A_226 = arith.constant 10000 : i32
      %mul3A_227 = arith.muli %arg0, %mul3A_226 : i32
      %mul3A_228 = arith.constant 50 : i32
      %mul3A_229 = arith.muli %add3A_204, %mul3A_228 : i32
      %add3A_230 = arith.addi %mul3A_227, %mul3A_229 : i32
      "tpu.region"() ({
        %run_scoped3A_231 = tpu.sem_alloc : memref<!tpu.dma_semaphore, #tpu.memory_space<semaphore_mem>>
        %dma_start3A_232 = arith.constant 0 : i32
        %dma_start3A_233 = tpu.memref_slice %arg4[%add3A_230, %dma_start3A_232] : memref<20000x48xf32, #tpu.memory_space<hbm>> -> memref<50x48xf32, #tpu.memory_space<hbm>>
        %dma_start3A_234 = arith.constant 0 : i32
        %dma_start3A_235 = tpu.memref_slice %arg7[%mul3A_225, %dma_start3A_234] : memref<10000x48xf32, #tpu.memory_space<vmem_shared>> -> memref<50x48xf32, #tpu.memory_space<vmem_shared>>
        tpu.enqueue_dma source(%dma_start3A_235 : memref<50x48xf32, #tpu.memory_space<vmem_shared>>) target(%dma_start3A_233 : memref<50x48xf32, #tpu.memory_space<hbm>>) target_semaphore(%run_scoped3A_231 : memref<!tpu.dma_semaphore, #tpu.memory_space<semaphore_mem>>)
        %dma_wait3A_236 = arith.constant 0 : i32
        %dma_wait3A_237 = tpu.memref_slice %arg4[%add3A_230, %dma_wait3A_236] : memref<20000x48xf32, #tpu.memory_space<hbm>> -> memref<50x48xf32, #tpu.memory_space<hbm>>
        %dma_wait3A_238 = arith.constant 0 : i32
        %dma_wait3A_239 = tpu.memref_slice %arg7[%mul3A_225, %dma_wait3A_238] : memref<10000x48xf32, #tpu.memory_space<vmem_shared>> -> memref<50x48xf32, #tpu.memory_space<vmem_shared>>
        tpu.wait_dma2 semaphore(%run_scoped3A_231 : memref<!tpu.dma_semaphore, #tpu.memory_space<semaphore_mem>>) src(%dma_wait3A_239 : memref<50x48xf32, #tpu.memory_space<vmem_shared>>) dst(%dma_wait3A_237 : memref<50x48xf32, #tpu.memory_space<hbm>>)
        tpu.yield
      }) : () -> ()
    } else {
    }
    %add3A_210 = arith.constant 176 : i32
    %add3A_211 = arith.addi %add3A_210, %arg1 : i32
    %lt3A_212 = arith.constant 200 : i32
    %lt3A_213 = arith.cmpi slt, %add3A_211, %lt3A_212 : i32
    %convert_element_type3A_214 = arith.extui %lt3A_213 : i1 to i32
    %cond3A_215 = arith.constant 0 : i32
    %cond3A_216 = arith.cmpi ne, %convert_element_type3A_214, %cond3A_215 : i32
    scf.if %cond3A_216 {
      %mul3A_224 = arith.constant 50 : i32
      %mul3A_225 = arith.muli %add3A_211, %mul3A_224 : i32
      %mul3A_226 = arith.constant 10000 : i32
      %mul3A_227 = arith.muli %arg0, %mul3A_226 : i32
      %mul3A_228 = arith.constant 50 : i32
      %mul3A_229 = arith.muli %add3A_211, %mul3A_228 : i32
      %add3A_230 = arith.addi %mul3A_227, %mul3A_229 : i32
      "tpu.region"() ({
        %run_scoped3A_231 = tpu.sem_alloc : memref<!tpu.dma_semaphore, #tpu.memory_space<semaphore_mem>>
        %dma_start3A_232 = arith.constant 0 : i32
        %dma_start3A_233 = tpu.memref_slice %arg4[%add3A_230, %dma_start3A_232] : memref<20000x48xf32, #tpu.memory_space<hbm>> -> memref<50x48xf32, #tpu.memory_space<hbm>>
        %dma_start3A_234 = arith.constant 0 : i32
        %dma_start3A_235 = tpu.memref_slice %arg7[%mul3A_225, %dma_start3A_234] : memref<10000x48xf32, #tpu.memory_space<vmem_shared>> -> memref<50x48xf32, #tpu.memory_space<vmem_shared>>
        tpu.enqueue_dma source(%dma_start3A_235 : memref<50x48xf32, #tpu.memory_space<vmem_shared>>) target(%dma_start3A_233 : memref<50x48xf32, #tpu.memory_space<hbm>>) target_semaphore(%run_scoped3A_231 : memref<!tpu.dma_semaphore, #tpu.memory_space<semaphore_mem>>)
        %dma_wait3A_236 = arith.constant 0 : i32
        %dma_wait3A_237 = tpu.memref_slice %arg4[%add3A_230, %dma_wait3A_236] : memref<20000x48xf32, #tpu.memory_space<hbm>> -> memref<50x48xf32, #tpu.memory_space<hbm>>
        %dma_wait3A_238 = arith.constant 0 : i32
        %dma_wait3A_239 = tpu.memref_slice %arg7[%mul3A_225, %dma_wait3A_238] : memref<10000x48xf32, #tpu.memory_space<vmem_shared>> -> memref<50x48xf32, #tpu.memory_space<vmem_shared>>
        tpu.wait_dma2 semaphore(%run_scoped3A_231 : memref<!tpu.dma_semaphore, #tpu.memory_space<semaphore_mem>>) src(%dma_wait3A_239 : memref<50x48xf32, #tpu.memory_space<vmem_shared>>) dst(%dma_wait3A_237 : memref<50x48xf32, #tpu.memory_space<hbm>>)
        tpu.yield
      }) : () -> ()
    } else {
    }
    %add3A_217 = arith.constant 192 : i32
    %add3A_218 = arith.addi %add3A_217, %arg1 : i32
    %lt3A_219 = arith.constant 200 : i32
    %lt3A_220 = arith.cmpi slt, %add3A_218, %lt3A_219 : i32
    %convert_element_type3A_221 = arith.extui %lt3A_220 : i1 to i32
    %cond3A_222 = arith.constant 0 : i32
    %cond3A_223 = arith.cmpi ne, %convert_element_type3A_221, %cond3A_222 : i32
    scf.if %cond3A_223 {
      %mul3A_224 = arith.constant 50 : i32
      %mul3A_225 = arith.muli %add3A_218, %mul3A_224 : i32
      %mul3A_226 = arith.constant 10000 : i32
      %mul3A_227 = arith.muli %arg0, %mul3A_226 : i32
      %mul3A_228 = arith.constant 50 : i32
      %mul3A_229 = arith.muli %add3A_218, %mul3A_228 : i32
      %add3A_230 = arith.addi %mul3A_227, %mul3A_229 : i32
      "tpu.region"() ({
        %run_scoped3A_231 = tpu.sem_alloc : memref<!tpu.dma_semaphore, #tpu.memory_space<semaphore_mem>>
        %dma_start3A_232 = arith.constant 0 : i32
        %dma_start3A_233 = tpu.memref_slice %arg4[%add3A_230, %dma_start3A_232] : memref<20000x48xf32, #tpu.memory_space<hbm>> -> memref<50x48xf32, #tpu.memory_space<hbm>>
        %dma_start3A_234 = arith.constant 0 : i32
        %dma_start3A_235 = tpu.memref_slice %arg7[%mul3A_225, %dma_start3A_234] : memref<10000x48xf32, #tpu.memory_space<vmem_shared>> -> memref<50x48xf32, #tpu.memory_space<vmem_shared>>
        tpu.enqueue_dma source(%dma_start3A_235 : memref<50x48xf32, #tpu.memory_space<vmem_shared>>) target(%dma_start3A_233 : memref<50x48xf32, #tpu.memory_space<hbm>>) target_semaphore(%run_scoped3A_231 : memref<!tpu.dma_semaphore, #tpu.memory_space<semaphore_mem>>)
        %dma_wait3A_236 = arith.constant 0 : i32
        %dma_wait3A_237 = tpu.memref_slice %arg4[%add3A_230, %dma_wait3A_236] : memref<20000x48xf32, #tpu.memory_space<hbm>> -> memref<50x48xf32, #tpu.memory_space<hbm>>
        %dma_wait3A_238 = arith.constant 0 : i32
        %dma_wait3A_239 = tpu.memref_slice %arg7[%mul3A_225, %dma_wait3A_238] : memref<10000x48xf32, #tpu.memory_space<vmem_shared>> -> memref<50x48xf32, #tpu.memory_space<vmem_shared>>
        tpu.wait_dma2 semaphore(%run_scoped3A_231 : memref<!tpu.dma_semaphore, #tpu.memory_space<semaphore_mem>>) src(%dma_wait3A_239 : memref<50x48xf32, #tpu.memory_space<vmem_shared>>) dst(%dma_wait3A_237 : memref<50x48xf32, #tpu.memory_space<hbm>>)
        tpu.yield
      }) : () -> ()
    } else {
    }
    return
  }
}

#map = affine_map<(d0, d1) -> (0, 0)>
#map1 = affine_map<(d0, d1) -> (0, 0, 0)>
module attributes {stable_mosaic.version = 14 : i64} {
  func.func @k(%arg0: i32, %arg1: i32, %arg2: memref<10000x128xf32, #tpu.memory_space<hbm>>, %arg3: memref<2x6400x50xi32, #tpu.memory_space<hbm>>, %arg4: memref<20000x128xf32, #tpu.memory_space<hbm>>, %arg5: memref<200x50xi32, #tpu.memory_space<vmem>>, %arg6: memref<200x50xi32, #tpu.memory_space<vmem>>, %arg7: memref<10000x128xf32, #tpu.memory_space<vmem_shared>>, %arg8: memref<50x128xf32, #tpu.memory_space<vmem>>, %arg9: memref<50x128xf32, #tpu.memory_space<vmem>>, %arg10: memref<50x128xf32, #tpu.memory_space<vmem>>, %arg11: memref<50x128xf32, #tpu.memory_space<vmem>>, %arg12: memref<!tpu.dma_semaphore, #tpu.memory_space<semaphore_mem>>, %arg13: memref<!tpu.dma_semaphore, #tpu.memory_space<semaphore_mem>>, %arg14: memref<!tpu.dma_semaphore, #tpu.memory_space<semaphore_mem>>, %arg15: memref<!tpu.dma_semaphore, #tpu.memory_space<semaphore_mem>>, %arg16: memref<!tpu.dma_semaphore, #tpu.memory_space<semaphore_mem>>, %arg17: memref<!tpu.dma_semaphore, #tpu.memory_space<semaphore_mem>>, %arg18: memref<!tpu.dma_semaphore, #tpu.memory_space<semaphore_mem>>, %arg19: memref<!tpu.dma_semaphore, #tpu.memory_space<semaphore_mem>>) attributes {dimension_semantics = [#tpu.dimension_semantics<core_parallel>, #tpu.dimension_semantics<subcore_parallel>], iteration_bounds = array<i64: 2, 16>, scalar_prefetch = 0 : i64, scratch_operands = 15 : i64, tpu.core_type = #tpu.core_type<sc_vector_subcore>, window_params = [{transform_indices = #map}, {transform_indices = #map1}, {transform_indices = #map}]} {
    %broadcast_in_dim3A = arith.constant 0.000000e+00 : f32
    %broadcast_in_dim3A_0 = vector.broadcast %broadcast_in_dim3A : f32 to vector<16xf32>
    %scan3A = arith.constant 0 : i32
    %scan3A_1 = arith.constant 0 : i32
    %scan3A_2 = arith.constant 400 : i32
    %scan3A_3 = arith.addi %scan3A_1, %scan3A_2 : i32
    %scan3A_4 = arith.constant 1 : i32
    %scan3A_5 = scf.for %scan3A_224 = %scan3A_1 to %scan3A_3 step %scan3A_4 iter_args(%scan3A_225 = %scan3A) -> (i32)  : i32 {
      %jit3A = arith.constant 8 : i32
      %div3A = arith.divsi %scan3A_224, %jit3A : i32
      %sign3A = arith.constant 0 : i32
      %sign3A_226 = arith.cmpi sgt, %scan3A_224, %sign3A : i32
      %sign3A_227 = arith.extui %sign3A_226 : i1 to i32
      %sign3A_228 = arith.constant 0 : i32
      %sign3A_229 = arith.cmpi slt, %scan3A_224, %sign3A_228 : i32
      %sign3A_230 = arith.extui %sign3A_229 : i1 to i32
      %sign3A_231 = arith.subi %sign3A_227, %sign3A_230 : i32
      %sign3A_232 = arith.constant 0 : i32
      %sign3A_233 = arith.cmpi sgt, %jit3A, %sign3A_232 : i32
      %sign3A_234 = arith.extui %sign3A_233 : i1 to i32
      %sign3A_235 = arith.constant 0 : i32
      %sign3A_236 = arith.cmpi slt, %jit3A, %sign3A_235 : i32
      %sign3A_237 = arith.extui %sign3A_236 : i1 to i32
      %sign3A_238 = arith.subi %sign3A_234, %sign3A_237 : i32
      %ne3A = arith.cmpi ne, %sign3A_231, %sign3A_238 : i32
      %rem3A = arith.remsi %scan3A_224, %jit3A : i32
      %ne3A_239 = arith.constant 0 : i32
      %ne3A_240 = arith.cmpi ne, %rem3A, %ne3A_239 : i32
      %and3A = arith.andi %ne3A, %ne3A_240 : i1
      %sub3A = arith.constant 1 : i32
      %sub3A_241 = arith.subi %div3A, %sub3A : i32
      %select_n3A = arith.select %and3A, %sub3A_241, %div3A : i32
      %jit3A_242 = arith.constant 8 : i32
      %eq3A = arith.constant 0 : i32
      %eq3A_243 = arith.cmpi eq, %jit3A_242, %eq3A : i32
      %jit3A_244 = arith.constant 1 : i32
      %select_n3A_245 = arith.select %eq3A_243, %jit3A_244, %jit3A_242 : i32
      %rem3A_246 = arith.remsi %scan3A_224, %select_n3A_245 : i32
      %ne3A_247 = arith.constant 0 : i32
      %ne3A_248 = arith.cmpi ne, %rem3A_246, %ne3A_247 : i32
      %lt3A_249 = arith.constant 0 : i32
      %lt3A_250 = arith.cmpi slt, %rem3A_246, %lt3A_249 : i32
      %lt3A_251 = arith.constant 0 : i32
      %lt3A_252 = arith.cmpi slt, %select_n3A_245, %lt3A_251 : i32
      %ne3A_253 = arith.xori %lt3A_250, %lt3A_252 : i1
      %and3A_254 = arith.andi %ne3A_253, %ne3A_248 : i1
      %add3A_255 = arith.addi %rem3A_246, %select_n3A_245 : i32
      %select_n3A_256 = arith.select %and3A_254, %add3A_255, %rem3A_246 : i32
      %mul3A_257 = arith.constant 16 : i32
      %mul3A_258 = arith.muli %select_n3A_256, %mul3A_257 : i32
      %swap3A = arith.index_cast %select_n3A : i32 to index
      %swap3A_259 = arith.index_cast %mul3A_258 : i32 to index
      %swap3A_260 = tpu.vector_load %arg8[%swap3A, %swap3A_259] {strides = array<i32>} : memref<50x128xf32, #tpu.memory_space<vmem>>, vector<1x16xf32>,
      %swap3A_261 = vector.shape_cast %swap3A_260 : vector<1x16xf32> to vector<16xf32>
      %swap3A_262 = vector.shape_cast %broadcast_in_dim3A_0 : vector<16xf32> to vector<1x16xf32>
      tpu.vector_store %arg8[%swap3A, %swap3A_259], %swap3A_262 {strides = array<i32>} : memref<50x128xf32, #tpu.memory_space<vmem>>, vector<1x16xf32>,
      %scan3A_263 = arith.constant 0 : i32
      scf.yield %scan3A_263 : i32
    }
    %scan3A_6 = arith.constant 400 : i32
    %add3A = arith.constant 0 : i32
    %add3A_7 = arith.addi %add3A, %arg1 : i32
    %lt3A = arith.constant 200 : i32
    %lt3A_8 = arith.cmpi slt, %add3A_7, %lt3A : i32
    %convert_element_type3A = arith.extui %lt3A_8 : i1 to i32
    %cond3A = arith.constant 0 : i32
    %cond3A_9 = arith.cmpi ne, %convert_element_type3A, %cond3A : i32
    scf.if %cond3A_9 {
      %mul3A_224 = arith.constant 50 : i32
      %mul3A_225 = arith.muli %add3A_7, %mul3A_224 : i32
      "tpu.region"() ({
        %run_scoped3A_226 = tpu.sem_alloc : memref<!tpu.dma_semaphore, #tpu.memory_space<semaphore_mem>>
        %dma_start3A_227 = arith.constant 0 : i32
        %dma_start3A_228 = tpu.memref_slice %arg7[%mul3A_225, %dma_start3A_227] : memref<10000x128xf32, #tpu.memory_space<vmem_shared>> -> memref<50x128xf32, #tpu.memory_space<vmem_shared>>
        %dma_start3A_229 = arith.constant 0 : i32
        %dma_start3A_230 = tpu.memref_slice %arg7[%mul3A_225, %dma_start3A_229] : memref<10000x128xf32, #tpu.memory_space<vmem_shared>> -> memref<50x128xf32, #tpu.memory_space<vmem_shared>>
        tpu.enqueue_dma source(%arg8 : memref<50x128xf32, #tpu.memory_space<vmem>>) target(%dma_start3A_230 : memref<50x128xf32, #tpu.memory_space<vmem_shared>>) target_semaphore(%run_scoped3A_226 : memref<!tpu.dma_semaphore, #tpu.memory_space<semaphore_mem>>)
        %dma_wait3A_231 = arith.constant 0 : i32
        %dma_wait3A_232 = tpu.memref_slice %arg7[%mul3A_225, %dma_wait3A_231] : memref<10000x128xf32, #tpu.memory_space<vmem_shared>> -> memref<50x128xf32, #tpu.memory_space<vmem_shared>>
        %dma_wait3A_233 = arith.constant 0 : i32
        %dma_wait3A_234 = tpu.memref_slice %arg7[%mul3A_225, %dma_wait3A_233] : memref<10000x128xf32, #tpu.memory_space<vmem_shared>> -> memref<50x128xf32, #tpu.memory_space<vmem_shared>>
        tpu.wait_dma2 semaphore(%run_scoped3A_226 : memref<!tpu.dma_semaphore, #tpu.memory_space<semaphore_mem>>) src(%arg8 : memref<50x128xf32, #tpu.memory_space<vmem>>) dst(%dma_wait3A_234 : memref<50x128xf32, #tpu.memory_space<vmem_shared>>)
        tpu.yield
      }) : () -> ()
    } else {
    }
    %add3A_10 = arith.constant 16 : i32
    %add3A_11 = arith.addi %add3A_10, %arg1 : i32
    %lt3A_12 = arith.constant 200 : i32
    %lt3A_13 = arith.cmpi slt, %add3A_11, %lt3A_12 : i32
    %convert_element_type3A_14 = arith.extui %lt3A_13 : i1 to i32
    %cond3A_15 = arith.constant 0 : i32
    %cond3A_16 = arith.cmpi ne, %convert_element_type3A_14, %cond3A_15 : i32
    scf.if %cond3A_16 {
      %mul3A_224 = arith.constant 50 : i32
      %mul3A_225 = arith.muli %add3A_11, %mul3A_224 : i32
      "tpu.region"() ({
        %run_scoped3A_226 = tpu.sem_alloc : memref<!tpu.dma_semaphore, #tpu.memory_space<semaphore_mem>>
        %dma_start3A_227 = arith.constant 0 : i32
        %dma_start3A_228 = tpu.memref_slice %arg7[%mul3A_225, %dma_start3A_227] : memref<10000x128xf32, #tpu.memory_space<vmem_shared>> -> memref<50x128xf32, #tpu.memory_space<vmem_shared>>
        %dma_start3A_229 = arith.constant 0 : i32
        %dma_start3A_230 = tpu.memref_slice %arg7[%mul3A_225, %dma_start3A_229] : memref<10000x128xf32, #tpu.memory_space<vmem_shared>> -> memref<50x128xf32, #tpu.memory_space<vmem_shared>>
        tpu.enqueue_dma source(%arg8 : memref<50x128xf32, #tpu.memory_space<vmem>>) target(%dma_start3A_230 : memref<50x128xf32, #tpu.memory_space<vmem_shared>>) target_semaphore(%run_scoped3A_226 : memref<!tpu.dma_semaphore, #tpu.memory_space<semaphore_mem>>)
        %dma_wait3A_231 = arith.constant 0 : i32
        %dma_wait3A_232 = tpu.memref_slice %arg7[%mul3A_225, %dma_wait3A_231] : memref<10000x128xf32, #tpu.memory_space<vmem_shared>> -> memref<50x128xf32, #tpu.memory_space<vmem_shared>>
        %dma_wait3A_233 = arith.constant 0 : i32
        %dma_wait3A_234 = tpu.memref_slice %arg7[%mul3A_225, %dma_wait3A_233] : memref<10000x128xf32, #tpu.memory_space<vmem_shared>> -> memref<50x128xf32, #tpu.memory_space<vmem_shared>>
        tpu.wait_dma2 semaphore(%run_scoped3A_226 : memref<!tpu.dma_semaphore, #tpu.memory_space<semaphore_mem>>) src(%arg8 : memref<50x128xf32, #tpu.memory_space<vmem>>) dst(%dma_wait3A_234 : memref<50x128xf32, #tpu.memory_space<vmem_shared>>)
        tpu.yield
      }) : () -> ()
    } else {
    }
    %add3A_17 = arith.constant 32 : i32
    %add3A_18 = arith.addi %add3A_17, %arg1 : i32
    %lt3A_19 = arith.constant 200 : i32
    %lt3A_20 = arith.cmpi slt, %add3A_18, %lt3A_19 : i32
    %convert_element_type3A_21 = arith.extui %lt3A_20 : i1 to i32
    %cond3A_22 = arith.constant 0 : i32
    %cond3A_23 = arith.cmpi ne, %convert_element_type3A_21, %cond3A_22 : i32
    scf.if %cond3A_23 {
      %mul3A_224 = arith.constant 50 : i32
      %mul3A_225 = arith.muli %add3A_18, %mul3A_224 : i32
      "tpu.region"() ({
        %run_scoped3A_226 = tpu.sem_alloc : memref<!tpu.dma_semaphore, #tpu.memory_space<semaphore_mem>>
        %dma_start3A_227 = arith.constant 0 : i32
        %dma_start3A_228 = tpu.memref_slice %arg7[%mul3A_225, %dma_start3A_227] : memref<10000x128xf32, #tpu.memory_space<vmem_shared>> -> memref<50x128xf32, #tpu.memory_space<vmem_shared>>
        %dma_start3A_229 = arith.constant 0 : i32
        %dma_start3A_230 = tpu.memref_slice %arg7[%mul3A_225, %dma_start3A_229] : memref<10000x128xf32, #tpu.memory_space<vmem_shared>> -> memref<50x128xf32, #tpu.memory_space<vmem_shared>>
        tpu.enqueue_dma source(%arg8 : memref<50x128xf32, #tpu.memory_space<vmem>>) target(%dma_start3A_230 : memref<50x128xf32, #tpu.memory_space<vmem_shared>>) target_semaphore(%run_scoped3A_226 : memref<!tpu.dma_semaphore, #tpu.memory_space<semaphore_mem>>)
        %dma_wait3A_231 = arith.constant 0 : i32
        %dma_wait3A_232 = tpu.memref_slice %arg7[%mul3A_225, %dma_wait3A_231] : memref<10000x128xf32, #tpu.memory_space<vmem_shared>> -> memref<50x128xf32, #tpu.memory_space<vmem_shared>>
        %dma_wait3A_233 = arith.constant 0 : i32
        %dma_wait3A_234 = tpu.memref_slice %arg7[%mul3A_225, %dma_wait3A_233] : memref<10000x128xf32, #tpu.memory_space<vmem_shared>> -> memref<50x128xf32, #tpu.memory_space<vmem_shared>>
        tpu.wait_dma2 semaphore(%run_scoped3A_226 : memref<!tpu.dma_semaphore, #tpu.memory_space<semaphore_mem>>) src(%arg8 : memref<50x128xf32, #tpu.memory_space<vmem>>) dst(%dma_wait3A_234 : memref<50x128xf32, #tpu.memory_space<vmem_shared>>)
        tpu.yield
      }) : () -> ()
    } else {
    }
    %add3A_24 = arith.constant 48 : i32
    %add3A_25 = arith.addi %add3A_24, %arg1 : i32
    %lt3A_26 = arith.constant 200 : i32
    %lt3A_27 = arith.cmpi slt, %add3A_25, %lt3A_26 : i32
    %convert_element_type3A_28 = arith.extui %lt3A_27 : i1 to i32
    %cond3A_29 = arith.constant 0 : i32
    %cond3A_30 = arith.cmpi ne, %convert_element_type3A_28, %cond3A_29 : i32
    scf.if %cond3A_30 {
      %mul3A_224 = arith.constant 50 : i32
      %mul3A_225 = arith.muli %add3A_25, %mul3A_224 : i32
      "tpu.region"() ({
        %run_scoped3A_226 = tpu.sem_alloc : memref<!tpu.dma_semaphore, #tpu.memory_space<semaphore_mem>>
        %dma_start3A_227 = arith.constant 0 : i32
        %dma_start3A_228 = tpu.memref_slice %arg7[%mul3A_225, %dma_start3A_227] : memref<10000x128xf32, #tpu.memory_space<vmem_shared>> -> memref<50x128xf32, #tpu.memory_space<vmem_shared>>
        %dma_start3A_229 = arith.constant 0 : i32
        %dma_start3A_230 = tpu.memref_slice %arg7[%mul3A_225, %dma_start3A_229] : memref<10000x128xf32, #tpu.memory_space<vmem_shared>> -> memref<50x128xf32, #tpu.memory_space<vmem_shared>>
        tpu.enqueue_dma source(%arg8 : memref<50x128xf32, #tpu.memory_space<vmem>>) target(%dma_start3A_230 : memref<50x128xf32, #tpu.memory_space<vmem_shared>>) target_semaphore(%run_scoped3A_226 : memref<!tpu.dma_semaphore, #tpu.memory_space<semaphore_mem>>)
        %dma_wait3A_231 = arith.constant 0 : i32
        %dma_wait3A_232 = tpu.memref_slice %arg7[%mul3A_225, %dma_wait3A_231] : memref<10000x128xf32, #tpu.memory_space<vmem_shared>> -> memref<50x128xf32, #tpu.memory_space<vmem_shared>>
        %dma_wait3A_233 = arith.constant 0 : i32
        %dma_wait3A_234 = tpu.memref_slice %arg7[%mul3A_225, %dma_wait3A_233] : memref<10000x128xf32, #tpu.memory_space<vmem_shared>> -> memref<50x128xf32, #tpu.memory_space<vmem_shared>>
        tpu.wait_dma2 semaphore(%run_scoped3A_226 : memref<!tpu.dma_semaphore, #tpu.memory_space<semaphore_mem>>) src(%arg8 : memref<50x128xf32, #tpu.memory_space<vmem>>) dst(%dma_wait3A_234 : memref<50x128xf32, #tpu.memory_space<vmem_shared>>)
        tpu.yield
      }) : () -> ()
    } else {
    }
    %add3A_31 = arith.constant 64 : i32
    %add3A_32 = arith.addi %add3A_31, %arg1 : i32
    %lt3A_33 = arith.constant 200 : i32
    %lt3A_34 = arith.cmpi slt, %add3A_32, %lt3A_33 : i32
    %convert_element_type3A_35 = arith.extui %lt3A_34 : i1 to i32
    %cond3A_36 = arith.constant 0 : i32
    %cond3A_37 = arith.cmpi ne, %convert_element_type3A_35, %cond3A_36 : i32
    scf.if %cond3A_37 {
      %mul3A_224 = arith.constant 50 : i32
      %mul3A_225 = arith.muli %add3A_32, %mul3A_224 : i32
      "tpu.region"() ({
        %run_scoped3A_226 = tpu.sem_alloc : memref<!tpu.dma_semaphore, #tpu.memory_space<semaphore_mem>>
        %dma_start3A_227 = arith.constant 0 : i32
        %dma_start3A_228 = tpu.memref_slice %arg7[%mul3A_225, %dma_start3A_227] : memref<10000x128xf32, #tpu.memory_space<vmem_shared>> -> memref<50x128xf32, #tpu.memory_space<vmem_shared>>
        %dma_start3A_229 = arith.constant 0 : i32
        %dma_start3A_230 = tpu.memref_slice %arg7[%mul3A_225, %dma_start3A_229] : memref<10000x128xf32, #tpu.memory_space<vmem_shared>> -> memref<50x128xf32, #tpu.memory_space<vmem_shared>>
        tpu.enqueue_dma source(%arg8 : memref<50x128xf32, #tpu.memory_space<vmem>>) target(%dma_start3A_230 : memref<50x128xf32, #tpu.memory_space<vmem_shared>>) target_semaphore(%run_scoped3A_226 : memref<!tpu.dma_semaphore, #tpu.memory_space<semaphore_mem>>)
        %dma_wait3A_231 = arith.constant 0 : i32
        %dma_wait3A_232 = tpu.memref_slice %arg7[%mul3A_225, %dma_wait3A_231] : memref<10000x128xf32, #tpu.memory_space<vmem_shared>> -> memref<50x128xf32, #tpu.memory_space<vmem_shared>>
        %dma_wait3A_233 = arith.constant 0 : i32
        %dma_wait3A_234 = tpu.memref_slice %arg7[%mul3A_225, %dma_wait3A_233] : memref<10000x128xf32, #tpu.memory_space<vmem_shared>> -> memref<50x128xf32, #tpu.memory_space<vmem_shared>>
        tpu.wait_dma2 semaphore(%run_scoped3A_226 : memref<!tpu.dma_semaphore, #tpu.memory_space<semaphore_mem>>) src(%arg8 : memref<50x128xf32, #tpu.memory_space<vmem>>) dst(%dma_wait3A_234 : memref<50x128xf32, #tpu.memory_space<vmem_shared>>)
        tpu.yield
      }) : () -> ()
    } else {
    }
    %add3A_38 = arith.constant 80 : i32
    %add3A_39 = arith.addi %add3A_38, %arg1 : i32
    %lt3A_40 = arith.constant 200 : i32
    %lt3A_41 = arith.cmpi slt, %add3A_39, %lt3A_40 : i32
    %convert_element_type3A_42 = arith.extui %lt3A_41 : i1 to i32
    %cond3A_43 = arith.constant 0 : i32
    %cond3A_44 = arith.cmpi ne, %convert_element_type3A_42, %cond3A_43 : i32
    scf.if %cond3A_44 {
      %mul3A_224 = arith.constant 50 : i32
      %mul3A_225 = arith.muli %add3A_39, %mul3A_224 : i32
      "tpu.region"() ({
        %run_scoped3A_226 = tpu.sem_alloc : memref<!tpu.dma_semaphore, #tpu.memory_space<semaphore_mem>>
        %dma_start3A_227 = arith.constant 0 : i32
        %dma_start3A_228 = tpu.memref_slice %arg7[%mul3A_225, %dma_start3A_227] : memref<10000x128xf32, #tpu.memory_space<vmem_shared>> -> memref<50x128xf32, #tpu.memory_space<vmem_shared>>
        %dma_start3A_229 = arith.constant 0 : i32
        %dma_start3A_230 = tpu.memref_slice %arg7[%mul3A_225, %dma_start3A_229] : memref<10000x128xf32, #tpu.memory_space<vmem_shared>> -> memref<50x128xf32, #tpu.memory_space<vmem_shared>>
        tpu.enqueue_dma source(%arg8 : memref<50x128xf32, #tpu.memory_space<vmem>>) target(%dma_start3A_230 : memref<50x128xf32, #tpu.memory_space<vmem_shared>>) target_semaphore(%run_scoped3A_226 : memref<!tpu.dma_semaphore, #tpu.memory_space<semaphore_mem>>)
        %dma_wait3A_231 = arith.constant 0 : i32
        %dma_wait3A_232 = tpu.memref_slice %arg7[%mul3A_225, %dma_wait3A_231] : memref<10000x128xf32, #tpu.memory_space<vmem_shared>> -> memref<50x128xf32, #tpu.memory_space<vmem_shared>>
        %dma_wait3A_233 = arith.constant 0 : i32
        %dma_wait3A_234 = tpu.memref_slice %arg7[%mul3A_225, %dma_wait3A_233] : memref<10000x128xf32, #tpu.memory_space<vmem_shared>> -> memref<50x128xf32, #tpu.memory_space<vmem_shared>>
        tpu.wait_dma2 semaphore(%run_scoped3A_226 : memref<!tpu.dma_semaphore, #tpu.memory_space<semaphore_mem>>) src(%arg8 : memref<50x128xf32, #tpu.memory_space<vmem>>) dst(%dma_wait3A_234 : memref<50x128xf32, #tpu.memory_space<vmem_shared>>)
        tpu.yield
      }) : () -> ()
    } else {
    }
    %add3A_45 = arith.constant 96 : i32
    %add3A_46 = arith.addi %add3A_45, %arg1 : i32
    %lt3A_47 = arith.constant 200 : i32
    %lt3A_48 = arith.cmpi slt, %add3A_46, %lt3A_47 : i32
    %convert_element_type3A_49 = arith.extui %lt3A_48 : i1 to i32
    %cond3A_50 = arith.constant 0 : i32
    %cond3A_51 = arith.cmpi ne, %convert_element_type3A_49, %cond3A_50 : i32
    scf.if %cond3A_51 {
      %mul3A_224 = arith.constant 50 : i32
      %mul3A_225 = arith.muli %add3A_46, %mul3A_224 : i32
      "tpu.region"() ({
        %run_scoped3A_226 = tpu.sem_alloc : memref<!tpu.dma_semaphore, #tpu.memory_space<semaphore_mem>>
        %dma_start3A_227 = arith.constant 0 : i32
        %dma_start3A_228 = tpu.memref_slice %arg7[%mul3A_225, %dma_start3A_227] : memref<10000x128xf32, #tpu.memory_space<vmem_shared>> -> memref<50x128xf32, #tpu.memory_space<vmem_shared>>
        %dma_start3A_229 = arith.constant 0 : i32
        %dma_start3A_230 = tpu.memref_slice %arg7[%mul3A_225, %dma_start3A_229] : memref<10000x128xf32, #tpu.memory_space<vmem_shared>> -> memref<50x128xf32, #tpu.memory_space<vmem_shared>>
        tpu.enqueue_dma source(%arg8 : memref<50x128xf32, #tpu.memory_space<vmem>>) target(%dma_start3A_230 : memref<50x128xf32, #tpu.memory_space<vmem_shared>>) target_semaphore(%run_scoped3A_226 : memref<!tpu.dma_semaphore, #tpu.memory_space<semaphore_mem>>)
        %dma_wait3A_231 = arith.constant 0 : i32
        %dma_wait3A_232 = tpu.memref_slice %arg7[%mul3A_225, %dma_wait3A_231] : memref<10000x128xf32, #tpu.memory_space<vmem_shared>> -> memref<50x128xf32, #tpu.memory_space<vmem_shared>>
        %dma_wait3A_233 = arith.constant 0 : i32
        %dma_wait3A_234 = tpu.memref_slice %arg7[%mul3A_225, %dma_wait3A_233] : memref<10000x128xf32, #tpu.memory_space<vmem_shared>> -> memref<50x128xf32, #tpu.memory_space<vmem_shared>>
        tpu.wait_dma2 semaphore(%run_scoped3A_226 : memref<!tpu.dma_semaphore, #tpu.memory_space<semaphore_mem>>) src(%arg8 : memref<50x128xf32, #tpu.memory_space<vmem>>) dst(%dma_wait3A_234 : memref<50x128xf32, #tpu.memory_space<vmem_shared>>)
        tpu.yield
      }) : () -> ()
    } else {
    }
    %add3A_52 = arith.constant 112 : i32
    %add3A_53 = arith.addi %add3A_52, %arg1 : i32
    %lt3A_54 = arith.constant 200 : i32
    %lt3A_55 = arith.cmpi slt, %add3A_53, %lt3A_54 : i32
    %convert_element_type3A_56 = arith.extui %lt3A_55 : i1 to i32
    %cond3A_57 = arith.constant 0 : i32
    %cond3A_58 = arith.cmpi ne, %convert_element_type3A_56, %cond3A_57 : i32
    scf.if %cond3A_58 {
      %mul3A_224 = arith.constant 50 : i32
      %mul3A_225 = arith.muli %add3A_53, %mul3A_224 : i32
      "tpu.region"() ({
        %run_scoped3A_226 = tpu.sem_alloc : memref<!tpu.dma_semaphore, #tpu.memory_space<semaphore_mem>>
        %dma_start3A_227 = arith.constant 0 : i32
        %dma_start3A_228 = tpu.memref_slice %arg7[%mul3A_225, %dma_start3A_227] : memref<10000x128xf32, #tpu.memory_space<vmem_shared>> -> memref<50x128xf32, #tpu.memory_space<vmem_shared>>
        %dma_start3A_229 = arith.constant 0 : i32
        %dma_start3A_230 = tpu.memref_slice %arg7[%mul3A_225, %dma_start3A_229] : memref<10000x128xf32, #tpu.memory_space<vmem_shared>> -> memref<50x128xf32, #tpu.memory_space<vmem_shared>>
        tpu.enqueue_dma source(%arg8 : memref<50x128xf32, #tpu.memory_space<vmem>>) target(%dma_start3A_230 : memref<50x128xf32, #tpu.memory_space<vmem_shared>>) target_semaphore(%run_scoped3A_226 : memref<!tpu.dma_semaphore, #tpu.memory_space<semaphore_mem>>)
        %dma_wait3A_231 = arith.constant 0 : i32
        %dma_wait3A_232 = tpu.memref_slice %arg7[%mul3A_225, %dma_wait3A_231] : memref<10000x128xf32, #tpu.memory_space<vmem_shared>> -> memref<50x128xf32, #tpu.memory_space<vmem_shared>>
        %dma_wait3A_233 = arith.constant 0 : i32
        %dma_wait3A_234 = tpu.memref_slice %arg7[%mul3A_225, %dma_wait3A_233] : memref<10000x128xf32, #tpu.memory_space<vmem_shared>> -> memref<50x128xf32, #tpu.memory_space<vmem_shared>>
        tpu.wait_dma2 semaphore(%run_scoped3A_226 : memref<!tpu.dma_semaphore, #tpu.memory_space<semaphore_mem>>) src(%arg8 : memref<50x128xf32, #tpu.memory_space<vmem>>) dst(%dma_wait3A_234 : memref<50x128xf32, #tpu.memory_space<vmem_shared>>)
        tpu.yield
      }) : () -> ()
    } else {
    }
    %add3A_59 = arith.constant 128 : i32
    %add3A_60 = arith.addi %add3A_59, %arg1 : i32
    %lt3A_61 = arith.constant 200 : i32
    %lt3A_62 = arith.cmpi slt, %add3A_60, %lt3A_61 : i32
    %convert_element_type3A_63 = arith.extui %lt3A_62 : i1 to i32
    %cond3A_64 = arith.constant 0 : i32
    %cond3A_65 = arith.cmpi ne, %convert_element_type3A_63, %cond3A_64 : i32
    scf.if %cond3A_65 {
      %mul3A_224 = arith.constant 50 : i32
      %mul3A_225 = arith.muli %add3A_60, %mul3A_224 : i32
      "tpu.region"() ({
        %run_scoped3A_226 = tpu.sem_alloc : memref<!tpu.dma_semaphore, #tpu.memory_space<semaphore_mem>>
        %dma_start3A_227 = arith.constant 0 : i32
        %dma_start3A_228 = tpu.memref_slice %arg7[%mul3A_225, %dma_start3A_227] : memref<10000x128xf32, #tpu.memory_space<vmem_shared>> -> memref<50x128xf32, #tpu.memory_space<vmem_shared>>
        %dma_start3A_229 = arith.constant 0 : i32
        %dma_start3A_230 = tpu.memref_slice %arg7[%mul3A_225, %dma_start3A_229] : memref<10000x128xf32, #tpu.memory_space<vmem_shared>> -> memref<50x128xf32, #tpu.memory_space<vmem_shared>>
        tpu.enqueue_dma source(%arg8 : memref<50x128xf32, #tpu.memory_space<vmem>>) target(%dma_start3A_230 : memref<50x128xf32, #tpu.memory_space<vmem_shared>>) target_semaphore(%run_scoped3A_226 : memref<!tpu.dma_semaphore, #tpu.memory_space<semaphore_mem>>)
        %dma_wait3A_231 = arith.constant 0 : i32
        %dma_wait3A_232 = tpu.memref_slice %arg7[%mul3A_225, %dma_wait3A_231] : memref<10000x128xf32, #tpu.memory_space<vmem_shared>> -> memref<50x128xf32, #tpu.memory_space<vmem_shared>>
        %dma_wait3A_233 = arith.constant 0 : i32
        %dma_wait3A_234 = tpu.memref_slice %arg7[%mul3A_225, %dma_wait3A_233] : memref<10000x128xf32, #tpu.memory_space<vmem_shared>> -> memref<50x128xf32, #tpu.memory_space<vmem_shared>>
        tpu.wait_dma2 semaphore(%run_scoped3A_226 : memref<!tpu.dma_semaphore, #tpu.memory_space<semaphore_mem>>) src(%arg8 : memref<50x128xf32, #tpu.memory_space<vmem>>) dst(%dma_wait3A_234 : memref<50x128xf32, #tpu.memory_space<vmem_shared>>)
        tpu.yield
      }) : () -> ()
    } else {
    }
    %add3A_66 = arith.constant 144 : i32
    %add3A_67 = arith.addi %add3A_66, %arg1 : i32
    %lt3A_68 = arith.constant 200 : i32
    %lt3A_69 = arith.cmpi slt, %add3A_67, %lt3A_68 : i32
    %convert_element_type3A_70 = arith.extui %lt3A_69 : i1 to i32
    %cond3A_71 = arith.constant 0 : i32
    %cond3A_72 = arith.cmpi ne, %convert_element_type3A_70, %cond3A_71 : i32
    scf.if %cond3A_72 {
      %mul3A_224 = arith.constant 50 : i32
      %mul3A_225 = arith.muli %add3A_67, %mul3A_224 : i32
      "tpu.region"() ({
        %run_scoped3A_226 = tpu.sem_alloc : memref<!tpu.dma_semaphore, #tpu.memory_space<semaphore_mem>>
        %dma_start3A_227 = arith.constant 0 : i32
        %dma_start3A_228 = tpu.memref_slice %arg7[%mul3A_225, %dma_start3A_227] : memref<10000x128xf32, #tpu.memory_space<vmem_shared>> -> memref<50x128xf32, #tpu.memory_space<vmem_shared>>
        %dma_start3A_229 = arith.constant 0 : i32
        %dma_start3A_230 = tpu.memref_slice %arg7[%mul3A_225, %dma_start3A_229] : memref<10000x128xf32, #tpu.memory_space<vmem_shared>> -> memref<50x128xf32, #tpu.memory_space<vmem_shared>>
        tpu.enqueue_dma source(%arg8 : memref<50x128xf32, #tpu.memory_space<vmem>>) target(%dma_start3A_230 : memref<50x128xf32, #tpu.memory_space<vmem_shared>>) target_semaphore(%run_scoped3A_226 : memref<!tpu.dma_semaphore, #tpu.memory_space<semaphore_mem>>)
        %dma_wait3A_231 = arith.constant 0 : i32
        %dma_wait3A_232 = tpu.memref_slice %arg7[%mul3A_225, %dma_wait3A_231] : memref<10000x128xf32, #tpu.memory_space<vmem_shared>> -> memref<50x128xf32, #tpu.memory_space<vmem_shared>>
        %dma_wait3A_233 = arith.constant 0 : i32
        %dma_wait3A_234 = tpu.memref_slice %arg7[%mul3A_225, %dma_wait3A_233] : memref<10000x128xf32, #tpu.memory_space<vmem_shared>> -> memref<50x128xf32, #tpu.memory_space<vmem_shared>>
        tpu.wait_dma2 semaphore(%run_scoped3A_226 : memref<!tpu.dma_semaphore, #tpu.memory_space<semaphore_mem>>) src(%arg8 : memref<50x128xf32, #tpu.memory_space<vmem>>) dst(%dma_wait3A_234 : memref<50x128xf32, #tpu.memory_space<vmem_shared>>)
        tpu.yield
      }) : () -> ()
    } else {
    }
    %add3A_73 = arith.constant 160 : i32
    %add3A_74 = arith.addi %add3A_73, %arg1 : i32
    %lt3A_75 = arith.constant 200 : i32
    %lt3A_76 = arith.cmpi slt, %add3A_74, %lt3A_75 : i32
    %convert_element_type3A_77 = arith.extui %lt3A_76 : i1 to i32
    %cond3A_78 = arith.constant 0 : i32
    %cond3A_79 = arith.cmpi ne, %convert_element_type3A_77, %cond3A_78 : i32
    scf.if %cond3A_79 {
      %mul3A_224 = arith.constant 50 : i32
      %mul3A_225 = arith.muli %add3A_74, %mul3A_224 : i32
      "tpu.region"() ({
        %run_scoped3A_226 = tpu.sem_alloc : memref<!tpu.dma_semaphore, #tpu.memory_space<semaphore_mem>>
        %dma_start3A_227 = arith.constant 0 : i32
        %dma_start3A_228 = tpu.memref_slice %arg7[%mul3A_225, %dma_start3A_227] : memref<10000x128xf32, #tpu.memory_space<vmem_shared>> -> memref<50x128xf32, #tpu.memory_space<vmem_shared>>
        %dma_start3A_229 = arith.constant 0 : i32
        %dma_start3A_230 = tpu.memref_slice %arg7[%mul3A_225, %dma_start3A_229] : memref<10000x128xf32, #tpu.memory_space<vmem_shared>> -> memref<50x128xf32, #tpu.memory_space<vmem_shared>>
        tpu.enqueue_dma source(%arg8 : memref<50x128xf32, #tpu.memory_space<vmem>>) target(%dma_start3A_230 : memref<50x128xf32, #tpu.memory_space<vmem_shared>>) target_semaphore(%run_scoped3A_226 : memref<!tpu.dma_semaphore, #tpu.memory_space<semaphore_mem>>)
        %dma_wait3A_231 = arith.constant 0 : i32
        %dma_wait3A_232 = tpu.memref_slice %arg7[%mul3A_225, %dma_wait3A_231] : memref<10000x128xf32, #tpu.memory_space<vmem_shared>> -> memref<50x128xf32, #tpu.memory_space<vmem_shared>>
        %dma_wait3A_233 = arith.constant 0 : i32
        %dma_wait3A_234 = tpu.memref_slice %arg7[%mul3A_225, %dma_wait3A_233] : memref<10000x128xf32, #tpu.memory_space<vmem_shared>> -> memref<50x128xf32, #tpu.memory_space<vmem_shared>>
        tpu.wait_dma2 semaphore(%run_scoped3A_226 : memref<!tpu.dma_semaphore, #tpu.memory_space<semaphore_mem>>) src(%arg8 : memref<50x128xf32, #tpu.memory_space<vmem>>) dst(%dma_wait3A_234 : memref<50x128xf32, #tpu.memory_space<vmem_shared>>)
        tpu.yield
      }) : () -> ()
    } else {
    }
    %add3A_80 = arith.constant 176 : i32
    %add3A_81 = arith.addi %add3A_80, %arg1 : i32
    %lt3A_82 = arith.constant 200 : i32
    %lt3A_83 = arith.cmpi slt, %add3A_81, %lt3A_82 : i32
    %convert_element_type3A_84 = arith.extui %lt3A_83 : i1 to i32
    %cond3A_85 = arith.constant 0 : i32
    %cond3A_86 = arith.cmpi ne, %convert_element_type3A_84, %cond3A_85 : i32
    scf.if %cond3A_86 {
      %mul3A_224 = arith.constant 50 : i32
      %mul3A_225 = arith.muli %add3A_81, %mul3A_224 : i32
      "tpu.region"() ({
        %run_scoped3A_226 = tpu.sem_alloc : memref<!tpu.dma_semaphore, #tpu.memory_space<semaphore_mem>>
        %dma_start3A_227 = arith.constant 0 : i32
        %dma_start3A_228 = tpu.memref_slice %arg7[%mul3A_225, %dma_start3A_227] : memref<10000x128xf32, #tpu.memory_space<vmem_shared>> -> memref<50x128xf32, #tpu.memory_space<vmem_shared>>
        %dma_start3A_229 = arith.constant 0 : i32
        %dma_start3A_230 = tpu.memref_slice %arg7[%mul3A_225, %dma_start3A_229] : memref<10000x128xf32, #tpu.memory_space<vmem_shared>> -> memref<50x128xf32, #tpu.memory_space<vmem_shared>>
        tpu.enqueue_dma source(%arg8 : memref<50x128xf32, #tpu.memory_space<vmem>>) target(%dma_start3A_230 : memref<50x128xf32, #tpu.memory_space<vmem_shared>>) target_semaphore(%run_scoped3A_226 : memref<!tpu.dma_semaphore, #tpu.memory_space<semaphore_mem>>)
        %dma_wait3A_231 = arith.constant 0 : i32
        %dma_wait3A_232 = tpu.memref_slice %arg7[%mul3A_225, %dma_wait3A_231] : memref<10000x128xf32, #tpu.memory_space<vmem_shared>> -> memref<50x128xf32, #tpu.memory_space<vmem_shared>>
        %dma_wait3A_233 = arith.constant 0 : i32
        %dma_wait3A_234 = tpu.memref_slice %arg7[%mul3A_225, %dma_wait3A_233] : memref<10000x128xf32, #tpu.memory_space<vmem_shared>> -> memref<50x128xf32, #tpu.memory_space<vmem_shared>>
        tpu.wait_dma2 semaphore(%run_scoped3A_226 : memref<!tpu.dma_semaphore, #tpu.memory_space<semaphore_mem>>) src(%arg8 : memref<50x128xf32, #tpu.memory_space<vmem>>) dst(%dma_wait3A_234 : memref<50x128xf32, #tpu.memory_space<vmem_shared>>)
        tpu.yield
      }) : () -> ()
    } else {
    }
    %add3A_87 = arith.constant 192 : i32
    %add3A_88 = arith.addi %add3A_87, %arg1 : i32
    %lt3A_89 = arith.constant 200 : i32
    %lt3A_90 = arith.cmpi slt, %add3A_88, %lt3A_89 : i32
    %convert_element_type3A_91 = arith.extui %lt3A_90 : i1 to i32
    %cond3A_92 = arith.constant 0 : i32
    %cond3A_93 = arith.cmpi ne, %convert_element_type3A_91, %cond3A_92 : i32
    scf.if %cond3A_93 {
      %mul3A_224 = arith.constant 50 : i32
      %mul3A_225 = arith.muli %add3A_88, %mul3A_224 : i32
      "tpu.region"() ({
        %run_scoped3A_226 = tpu.sem_alloc : memref<!tpu.dma_semaphore, #tpu.memory_space<semaphore_mem>>
        %dma_start3A_227 = arith.constant 0 : i32
        %dma_start3A_228 = tpu.memref_slice %arg7[%mul3A_225, %dma_start3A_227] : memref<10000x128xf32, #tpu.memory_space<vmem_shared>> -> memref<50x128xf32, #tpu.memory_space<vmem_shared>>
        %dma_start3A_229 = arith.constant 0 : i32
        %dma_start3A_230 = tpu.memref_slice %arg7[%mul3A_225, %dma_start3A_229] : memref<10000x128xf32, #tpu.memory_space<vmem_shared>> -> memref<50x128xf32, #tpu.memory_space<vmem_shared>>
        tpu.enqueue_dma source(%arg8 : memref<50x128xf32, #tpu.memory_space<vmem>>) target(%dma_start3A_230 : memref<50x128xf32, #tpu.memory_space<vmem_shared>>) target_semaphore(%run_scoped3A_226 : memref<!tpu.dma_semaphore, #tpu.memory_space<semaphore_mem>>)
        %dma_wait3A_231 = arith.constant 0 : i32
        %dma_wait3A_232 = tpu.memref_slice %arg7[%mul3A_225, %dma_wait3A_231] : memref<10000x128xf32, #tpu.memory_space<vmem_shared>> -> memref<50x128xf32, #tpu.memory_space<vmem_shared>>
        %dma_wait3A_233 = arith.constant 0 : i32
        %dma_wait3A_234 = tpu.memref_slice %arg7[%mul3A_225, %dma_wait3A_233] : memref<10000x128xf32, #tpu.memory_space<vmem_shared>> -> memref<50x128xf32, #tpu.memory_space<vmem_shared>>
        tpu.wait_dma2 semaphore(%run_scoped3A_226 : memref<!tpu.dma_semaphore, #tpu.memory_space<semaphore_mem>>) src(%arg8 : memref<50x128xf32, #tpu.memory_space<vmem>>) dst(%dma_wait3A_234 : memref<50x128xf32, #tpu.memory_space<vmem_shared>>)
        tpu.yield
      }) : () -> ()
    } else {
    }
    %barrier3A = arith.constant 0 : index
    tpu.barrier barrier_id(%barrier3A)
    %mul3A = arith.constant 16 : i32
    %mul3A_94 = arith.muli %arg0, %mul3A : i32
    %add3A_95 = arith.addi %mul3A_94, %arg1 : i32
    %mul3A_96 = arith.constant 200 : i32
    %mul3A_97 = arith.muli %add3A_95, %mul3A_96 : i32
    %run_scoped3A = arith.constant 0 : i32
    "tpu.region"() ({
      %run_scoped3A_224 = tpu.sem_alloc : memref<!tpu.dma_semaphore, #tpu.memory_space<semaphore_mem>>
      %dma_start3A_225 = arith.constant 0 : i32
      %dma_start3A_226 = tpu.memref_slice %arg3[%run_scoped3A, %mul3A_97, %dma_start3A_225] : memref<2x6400x50xi32, #tpu.memory_space<hbm>> -> memref<1x200x50xi32, #tpu.memory_space<hbm>>
      %dma_start3A_227 = tpu.memref_squeeze %dma_start3A_226 : memref<1x200x50xi32, #tpu.memory_space<hbm>> -> memref<200x50xi32, #tpu.memory_space<hbm>>
      %dma_start3A_228 = arith.constant 0 : i32
      %dma_start3A_229 = tpu.memref_slice %arg3[%run_scoped3A, %mul3A_97, %dma_start3A_228] : memref<2x6400x50xi32, #tpu.memory_space<hbm>> -> memref<1x200x50xi32, #tpu.memory_space<hbm>>
      %dma_start3A_230 = tpu.memref_squeeze %dma_start3A_229 : memref<1x200x50xi32, #tpu.memory_space<hbm>> -> memref<200x50xi32, #tpu.memory_space<hbm>>
      tpu.enqueue_dma source(%dma_start3A_230 : memref<200x50xi32, #tpu.memory_space<hbm>>) target(%arg5 : memref<200x50xi32, #tpu.memory_space<vmem>>) target_semaphore(%run_scoped3A_224 : memref<!tpu.dma_semaphore, #tpu.memory_space<semaphore_mem>>)
      %dma_wait3A_231 = arith.constant 0 : i32
      %dma_wait3A_232 = tpu.memref_slice %arg3[%run_scoped3A, %mul3A_97, %dma_wait3A_231] : memref<2x6400x50xi32, #tpu.memory_space<hbm>> -> memref<1x200x50xi32, #tpu.memory_space<hbm>>
      %dma_wait3A_233 = tpu.memref_squeeze %dma_wait3A_232 : memref<1x200x50xi32, #tpu.memory_space<hbm>> -> memref<200x50xi32, #tpu.memory_space<hbm>>
      %dma_wait3A_234 = arith.constant 0 : i32
      %dma_wait3A_235 = tpu.memref_slice %arg3[%run_scoped3A, %mul3A_97, %dma_wait3A_234] : memref<2x6400x50xi32, #tpu.memory_space<hbm>> -> memref<1x200x50xi32, #tpu.memory_space<hbm>>
      %dma_wait3A_236 = tpu.memref_squeeze %dma_wait3A_235 : memref<1x200x50xi32, #tpu.memory_space<hbm>> -> memref<200x50xi32, #tpu.memory_space<hbm>>
      tpu.wait_dma2 semaphore(%run_scoped3A_224 : memref<!tpu.dma_semaphore, #tpu.memory_space<semaphore_mem>>) src(%dma_wait3A_236 : memref<200x50xi32, #tpu.memory_space<hbm>>) dst(%arg5 : memref<200x50xi32, #tpu.memory_space<vmem>>)
      tpu.yield
    }) : () -> ()
    %run_scoped3A_98 = arith.constant 1 : i32
    "tpu.region"() ({
      %run_scoped3A_224 = tpu.sem_alloc : memref<!tpu.dma_semaphore, #tpu.memory_space<semaphore_mem>>
      %dma_start3A_225 = arith.constant 0 : i32
      %dma_start3A_226 = tpu.memref_slice %arg3[%run_scoped3A_98, %mul3A_97, %dma_start3A_225] : memref<2x6400x50xi32, #tpu.memory_space<hbm>> -> memref<1x200x50xi32, #tpu.memory_space<hbm>>
      %dma_start3A_227 = tpu.memref_squeeze %dma_start3A_226 : memref<1x200x50xi32, #tpu.memory_space<hbm>> -> memref<200x50xi32, #tpu.memory_space<hbm>>
      %dma_start3A_228 = arith.constant 0 : i32
      %dma_start3A_229 = tpu.memref_slice %arg3[%run_scoped3A_98, %mul3A_97, %dma_start3A_228] : memref<2x6400x50xi32, #tpu.memory_space<hbm>> -> memref<1x200x50xi32, #tpu.memory_space<hbm>>
      %dma_start3A_230 = tpu.memref_squeeze %dma_start3A_229 : memref<1x200x50xi32, #tpu.memory_space<hbm>> -> memref<200x50xi32, #tpu.memory_space<hbm>>
      tpu.enqueue_dma source(%dma_start3A_230 : memref<200x50xi32, #tpu.memory_space<hbm>>) target(%arg6 : memref<200x50xi32, #tpu.memory_space<vmem>>) target_semaphore(%run_scoped3A_224 : memref<!tpu.dma_semaphore, #tpu.memory_space<semaphore_mem>>)
      %dma_wait3A_231 = arith.constant 0 : i32
      %dma_wait3A_232 = tpu.memref_slice %arg3[%run_scoped3A_98, %mul3A_97, %dma_wait3A_231] : memref<2x6400x50xi32, #tpu.memory_space<hbm>> -> memref<1x200x50xi32, #tpu.memory_space<hbm>>
      %dma_wait3A_233 = tpu.memref_squeeze %dma_wait3A_232 : memref<1x200x50xi32, #tpu.memory_space<hbm>> -> memref<200x50xi32, #tpu.memory_space<hbm>>
      %dma_wait3A_234 = arith.constant 0 : i32
      %dma_wait3A_235 = tpu.memref_slice %arg3[%run_scoped3A_98, %mul3A_97, %dma_wait3A_234] : memref<2x6400x50xi32, #tpu.memory_space<hbm>> -> memref<1x200x50xi32, #tpu.memory_space<hbm>>
      %dma_wait3A_236 = tpu.memref_squeeze %dma_wait3A_235 : memref<1x200x50xi32, #tpu.memory_space<hbm>> -> memref<200x50xi32, #tpu.memory_space<hbm>>
      tpu.wait_dma2 semaphore(%run_scoped3A_224 : memref<!tpu.dma_semaphore, #tpu.memory_space<semaphore_mem>>) src(%dma_wait3A_236 : memref<200x50xi32, #tpu.memory_space<hbm>>) dst(%arg6 : memref<200x50xi32, #tpu.memory_space<vmem>>)
      tpu.yield
    }) : () -> ()
    %dma_start3A = arith.constant 0 : i32
    %dma_start3A_99 = arith.constant 0 : i32
    %dma_start3A_100 = tpu.memref_slice %arg5[%dma_start3A, %dma_start3A_99] : memref<200x50xi32, #tpu.memory_space<vmem>> -> memref<1x50xi32, #tpu.memory_space<vmem>>
    %dma_start3A_101 = tpu.memref_squeeze %dma_start3A_100 : memref<1x50xi32, #tpu.memory_space<vmem>> -> memref<50xi32, #tpu.memory_space<vmem>>
    %dma_start3A_102 = arith.constant 0 : i32
    %dma_start3A_103 = arith.constant 0 : i32
    %dma_start3A_104 = tpu.memref_slice %arg2[%dma_start3A_102, %dma_start3A_103] : memref<10000x128xf32, #tpu.memory_space<hbm>> -> memref<10000x128xf32, #tpu.memory_space<hbm>>
    tpu.enqueue_indirect_dma source(%dma_start3A_104 : memref<10000x128xf32, #tpu.memory_space<hbm>>) target(%arg8 : memref<50x128xf32, #tpu.memory_space<vmem>>) offsets(%dma_start3A_101 : memref<50xi32, #tpu.memory_space<vmem>>) semaphore(%arg12 : memref<!tpu.dma_semaphore, #tpu.memory_space<semaphore_mem>>)
    %dma_start3A_105 = arith.constant 1 : i32
    %dma_start3A_106 = arith.constant 0 : i32
    %dma_start3A_107 = tpu.memref_slice %arg5[%dma_start3A_105, %dma_start3A_106] : memref<200x50xi32, #tpu.memory_space<vmem>> -> memref<1x50xi32, #tpu.memory_space<vmem>>
    %dma_start3A_108 = tpu.memref_squeeze %dma_start3A_107 : memref<1x50xi32, #tpu.memory_space<vmem>> -> memref<50xi32, #tpu.memory_space<vmem>>
    %dma_start3A_109 = arith.constant 0 : i32
    %dma_start3A_110 = arith.constant 0 : i32
    %dma_start3A_111 = tpu.memref_slice %arg2[%dma_start3A_109, %dma_start3A_110] : memref<10000x128xf32, #tpu.memory_space<hbm>> -> memref<10000x128xf32, #tpu.memory_space<hbm>>
    tpu.enqueue_indirect_dma source(%dma_start3A_111 : memref<10000x128xf32, #tpu.memory_space<hbm>>) target(%arg9 : memref<50x128xf32, #tpu.memory_space<vmem>>) offsets(%dma_start3A_108 : memref<50xi32, #tpu.memory_space<vmem>>) semaphore(%arg13 : memref<!tpu.dma_semaphore, #tpu.memory_space<semaphore_mem>>)
    %dma_start3A_112 = arith.constant 2 : i32
    %dma_start3A_113 = arith.constant 0 : i32
    %dma_start3A_114 = tpu.memref_slice %arg5[%dma_start3A_112, %dma_start3A_113] : memref<200x50xi32, #tpu.memory_space<vmem>> -> memref<1x50xi32, #tpu.memory_space<vmem>>
    %dma_start3A_115 = tpu.memref_squeeze %dma_start3A_114 : memref<1x50xi32, #tpu.memory_space<vmem>> -> memref<50xi32, #tpu.memory_space<vmem>>
    %dma_start3A_116 = arith.constant 0 : i32
    %dma_start3A_117 = arith.constant 0 : i32
    %dma_start3A_118 = tpu.memref_slice %arg2[%dma_start3A_116, %dma_start3A_117] : memref<10000x128xf32, #tpu.memory_space<hbm>> -> memref<10000x128xf32, #tpu.memory_space<hbm>>
    tpu.enqueue_indirect_dma source(%dma_start3A_118 : memref<10000x128xf32, #tpu.memory_space<hbm>>) target(%arg10 : memref<50x128xf32, #tpu.memory_space<vmem>>) offsets(%dma_start3A_115 : memref<50xi32, #tpu.memory_space<vmem>>) semaphore(%arg14 : memref<!tpu.dma_semaphore, #tpu.memory_space<semaphore_mem>>)
    %scan3A_119 = arith.constant 0 : i32
    %scan3A_120 = arith.constant 0 : i32
    %scan3A_121 = arith.constant 50 : i32
    %scan3A_122 = arith.addi %scan3A_120, %scan3A_121 : i32
    %scan3A_123 = arith.constant 1 : i32
    %scan3A_124 = scf.for %scan3A_224 = %scan3A_120 to %scan3A_122 step %scan3A_123 iter_args(%scan3A_225 = %scan3A_119) -> (i32)  : i32 {
      %mul3A_226 = arith.constant 4 : i32
      %mul3A_227 = arith.muli %scan3A_224, %mul3A_226 : i32
      %add3A_228 = arith.constant 0 : i32
      %add3A_229 = arith.addi %mul3A_227, %add3A_228 : i32
      %dma_wait3A_230 = arith.constant 0 : i32
      %dma_wait3A_231 = tpu.memref_slice %arg5[%add3A_229, %dma_wait3A_230] : memref<200x50xi32, #tpu.memory_space<vmem>> -> memref<1x50xi32, #tpu.memory_space<vmem>>
      %dma_wait3A_232 = tpu.memref_squeeze %dma_wait3A_231 : memref<1x50xi32, #tpu.memory_space<vmem>> -> memref<50xi32, #tpu.memory_space<vmem>>
      %dma_wait3A_233 = arith.constant 0 : i32
      %dma_wait3A_234 = arith.constant 0 : i32
      %dma_wait3A_235 = tpu.memref_slice %arg2[%dma_wait3A_233, %dma_wait3A_234] : memref<10000x128xf32, #tpu.memory_space<hbm>> -> memref<10000x128xf32, #tpu.memory_space<hbm>>
      tpu.wait_indirect_dma semaphore(%arg12 : memref<!tpu.dma_semaphore, #tpu.memory_space<semaphore_mem>>) src(%dma_wait3A_235 : memref<10000x128xf32, #tpu.memory_space<hbm>>) dst(%arg8 : memref<50x128xf32, #tpu.memory_space<vmem>>)
      %dma_start3A_236 = arith.constant 0 : i32
      %dma_start3A_237 = tpu.memref_slice %arg6[%add3A_229, %dma_start3A_236] : memref<200x50xi32, #tpu.memory_space<vmem>> -> memref<1x50xi32, #tpu.memory_space<vmem>>
      %dma_start3A_238 = tpu.memref_squeeze %dma_start3A_237 : memref<1x50xi32, #tpu.memory_space<vmem>> -> memref<50xi32, #tpu.memory_space<vmem>>
      %dma_start3A_239 = arith.constant 0 : i32
      %dma_start3A_240 = arith.constant 0 : i32
      %dma_start3A_241 = tpu.memref_slice %arg7[%dma_start3A_239, %dma_start3A_240] : memref<10000x128xf32, #tpu.memory_space<vmem_shared>> -> memref<10000x128xf32, #tpu.memory_space<vmem_shared>>
      tpu.enqueue_indirect_dma source(%arg8 : memref<50x128xf32, #tpu.memory_space<vmem>>) target(%dma_start3A_241 : memref<10000x128xf32, #tpu.memory_space<vmem_shared>>) offsets(%dma_start3A_238 : memref<50xi32, #tpu.memory_space<vmem>>) semaphore(%arg16 : memref<!tpu.dma_semaphore, #tpu.memory_space<semaphore_mem>>) {add = true}
      %ge3A = arith.constant 1 : i32
      %ge3A_242 = arith.cmpi sge, %scan3A_224, %ge3A : i32
      %convert_element_type3A_243 = arith.extui %ge3A_242 : i1 to i32
      %cond3A_244 = arith.constant 0 : i32
      %cond3A_245 = arith.cmpi ne, %convert_element_type3A_243, %cond3A_244 : i32
      scf.if %cond3A_245 {
        %sub3A_343 = arith.constant 1 : i32
        %sub3A_344 = arith.subi %add3A_229, %sub3A_343 : i32
        %dma_wait3A_345 = arith.constant 0 : i32
        %dma_wait3A_346 = tpu.memref_slice %arg6[%sub3A_344, %dma_wait3A_345] : memref<200x50xi32, #tpu.memory_space<vmem>> -> memref<1x50xi32, #tpu.memory_space<vmem>>
        %dma_wait3A_347 = tpu.memref_squeeze %dma_wait3A_346 : memref<1x50xi32, #tpu.memory_space<vmem>> -> memref<50xi32, #tpu.memory_space<vmem>>
        %dma_wait3A_348 = arith.constant 0 : i32
        %dma_wait3A_349 = arith.constant 0 : i32
        %dma_wait3A_350 = tpu.memref_slice %arg7[%dma_wait3A_348, %dma_wait3A_349] : memref<10000x128xf32, #tpu.memory_space<vmem_shared>> -> memref<10000x128xf32, #tpu.memory_space<vmem_shared>>
        tpu.wait_indirect_dma semaphore(%arg19 : memref<!tpu.dma_semaphore, #tpu.memory_space<semaphore_mem>>) src(%arg11 : memref<50x128xf32, #tpu.memory_space<vmem>>) dst(%dma_wait3A_350 : memref<10000x128xf32, #tpu.memory_space<vmem_shared>>)
      } else {
      }
      %add3A_246 = arith.constant 4 : i32
      %add3A_247 = arith.addi %add3A_229, %add3A_246 : i32
      %sub3A = arith.constant 1 : i32
      %sub3A_248 = arith.subi %add3A_247, %sub3A : i32
      %dma_start3A_249 = arith.constant 0 : i32
      %dma_start3A_250 = tpu.memref_slice %arg5[%sub3A_248, %dma_start3A_249] : memref<200x50xi32, #tpu.memory_space<vmem>> -> memref<1x50xi32, #tpu.memory_space<vmem>>
      %dma_start3A_251 = tpu.memref_squeeze %dma_start3A_250 : memref<1x50xi32, #tpu.memory_space<vmem>> -> memref<50xi32, #tpu.memory_space<vmem>>
      %dma_start3A_252 = arith.constant 0 : i32
      %dma_start3A_253 = arith.constant 0 : i32
      %dma_start3A_254 = tpu.memref_slice %arg2[%dma_start3A_252, %dma_start3A_253] : memref<10000x128xf32, #tpu.memory_space<hbm>> -> memref<10000x128xf32, #tpu.memory_space<hbm>>
      tpu.enqueue_indirect_dma source(%dma_start3A_254 : memref<10000x128xf32, #tpu.memory_space<hbm>>) target(%arg11 : memref<50x128xf32, #tpu.memory_space<vmem>>) offsets(%dma_start3A_251 : memref<50xi32, #tpu.memory_space<vmem>>) semaphore(%arg15 : memref<!tpu.dma_semaphore, #tpu.memory_space<semaphore_mem>>)
      %mul3A_255 = arith.constant 4 : i32
      %mul3A_256 = arith.muli %scan3A_224, %mul3A_255 : i32
      %add3A_257 = arith.constant 1 : i32
      %add3A_258 = arith.addi %mul3A_256, %add3A_257 : i32
      %dma_wait3A_259 = arith.constant 0 : i32
      %dma_wait3A_260 = tpu.memref_slice %arg5[%add3A_258, %dma_wait3A_259] : memref<200x50xi32, #tpu.memory_space<vmem>> -> memref<1x50xi32, #tpu.memory_space<vmem>>
      %dma_wait3A_261 = tpu.memref_squeeze %dma_wait3A_260 : memref<1x50xi32, #tpu.memory_space<vmem>> -> memref<50xi32, #tpu.memory_space<vmem>>
      %dma_wait3A_262 = arith.constant 0 : i32
      %dma_wait3A_263 = arith.constant 0 : i32
      %dma_wait3A_264 = tpu.memref_slice %arg2[%dma_wait3A_262, %dma_wait3A_263] : memref<10000x128xf32, #tpu.memory_space<hbm>> -> memref<10000x128xf32, #tpu.memory_space<hbm>>
      tpu.wait_indirect_dma semaphore(%arg13 : memref<!tpu.dma_semaphore, #tpu.memory_space<semaphore_mem>>) src(%dma_wait3A_264 : memref<10000x128xf32, #tpu.memory_space<hbm>>) dst(%arg9 : memref<50x128xf32, #tpu.memory_space<vmem>>)
      %dma_start3A_265 = arith.constant 0 : i32
      %dma_start3A_266 = tpu.memref_slice %arg6[%add3A_258, %dma_start3A_265] : memref<200x50xi32, #tpu.memory_space<vmem>> -> memref<1x50xi32, #tpu.memory_space<vmem>>
      %dma_start3A_267 = tpu.memref_squeeze %dma_start3A_266 : memref<1x50xi32, #tpu.memory_space<vmem>> -> memref<50xi32, #tpu.memory_space<vmem>>
      %dma_start3A_268 = arith.constant 0 : i32
      %dma_start3A_269 = arith.constant 0 : i32
      %dma_start3A_270 = tpu.memref_slice %arg7[%dma_start3A_268, %dma_start3A_269] : memref<10000x128xf32, #tpu.memory_space<vmem_shared>> -> memref<10000x128xf32, #tpu.memory_space<vmem_shared>>
      tpu.enqueue_indirect_dma source(%arg9 : memref<50x128xf32, #tpu.memory_space<vmem>>) target(%dma_start3A_270 : memref<10000x128xf32, #tpu.memory_space<vmem_shared>>) offsets(%dma_start3A_267 : memref<50xi32, #tpu.memory_space<vmem>>) semaphore(%arg17 : memref<!tpu.dma_semaphore, #tpu.memory_space<semaphore_mem>>) {add = true}
      %sub3A_271 = arith.constant 1 : i32
      %sub3A_272 = arith.subi %add3A_258, %sub3A_271 : i32
      %dma_wait3A_273 = arith.constant 0 : i32
      %dma_wait3A_274 = tpu.memref_slice %arg6[%sub3A_272, %dma_wait3A_273] : memref<200x50xi32, #tpu.memory_space<vmem>> -> memref<1x50xi32, #tpu.memory_space<vmem>>
      %dma_wait3A_275 = tpu.memref_squeeze %dma_wait3A_274 : memref<1x50xi32, #tpu.memory_space<vmem>> -> memref<50xi32, #tpu.memory_space<vmem>>
      %dma_wait3A_276 = arith.constant 0 : i32
      %dma_wait3A_277 = arith.constant 0 : i32
      %dma_wait3A_278 = tpu.memref_slice %arg7[%dma_wait3A_276, %dma_wait3A_277] : memref<10000x128xf32, #tpu.memory_space<vmem_shared>> -> memref<10000x128xf32, #tpu.memory_space<vmem_shared>>
      tpu.wait_indirect_dma semaphore(%arg16 : memref<!tpu.dma_semaphore, #tpu.memory_space<semaphore_mem>>) src(%arg8 : memref<50x128xf32, #tpu.memory_space<vmem>>) dst(%dma_wait3A_278 : memref<10000x128xf32, #tpu.memory_space<vmem_shared>>)
      %lt3A_279 = arith.constant 49 : i32
      %lt3A_280 = arith.cmpi slt, %scan3A_224, %lt3A_279 : i32
      %convert_element_type3A_281 = arith.extui %lt3A_280 : i1 to i32
      %cond3A_282 = arith.constant 0 : i32
      %cond3A_283 = arith.cmpi ne, %convert_element_type3A_281, %cond3A_282 : i32
      scf.if %cond3A_283 {
        %add3A_343 = arith.constant 4 : i32
        %add3A_344 = arith.addi %add3A_258, %add3A_343 : i32
        %sub3A_345 = arith.constant 1 : i32
        %sub3A_346 = arith.subi %add3A_344, %sub3A_345 : i32
        %dma_start3A_347 = arith.constant 0 : i32
        %dma_start3A_348 = tpu.memref_slice %arg5[%sub3A_346, %dma_start3A_347] : memref<200x50xi32, #tpu.memory_space<vmem>> -> memref<1x50xi32, #tpu.memory_space<vmem>>
        %dma_start3A_349 = tpu.memref_squeeze %dma_start3A_348 : memref<1x50xi32, #tpu.memory_space<vmem>> -> memref<50xi32, #tpu.memory_space<vmem>>
        %dma_start3A_350 = arith.constant 0 : i32
        %dma_start3A_351 = arith.constant 0 : i32
        %dma_start3A_352 = tpu.memref_slice %arg2[%dma_start3A_350, %dma_start3A_351] : memref<10000x128xf32, #tpu.memory_space<hbm>> -> memref<10000x128xf32, #tpu.memory_space<hbm>>
        tpu.enqueue_indirect_dma source(%dma_start3A_352 : memref<10000x128xf32, #tpu.memory_space<hbm>>) target(%arg8 : memref<50x128xf32, #tpu.memory_space<vmem>>) offsets(%dma_start3A_349 : memref<50xi32, #tpu.memory_space<vmem>>) semaphore(%arg12 : memref<!tpu.dma_semaphore, #tpu.memory_space<semaphore_mem>>)
      } else {
      }
      %mul3A_284 = arith.constant 4 : i32
      %mul3A_285 = arith.muli %scan3A_224, %mul3A_284 : i32
      %add3A_286 = arith.constant 2 : i32
      %add3A_287 = arith.addi %mul3A_285, %add3A_286 : i32
      %dma_wait3A_288 = arith.constant 0 : i32
      %dma_wait3A_289 = tpu.memref_slice %arg5[%add3A_287, %dma_wait3A_288] : memref<200x50xi32, #tpu.memory_space<vmem>> -> memref<1x50xi32, #tpu.memory_space<vmem>>
      %dma_wait3A_290 = tpu.memref_squeeze %dma_wait3A_289 : memref<1x50xi32, #tpu.memory_space<vmem>> -> memref<50xi32, #tpu.memory_space<vmem>>
      %dma_wait3A_291 = arith.constant 0 : i32
      %dma_wait3A_292 = arith.constant 0 : i32
      %dma_wait3A_293 = tpu.memref_slice %arg2[%dma_wait3A_291, %dma_wait3A_292] : memref<10000x128xf32, #tpu.memory_space<hbm>> -> memref<10000x128xf32, #tpu.memory_space<hbm>>
      tpu.wait_indirect_dma semaphore(%arg14 : memref<!tpu.dma_semaphore, #tpu.memory_space<semaphore_mem>>) src(%dma_wait3A_293 : memref<10000x128xf32, #tpu.memory_space<hbm>>) dst(%arg10 : memref<50x128xf32, #tpu.memory_space<vmem>>)
      %dma_start3A_294 = arith.constant 0 : i32
      %dma_start3A_295 = tpu.memref_slice %arg6[%add3A_287, %dma_start3A_294] : memref<200x50xi32, #tpu.memory_space<vmem>> -> memref<1x50xi32, #tpu.memory_space<vmem>>
      %dma_start3A_296 = tpu.memref_squeeze %dma_start3A_295 : memref<1x50xi32, #tpu.memory_space<vmem>> -> memref<50xi32, #tpu.memory_space<vmem>>
      %dma_start3A_297 = arith.constant 0 : i32
      %dma_start3A_298 = arith.constant 0 : i32
      %dma_start3A_299 = tpu.memref_slice %arg7[%dma_start3A_297, %dma_start3A_298] : memref<10000x128xf32, #tpu.memory_space<vmem_shared>> -> memref<10000x128xf32, #tpu.memory_space<vmem_shared>>
      tpu.enqueue_indirect_dma source(%arg10 : memref<50x128xf32, #tpu.memory_space<vmem>>) target(%dma_start3A_299 : memref<10000x128xf32, #tpu.memory_space<vmem_shared>>) offsets(%dma_start3A_296 : memref<50xi32, #tpu.memory_space<vmem>>) semaphore(%arg18 : memref<!tpu.dma_semaphore, #tpu.memory_space<semaphore_mem>>) {add = true}
      %sub3A_300 = arith.constant 1 : i32
      %sub3A_301 = arith.subi %add3A_287, %sub3A_300 : i32
      %dma_wait3A_302 = arith.constant 0 : i32
      %dma_wait3A_303 = tpu.memref_slice %arg6[%sub3A_301, %dma_wait3A_302] : memref<200x50xi32, #tpu.memory_space<vmem>> -> memref<1x50xi32, #tpu.memory_space<vmem>>
      %dma_wait3A_304 = tpu.memref_squeeze %dma_wait3A_303 : memref<1x50xi32, #tpu.memory_space<vmem>> -> memref<50xi32, #tpu.memory_space<vmem>>
      %dma_wait3A_305 = arith.constant 0 : i32
      %dma_wait3A_306 = arith.constant 0 : i32
      %dma_wait3A_307 = tpu.memref_slice %arg7[%dma_wait3A_305, %dma_wait3A_306] : memref<10000x128xf32, #tpu.memory_space<vmem_shared>> -> memref<10000x128xf32, #tpu.memory_space<vmem_shared>>
      tpu.wait_indirect_dma semaphore(%arg17 : memref<!tpu.dma_semaphore, #tpu.memory_space<semaphore_mem>>) src(%arg9 : memref<50x128xf32, #tpu.memory_space<vmem>>) dst(%dma_wait3A_307 : memref<10000x128xf32, #tpu.memory_space<vmem_shared>>)
      %lt3A_308 = arith.constant 49 : i32
      %lt3A_309 = arith.cmpi slt, %scan3A_224, %lt3A_308 : i32
      %convert_element_type3A_310 = arith.extui %lt3A_309 : i1 to i32
      %cond3A_311 = arith.constant 0 : i32
      %cond3A_312 = arith.cmpi ne, %convert_element_type3A_310, %cond3A_311 : i32
      scf.if %cond3A_312 {
        %add3A_343 = arith.constant 4 : i32
        %add3A_344 = arith.addi %add3A_287, %add3A_343 : i32
        %sub3A_345 = arith.constant 1 : i32
        %sub3A_346 = arith.subi %add3A_344, %sub3A_345 : i32
        %dma_start3A_347 = arith.constant 0 : i32
        %dma_start3A_348 = tpu.memref_slice %arg5[%sub3A_346, %dma_start3A_347] : memref<200x50xi32, #tpu.memory_space<vmem>> -> memref<1x50xi32, #tpu.memory_space<vmem>>
        %dma_start3A_349 = tpu.memref_squeeze %dma_start3A_348 : memref<1x50xi32, #tpu.memory_space<vmem>> -> memref<50xi32, #tpu.memory_space<vmem>>
        %dma_start3A_350 = arith.constant 0 : i32
        %dma_start3A_351 = arith.constant 0 : i32
        %dma_start3A_352 = tpu.memref_slice %arg2[%dma_start3A_350, %dma_start3A_351] : memref<10000x128xf32, #tpu.memory_space<hbm>> -> memref<10000x128xf32, #tpu.memory_space<hbm>>
        tpu.enqueue_indirect_dma source(%dma_start3A_352 : memref<10000x128xf32, #tpu.memory_space<hbm>>) target(%arg9 : memref<50x128xf32, #tpu.memory_space<vmem>>) offsets(%dma_start3A_349 : memref<50xi32, #tpu.memory_space<vmem>>) semaphore(%arg13 : memref<!tpu.dma_semaphore, #tpu.memory_space<semaphore_mem>>)
      } else {
      }
      %mul3A_313 = arith.constant 4 : i32
      %mul3A_314 = arith.muli %scan3A_224, %mul3A_313 : i32
      %add3A_315 = arith.constant 3 : i32
      %add3A_316 = arith.addi %mul3A_314, %add3A_315 : i32
      %dma_wait3A_317 = arith.constant 0 : i32
      %dma_wait3A_318 = tpu.memref_slice %arg5[%add3A_316, %dma_wait3A_317] : memref<200x50xi32, #tpu.memory_space<vmem>> -> memref<1x50xi32, #tpu.memory_space<vmem>>
      %dma_wait3A_319 = tpu.memref_squeeze %dma_wait3A_318 : memref<1x50xi32, #tpu.memory_space<vmem>> -> memref<50xi32, #tpu.memory_space<vmem>>
      %dma_wait3A_320 = arith.constant 0 : i32
      %dma_wait3A_321 = arith.constant 0 : i32
      %dma_wait3A_322 = tpu.memref_slice %arg2[%dma_wait3A_320, %dma_wait3A_321] : memref<10000x128xf32, #tpu.memory_space<hbm>> -> memref<10000x128xf32, #tpu.memory_space<hbm>>
      tpu.wait_indirect_dma semaphore(%arg15 : memref<!tpu.dma_semaphore, #tpu.memory_space<semaphore_mem>>) src(%dma_wait3A_322 : memref<10000x128xf32, #tpu.memory_space<hbm>>) dst(%arg11 : memref<50x128xf32, #tpu.memory_space<vmem>>)
      %dma_start3A_323 = arith.constant 0 : i32
      %dma_start3A_324 = tpu.memref_slice %arg6[%add3A_316, %dma_start3A_323] : memref<200x50xi32, #tpu.memory_space<vmem>> -> memref<1x50xi32, #tpu.memory_space<vmem>>
      %dma_start3A_325 = tpu.memref_squeeze %dma_start3A_324 : memref<1x50xi32, #tpu.memory_space<vmem>> -> memref<50xi32, #tpu.memory_space<vmem>>
      %dma_start3A_326 = arith.constant 0 : i32
      %dma_start3A_327 = arith.constant 0 : i32
      %dma_start3A_328 = tpu.memref_slice %arg7[%dma_start3A_326, %dma_start3A_327] : memref<10000x128xf32, #tpu.memory_space<vmem_shared>> -> memref<10000x128xf32, #tpu.memory_space<vmem_shared>>
      tpu.enqueue_indirect_dma source(%arg11 : memref<50x128xf32, #tpu.memory_space<vmem>>) target(%dma_start3A_328 : memref<10000x128xf32, #tpu.memory_space<vmem_shared>>) offsets(%dma_start3A_325 : memref<50xi32, #tpu.memory_space<vmem>>) semaphore(%arg19 : memref<!tpu.dma_semaphore, #tpu.memory_space<semaphore_mem>>) {add = true}
      %sub3A_329 = arith.constant 1 : i32
      %sub3A_330 = arith.subi %add3A_316, %sub3A_329 : i32
      %dma_wait3A_331 = arith.constant 0 : i32
      %dma_wait3A_332 = tpu.memref_slice %arg6[%sub3A_330, %dma_wait3A_331] : memref<200x50xi32, #tpu.memory_space<vmem>> -> memref<1x50xi32, #tpu.memory_space<vmem>>
      %dma_wait3A_333 = tpu.memref_squeeze %dma_wait3A_332 : memref<1x50xi32, #tpu.memory_space<vmem>> -> memref<50xi32, #tpu.memory_space<vmem>>
      %dma_wait3A_334 = arith.constant 0 : i32
      %dma_wait3A_335 = arith.constant 0 : i32
      %dma_wait3A_336 = tpu.memref_slice %arg7[%dma_wait3A_334, %dma_wait3A_335] : memref<10000x128xf32, #tpu.memory_space<vmem_shared>> -> memref<10000x128xf32, #tpu.memory_space<vmem_shared>>
      tpu.wait_indirect_dma semaphore(%arg18 : memref<!tpu.dma_semaphore, #tpu.memory_space<semaphore_mem>>) src(%arg10 : memref<50x128xf32, #tpu.memory_space<vmem>>) dst(%dma_wait3A_336 : memref<10000x128xf32, #tpu.memory_space<vmem_shared>>)
      %lt3A_337 = arith.constant 49 : i32
      %lt3A_338 = arith.cmpi slt, %scan3A_224, %lt3A_337 : i32
      %convert_element_type3A_339 = arith.extui %lt3A_338 : i1 to i32
      %cond3A_340 = arith.constant 0 : i32
      %cond3A_341 = arith.cmpi ne, %convert_element_type3A_339, %cond3A_340 : i32
      scf.if %cond3A_341 {
        %add3A_343 = arith.constant 4 : i32
        %add3A_344 = arith.addi %add3A_316, %add3A_343 : i32
        %sub3A_345 = arith.constant 1 : i32
        %sub3A_346 = arith.subi %add3A_344, %sub3A_345 : i32
        %dma_start3A_347 = arith.constant 0 : i32
        %dma_start3A_348 = tpu.memref_slice %arg5[%sub3A_346, %dma_start3A_347] : memref<200x50xi32, #tpu.memory_space<vmem>> -> memref<1x50xi32, #tpu.memory_space<vmem>>
        %dma_start3A_349 = tpu.memref_squeeze %dma_start3A_348 : memref<1x50xi32, #tpu.memory_space<vmem>> -> memref<50xi32, #tpu.memory_space<vmem>>
        %dma_start3A_350 = arith.constant 0 : i32
        %dma_start3A_351 = arith.constant 0 : i32
        %dma_start3A_352 = tpu.memref_slice %arg2[%dma_start3A_350, %dma_start3A_351] : memref<10000x128xf32, #tpu.memory_space<hbm>> -> memref<10000x128xf32, #tpu.memory_space<hbm>>
        tpu.enqueue_indirect_dma source(%dma_start3A_352 : memref<10000x128xf32, #tpu.memory_space<hbm>>) target(%arg10 : memref<50x128xf32, #tpu.memory_space<vmem>>) offsets(%dma_start3A_349 : memref<50xi32, #tpu.memory_space<vmem>>) semaphore(%arg14 : memref<!tpu.dma_semaphore, #tpu.memory_space<semaphore_mem>>)
      } else {
      }
      %scan3A_342 = arith.constant 0 : i32
      scf.yield %scan3A_342 : i32
    }
    %scan3A_125 = arith.constant 50 : i32
    %dma_wait3A = arith.constant 199 : i32
    %dma_wait3A_126 = arith.constant 0 : i32
    %dma_wait3A_127 = tpu.memref_slice %arg6[%dma_wait3A, %dma_wait3A_126] : memref<200x50xi32, #tpu.memory_space<vmem>> -> memref<1x50xi32, #tpu.memory_space<vmem>>
    %dma_wait3A_128 = tpu.memref_squeeze %dma_wait3A_127 : memref<1x50xi32, #tpu.memory_space<vmem>> -> memref<50xi32, #tpu.memory_space<vmem>>
    %dma_wait3A_129 = arith.constant 0 : i32
    %dma_wait3A_130 = arith.constant 0 : i32
    %dma_wait3A_131 = tpu.memref_slice %arg7[%dma_wait3A_129, %dma_wait3A_130] : memref<10000x128xf32, #tpu.memory_space<vmem_shared>> -> memref<10000x128xf32, #tpu.memory_space<vmem_shared>>
    tpu.wait_indirect_dma semaphore(%arg19 : memref<!tpu.dma_semaphore, #tpu.memory_space<semaphore_mem>>) src(%arg11 : memref<50x128xf32, #tpu.memory_space<vmem>>) dst(%dma_wait3A_131 : memref<10000x128xf32, #tpu.memory_space<vmem_shared>>)
    %barrier3A_132 = arith.constant 0 : index
    tpu.barrier barrier_id(%barrier3A_132)
    %add3A_133 = arith.constant 0 : i32
    %add3A_134 = arith.addi %add3A_133, %arg1 : i32
    %lt3A_135 = arith.constant 200 : i32
    %lt3A_136 = arith.cmpi slt, %add3A_134, %lt3A_135 : i32
    %convert_element_type3A_137 = arith.extui %lt3A_136 : i1 to i32
    %cond3A_138 = arith.constant 0 : i32
    %cond3A_139 = arith.cmpi ne, %convert_element_type3A_137, %cond3A_138 : i32
    scf.if %cond3A_139 {
      %mul3A_224 = arith.constant 50 : i32
      %mul3A_225 = arith.muli %add3A_134, %mul3A_224 : i32
      %mul3A_226 = arith.constant 10000 : i32
      %mul3A_227 = arith.muli %arg0, %mul3A_226 : i32
      %mul3A_228 = arith.constant 50 : i32
      %mul3A_229 = arith.muli %add3A_134, %mul3A_228 : i32
      %add3A_230 = arith.addi %mul3A_227, %mul3A_229 : i32
      "tpu.region"() ({
        %run_scoped3A_231 = tpu.sem_alloc : memref<!tpu.dma_semaphore, #tpu.memory_space<semaphore_mem>>
        %dma_start3A_232 = arith.constant 0 : i32
        %dma_start3A_233 = tpu.memref_slice %arg4[%add3A_230, %dma_start3A_232] : memref<20000x128xf32, #tpu.memory_space<hbm>> -> memref<50x128xf32, #tpu.memory_space<hbm>>
        %dma_start3A_234 = arith.constant 0 : i32
        %dma_start3A_235 = tpu.memref_slice %arg7[%mul3A_225, %dma_start3A_234] : memref<10000x128xf32, #tpu.memory_space<vmem_shared>> -> memref<50x128xf32, #tpu.memory_space<vmem_shared>>
        tpu.enqueue_dma source(%dma_start3A_235 : memref<50x128xf32, #tpu.memory_space<vmem_shared>>) target(%dma_start3A_233 : memref<50x128xf32, #tpu.memory_space<hbm>>) target_semaphore(%run_scoped3A_231 : memref<!tpu.dma_semaphore, #tpu.memory_space<semaphore_mem>>)
        %dma_wait3A_236 = arith.constant 0 : i32
        %dma_wait3A_237 = tpu.memref_slice %arg4[%add3A_230, %dma_wait3A_236] : memref<20000x128xf32, #tpu.memory_space<hbm>> -> memref<50x128xf32, #tpu.memory_space<hbm>>
        %dma_wait3A_238 = arith.constant 0 : i32
        %dma_wait3A_239 = tpu.memref_slice %arg7[%mul3A_225, %dma_wait3A_238] : memref<10000x128xf32, #tpu.memory_space<vmem_shared>> -> memref<50x128xf32, #tpu.memory_space<vmem_shared>>
        tpu.wait_dma2 semaphore(%run_scoped3A_231 : memref<!tpu.dma_semaphore, #tpu.memory_space<semaphore_mem>>) src(%dma_wait3A_239 : memref<50x128xf32, #tpu.memory_space<vmem_shared>>) dst(%dma_wait3A_237 : memref<50x128xf32, #tpu.memory_space<hbm>>)
        tpu.yield
      }) : () -> ()
    } else {
    }
    %add3A_140 = arith.constant 16 : i32
    %add3A_141 = arith.addi %add3A_140, %arg1 : i32
    %lt3A_142 = arith.constant 200 : i32
    %lt3A_143 = arith.cmpi slt, %add3A_141, %lt3A_142 : i32
    %convert_element_type3A_144 = arith.extui %lt3A_143 : i1 to i32
    %cond3A_145 = arith.constant 0 : i32
    %cond3A_146 = arith.cmpi ne, %convert_element_type3A_144, %cond3A_145 : i32
    scf.if %cond3A_146 {
      %mul3A_224 = arith.constant 50 : i32
      %mul3A_225 = arith.muli %add3A_141, %mul3A_224 : i32
      %mul3A_226 = arith.constant 10000 : i32
      %mul3A_227 = arith.muli %arg0, %mul3A_226 : i32
      %mul3A_228 = arith.constant 50 : i32
      %mul3A_229 = arith.muli %add3A_141, %mul3A_228 : i32
      %add3A_230 = arith.addi %mul3A_227, %mul3A_229 : i32
      "tpu.region"() ({
        %run_scoped3A_231 = tpu.sem_alloc : memref<!tpu.dma_semaphore, #tpu.memory_space<semaphore_mem>>
        %dma_start3A_232 = arith.constant 0 : i32
        %dma_start3A_233 = tpu.memref_slice %arg4[%add3A_230, %dma_start3A_232] : memref<20000x128xf32, #tpu.memory_space<hbm>> -> memref<50x128xf32, #tpu.memory_space<hbm>>
        %dma_start3A_234 = arith.constant 0 : i32
        %dma_start3A_235 = tpu.memref_slice %arg7[%mul3A_225, %dma_start3A_234] : memref<10000x128xf32, #tpu.memory_space<vmem_shared>> -> memref<50x128xf32, #tpu.memory_space<vmem_shared>>
        tpu.enqueue_dma source(%dma_start3A_235 : memref<50x128xf32, #tpu.memory_space<vmem_shared>>) target(%dma_start3A_233 : memref<50x128xf32, #tpu.memory_space<hbm>>) target_semaphore(%run_scoped3A_231 : memref<!tpu.dma_semaphore, #tpu.memory_space<semaphore_mem>>)
        %dma_wait3A_236 = arith.constant 0 : i32
        %dma_wait3A_237 = tpu.memref_slice %arg4[%add3A_230, %dma_wait3A_236] : memref<20000x128xf32, #tpu.memory_space<hbm>> -> memref<50x128xf32, #tpu.memory_space<hbm>>
        %dma_wait3A_238 = arith.constant 0 : i32
        %dma_wait3A_239 = tpu.memref_slice %arg7[%mul3A_225, %dma_wait3A_238] : memref<10000x128xf32, #tpu.memory_space<vmem_shared>> -> memref<50x128xf32, #tpu.memory_space<vmem_shared>>
        tpu.wait_dma2 semaphore(%run_scoped3A_231 : memref<!tpu.dma_semaphore, #tpu.memory_space<semaphore_mem>>) src(%dma_wait3A_239 : memref<50x128xf32, #tpu.memory_space<vmem_shared>>) dst(%dma_wait3A_237 : memref<50x128xf32, #tpu.memory_space<hbm>>)
        tpu.yield
      }) : () -> ()
    } else {
    }
    %add3A_147 = arith.constant 32 : i32
    %add3A_148 = arith.addi %add3A_147, %arg1 : i32
    %lt3A_149 = arith.constant 200 : i32
    %lt3A_150 = arith.cmpi slt, %add3A_148, %lt3A_149 : i32
    %convert_element_type3A_151 = arith.extui %lt3A_150 : i1 to i32
    %cond3A_152 = arith.constant 0 : i32
    %cond3A_153 = arith.cmpi ne, %convert_element_type3A_151, %cond3A_152 : i32
    scf.if %cond3A_153 {
      %mul3A_224 = arith.constant 50 : i32
      %mul3A_225 = arith.muli %add3A_148, %mul3A_224 : i32
      %mul3A_226 = arith.constant 10000 : i32
      %mul3A_227 = arith.muli %arg0, %mul3A_226 : i32
      %mul3A_228 = arith.constant 50 : i32
      %mul3A_229 = arith.muli %add3A_148, %mul3A_228 : i32
      %add3A_230 = arith.addi %mul3A_227, %mul3A_229 : i32
      "tpu.region"() ({
        %run_scoped3A_231 = tpu.sem_alloc : memref<!tpu.dma_semaphore, #tpu.memory_space<semaphore_mem>>
        %dma_start3A_232 = arith.constant 0 : i32
        %dma_start3A_233 = tpu.memref_slice %arg4[%add3A_230, %dma_start3A_232] : memref<20000x128xf32, #tpu.memory_space<hbm>> -> memref<50x128xf32, #tpu.memory_space<hbm>>
        %dma_start3A_234 = arith.constant 0 : i32
        %dma_start3A_235 = tpu.memref_slice %arg7[%mul3A_225, %dma_start3A_234] : memref<10000x128xf32, #tpu.memory_space<vmem_shared>> -> memref<50x128xf32, #tpu.memory_space<vmem_shared>>
        tpu.enqueue_dma source(%dma_start3A_235 : memref<50x128xf32, #tpu.memory_space<vmem_shared>>) target(%dma_start3A_233 : memref<50x128xf32, #tpu.memory_space<hbm>>) target_semaphore(%run_scoped3A_231 : memref<!tpu.dma_semaphore, #tpu.memory_space<semaphore_mem>>)
        %dma_wait3A_236 = arith.constant 0 : i32
        %dma_wait3A_237 = tpu.memref_slice %arg4[%add3A_230, %dma_wait3A_236] : memref<20000x128xf32, #tpu.memory_space<hbm>> -> memref<50x128xf32, #tpu.memory_space<hbm>>
        %dma_wait3A_238 = arith.constant 0 : i32
        %dma_wait3A_239 = tpu.memref_slice %arg7[%mul3A_225, %dma_wait3A_238] : memref<10000x128xf32, #tpu.memory_space<vmem_shared>> -> memref<50x128xf32, #tpu.memory_space<vmem_shared>>
        tpu.wait_dma2 semaphore(%run_scoped3A_231 : memref<!tpu.dma_semaphore, #tpu.memory_space<semaphore_mem>>) src(%dma_wait3A_239 : memref<50x128xf32, #tpu.memory_space<vmem_shared>>) dst(%dma_wait3A_237 : memref<50x128xf32, #tpu.memory_space<hbm>>)
        tpu.yield
      }) : () -> ()
    } else {
    }
    %add3A_154 = arith.constant 48 : i32
    %add3A_155 = arith.addi %add3A_154, %arg1 : i32
    %lt3A_156 = arith.constant 200 : i32
    %lt3A_157 = arith.cmpi slt, %add3A_155, %lt3A_156 : i32
    %convert_element_type3A_158 = arith.extui %lt3A_157 : i1 to i32
    %cond3A_159 = arith.constant 0 : i32
    %cond3A_160 = arith.cmpi ne, %convert_element_type3A_158, %cond3A_159 : i32
    scf.if %cond3A_160 {
      %mul3A_224 = arith.constant 50 : i32
      %mul3A_225 = arith.muli %add3A_155, %mul3A_224 : i32
      %mul3A_226 = arith.constant 10000 : i32
      %mul3A_227 = arith.muli %arg0, %mul3A_226 : i32
      %mul3A_228 = arith.constant 50 : i32
      %mul3A_229 = arith.muli %add3A_155, %mul3A_228 : i32
      %add3A_230 = arith.addi %mul3A_227, %mul3A_229 : i32
      "tpu.region"() ({
        %run_scoped3A_231 = tpu.sem_alloc : memref<!tpu.dma_semaphore, #tpu.memory_space<semaphore_mem>>
        %dma_start3A_232 = arith.constant 0 : i32
        %dma_start3A_233 = tpu.memref_slice %arg4[%add3A_230, %dma_start3A_232] : memref<20000x128xf32, #tpu.memory_space<hbm>> -> memref<50x128xf32, #tpu.memory_space<hbm>>
        %dma_start3A_234 = arith.constant 0 : i32
        %dma_start3A_235 = tpu.memref_slice %arg7[%mul3A_225, %dma_start3A_234] : memref<10000x128xf32, #tpu.memory_space<vmem_shared>> -> memref<50x128xf32, #tpu.memory_space<vmem_shared>>
        tpu.enqueue_dma source(%dma_start3A_235 : memref<50x128xf32, #tpu.memory_space<vmem_shared>>) target(%dma_start3A_233 : memref<50x128xf32, #tpu.memory_space<hbm>>) target_semaphore(%run_scoped3A_231 : memref<!tpu.dma_semaphore, #tpu.memory_space<semaphore_mem>>)
        %dma_wait3A_236 = arith.constant 0 : i32
        %dma_wait3A_237 = tpu.memref_slice %arg4[%add3A_230, %dma_wait3A_236] : memref<20000x128xf32, #tpu.memory_space<hbm>> -> memref<50x128xf32, #tpu.memory_space<hbm>>
        %dma_wait3A_238 = arith.constant 0 : i32
        %dma_wait3A_239 = tpu.memref_slice %arg7[%mul3A_225, %dma_wait3A_238] : memref<10000x128xf32, #tpu.memory_space<vmem_shared>> -> memref<50x128xf32, #tpu.memory_space<vmem_shared>>
        tpu.wait_dma2 semaphore(%run_scoped3A_231 : memref<!tpu.dma_semaphore, #tpu.memory_space<semaphore_mem>>) src(%dma_wait3A_239 : memref<50x128xf32, #tpu.memory_space<vmem_shared>>) dst(%dma_wait3A_237 : memref<50x128xf32, #tpu.memory_space<hbm>>)
        tpu.yield
      }) : () -> ()
    } else {
    }
    %add3A_161 = arith.constant 64 : i32
    %add3A_162 = arith.addi %add3A_161, %arg1 : i32
    %lt3A_163 = arith.constant 200 : i32
    %lt3A_164 = arith.cmpi slt, %add3A_162, %lt3A_163 : i32
    %convert_element_type3A_165 = arith.extui %lt3A_164 : i1 to i32
    %cond3A_166 = arith.constant 0 : i32
    %cond3A_167 = arith.cmpi ne, %convert_element_type3A_165, %cond3A_166 : i32
    scf.if %cond3A_167 {
      %mul3A_224 = arith.constant 50 : i32
      %mul3A_225 = arith.muli %add3A_162, %mul3A_224 : i32
      %mul3A_226 = arith.constant 10000 : i32
      %mul3A_227 = arith.muli %arg0, %mul3A_226 : i32
      %mul3A_228 = arith.constant 50 : i32
      %mul3A_229 = arith.muli %add3A_162, %mul3A_228 : i32
      %add3A_230 = arith.addi %mul3A_227, %mul3A_229 : i32
      "tpu.region"() ({
        %run_scoped3A_231 = tpu.sem_alloc : memref<!tpu.dma_semaphore, #tpu.memory_space<semaphore_mem>>
        %dma_start3A_232 = arith.constant 0 : i32
        %dma_start3A_233 = tpu.memref_slice %arg4[%add3A_230, %dma_start3A_232] : memref<20000x128xf32, #tpu.memory_space<hbm>> -> memref<50x128xf32, #tpu.memory_space<hbm>>
        %dma_start3A_234 = arith.constant 0 : i32
        %dma_start3A_235 = tpu.memref_slice %arg7[%mul3A_225, %dma_start3A_234] : memref<10000x128xf32, #tpu.memory_space<vmem_shared>> -> memref<50x128xf32, #tpu.memory_space<vmem_shared>>
        tpu.enqueue_dma source(%dma_start3A_235 : memref<50x128xf32, #tpu.memory_space<vmem_shared>>) target(%dma_start3A_233 : memref<50x128xf32, #tpu.memory_space<hbm>>) target_semaphore(%run_scoped3A_231 : memref<!tpu.dma_semaphore, #tpu.memory_space<semaphore_mem>>)
        %dma_wait3A_236 = arith.constant 0 : i32
        %dma_wait3A_237 = tpu.memref_slice %arg4[%add3A_230, %dma_wait3A_236] : memref<20000x128xf32, #tpu.memory_space<hbm>> -> memref<50x128xf32, #tpu.memory_space<hbm>>
        %dma_wait3A_238 = arith.constant 0 : i32
        %dma_wait3A_239 = tpu.memref_slice %arg7[%mul3A_225, %dma_wait3A_238] : memref<10000x128xf32, #tpu.memory_space<vmem_shared>> -> memref<50x128xf32, #tpu.memory_space<vmem_shared>>
        tpu.wait_dma2 semaphore(%run_scoped3A_231 : memref<!tpu.dma_semaphore, #tpu.memory_space<semaphore_mem>>) src(%dma_wait3A_239 : memref<50x128xf32, #tpu.memory_space<vmem_shared>>) dst(%dma_wait3A_237 : memref<50x128xf32, #tpu.memory_space<hbm>>)
        tpu.yield
      }) : () -> ()
    } else {
    }
    %add3A_168 = arith.constant 80 : i32
    %add3A_169 = arith.addi %add3A_168, %arg1 : i32
    %lt3A_170 = arith.constant 200 : i32
    %lt3A_171 = arith.cmpi slt, %add3A_169, %lt3A_170 : i32
    %convert_element_type3A_172 = arith.extui %lt3A_171 : i1 to i32
    %cond3A_173 = arith.constant 0 : i32
    %cond3A_174 = arith.cmpi ne, %convert_element_type3A_172, %cond3A_173 : i32
    scf.if %cond3A_174 {
      %mul3A_224 = arith.constant 50 : i32
      %mul3A_225 = arith.muli %add3A_169, %mul3A_224 : i32
      %mul3A_226 = arith.constant 10000 : i32
      %mul3A_227 = arith.muli %arg0, %mul3A_226 : i32
      %mul3A_228 = arith.constant 50 : i32
      %mul3A_229 = arith.muli %add3A_169, %mul3A_228 : i32
      %add3A_230 = arith.addi %mul3A_227, %mul3A_229 : i32
      "tpu.region"() ({
        %run_scoped3A_231 = tpu.sem_alloc : memref<!tpu.dma_semaphore, #tpu.memory_space<semaphore_mem>>
        %dma_start3A_232 = arith.constant 0 : i32
        %dma_start3A_233 = tpu.memref_slice %arg4[%add3A_230, %dma_start3A_232] : memref<20000x128xf32, #tpu.memory_space<hbm>> -> memref<50x128xf32, #tpu.memory_space<hbm>>
        %dma_start3A_234 = arith.constant 0 : i32
        %dma_start3A_235 = tpu.memref_slice %arg7[%mul3A_225, %dma_start3A_234] : memref<10000x128xf32, #tpu.memory_space<vmem_shared>> -> memref<50x128xf32, #tpu.memory_space<vmem_shared>>
        tpu.enqueue_dma source(%dma_start3A_235 : memref<50x128xf32, #tpu.memory_space<vmem_shared>>) target(%dma_start3A_233 : memref<50x128xf32, #tpu.memory_space<hbm>>) target_semaphore(%run_scoped3A_231 : memref<!tpu.dma_semaphore, #tpu.memory_space<semaphore_mem>>)
        %dma_wait3A_236 = arith.constant 0 : i32
        %dma_wait3A_237 = tpu.memref_slice %arg4[%add3A_230, %dma_wait3A_236] : memref<20000x128xf32, #tpu.memory_space<hbm>> -> memref<50x128xf32, #tpu.memory_space<hbm>>
        %dma_wait3A_238 = arith.constant 0 : i32
        %dma_wait3A_239 = tpu.memref_slice %arg7[%mul3A_225, %dma_wait3A_238] : memref<10000x128xf32, #tpu.memory_space<vmem_shared>> -> memref<50x128xf32, #tpu.memory_space<vmem_shared>>
        tpu.wait_dma2 semaphore(%run_scoped3A_231 : memref<!tpu.dma_semaphore, #tpu.memory_space<semaphore_mem>>) src(%dma_wait3A_239 : memref<50x128xf32, #tpu.memory_space<vmem_shared>>) dst(%dma_wait3A_237 : memref<50x128xf32, #tpu.memory_space<hbm>>)
        tpu.yield
      }) : () -> ()
    } else {
    }
    %add3A_175 = arith.constant 96 : i32
    %add3A_176 = arith.addi %add3A_175, %arg1 : i32
    %lt3A_177 = arith.constant 200 : i32
    %lt3A_178 = arith.cmpi slt, %add3A_176, %lt3A_177 : i32
    %convert_element_type3A_179 = arith.extui %lt3A_178 : i1 to i32
    %cond3A_180 = arith.constant 0 : i32
    %cond3A_181 = arith.cmpi ne, %convert_element_type3A_179, %cond3A_180 : i32
    scf.if %cond3A_181 {
      %mul3A_224 = arith.constant 50 : i32
      %mul3A_225 = arith.muli %add3A_176, %mul3A_224 : i32
      %mul3A_226 = arith.constant 10000 : i32
      %mul3A_227 = arith.muli %arg0, %mul3A_226 : i32
      %mul3A_228 = arith.constant 50 : i32
      %mul3A_229 = arith.muli %add3A_176, %mul3A_228 : i32
      %add3A_230 = arith.addi %mul3A_227, %mul3A_229 : i32
      "tpu.region"() ({
        %run_scoped3A_231 = tpu.sem_alloc : memref<!tpu.dma_semaphore, #tpu.memory_space<semaphore_mem>>
        %dma_start3A_232 = arith.constant 0 : i32
        %dma_start3A_233 = tpu.memref_slice %arg4[%add3A_230, %dma_start3A_232] : memref<20000x128xf32, #tpu.memory_space<hbm>> -> memref<50x128xf32, #tpu.memory_space<hbm>>
        %dma_start3A_234 = arith.constant 0 : i32
        %dma_start3A_235 = tpu.memref_slice %arg7[%mul3A_225, %dma_start3A_234] : memref<10000x128xf32, #tpu.memory_space<vmem_shared>> -> memref<50x128xf32, #tpu.memory_space<vmem_shared>>
        tpu.enqueue_dma source(%dma_start3A_235 : memref<50x128xf32, #tpu.memory_space<vmem_shared>>) target(%dma_start3A_233 : memref<50x128xf32, #tpu.memory_space<hbm>>) target_semaphore(%run_scoped3A_231 : memref<!tpu.dma_semaphore, #tpu.memory_space<semaphore_mem>>)
        %dma_wait3A_236 = arith.constant 0 : i32
        %dma_wait3A_237 = tpu.memref_slice %arg4[%add3A_230, %dma_wait3A_236] : memref<20000x128xf32, #tpu.memory_space<hbm>> -> memref<50x128xf32, #tpu.memory_space<hbm>>
        %dma_wait3A_238 = arith.constant 0 : i32
        %dma_wait3A_239 = tpu.memref_slice %arg7[%mul3A_225, %dma_wait3A_238] : memref<10000x128xf32, #tpu.memory_space<vmem_shared>> -> memref<50x128xf32, #tpu.memory_space<vmem_shared>>
        tpu.wait_dma2 semaphore(%run_scoped3A_231 : memref<!tpu.dma_semaphore, #tpu.memory_space<semaphore_mem>>) src(%dma_wait3A_239 : memref<50x128xf32, #tpu.memory_space<vmem_shared>>) dst(%dma_wait3A_237 : memref<50x128xf32, #tpu.memory_space<hbm>>)
        tpu.yield
      }) : () -> ()
    } else {
    }
    %add3A_182 = arith.constant 112 : i32
    %add3A_183 = arith.addi %add3A_182, %arg1 : i32
    %lt3A_184 = arith.constant 200 : i32
    %lt3A_185 = arith.cmpi slt, %add3A_183, %lt3A_184 : i32
    %convert_element_type3A_186 = arith.extui %lt3A_185 : i1 to i32
    %cond3A_187 = arith.constant 0 : i32
    %cond3A_188 = arith.cmpi ne, %convert_element_type3A_186, %cond3A_187 : i32
    scf.if %cond3A_188 {
      %mul3A_224 = arith.constant 50 : i32
      %mul3A_225 = arith.muli %add3A_183, %mul3A_224 : i32
      %mul3A_226 = arith.constant 10000 : i32
      %mul3A_227 = arith.muli %arg0, %mul3A_226 : i32
      %mul3A_228 = arith.constant 50 : i32
      %mul3A_229 = arith.muli %add3A_183, %mul3A_228 : i32
      %add3A_230 = arith.addi %mul3A_227, %mul3A_229 : i32
      "tpu.region"() ({
        %run_scoped3A_231 = tpu.sem_alloc : memref<!tpu.dma_semaphore, #tpu.memory_space<semaphore_mem>>
        %dma_start3A_232 = arith.constant 0 : i32
        %dma_start3A_233 = tpu.memref_slice %arg4[%add3A_230, %dma_start3A_232] : memref<20000x128xf32, #tpu.memory_space<hbm>> -> memref<50x128xf32, #tpu.memory_space<hbm>>
        %dma_start3A_234 = arith.constant 0 : i32
        %dma_start3A_235 = tpu.memref_slice %arg7[%mul3A_225, %dma_start3A_234] : memref<10000x128xf32, #tpu.memory_space<vmem_shared>> -> memref<50x128xf32, #tpu.memory_space<vmem_shared>>
        tpu.enqueue_dma source(%dma_start3A_235 : memref<50x128xf32, #tpu.memory_space<vmem_shared>>) target(%dma_start3A_233 : memref<50x128xf32, #tpu.memory_space<hbm>>) target_semaphore(%run_scoped3A_231 : memref<!tpu.dma_semaphore, #tpu.memory_space<semaphore_mem>>)
        %dma_wait3A_236 = arith.constant 0 : i32
        %dma_wait3A_237 = tpu.memref_slice %arg4[%add3A_230, %dma_wait3A_236] : memref<20000x128xf32, #tpu.memory_space<hbm>> -> memref<50x128xf32, #tpu.memory_space<hbm>>
        %dma_wait3A_238 = arith.constant 0 : i32
        %dma_wait3A_239 = tpu.memref_slice %arg7[%mul3A_225, %dma_wait3A_238] : memref<10000x128xf32, #tpu.memory_space<vmem_shared>> -> memref<50x128xf32, #tpu.memory_space<vmem_shared>>
        tpu.wait_dma2 semaphore(%run_scoped3A_231 : memref<!tpu.dma_semaphore, #tpu.memory_space<semaphore_mem>>) src(%dma_wait3A_239 : memref<50x128xf32, #tpu.memory_space<vmem_shared>>) dst(%dma_wait3A_237 : memref<50x128xf32, #tpu.memory_space<hbm>>)
        tpu.yield
      }) : () -> ()
    } else {
    }
    %add3A_189 = arith.constant 128 : i32
    %add3A_190 = arith.addi %add3A_189, %arg1 : i32
    %lt3A_191 = arith.constant 200 : i32
    %lt3A_192 = arith.cmpi slt, %add3A_190, %lt3A_191 : i32
    %convert_element_type3A_193 = arith.extui %lt3A_192 : i1 to i32
    %cond3A_194 = arith.constant 0 : i32
    %cond3A_195 = arith.cmpi ne, %convert_element_type3A_193, %cond3A_194 : i32
    scf.if %cond3A_195 {
      %mul3A_224 = arith.constant 50 : i32
      %mul3A_225 = arith.muli %add3A_190, %mul3A_224 : i32
      %mul3A_226 = arith.constant 10000 : i32
      %mul3A_227 = arith.muli %arg0, %mul3A_226 : i32
      %mul3A_228 = arith.constant 50 : i32
      %mul3A_229 = arith.muli %add3A_190, %mul3A_228 : i32
      %add3A_230 = arith.addi %mul3A_227, %mul3A_229 : i32
      "tpu.region"() ({
        %run_scoped3A_231 = tpu.sem_alloc : memref<!tpu.dma_semaphore, #tpu.memory_space<semaphore_mem>>
        %dma_start3A_232 = arith.constant 0 : i32
        %dma_start3A_233 = tpu.memref_slice %arg4[%add3A_230, %dma_start3A_232] : memref<20000x128xf32, #tpu.memory_space<hbm>> -> memref<50x128xf32, #tpu.memory_space<hbm>>
        %dma_start3A_234 = arith.constant 0 : i32
        %dma_start3A_235 = tpu.memref_slice %arg7[%mul3A_225, %dma_start3A_234] : memref<10000x128xf32, #tpu.memory_space<vmem_shared>> -> memref<50x128xf32, #tpu.memory_space<vmem_shared>>
        tpu.enqueue_dma source(%dma_start3A_235 : memref<50x128xf32, #tpu.memory_space<vmem_shared>>) target(%dma_start3A_233 : memref<50x128xf32, #tpu.memory_space<hbm>>) target_semaphore(%run_scoped3A_231 : memref<!tpu.dma_semaphore, #tpu.memory_space<semaphore_mem>>)
        %dma_wait3A_236 = arith.constant 0 : i32
        %dma_wait3A_237 = tpu.memref_slice %arg4[%add3A_230, %dma_wait3A_236] : memref<20000x128xf32, #tpu.memory_space<hbm>> -> memref<50x128xf32, #tpu.memory_space<hbm>>
        %dma_wait3A_238 = arith.constant 0 : i32
        %dma_wait3A_239 = tpu.memref_slice %arg7[%mul3A_225, %dma_wait3A_238] : memref<10000x128xf32, #tpu.memory_space<vmem_shared>> -> memref<50x128xf32, #tpu.memory_space<vmem_shared>>
        tpu.wait_dma2 semaphore(%run_scoped3A_231 : memref<!tpu.dma_semaphore, #tpu.memory_space<semaphore_mem>>) src(%dma_wait3A_239 : memref<50x128xf32, #tpu.memory_space<vmem_shared>>) dst(%dma_wait3A_237 : memref<50x128xf32, #tpu.memory_space<hbm>>)
        tpu.yield
      }) : () -> ()
    } else {
    }
    %add3A_196 = arith.constant 144 : i32
    %add3A_197 = arith.addi %add3A_196, %arg1 : i32
    %lt3A_198 = arith.constant 200 : i32
    %lt3A_199 = arith.cmpi slt, %add3A_197, %lt3A_198 : i32
    %convert_element_type3A_200 = arith.extui %lt3A_199 : i1 to i32
    %cond3A_201 = arith.constant 0 : i32
    %cond3A_202 = arith.cmpi ne, %convert_element_type3A_200, %cond3A_201 : i32
    scf.if %cond3A_202 {
      %mul3A_224 = arith.constant 50 : i32
      %mul3A_225 = arith.muli %add3A_197, %mul3A_224 : i32
      %mul3A_226 = arith.constant 10000 : i32
      %mul3A_227 = arith.muli %arg0, %mul3A_226 : i32
      %mul3A_228 = arith.constant 50 : i32
      %mul3A_229 = arith.muli %add3A_197, %mul3A_228 : i32
      %add3A_230 = arith.addi %mul3A_227, %mul3A_229 : i32
      "tpu.region"() ({
        %run_scoped3A_231 = tpu.sem_alloc : memref<!tpu.dma_semaphore, #tpu.memory_space<semaphore_mem>>
        %dma_start3A_232 = arith.constant 0 : i32
        %dma_start3A_233 = tpu.memref_slice %arg4[%add3A_230, %dma_start3A_232] : memref<20000x128xf32, #tpu.memory_space<hbm>> -> memref<50x128xf32, #tpu.memory_space<hbm>>
        %dma_start3A_234 = arith.constant 0 : i32
        %dma_start3A_235 = tpu.memref_slice %arg7[%mul3A_225, %dma_start3A_234] : memref<10000x128xf32, #tpu.memory_space<vmem_shared>> -> memref<50x128xf32, #tpu.memory_space<vmem_shared>>
        tpu.enqueue_dma source(%dma_start3A_235 : memref<50x128xf32, #tpu.memory_space<vmem_shared>>) target(%dma_start3A_233 : memref<50x128xf32, #tpu.memory_space<hbm>>) target_semaphore(%run_scoped3A_231 : memref<!tpu.dma_semaphore, #tpu.memory_space<semaphore_mem>>)
        %dma_wait3A_236 = arith.constant 0 : i32
        %dma_wait3A_237 = tpu.memref_slice %arg4[%add3A_230, %dma_wait3A_236] : memref<20000x128xf32, #tpu.memory_space<hbm>> -> memref<50x128xf32, #tpu.memory_space<hbm>>
        %dma_wait3A_238 = arith.constant 0 : i32
        %dma_wait3A_239 = tpu.memref_slice %arg7[%mul3A_225, %dma_wait3A_238] : memref<10000x128xf32, #tpu.memory_space<vmem_shared>> -> memref<50x128xf32, #tpu.memory_space<vmem_shared>>
        tpu.wait_dma2 semaphore(%run_scoped3A_231 : memref<!tpu.dma_semaphore, #tpu.memory_space<semaphore_mem>>) src(%dma_wait3A_239 : memref<50x128xf32, #tpu.memory_space<vmem_shared>>) dst(%dma_wait3A_237 : memref<50x128xf32, #tpu.memory_space<hbm>>)
        tpu.yield
      }) : () -> ()
    } else {
    }
    %add3A_203 = arith.constant 160 : i32
    %add3A_204 = arith.addi %add3A_203, %arg1 : i32
    %lt3A_205 = arith.constant 200 : i32
    %lt3A_206 = arith.cmpi slt, %add3A_204, %lt3A_205 : i32
    %convert_element_type3A_207 = arith.extui %lt3A_206 : i1 to i32
    %cond3A_208 = arith.constant 0 : i32
    %cond3A_209 = arith.cmpi ne, %convert_element_type3A_207, %cond3A_208 : i32
    scf.if %cond3A_209 {
      %mul3A_224 = arith.constant 50 : i32
      %mul3A_225 = arith.muli %add3A_204, %mul3A_224 : i32
      %mul3A_226 = arith.constant 10000 : i32
      %mul3A_227 = arith.muli %arg0, %mul3A_226 : i32
      %mul3A_228 = arith.constant 50 : i32
      %mul3A_229 = arith.muli %add3A_204, %mul3A_228 : i32
      %add3A_230 = arith.addi %mul3A_227, %mul3A_229 : i32
      "tpu.region"() ({
        %run_scoped3A_231 = tpu.sem_alloc : memref<!tpu.dma_semaphore, #tpu.memory_space<semaphore_mem>>
        %dma_start3A_232 = arith.constant 0 : i32
        %dma_start3A_233 = tpu.memref_slice %arg4[%add3A_230, %dma_start3A_232] : memref<20000x128xf32, #tpu.memory_space<hbm>> -> memref<50x128xf32, #tpu.memory_space<hbm>>
        %dma_start3A_234 = arith.constant 0 : i32
        %dma_start3A_235 = tpu.memref_slice %arg7[%mul3A_225, %dma_start3A_234] : memref<10000x128xf32, #tpu.memory_space<vmem_shared>> -> memref<50x128xf32, #tpu.memory_space<vmem_shared>>
        tpu.enqueue_dma source(%dma_start3A_235 : memref<50x128xf32, #tpu.memory_space<vmem_shared>>) target(%dma_start3A_233 : memref<50x128xf32, #tpu.memory_space<hbm>>) target_semaphore(%run_scoped3A_231 : memref<!tpu.dma_semaphore, #tpu.memory_space<semaphore_mem>>)
        %dma_wait3A_236 = arith.constant 0 : i32
        %dma_wait3A_237 = tpu.memref_slice %arg4[%add3A_230, %dma_wait3A_236] : memref<20000x128xf32, #tpu.memory_space<hbm>> -> memref<50x128xf32, #tpu.memory_space<hbm>>
        %dma_wait3A_238 = arith.constant 0 : i32
        %dma_wait3A_239 = tpu.memref_slice %arg7[%mul3A_225, %dma_wait3A_238] : memref<10000x128xf32, #tpu.memory_space<vmem_shared>> -> memref<50x128xf32, #tpu.memory_space<vmem_shared>>
        tpu.wait_dma2 semaphore(%run_scoped3A_231 : memref<!tpu.dma_semaphore, #tpu.memory_space<semaphore_mem>>) src(%dma_wait3A_239 : memref<50x128xf32, #tpu.memory_space<vmem_shared>>) dst(%dma_wait3A_237 : memref<50x128xf32, #tpu.memory_space<hbm>>)
        tpu.yield
      }) : () -> ()
    } else {
    }
    %add3A_210 = arith.constant 176 : i32
    %add3A_211 = arith.addi %add3A_210, %arg1 : i32
    %lt3A_212 = arith.constant 200 : i32
    %lt3A_213 = arith.cmpi slt, %add3A_211, %lt3A_212 : i32
    %convert_element_type3A_214 = arith.extui %lt3A_213 : i1 to i32
    %cond3A_215 = arith.constant 0 : i32
    %cond3A_216 = arith.cmpi ne, %convert_element_type3A_214, %cond3A_215 : i32
    scf.if %cond3A_216 {
      %mul3A_224 = arith.constant 50 : i32
      %mul3A_225 = arith.muli %add3A_211, %mul3A_224 : i32
      %mul3A_226 = arith.constant 10000 : i32
      %mul3A_227 = arith.muli %arg0, %mul3A_226 : i32
      %mul3A_228 = arith.constant 50 : i32
      %mul3A_229 = arith.muli %add3A_211, %mul3A_228 : i32
      %add3A_230 = arith.addi %mul3A_227, %mul3A_229 : i32
      "tpu.region"() ({
        %run_scoped3A_231 = tpu.sem_alloc : memref<!tpu.dma_semaphore, #tpu.memory_space<semaphore_mem>>
        %dma_start3A_232 = arith.constant 0 : i32
        %dma_start3A_233 = tpu.memref_slice %arg4[%add3A_230, %dma_start3A_232] : memref<20000x128xf32, #tpu.memory_space<hbm>> -> memref<50x128xf32, #tpu.memory_space<hbm>>
        %dma_start3A_234 = arith.constant 0 : i32
        %dma_start3A_235 = tpu.memref_slice %arg7[%mul3A_225, %dma_start3A_234] : memref<10000x128xf32, #tpu.memory_space<vmem_shared>> -> memref<50x128xf32, #tpu.memory_space<vmem_shared>>
        tpu.enqueue_dma source(%dma_start3A_235 : memref<50x128xf32, #tpu.memory_space<vmem_shared>>) target(%dma_start3A_233 : memref<50x128xf32, #tpu.memory_space<hbm>>) target_semaphore(%run_scoped3A_231 : memref<!tpu.dma_semaphore, #tpu.memory_space<semaphore_mem>>)
        %dma_wait3A_236 = arith.constant 0 : i32
        %dma_wait3A_237 = tpu.memref_slice %arg4[%add3A_230, %dma_wait3A_236] : memref<20000x128xf32, #tpu.memory_space<hbm>> -> memref<50x128xf32, #tpu.memory_space<hbm>>
        %dma_wait3A_238 = arith.constant 0 : i32
        %dma_wait3A_239 = tpu.memref_slice %arg7[%mul3A_225, %dma_wait3A_238] : memref<10000x128xf32, #tpu.memory_space<vmem_shared>> -> memref<50x128xf32, #tpu.memory_space<vmem_shared>>
        tpu.wait_dma2 semaphore(%run_scoped3A_231 : memref<!tpu.dma_semaphore, #tpu.memory_space<semaphore_mem>>) src(%dma_wait3A_239 : memref<50x128xf32, #tpu.memory_space<vmem_shared>>) dst(%dma_wait3A_237 : memref<50x128xf32, #tpu.memory_space<hbm>>)
        tpu.yield
      }) : () -> ()
    } else {
    }
    %add3A_217 = arith.constant 192 : i32
    %add3A_218 = arith.addi %add3A_217, %arg1 : i32
    %lt3A_219 = arith.constant 200 : i32
    %lt3A_220 = arith.cmpi slt, %add3A_218, %lt3A_219 : i32
    %convert_element_type3A_221 = arith.extui %lt3A_220 : i1 to i32
    %cond3A_222 = arith.constant 0 : i32
    %cond3A_223 = arith.cmpi ne, %convert_element_type3A_221, %cond3A_222 : i32
    scf.if %cond3A_223 {
      %mul3A_224 = arith.constant 50 : i32
      %mul3A_225 = arith.muli %add3A_218, %mul3A_224 : i32
      %mul3A_226 = arith.constant 10000 : i32
      %mul3A_227 = arith.muli %arg0, %mul3A_226 : i32
      %mul3A_228 = arith.constant 50 : i32
      %mul3A_229 = arith.muli %add3A_218, %mul3A_228 : i32
      %add3A_230 = arith.addi %mul3A_227, %mul3A_229 : i32
      "tpu.region"() ({
        %run_scoped3A_231 = tpu.sem_alloc : memref<!tpu.dma_semaphore, #tpu.memory_space<semaphore_mem>>
        %dma_start3A_232 = arith.constant 0 : i32
        %dma_start3A_233 = tpu.memref_slice %arg4[%add3A_230, %dma_start3A_232] : memref<20000x128xf32, #tpu.memory_space<hbm>> -> memref<50x128xf32, #tpu.memory_space<hbm>>
        %dma_start3A_234 = arith.constant 0 : i32
        %dma_start3A_235 = tpu.memref_slice %arg7[%mul3A_225, %dma_start3A_234] : memref<10000x128xf32, #tpu.memory_space<vmem_shared>> -> memref<50x128xf32, #tpu.memory_space<vmem_shared>>
        tpu.enqueue_dma source(%dma_start3A_235 : memref<50x128xf32, #tpu.memory_space<vmem_shared>>) target(%dma_start3A_233 : memref<50x128xf32, #tpu.memory_space<hbm>>) target_semaphore(%run_scoped3A_231 : memref<!tpu.dma_semaphore, #tpu.memory_space<semaphore_mem>>)
        %dma_wait3A_236 = arith.constant 0 : i32
        %dma_wait3A_237 = tpu.memref_slice %arg4[%add3A_230, %dma_wait3A_236] : memref<20000x128xf32, #tpu.memory_space<hbm>> -> memref<50x128xf32, #tpu.memory_space<hbm>>
        %dma_wait3A_238 = arith.constant 0 : i32
        %dma_wait3A_239 = tpu.memref_slice %arg7[%mul3A_225, %dma_wait3A_238] : memref<10000x128xf32, #tpu.memory_space<vmem_shared>> -> memref<50x128xf32, #tpu.memory_space<vmem_shared>>
        tpu.wait_dma2 semaphore(%run_scoped3A_231 : memref<!tpu.dma_semaphore, #tpu.memory_space<semaphore_mem>>) src(%dma_wait3A_239 : memref<50x128xf32, #tpu.memory_space<vmem_shared>>) dst(%dma_wait3A_237 : memref<50x128xf32, #tpu.memory_space<hbm>>)
        tpu.yield
      }) : () -> ()
    } else {
    }
    return
  }
}

#map = affine_map<(d0, d1) -> (0, 0)>
#map1 = affine_map<(d0, d1) -> (0, 0, 0)>
module attributes {stable_mosaic.version = 14 : i64} {
  func.func @k(%arg0: i32, %arg1: i32, %arg2: memref<10000x128xf32, #tpu.memory_space<hbm>>, %arg3: memref<2x6400x50xi32, #tpu.memory_space<hbm>>, %arg4: memref<20000x128xf32, #tpu.memory_space<hbm>>, %arg5: memref<200x50xi32, #tpu.memory_space<vmem>>, %arg6: memref<200x50xi32, #tpu.memory_space<vmem>>, %arg7: memref<10000x128xf32, #tpu.memory_space<vmem_shared>>, %arg8: memref<50x128xf32, #tpu.memory_space<vmem>>, %arg9: memref<50x128xf32, #tpu.memory_space<vmem>>, %arg10: memref<50x128xf32, #tpu.memory_space<vmem>>, %arg11: memref<50x128xf32, #tpu.memory_space<vmem>>, %arg12: memref<!tpu.dma_semaphore, #tpu.memory_space<semaphore_mem>>, %arg13: memref<!tpu.dma_semaphore, #tpu.memory_space<semaphore_mem>>, %arg14: memref<!tpu.dma_semaphore, #tpu.memory_space<semaphore_mem>>, %arg15: memref<!tpu.dma_semaphore, #tpu.memory_space<semaphore_mem>>, %arg16: memref<!tpu.dma_semaphore, #tpu.memory_space<semaphore_mem>>, %arg17: memref<!tpu.dma_semaphore, #tpu.memory_space<semaphore_mem>>, %arg18: memref<!tpu.dma_semaphore, #tpu.memory_space<semaphore_mem>>, %arg19: memref<!tpu.dma_semaphore, #tpu.memory_space<semaphore_mem>>) attributes {dimension_semantics = [#tpu.dimension_semantics<core_parallel>, #tpu.dimension_semantics<subcore_parallel>], iteration_bounds = array<i64: 2, 16>, scalar_prefetch = 0 : i64, scratch_operands = 15 : i64, tpu.core_type = #tpu.core_type<sc_vector_subcore>, window_params = [{transform_indices = #map}, {transform_indices = #map1}, {transform_indices = #map}]} {
    %broadcast_in_dim3A = arith.constant 0.000000e+00 : f32
    %broadcast_in_dim3A_0 = vector.broadcast %broadcast_in_dim3A : f32 to vector<16xf32>
    %scan3A = arith.constant 0 : i32
    %scan3A_1 = arith.constant 0 : i32
    %scan3A_2 = arith.constant 400 : i32
    %scan3A_3 = arith.addi %scan3A_1, %scan3A_2 : i32
    %scan3A_4 = arith.constant 1 : i32
    %scan3A_5 = scf.for %scan3A_224 = %scan3A_1 to %scan3A_3 step %scan3A_4 iter_args(%scan3A_225 = %scan3A) -> (i32)  : i32 {
      %jit3A = arith.constant 8 : i32
      %div3A = arith.divsi %scan3A_224, %jit3A : i32
      %sign3A = arith.constant 0 : i32
      %sign3A_226 = arith.cmpi sgt, %scan3A_224, %sign3A : i32
      %sign3A_227 = arith.extui %sign3A_226 : i1 to i32
      %sign3A_228 = arith.constant 0 : i32
      %sign3A_229 = arith.cmpi slt, %scan3A_224, %sign3A_228 : i32
      %sign3A_230 = arith.extui %sign3A_229 : i1 to i32
      %sign3A_231 = arith.subi %sign3A_227, %sign3A_230 : i32
      %sign3A_232 = arith.constant 0 : i32
      %sign3A_233 = arith.cmpi sgt, %jit3A, %sign3A_232 : i32
      %sign3A_234 = arith.extui %sign3A_233 : i1 to i32
      %sign3A_235 = arith.constant 0 : i32
      %sign3A_236 = arith.cmpi slt, %jit3A, %sign3A_235 : i32
      %sign3A_237 = arith.extui %sign3A_236 : i1 to i32
      %sign3A_238 = arith.subi %sign3A_234, %sign3A_237 : i32
      %ne3A = arith.cmpi ne, %sign3A_231, %sign3A_238 : i32
      %rem3A = arith.remsi %scan3A_224, %jit3A : i32
      %ne3A_239 = arith.constant 0 : i32
      %ne3A_240 = arith.cmpi ne, %rem3A, %ne3A_239 : i32
      %and3A = arith.andi %ne3A, %ne3A_240 : i1
      %sub3A = arith.constant 1 : i32
      %sub3A_241 = arith.subi %div3A, %sub3A : i32
      %select_n3A = arith.select %and3A, %sub3A_241, %div3A : i32
      %jit3A_242 = arith.constant 8 : i32
      %eq3A = arith.constant 0 : i32
      %eq3A_243 = arith.cmpi eq, %jit3A_242, %eq3A : i32
      %jit3A_244 = arith.constant 1 : i32
      %select_n3A_245 = arith.select %eq3A_243, %jit3A_244, %jit3A_242 : i32
      %rem3A_246 = arith.remsi %scan3A_224, %select_n3A_245 : i32
      %ne3A_247 = arith.constant 0 : i32
      %ne3A_248 = arith.cmpi ne, %rem3A_246, %ne3A_247 : i32
      %lt3A_249 = arith.constant 0 : i32
      %lt3A_250 = arith.cmpi slt, %rem3A_246, %lt3A_249 : i32
      %lt3A_251 = arith.constant 0 : i32
      %lt3A_252 = arith.cmpi slt, %select_n3A_245, %lt3A_251 : i32
      %ne3A_253 = arith.xori %lt3A_250, %lt3A_252 : i1
      %and3A_254 = arith.andi %ne3A_253, %ne3A_248 : i1
      %add3A_255 = arith.addi %rem3A_246, %select_n3A_245 : i32
      %select_n3A_256 = arith.select %and3A_254, %add3A_255, %rem3A_246 : i32
      %mul3A_257 = arith.constant 16 : i32
      %mul3A_258 = arith.muli %select_n3A_256, %mul3A_257 : i32
      %swap3A = arith.index_cast %select_n3A : i32 to index
      %swap3A_259 = arith.index_cast %mul3A_258 : i32 to index
      %swap3A_260 = tpu.vector_load %arg8[%swap3A, %swap3A_259] {strides = array<i32>} : memref<50x128xf32, #tpu.memory_space<vmem>>, vector<1x16xf32>,
      %swap3A_261 = vector.shape_cast %swap3A_260 : vector<1x16xf32> to vector<16xf32>
      %swap3A_262 = vector.shape_cast %broadcast_in_dim3A_0 : vector<16xf32> to vector<1x16xf32>
      tpu.vector_store %arg8[%swap3A, %swap3A_259], %swap3A_262 {strides = array<i32>} : memref<50x128xf32, #tpu.memory_space<vmem>>, vector<1x16xf32>,
      %scan3A_263 = arith.constant 0 : i32
      scf.yield %scan3A_263 : i32
    }
    %scan3A_6 = arith.constant 400 : i32
    %add3A = arith.constant 0 : i32
    %add3A_7 = arith.addi %add3A, %arg1 : i32
    %lt3A = arith.constant 200 : i32
    %lt3A_8 = arith.cmpi slt, %add3A_7, %lt3A : i32
    %convert_element_type3A = arith.extui %lt3A_8 : i1 to i32
    %cond3A = arith.constant 0 : i32
    %cond3A_9 = arith.cmpi ne, %convert_element_type3A, %cond3A : i32
    scf.if %cond3A_9 {
      %mul3A_224 = arith.constant 50 : i32
      %mul3A_225 = arith.muli %add3A_7, %mul3A_224 : i32
      "tpu.region"() ({
        %run_scoped3A_226 = tpu.sem_alloc : memref<!tpu.dma_semaphore, #tpu.memory_space<semaphore_mem>>
        %dma_start3A_227 = arith.constant 0 : i32
        %dma_start3A_228 = tpu.memref_slice %arg7[%mul3A_225, %dma_start3A_227] : memref<10000x128xf32, #tpu.memory_space<vmem_shared>> -> memref<50x128xf32, #tpu.memory_space<vmem_shared>>
        %dma_start3A_229 = arith.constant 0 : i32
        %dma_start3A_230 = tpu.memref_slice %arg7[%mul3A_225, %dma_start3A_229] : memref<10000x128xf32, #tpu.memory_space<vmem_shared>> -> memref<50x128xf32, #tpu.memory_space<vmem_shared>>
        tpu.enqueue_dma source(%arg8 : memref<50x128xf32, #tpu.memory_space<vmem>>) target(%dma_start3A_230 : memref<50x128xf32, #tpu.memory_space<vmem_shared>>) target_semaphore(%run_scoped3A_226 : memref<!tpu.dma_semaphore, #tpu.memory_space<semaphore_mem>>)
        %dma_wait3A_231 = arith.constant 0 : i32
        %dma_wait3A_232 = tpu.memref_slice %arg7[%mul3A_225, %dma_wait3A_231] : memref<10000x128xf32, #tpu.memory_space<vmem_shared>> -> memref<50x128xf32, #tpu.memory_space<vmem_shared>>
        %dma_wait3A_233 = arith.constant 0 : i32
        %dma_wait3A_234 = tpu.memref_slice %arg7[%mul3A_225, %dma_wait3A_233] : memref<10000x128xf32, #tpu.memory_space<vmem_shared>> -> memref<50x128xf32, #tpu.memory_space<vmem_shared>>
        tpu.wait_dma2 semaphore(%run_scoped3A_226 : memref<!tpu.dma_semaphore, #tpu.memory_space<semaphore_mem>>) src(%arg8 : memref<50x128xf32, #tpu.memory_space<vmem>>) dst(%dma_wait3A_234 : memref<50x128xf32, #tpu.memory_space<vmem_shared>>)
        tpu.yield
      }) : () -> ()
    } else {
    }
    %add3A_10 = arith.constant 16 : i32
    %add3A_11 = arith.addi %add3A_10, %arg1 : i32
    %lt3A_12 = arith.constant 200 : i32
    %lt3A_13 = arith.cmpi slt, %add3A_11, %lt3A_12 : i32
    %convert_element_type3A_14 = arith.extui %lt3A_13 : i1 to i32
    %cond3A_15 = arith.constant 0 : i32
    %cond3A_16 = arith.cmpi ne, %convert_element_type3A_14, %cond3A_15 : i32
    scf.if %cond3A_16 {
      %mul3A_224 = arith.constant 50 : i32
      %mul3A_225 = arith.muli %add3A_11, %mul3A_224 : i32
      "tpu.region"() ({
        %run_scoped3A_226 = tpu.sem_alloc : memref<!tpu.dma_semaphore, #tpu.memory_space<semaphore_mem>>
        %dma_start3A_227 = arith.constant 0 : i32
        %dma_start3A_228 = tpu.memref_slice %arg7[%mul3A_225, %dma_start3A_227] : memref<10000x128xf32, #tpu.memory_space<vmem_shared>> -> memref<50x128xf32, #tpu.memory_space<vmem_shared>>
        %dma_start3A_229 = arith.constant 0 : i32
        %dma_start3A_230 = tpu.memref_slice %arg7[%mul3A_225, %dma_start3A_229] : memref<10000x128xf32, #tpu.memory_space<vmem_shared>> -> memref<50x128xf32, #tpu.memory_space<vmem_shared>>
        tpu.enqueue_dma source(%arg8 : memref<50x128xf32, #tpu.memory_space<vmem>>) target(%dma_start3A_230 : memref<50x128xf32, #tpu.memory_space<vmem_shared>>) target_semaphore(%run_scoped3A_226 : memref<!tpu.dma_semaphore, #tpu.memory_space<semaphore_mem>>)
        %dma_wait3A_231 = arith.constant 0 : i32
        %dma_wait3A_232 = tpu.memref_slice %arg7[%mul3A_225, %dma_wait3A_231] : memref<10000x128xf32, #tpu.memory_space<vmem_shared>> -> memref<50x128xf32, #tpu.memory_space<vmem_shared>>
        %dma_wait3A_233 = arith.constant 0 : i32
        %dma_wait3A_234 = tpu.memref_slice %arg7[%mul3A_225, %dma_wait3A_233] : memref<10000x128xf32, #tpu.memory_space<vmem_shared>> -> memref<50x128xf32, #tpu.memory_space<vmem_shared>>
        tpu.wait_dma2 semaphore(%run_scoped3A_226 : memref<!tpu.dma_semaphore, #tpu.memory_space<semaphore_mem>>) src(%arg8 : memref<50x128xf32, #tpu.memory_space<vmem>>) dst(%dma_wait3A_234 : memref<50x128xf32, #tpu.memory_space<vmem_shared>>)
        tpu.yield
      }) : () -> ()
    } else {
    }
    %add3A_17 = arith.constant 32 : i32
    %add3A_18 = arith.addi %add3A_17, %arg1 : i32
    %lt3A_19 = arith.constant 200 : i32
    %lt3A_20 = arith.cmpi slt, %add3A_18, %lt3A_19 : i32
    %convert_element_type3A_21 = arith.extui %lt3A_20 : i1 to i32
    %cond3A_22 = arith.constant 0 : i32
    %cond3A_23 = arith.cmpi ne, %convert_element_type3A_21, %cond3A_22 : i32
    scf.if %cond3A_23 {
      %mul3A_224 = arith.constant 50 : i32
      %mul3A_225 = arith.muli %add3A_18, %mul3A_224 : i32
      "tpu.region"() ({
        %run_scoped3A_226 = tpu.sem_alloc : memref<!tpu.dma_semaphore, #tpu.memory_space<semaphore_mem>>
        %dma_start3A_227 = arith.constant 0 : i32
        %dma_start3A_228 = tpu.memref_slice %arg7[%mul3A_225, %dma_start3A_227] : memref<10000x128xf32, #tpu.memory_space<vmem_shared>> -> memref<50x128xf32, #tpu.memory_space<vmem_shared>>
        %dma_start3A_229 = arith.constant 0 : i32
        %dma_start3A_230 = tpu.memref_slice %arg7[%mul3A_225, %dma_start3A_229] : memref<10000x128xf32, #tpu.memory_space<vmem_shared>> -> memref<50x128xf32, #tpu.memory_space<vmem_shared>>
        tpu.enqueue_dma source(%arg8 : memref<50x128xf32, #tpu.memory_space<vmem>>) target(%dma_start3A_230 : memref<50x128xf32, #tpu.memory_space<vmem_shared>>) target_semaphore(%run_scoped3A_226 : memref<!tpu.dma_semaphore, #tpu.memory_space<semaphore_mem>>)
        %dma_wait3A_231 = arith.constant 0 : i32
        %dma_wait3A_232 = tpu.memref_slice %arg7[%mul3A_225, %dma_wait3A_231] : memref<10000x128xf32, #tpu.memory_space<vmem_shared>> -> memref<50x128xf32, #tpu.memory_space<vmem_shared>>
        %dma_wait3A_233 = arith.constant 0 : i32
        %dma_wait3A_234 = tpu.memref_slice %arg7[%mul3A_225, %dma_wait3A_233] : memref<10000x128xf32, #tpu.memory_space<vmem_shared>> -> memref<50x128xf32, #tpu.memory_space<vmem_shared>>
        tpu.wait_dma2 semaphore(%run_scoped3A_226 : memref<!tpu.dma_semaphore, #tpu.memory_space<semaphore_mem>>) src(%arg8 : memref<50x128xf32, #tpu.memory_space<vmem>>) dst(%dma_wait3A_234 : memref<50x128xf32, #tpu.memory_space<vmem_shared>>)
        tpu.yield
      }) : () -> ()
    } else {
    }
    %add3A_24 = arith.constant 48 : i32
    %add3A_25 = arith.addi %add3A_24, %arg1 : i32
    %lt3A_26 = arith.constant 200 : i32
    %lt3A_27 = arith.cmpi slt, %add3A_25, %lt3A_26 : i32
    %convert_element_type3A_28 = arith.extui %lt3A_27 : i1 to i32
    %cond3A_29 = arith.constant 0 : i32
    %cond3A_30 = arith.cmpi ne, %convert_element_type3A_28, %cond3A_29 : i32
    scf.if %cond3A_30 {
      %mul3A_224 = arith.constant 50 : i32
      %mul3A_225 = arith.muli %add3A_25, %mul3A_224 : i32
      "tpu.region"() ({
        %run_scoped3A_226 = tpu.sem_alloc : memref<!tpu.dma_semaphore, #tpu.memory_space<semaphore_mem>>
        %dma_start3A_227 = arith.constant 0 : i32
        %dma_start3A_228 = tpu.memref_slice %arg7[%mul3A_225, %dma_start3A_227] : memref<10000x128xf32, #tpu.memory_space<vmem_shared>> -> memref<50x128xf32, #tpu.memory_space<vmem_shared>>
        %dma_start3A_229 = arith.constant 0 : i32
        %dma_start3A_230 = tpu.memref_slice %arg7[%mul3A_225, %dma_start3A_229] : memref<10000x128xf32, #tpu.memory_space<vmem_shared>> -> memref<50x128xf32, #tpu.memory_space<vmem_shared>>
        tpu.enqueue_dma source(%arg8 : memref<50x128xf32, #tpu.memory_space<vmem>>) target(%dma_start3A_230 : memref<50x128xf32, #tpu.memory_space<vmem_shared>>) target_semaphore(%run_scoped3A_226 : memref<!tpu.dma_semaphore, #tpu.memory_space<semaphore_mem>>)
        %dma_wait3A_231 = arith.constant 0 : i32
        %dma_wait3A_232 = tpu.memref_slice %arg7[%mul3A_225, %dma_wait3A_231] : memref<10000x128xf32, #tpu.memory_space<vmem_shared>> -> memref<50x128xf32, #tpu.memory_space<vmem_shared>>
        %dma_wait3A_233 = arith.constant 0 : i32
        %dma_wait3A_234 = tpu.memref_slice %arg7[%mul3A_225, %dma_wait3A_233] : memref<10000x128xf32, #tpu.memory_space<vmem_shared>> -> memref<50x128xf32, #tpu.memory_space<vmem_shared>>
        tpu.wait_dma2 semaphore(%run_scoped3A_226 : memref<!tpu.dma_semaphore, #tpu.memory_space<semaphore_mem>>) src(%arg8 : memref<50x128xf32, #tpu.memory_space<vmem>>) dst(%dma_wait3A_234 : memref<50x128xf32, #tpu.memory_space<vmem_shared>>)
        tpu.yield
      }) : () -> ()
    } else {
    }
    %add3A_31 = arith.constant 64 : i32
    %add3A_32 = arith.addi %add3A_31, %arg1 : i32
    %lt3A_33 = arith.constant 200 : i32
    %lt3A_34 = arith.cmpi slt, %add3A_32, %lt3A_33 : i32
    %convert_element_type3A_35 = arith.extui %lt3A_34 : i1 to i32
    %cond3A_36 = arith.constant 0 : i32
    %cond3A_37 = arith.cmpi ne, %convert_element_type3A_35, %cond3A_36 : i32
    scf.if %cond3A_37 {
      %mul3A_224 = arith.constant 50 : i32
      %mul3A_225 = arith.muli %add3A_32, %mul3A_224 : i32
      "tpu.region"() ({
        %run_scoped3A_226 = tpu.sem_alloc : memref<!tpu.dma_semaphore, #tpu.memory_space<semaphore_mem>>
        %dma_start3A_227 = arith.constant 0 : i32
        %dma_start3A_228 = tpu.memref_slice %arg7[%mul3A_225, %dma_start3A_227] : memref<10000x128xf32, #tpu.memory_space<vmem_shared>> -> memref<50x128xf32, #tpu.memory_space<vmem_shared>>
        %dma_start3A_229 = arith.constant 0 : i32
        %dma_start3A_230 = tpu.memref_slice %arg7[%mul3A_225, %dma_start3A_229] : memref<10000x128xf32, #tpu.memory_space<vmem_shared>> -> memref<50x128xf32, #tpu.memory_space<vmem_shared>>
        tpu.enqueue_dma source(%arg8 : memref<50x128xf32, #tpu.memory_space<vmem>>) target(%dma_start3A_230 : memref<50x128xf32, #tpu.memory_space<vmem_shared>>) target_semaphore(%run_scoped3A_226 : memref<!tpu.dma_semaphore, #tpu.memory_space<semaphore_mem>>)
        %dma_wait3A_231 = arith.constant 0 : i32
        %dma_wait3A_232 = tpu.memref_slice %arg7[%mul3A_225, %dma_wait3A_231] : memref<10000x128xf32, #tpu.memory_space<vmem_shared>> -> memref<50x128xf32, #tpu.memory_space<vmem_shared>>
        %dma_wait3A_233 = arith.constant 0 : i32
        %dma_wait3A_234 = tpu.memref_slice %arg7[%mul3A_225, %dma_wait3A_233] : memref<10000x128xf32, #tpu.memory_space<vmem_shared>> -> memref<50x128xf32, #tpu.memory_space<vmem_shared>>
        tpu.wait_dma2 semaphore(%run_scoped3A_226 : memref<!tpu.dma_semaphore, #tpu.memory_space<semaphore_mem>>) src(%arg8 : memref<50x128xf32, #tpu.memory_space<vmem>>) dst(%dma_wait3A_234 : memref<50x128xf32, #tpu.memory_space<vmem_shared>>)
        tpu.yield
      }) : () -> ()
    } else {
    }
    %add3A_38 = arith.constant 80 : i32
    %add3A_39 = arith.addi %add3A_38, %arg1 : i32
    %lt3A_40 = arith.constant 200 : i32
    %lt3A_41 = arith.cmpi slt, %add3A_39, %lt3A_40 : i32
    %convert_element_type3A_42 = arith.extui %lt3A_41 : i1 to i32
    %cond3A_43 = arith.constant 0 : i32
    %cond3A_44 = arith.cmpi ne, %convert_element_type3A_42, %cond3A_43 : i32
    scf.if %cond3A_44 {
      %mul3A_224 = arith.constant 50 : i32
      %mul3A_225 = arith.muli %add3A_39, %mul3A_224 : i32
      "tpu.region"() ({
        %run_scoped3A_226 = tpu.sem_alloc : memref<!tpu.dma_semaphore, #tpu.memory_space<semaphore_mem>>
        %dma_start3A_227 = arith.constant 0 : i32
        %dma_start3A_228 = tpu.memref_slice %arg7[%mul3A_225, %dma_start3A_227] : memref<10000x128xf32, #tpu.memory_space<vmem_shared>> -> memref<50x128xf32, #tpu.memory_space<vmem_shared>>
        %dma_start3A_229 = arith.constant 0 : i32
        %dma_start3A_230 = tpu.memref_slice %arg7[%mul3A_225, %dma_start3A_229] : memref<10000x128xf32, #tpu.memory_space<vmem_shared>> -> memref<50x128xf32, #tpu.memory_space<vmem_shared>>
        tpu.enqueue_dma source(%arg8 : memref<50x128xf32, #tpu.memory_space<vmem>>) target(%dma_start3A_230 : memref<50x128xf32, #tpu.memory_space<vmem_shared>>) target_semaphore(%run_scoped3A_226 : memref<!tpu.dma_semaphore, #tpu.memory_space<semaphore_mem>>)
        %dma_wait3A_231 = arith.constant 0 : i32
        %dma_wait3A_232 = tpu.memref_slice %arg7[%mul3A_225, %dma_wait3A_231] : memref<10000x128xf32, #tpu.memory_space<vmem_shared>> -> memref<50x128xf32, #tpu.memory_space<vmem_shared>>
        %dma_wait3A_233 = arith.constant 0 : i32
        %dma_wait3A_234 = tpu.memref_slice %arg7[%mul3A_225, %dma_wait3A_233] : memref<10000x128xf32, #tpu.memory_space<vmem_shared>> -> memref<50x128xf32, #tpu.memory_space<vmem_shared>>
        tpu.wait_dma2 semaphore(%run_scoped3A_226 : memref<!tpu.dma_semaphore, #tpu.memory_space<semaphore_mem>>) src(%arg8 : memref<50x128xf32, #tpu.memory_space<vmem>>) dst(%dma_wait3A_234 : memref<50x128xf32, #tpu.memory_space<vmem_shared>>)
        tpu.yield
      }) : () -> ()
    } else {
    }
    %add3A_45 = arith.constant 96 : i32
    %add3A_46 = arith.addi %add3A_45, %arg1 : i32
    %lt3A_47 = arith.constant 200 : i32
    %lt3A_48 = arith.cmpi slt, %add3A_46, %lt3A_47 : i32
    %convert_element_type3A_49 = arith.extui %lt3A_48 : i1 to i32
    %cond3A_50 = arith.constant 0 : i32
    %cond3A_51 = arith.cmpi ne, %convert_element_type3A_49, %cond3A_50 : i32
    scf.if %cond3A_51 {
      %mul3A_224 = arith.constant 50 : i32
      %mul3A_225 = arith.muli %add3A_46, %mul3A_224 : i32
      "tpu.region"() ({
        %run_scoped3A_226 = tpu.sem_alloc : memref<!tpu.dma_semaphore, #tpu.memory_space<semaphore_mem>>
        %dma_start3A_227 = arith.constant 0 : i32
        %dma_start3A_228 = tpu.memref_slice %arg7[%mul3A_225, %dma_start3A_227] : memref<10000x128xf32, #tpu.memory_space<vmem_shared>> -> memref<50x128xf32, #tpu.memory_space<vmem_shared>>
        %dma_start3A_229 = arith.constant 0 : i32
        %dma_start3A_230 = tpu.memref_slice %arg7[%mul3A_225, %dma_start3A_229] : memref<10000x128xf32, #tpu.memory_space<vmem_shared>> -> memref<50x128xf32, #tpu.memory_space<vmem_shared>>
        tpu.enqueue_dma source(%arg8 : memref<50x128xf32, #tpu.memory_space<vmem>>) target(%dma_start3A_230 : memref<50x128xf32, #tpu.memory_space<vmem_shared>>) target_semaphore(%run_scoped3A_226 : memref<!tpu.dma_semaphore, #tpu.memory_space<semaphore_mem>>)
        %dma_wait3A_231 = arith.constant 0 : i32
        %dma_wait3A_232 = tpu.memref_slice %arg7[%mul3A_225, %dma_wait3A_231] : memref<10000x128xf32, #tpu.memory_space<vmem_shared>> -> memref<50x128xf32, #tpu.memory_space<vmem_shared>>
        %dma_wait3A_233 = arith.constant 0 : i32
        %dma_wait3A_234 = tpu.memref_slice %arg7[%mul3A_225, %dma_wait3A_233] : memref<10000x128xf32, #tpu.memory_space<vmem_shared>> -> memref<50x128xf32, #tpu.memory_space<vmem_shared>>
        tpu.wait_dma2 semaphore(%run_scoped3A_226 : memref<!tpu.dma_semaphore, #tpu.memory_space<semaphore_mem>>) src(%arg8 : memref<50x128xf32, #tpu.memory_space<vmem>>) dst(%dma_wait3A_234 : memref<50x128xf32, #tpu.memory_space<vmem_shared>>)
        tpu.yield
      }) : () -> ()
    } else {
    }
    %add3A_52 = arith.constant 112 : i32
    %add3A_53 = arith.addi %add3A_52, %arg1 : i32
    %lt3A_54 = arith.constant 200 : i32
    %lt3A_55 = arith.cmpi slt, %add3A_53, %lt3A_54 : i32
    %convert_element_type3A_56 = arith.extui %lt3A_55 : i1 to i32
    %cond3A_57 = arith.constant 0 : i32
    %cond3A_58 = arith.cmpi ne, %convert_element_type3A_56, %cond3A_57 : i32
    scf.if %cond3A_58 {
      %mul3A_224 = arith.constant 50 : i32
      %mul3A_225 = arith.muli %add3A_53, %mul3A_224 : i32
      "tpu.region"() ({
        %run_scoped3A_226 = tpu.sem_alloc : memref<!tpu.dma_semaphore, #tpu.memory_space<semaphore_mem>>
        %dma_start3A_227 = arith.constant 0 : i32
        %dma_start3A_228 = tpu.memref_slice %arg7[%mul3A_225, %dma_start3A_227] : memref<10000x128xf32, #tpu.memory_space<vmem_shared>> -> memref<50x128xf32, #tpu.memory_space<vmem_shared>>
        %dma_start3A_229 = arith.constant 0 : i32
        %dma_start3A_230 = tpu.memref_slice %arg7[%mul3A_225, %dma_start3A_229] : memref<10000x128xf32, #tpu.memory_space<vmem_shared>> -> memref<50x128xf32, #tpu.memory_space<vmem_shared>>
        tpu.enqueue_dma source(%arg8 : memref<50x128xf32, #tpu.memory_space<vmem>>) target(%dma_start3A_230 : memref<50x128xf32, #tpu.memory_space<vmem_shared>>) target_semaphore(%run_scoped3A_226 : memref<!tpu.dma_semaphore, #tpu.memory_space<semaphore_mem>>)
        %dma_wait3A_231 = arith.constant 0 : i32
        %dma_wait3A_232 = tpu.memref_slice %arg7[%mul3A_225, %dma_wait3A_231] : memref<10000x128xf32, #tpu.memory_space<vmem_shared>> -> memref<50x128xf32, #tpu.memory_space<vmem_shared>>
        %dma_wait3A_233 = arith.constant 0 : i32
        %dma_wait3A_234 = tpu.memref_slice %arg7[%mul3A_225, %dma_wait3A_233] : memref<10000x128xf32, #tpu.memory_space<vmem_shared>> -> memref<50x128xf32, #tpu.memory_space<vmem_shared>>
        tpu.wait_dma2 semaphore(%run_scoped3A_226 : memref<!tpu.dma_semaphore, #tpu.memory_space<semaphore_mem>>) src(%arg8 : memref<50x128xf32, #tpu.memory_space<vmem>>) dst(%dma_wait3A_234 : memref<50x128xf32, #tpu.memory_space<vmem_shared>>)
        tpu.yield
      }) : () -> ()
    } else {
    }
    %add3A_59 = arith.constant 128 : i32
    %add3A_60 = arith.addi %add3A_59, %arg1 : i32
    %lt3A_61 = arith.constant 200 : i32
    %lt3A_62 = arith.cmpi slt, %add3A_60, %lt3A_61 : i32
    %convert_element_type3A_63 = arith.extui %lt3A_62 : i1 to i32
    %cond3A_64 = arith.constant 0 : i32
    %cond3A_65 = arith.cmpi ne, %convert_element_type3A_63, %cond3A_64 : i32
    scf.if %cond3A_65 {
      %mul3A_224 = arith.constant 50 : i32
      %mul3A_225 = arith.muli %add3A_60, %mul3A_224 : i32
      "tpu.region"() ({
        %run_scoped3A_226 = tpu.sem_alloc : memref<!tpu.dma_semaphore, #tpu.memory_space<semaphore_mem>>
        %dma_start3A_227 = arith.constant 0 : i32
        %dma_start3A_228 = tpu.memref_slice %arg7[%mul3A_225, %dma_start3A_227] : memref<10000x128xf32, #tpu.memory_space<vmem_shared>> -> memref<50x128xf32, #tpu.memory_space<vmem_shared>>
        %dma_start3A_229 = arith.constant 0 : i32
        %dma_start3A_230 = tpu.memref_slice %arg7[%mul3A_225, %dma_start3A_229] : memref<10000x128xf32, #tpu.memory_space<vmem_shared>> -> memref<50x128xf32, #tpu.memory_space<vmem_shared>>
        tpu.enqueue_dma source(%arg8 : memref<50x128xf32, #tpu.memory_space<vmem>>) target(%dma_start3A_230 : memref<50x128xf32, #tpu.memory_space<vmem_shared>>) target_semaphore(%run_scoped3A_226 : memref<!tpu.dma_semaphore, #tpu.memory_space<semaphore_mem>>)
        %dma_wait3A_231 = arith.constant 0 : i32
        %dma_wait3A_232 = tpu.memref_slice %arg7[%mul3A_225, %dma_wait3A_231] : memref<10000x128xf32, #tpu.memory_space<vmem_shared>> -> memref<50x128xf32, #tpu.memory_space<vmem_shared>>
        %dma_wait3A_233 = arith.constant 0 : i32
        %dma_wait3A_234 = tpu.memref_slice %arg7[%mul3A_225, %dma_wait3A_233] : memref<10000x128xf32, #tpu.memory_space<vmem_shared>> -> memref<50x128xf32, #tpu.memory_space<vmem_shared>>
        tpu.wait_dma2 semaphore(%run_scoped3A_226 : memref<!tpu.dma_semaphore, #tpu.memory_space<semaphore_mem>>) src(%arg8 : memref<50x128xf32, #tpu.memory_space<vmem>>) dst(%dma_wait3A_234 : memref<50x128xf32, #tpu.memory_space<vmem_shared>>)
        tpu.yield
      }) : () -> ()
    } else {
    }
    %add3A_66 = arith.constant 144 : i32
    %add3A_67 = arith.addi %add3A_66, %arg1 : i32
    %lt3A_68 = arith.constant 200 : i32
    %lt3A_69 = arith.cmpi slt, %add3A_67, %lt3A_68 : i32
    %convert_element_type3A_70 = arith.extui %lt3A_69 : i1 to i32
    %cond3A_71 = arith.constant 0 : i32
    %cond3A_72 = arith.cmpi ne, %convert_element_type3A_70, %cond3A_71 : i32
    scf.if %cond3A_72 {
      %mul3A_224 = arith.constant 50 : i32
      %mul3A_225 = arith.muli %add3A_67, %mul3A_224 : i32
      "tpu.region"() ({
        %run_scoped3A_226 = tpu.sem_alloc : memref<!tpu.dma_semaphore, #tpu.memory_space<semaphore_mem>>
        %dma_start3A_227 = arith.constant 0 : i32
        %dma_start3A_228 = tpu.memref_slice %arg7[%mul3A_225, %dma_start3A_227] : memref<10000x128xf32, #tpu.memory_space<vmem_shared>> -> memref<50x128xf32, #tpu.memory_space<vmem_shared>>
        %dma_start3A_229 = arith.constant 0 : i32
        %dma_start3A_230 = tpu.memref_slice %arg7[%mul3A_225, %dma_start3A_229] : memref<10000x128xf32, #tpu.memory_space<vmem_shared>> -> memref<50x128xf32, #tpu.memory_space<vmem_shared>>
        tpu.enqueue_dma source(%arg8 : memref<50x128xf32, #tpu.memory_space<vmem>>) target(%dma_start3A_230 : memref<50x128xf32, #tpu.memory_space<vmem_shared>>) target_semaphore(%run_scoped3A_226 : memref<!tpu.dma_semaphore, #tpu.memory_space<semaphore_mem>>)
        %dma_wait3A_231 = arith.constant 0 : i32
        %dma_wait3A_232 = tpu.memref_slice %arg7[%mul3A_225, %dma_wait3A_231] : memref<10000x128xf32, #tpu.memory_space<vmem_shared>> -> memref<50x128xf32, #tpu.memory_space<vmem_shared>>
        %dma_wait3A_233 = arith.constant 0 : i32
        %dma_wait3A_234 = tpu.memref_slice %arg7[%mul3A_225, %dma_wait3A_233] : memref<10000x128xf32, #tpu.memory_space<vmem_shared>> -> memref<50x128xf32, #tpu.memory_space<vmem_shared>>
        tpu.wait_dma2 semaphore(%run_scoped3A_226 : memref<!tpu.dma_semaphore, #tpu.memory_space<semaphore_mem>>) src(%arg8 : memref<50x128xf32, #tpu.memory_space<vmem>>) dst(%dma_wait3A_234 : memref<50x128xf32, #tpu.memory_space<vmem_shared>>)
        tpu.yield
      }) : () -> ()
    } else {
    }
    %add3A_73 = arith.constant 160 : i32
    %add3A_74 = arith.addi %add3A_73, %arg1 : i32
    %lt3A_75 = arith.constant 200 : i32
    %lt3A_76 = arith.cmpi slt, %add3A_74, %lt3A_75 : i32
    %convert_element_type3A_77 = arith.extui %lt3A_76 : i1 to i32
    %cond3A_78 = arith.constant 0 : i32
    %cond3A_79 = arith.cmpi ne, %convert_element_type3A_77, %cond3A_78 : i32
    scf.if %cond3A_79 {
      %mul3A_224 = arith.constant 50 : i32
      %mul3A_225 = arith.muli %add3A_74, %mul3A_224 : i32
      "tpu.region"() ({
        %run_scoped3A_226 = tpu.sem_alloc : memref<!tpu.dma_semaphore, #tpu.memory_space<semaphore_mem>>
        %dma_start3A_227 = arith.constant 0 : i32
        %dma_start3A_228 = tpu.memref_slice %arg7[%mul3A_225, %dma_start3A_227] : memref<10000x128xf32, #tpu.memory_space<vmem_shared>> -> memref<50x128xf32, #tpu.memory_space<vmem_shared>>
        %dma_start3A_229 = arith.constant 0 : i32
        %dma_start3A_230 = tpu.memref_slice %arg7[%mul3A_225, %dma_start3A_229] : memref<10000x128xf32, #tpu.memory_space<vmem_shared>> -> memref<50x128xf32, #tpu.memory_space<vmem_shared>>
        tpu.enqueue_dma source(%arg8 : memref<50x128xf32, #tpu.memory_space<vmem>>) target(%dma_start3A_230 : memref<50x128xf32, #tpu.memory_space<vmem_shared>>) target_semaphore(%run_scoped3A_226 : memref<!tpu.dma_semaphore, #tpu.memory_space<semaphore_mem>>)
        %dma_wait3A_231 = arith.constant 0 : i32
        %dma_wait3A_232 = tpu.memref_slice %arg7[%mul3A_225, %dma_wait3A_231] : memref<10000x128xf32, #tpu.memory_space<vmem_shared>> -> memref<50x128xf32, #tpu.memory_space<vmem_shared>>
        %dma_wait3A_233 = arith.constant 0 : i32
        %dma_wait3A_234 = tpu.memref_slice %arg7[%mul3A_225, %dma_wait3A_233] : memref<10000x128xf32, #tpu.memory_space<vmem_shared>> -> memref<50x128xf32, #tpu.memory_space<vmem_shared>>
        tpu.wait_dma2 semaphore(%run_scoped3A_226 : memref<!tpu.dma_semaphore, #tpu.memory_space<semaphore_mem>>) src(%arg8 : memref<50x128xf32, #tpu.memory_space<vmem>>) dst(%dma_wait3A_234 : memref<50x128xf32, #tpu.memory_space<vmem_shared>>)
        tpu.yield
      }) : () -> ()
    } else {
    }
    %add3A_80 = arith.constant 176 : i32
    %add3A_81 = arith.addi %add3A_80, %arg1 : i32
    %lt3A_82 = arith.constant 200 : i32
    %lt3A_83 = arith.cmpi slt, %add3A_81, %lt3A_82 : i32
    %convert_element_type3A_84 = arith.extui %lt3A_83 : i1 to i32
    %cond3A_85 = arith.constant 0 : i32
    %cond3A_86 = arith.cmpi ne, %convert_element_type3A_84, %cond3A_85 : i32
    scf.if %cond3A_86 {
      %mul3A_224 = arith.constant 50 : i32
      %mul3A_225 = arith.muli %add3A_81, %mul3A_224 : i32
      "tpu.region"() ({
        %run_scoped3A_226 = tpu.sem_alloc : memref<!tpu.dma_semaphore, #tpu.memory_space<semaphore_mem>>
        %dma_start3A_227 = arith.constant 0 : i32
        %dma_start3A_228 = tpu.memref_slice %arg7[%mul3A_225, %dma_start3A_227] : memref<10000x128xf32, #tpu.memory_space<vmem_shared>> -> memref<50x128xf32, #tpu.memory_space<vmem_shared>>
        %dma_start3A_229 = arith.constant 0 : i32
        %dma_start3A_230 = tpu.memref_slice %arg7[%mul3A_225, %dma_start3A_229] : memref<10000x128xf32, #tpu.memory_space<vmem_shared>> -> memref<50x128xf32, #tpu.memory_space<vmem_shared>>
        tpu.enqueue_dma source(%arg8 : memref<50x128xf32, #tpu.memory_space<vmem>>) target(%dma_start3A_230 : memref<50x128xf32, #tpu.memory_space<vmem_shared>>) target_semaphore(%run_scoped3A_226 : memref<!tpu.dma_semaphore, #tpu.memory_space<semaphore_mem>>)
        %dma_wait3A_231 = arith.constant 0 : i32
        %dma_wait3A_232 = tpu.memref_slice %arg7[%mul3A_225, %dma_wait3A_231] : memref<10000x128xf32, #tpu.memory_space<vmem_shared>> -> memref<50x128xf32, #tpu.memory_space<vmem_shared>>
        %dma_wait3A_233 = arith.constant 0 : i32
        %dma_wait3A_234 = tpu.memref_slice %arg7[%mul3A_225, %dma_wait3A_233] : memref<10000x128xf32, #tpu.memory_space<vmem_shared>> -> memref<50x128xf32, #tpu.memory_space<vmem_shared>>
        tpu.wait_dma2 semaphore(%run_scoped3A_226 : memref<!tpu.dma_semaphore, #tpu.memory_space<semaphore_mem>>) src(%arg8 : memref<50x128xf32, #tpu.memory_space<vmem>>) dst(%dma_wait3A_234 : memref<50x128xf32, #tpu.memory_space<vmem_shared>>)
        tpu.yield
      }) : () -> ()
    } else {
    }
    %add3A_87 = arith.constant 192 : i32
    %add3A_88 = arith.addi %add3A_87, %arg1 : i32
    %lt3A_89 = arith.constant 200 : i32
    %lt3A_90 = arith.cmpi slt, %add3A_88, %lt3A_89 : i32
    %convert_element_type3A_91 = arith.extui %lt3A_90 : i1 to i32
    %cond3A_92 = arith.constant 0 : i32
    %cond3A_93 = arith.cmpi ne, %convert_element_type3A_91, %cond3A_92 : i32
    scf.if %cond3A_93 {
      %mul3A_224 = arith.constant 50 : i32
      %mul3A_225 = arith.muli %add3A_88, %mul3A_224 : i32
      "tpu.region"() ({
        %run_scoped3A_226 = tpu.sem_alloc : memref<!tpu.dma_semaphore, #tpu.memory_space<semaphore_mem>>
        %dma_start3A_227 = arith.constant 0 : i32
        %dma_start3A_228 = tpu.memref_slice %arg7[%mul3A_225, %dma_start3A_227] : memref<10000x128xf32, #tpu.memory_space<vmem_shared>> -> memref<50x128xf32, #tpu.memory_space<vmem_shared>>
        %dma_start3A_229 = arith.constant 0 : i32
        %dma_start3A_230 = tpu.memref_slice %arg7[%mul3A_225, %dma_start3A_229] : memref<10000x128xf32, #tpu.memory_space<vmem_shared>> -> memref<50x128xf32, #tpu.memory_space<vmem_shared>>
        tpu.enqueue_dma source(%arg8 : memref<50x128xf32, #tpu.memory_space<vmem>>) target(%dma_start3A_230 : memref<50x128xf32, #tpu.memory_space<vmem_shared>>) target_semaphore(%run_scoped3A_226 : memref<!tpu.dma_semaphore, #tpu.memory_space<semaphore_mem>>)
        %dma_wait3A_231 = arith.constant 0 : i32
        %dma_wait3A_232 = tpu.memref_slice %arg7[%mul3A_225, %dma_wait3A_231] : memref<10000x128xf32, #tpu.memory_space<vmem_shared>> -> memref<50x128xf32, #tpu.memory_space<vmem_shared>>
        %dma_wait3A_233 = arith.constant 0 : i32
        %dma_wait3A_234 = tpu.memref_slice %arg7[%mul3A_225, %dma_wait3A_233] : memref<10000x128xf32, #tpu.memory_space<vmem_shared>> -> memref<50x128xf32, #tpu.memory_space<vmem_shared>>
        tpu.wait_dma2 semaphore(%run_scoped3A_226 : memref<!tpu.dma_semaphore, #tpu.memory_space<semaphore_mem>>) src(%arg8 : memref<50x128xf32, #tpu.memory_space<vmem>>) dst(%dma_wait3A_234 : memref<50x128xf32, #tpu.memory_space<vmem_shared>>)
        tpu.yield
      }) : () -> ()
    } else {
    }
    %barrier3A = arith.constant 0 : index
    tpu.barrier barrier_id(%barrier3A)
    %mul3A = arith.constant 16 : i32
    %mul3A_94 = arith.muli %arg0, %mul3A : i32
    %add3A_95 = arith.addi %mul3A_94, %arg1 : i32
    %mul3A_96 = arith.constant 200 : i32
    %mul3A_97 = arith.muli %add3A_95, %mul3A_96 : i32
    %run_scoped3A = arith.constant 0 : i32
    "tpu.region"() ({
      %run_scoped3A_224 = tpu.sem_alloc : memref<!tpu.dma_semaphore, #tpu.memory_space<semaphore_mem>>
      %dma_start3A_225 = arith.constant 0 : i32
      %dma_start3A_226 = tpu.memref_slice %arg3[%run_scoped3A, %mul3A_97, %dma_start3A_225] : memref<2x6400x50xi32, #tpu.memory_space<hbm>> -> memref<1x200x50xi32, #tpu.memory_space<hbm>>
      %dma_start3A_227 = tpu.memref_squeeze %dma_start3A_226 : memref<1x200x50xi32, #tpu.memory_space<hbm>> -> memref<200x50xi32, #tpu.memory_space<hbm>>
      %dma_start3A_228 = arith.constant 0 : i32
      %dma_start3A_229 = tpu.memref_slice %arg3[%run_scoped3A, %mul3A_97, %dma_start3A_228] : memref<2x6400x50xi32, #tpu.memory_space<hbm>> -> memref<1x200x50xi32, #tpu.memory_space<hbm>>
      %dma_start3A_230 = tpu.memref_squeeze %dma_start3A_229 : memref<1x200x50xi32, #tpu.memory_space<hbm>> -> memref<200x50xi32, #tpu.memory_space<hbm>>
      tpu.enqueue_dma source(%dma_start3A_230 : memref<200x50xi32, #tpu.memory_space<hbm>>) target(%arg5 : memref<200x50xi32, #tpu.memory_space<vmem>>) target_semaphore(%run_scoped3A_224 : memref<!tpu.dma_semaphore, #tpu.memory_space<semaphore_mem>>)
      %dma_wait3A_231 = arith.constant 0 : i32
      %dma_wait3A_232 = tpu.memref_slice %arg3[%run_scoped3A, %mul3A_97, %dma_wait3A_231] : memref<2x6400x50xi32, #tpu.memory_space<hbm>> -> memref<1x200x50xi32, #tpu.memory_space<hbm>>
      %dma_wait3A_233 = tpu.memref_squeeze %dma_wait3A_232 : memref<1x200x50xi32, #tpu.memory_space<hbm>> -> memref<200x50xi32, #tpu.memory_space<hbm>>
      %dma_wait3A_234 = arith.constant 0 : i32
      %dma_wait3A_235 = tpu.memref_slice %arg3[%run_scoped3A, %mul3A_97, %dma_wait3A_234] : memref<2x6400x50xi32, #tpu.memory_space<hbm>> -> memref<1x200x50xi32, #tpu.memory_space<hbm>>
      %dma_wait3A_236 = tpu.memref_squeeze %dma_wait3A_235 : memref<1x200x50xi32, #tpu.memory_space<hbm>> -> memref<200x50xi32, #tpu.memory_space<hbm>>
      tpu.wait_dma2 semaphore(%run_scoped3A_224 : memref<!tpu.dma_semaphore, #tpu.memory_space<semaphore_mem>>) src(%dma_wait3A_236 : memref<200x50xi32, #tpu.memory_space<hbm>>) dst(%arg5 : memref<200x50xi32, #tpu.memory_space<vmem>>)
      tpu.yield
    }) : () -> ()
    %run_scoped3A_98 = arith.constant 1 : i32
    "tpu.region"() ({
      %run_scoped3A_224 = tpu.sem_alloc : memref<!tpu.dma_semaphore, #tpu.memory_space<semaphore_mem>>
      %dma_start3A_225 = arith.constant 0 : i32
      %dma_start3A_226 = tpu.memref_slice %arg3[%run_scoped3A_98, %mul3A_97, %dma_start3A_225] : memref<2x6400x50xi32, #tpu.memory_space<hbm>> -> memref<1x200x50xi32, #tpu.memory_space<hbm>>
      %dma_start3A_227 = tpu.memref_squeeze %dma_start3A_226 : memref<1x200x50xi32, #tpu.memory_space<hbm>> -> memref<200x50xi32, #tpu.memory_space<hbm>>
      %dma_start3A_228 = arith.constant 0 : i32
      %dma_start3A_229 = tpu.memref_slice %arg3[%run_scoped3A_98, %mul3A_97, %dma_start3A_228] : memref<2x6400x50xi32, #tpu.memory_space<hbm>> -> memref<1x200x50xi32, #tpu.memory_space<hbm>>
      %dma_start3A_230 = tpu.memref_squeeze %dma_start3A_229 : memref<1x200x50xi32, #tpu.memory_space<hbm>> -> memref<200x50xi32, #tpu.memory_space<hbm>>
      tpu.enqueue_dma source(%dma_start3A_230 : memref<200x50xi32, #tpu.memory_space<hbm>>) target(%arg6 : memref<200x50xi32, #tpu.memory_space<vmem>>) target_semaphore(%run_scoped3A_224 : memref<!tpu.dma_semaphore, #tpu.memory_space<semaphore_mem>>)
      %dma_wait3A_231 = arith.constant 0 : i32
      %dma_wait3A_232 = tpu.memref_slice %arg3[%run_scoped3A_98, %mul3A_97, %dma_wait3A_231] : memref<2x6400x50xi32, #tpu.memory_space<hbm>> -> memref<1x200x50xi32, #tpu.memory_space<hbm>>
      %dma_wait3A_233 = tpu.memref_squeeze %dma_wait3A_232 : memref<1x200x50xi32, #tpu.memory_space<hbm>> -> memref<200x50xi32, #tpu.memory_space<hbm>>
      %dma_wait3A_234 = arith.constant 0 : i32
      %dma_wait3A_235 = tpu.memref_slice %arg3[%run_scoped3A_98, %mul3A_97, %dma_wait3A_234] : memref<2x6400x50xi32, #tpu.memory_space<hbm>> -> memref<1x200x50xi32, #tpu.memory_space<hbm>>
      %dma_wait3A_236 = tpu.memref_squeeze %dma_wait3A_235 : memref<1x200x50xi32, #tpu.memory_space<hbm>> -> memref<200x50xi32, #tpu.memory_space<hbm>>
      tpu.wait_dma2 semaphore(%run_scoped3A_224 : memref<!tpu.dma_semaphore, #tpu.memory_space<semaphore_mem>>) src(%dma_wait3A_236 : memref<200x50xi32, #tpu.memory_space<hbm>>) dst(%arg6 : memref<200x50xi32, #tpu.memory_space<vmem>>)
      tpu.yield
    }) : () -> ()
    %dma_start3A = arith.constant 0 : i32
    %dma_start3A_99 = arith.constant 0 : i32
    %dma_start3A_100 = tpu.memref_slice %arg5[%dma_start3A, %dma_start3A_99] : memref<200x50xi32, #tpu.memory_space<vmem>> -> memref<1x50xi32, #tpu.memory_space<vmem>>
    %dma_start3A_101 = tpu.memref_squeeze %dma_start3A_100 : memref<1x50xi32, #tpu.memory_space<vmem>> -> memref<50xi32, #tpu.memory_space<vmem>>
    %dma_start3A_102 = arith.constant 0 : i32
    %dma_start3A_103 = arith.constant 0 : i32
    %dma_start3A_104 = tpu.memref_slice %arg2[%dma_start3A_102, %dma_start3A_103] : memref<10000x128xf32, #tpu.memory_space<hbm>> -> memref<10000x128xf32, #tpu.memory_space<hbm>>
    tpu.enqueue_indirect_dma source(%dma_start3A_104 : memref<10000x128xf32, #tpu.memory_space<hbm>>) target(%arg8 : memref<50x128xf32, #tpu.memory_space<vmem>>) offsets(%dma_start3A_101 : memref<50xi32, #tpu.memory_space<vmem>>) semaphore(%arg12 : memref<!tpu.dma_semaphore, #tpu.memory_space<semaphore_mem>>)
    %dma_start3A_105 = arith.constant 1 : i32
    %dma_start3A_106 = arith.constant 0 : i32
    %dma_start3A_107 = tpu.memref_slice %arg5[%dma_start3A_105, %dma_start3A_106] : memref<200x50xi32, #tpu.memory_space<vmem>> -> memref<1x50xi32, #tpu.memory_space<vmem>>
    %dma_start3A_108 = tpu.memref_squeeze %dma_start3A_107 : memref<1x50xi32, #tpu.memory_space<vmem>> -> memref<50xi32, #tpu.memory_space<vmem>>
    %dma_start3A_109 = arith.constant 0 : i32
    %dma_start3A_110 = arith.constant 0 : i32
    %dma_start3A_111 = tpu.memref_slice %arg2[%dma_start3A_109, %dma_start3A_110] : memref<10000x128xf32, #tpu.memory_space<hbm>> -> memref<10000x128xf32, #tpu.memory_space<hbm>>
    tpu.enqueue_indirect_dma source(%dma_start3A_111 : memref<10000x128xf32, #tpu.memory_space<hbm>>) target(%arg9 : memref<50x128xf32, #tpu.memory_space<vmem>>) offsets(%dma_start3A_108 : memref<50xi32, #tpu.memory_space<vmem>>) semaphore(%arg13 : memref<!tpu.dma_semaphore, #tpu.memory_space<semaphore_mem>>)
    %dma_start3A_112 = arith.constant 2 : i32
    %dma_start3A_113 = arith.constant 0 : i32
    %dma_start3A_114 = tpu.memref_slice %arg5[%dma_start3A_112, %dma_start3A_113] : memref<200x50xi32, #tpu.memory_space<vmem>> -> memref<1x50xi32, #tpu.memory_space<vmem>>
    %dma_start3A_115 = tpu.memref_squeeze %dma_start3A_114 : memref<1x50xi32, #tpu.memory_space<vmem>> -> memref<50xi32, #tpu.memory_space<vmem>>
    %dma_start3A_116 = arith.constant 0 : i32
    %dma_start3A_117 = arith.constant 0 : i32
    %dma_start3A_118 = tpu.memref_slice %arg2[%dma_start3A_116, %dma_start3A_117] : memref<10000x128xf32, #tpu.memory_space<hbm>> -> memref<10000x128xf32, #tpu.memory_space<hbm>>
    tpu.enqueue_indirect_dma source(%dma_start3A_118 : memref<10000x128xf32, #tpu.memory_space<hbm>>) target(%arg10 : memref<50x128xf32, #tpu.memory_space<vmem>>) offsets(%dma_start3A_115 : memref<50xi32, #tpu.memory_space<vmem>>) semaphore(%arg14 : memref<!tpu.dma_semaphore, #tpu.memory_space<semaphore_mem>>)
    %scan3A_119 = arith.constant 0 : i32
    %scan3A_120 = arith.constant 0 : i32
    %scan3A_121 = arith.constant 50 : i32
    %scan3A_122 = arith.addi %scan3A_120, %scan3A_121 : i32
    %scan3A_123 = arith.constant 1 : i32
    %scan3A_124 = scf.for %scan3A_224 = %scan3A_120 to %scan3A_122 step %scan3A_123 iter_args(%scan3A_225 = %scan3A_119) -> (i32)  : i32 {
      %mul3A_226 = arith.constant 4 : i32
      %mul3A_227 = arith.muli %scan3A_224, %mul3A_226 : i32
      %add3A_228 = arith.constant 0 : i32
      %add3A_229 = arith.addi %mul3A_227, %add3A_228 : i32
      %dma_wait3A_230 = arith.constant 0 : i32
      %dma_wait3A_231 = tpu.memref_slice %arg5[%add3A_229, %dma_wait3A_230] : memref<200x50xi32, #tpu.memory_space<vmem>> -> memref<1x50xi32, #tpu.memory_space<vmem>>
      %dma_wait3A_232 = tpu.memref_squeeze %dma_wait3A_231 : memref<1x50xi32, #tpu.memory_space<vmem>> -> memref<50xi32, #tpu.memory_space<vmem>>
      %dma_wait3A_233 = arith.constant 0 : i32
      %dma_wait3A_234 = arith.constant 0 : i32
      %dma_wait3A_235 = tpu.memref_slice %arg2[%dma_wait3A_233, %dma_wait3A_234] : memref<10000x128xf32, #tpu.memory_space<hbm>> -> memref<10000x128xf32, #tpu.memory_space<hbm>>
      tpu.wait_indirect_dma semaphore(%arg12 : memref<!tpu.dma_semaphore, #tpu.memory_space<semaphore_mem>>) src(%dma_wait3A_235 : memref<10000x128xf32, #tpu.memory_space<hbm>>) dst(%arg8 : memref<50x128xf32, #tpu.memory_space<vmem>>)
      %dma_start3A_236 = arith.constant 0 : i32
      %dma_start3A_237 = tpu.memref_slice %arg6[%add3A_229, %dma_start3A_236] : memref<200x50xi32, #tpu.memory_space<vmem>> -> memref<1x50xi32, #tpu.memory_space<vmem>>
      %dma_start3A_238 = tpu.memref_squeeze %dma_start3A_237 : memref<1x50xi32, #tpu.memory_space<vmem>> -> memref<50xi32, #tpu.memory_space<vmem>>
      %dma_start3A_239 = arith.constant 0 : i32
      %dma_start3A_240 = arith.constant 0 : i32
      %dma_start3A_241 = tpu.memref_slice %arg7[%dma_start3A_239, %dma_start3A_240] : memref<10000x128xf32, #tpu.memory_space<vmem_shared>> -> memref<10000x128xf32, #tpu.memory_space<vmem_shared>>
      tpu.enqueue_indirect_dma source(%arg8 : memref<50x128xf32, #tpu.memory_space<vmem>>) target(%dma_start3A_241 : memref<10000x128xf32, #tpu.memory_space<vmem_shared>>) offsets(%dma_start3A_238 : memref<50xi32, #tpu.memory_space<vmem>>) semaphore(%arg16 : memref<!tpu.dma_semaphore, #tpu.memory_space<semaphore_mem>>) {add = true}
      %ge3A = arith.constant 1 : i32
      %ge3A_242 = arith.cmpi sge, %scan3A_224, %ge3A : i32
      %convert_element_type3A_243 = arith.extui %ge3A_242 : i1 to i32
      %cond3A_244 = arith.constant 0 : i32
      %cond3A_245 = arith.cmpi ne, %convert_element_type3A_243, %cond3A_244 : i32
      scf.if %cond3A_245 {
        %sub3A_343 = arith.constant 1 : i32
        %sub3A_344 = arith.subi %add3A_229, %sub3A_343 : i32
        %dma_wait3A_345 = arith.constant 0 : i32
        %dma_wait3A_346 = tpu.memref_slice %arg6[%sub3A_344, %dma_wait3A_345] : memref<200x50xi32, #tpu.memory_space<vmem>> -> memref<1x50xi32, #tpu.memory_space<vmem>>
        %dma_wait3A_347 = tpu.memref_squeeze %dma_wait3A_346 : memref<1x50xi32, #tpu.memory_space<vmem>> -> memref<50xi32, #tpu.memory_space<vmem>>
        %dma_wait3A_348 = arith.constant 0 : i32
        %dma_wait3A_349 = arith.constant 0 : i32
        %dma_wait3A_350 = tpu.memref_slice %arg7[%dma_wait3A_348, %dma_wait3A_349] : memref<10000x128xf32, #tpu.memory_space<vmem_shared>> -> memref<10000x128xf32, #tpu.memory_space<vmem_shared>>
        tpu.wait_indirect_dma semaphore(%arg19 : memref<!tpu.dma_semaphore, #tpu.memory_space<semaphore_mem>>) src(%arg11 : memref<50x128xf32, #tpu.memory_space<vmem>>) dst(%dma_wait3A_350 : memref<10000x128xf32, #tpu.memory_space<vmem_shared>>)
      } else {
      }
      %add3A_246 = arith.constant 4 : i32
      %add3A_247 = arith.addi %add3A_229, %add3A_246 : i32
      %sub3A = arith.constant 1 : i32
      %sub3A_248 = arith.subi %add3A_247, %sub3A : i32
      %dma_start3A_249 = arith.constant 0 : i32
      %dma_start3A_250 = tpu.memref_slice %arg5[%sub3A_248, %dma_start3A_249] : memref<200x50xi32, #tpu.memory_space<vmem>> -> memref<1x50xi32, #tpu.memory_space<vmem>>
      %dma_start3A_251 = tpu.memref_squeeze %dma_start3A_250 : memref<1x50xi32, #tpu.memory_space<vmem>> -> memref<50xi32, #tpu.memory_space<vmem>>
      %dma_start3A_252 = arith.constant 0 : i32
      %dma_start3A_253 = arith.constant 0 : i32
      %dma_start3A_254 = tpu.memref_slice %arg2[%dma_start3A_252, %dma_start3A_253] : memref<10000x128xf32, #tpu.memory_space<hbm>> -> memref<10000x128xf32, #tpu.memory_space<hbm>>
      tpu.enqueue_indirect_dma source(%dma_start3A_254 : memref<10000x128xf32, #tpu.memory_space<hbm>>) target(%arg11 : memref<50x128xf32, #tpu.memory_space<vmem>>) offsets(%dma_start3A_251 : memref<50xi32, #tpu.memory_space<vmem>>) semaphore(%arg15 : memref<!tpu.dma_semaphore, #tpu.memory_space<semaphore_mem>>)
      %mul3A_255 = arith.constant 4 : i32
      %mul3A_256 = arith.muli %scan3A_224, %mul3A_255 : i32
      %add3A_257 = arith.constant 1 : i32
      %add3A_258 = arith.addi %mul3A_256, %add3A_257 : i32
      %dma_wait3A_259 = arith.constant 0 : i32
      %dma_wait3A_260 = tpu.memref_slice %arg5[%add3A_258, %dma_wait3A_259] : memref<200x50xi32, #tpu.memory_space<vmem>> -> memref<1x50xi32, #tpu.memory_space<vmem>>
      %dma_wait3A_261 = tpu.memref_squeeze %dma_wait3A_260 : memref<1x50xi32, #tpu.memory_space<vmem>> -> memref<50xi32, #tpu.memory_space<vmem>>
      %dma_wait3A_262 = arith.constant 0 : i32
      %dma_wait3A_263 = arith.constant 0 : i32
      %dma_wait3A_264 = tpu.memref_slice %arg2[%dma_wait3A_262, %dma_wait3A_263] : memref<10000x128xf32, #tpu.memory_space<hbm>> -> memref<10000x128xf32, #tpu.memory_space<hbm>>
      tpu.wait_indirect_dma semaphore(%arg13 : memref<!tpu.dma_semaphore, #tpu.memory_space<semaphore_mem>>) src(%dma_wait3A_264 : memref<10000x128xf32, #tpu.memory_space<hbm>>) dst(%arg9 : memref<50x128xf32, #tpu.memory_space<vmem>>)
      %dma_start3A_265 = arith.constant 0 : i32
      %dma_start3A_266 = tpu.memref_slice %arg6[%add3A_258, %dma_start3A_265] : memref<200x50xi32, #tpu.memory_space<vmem>> -> memref<1x50xi32, #tpu.memory_space<vmem>>
      %dma_start3A_267 = tpu.memref_squeeze %dma_start3A_266 : memref<1x50xi32, #tpu.memory_space<vmem>> -> memref<50xi32, #tpu.memory_space<vmem>>
      %dma_start3A_268 = arith.constant 0 : i32
      %dma_start3A_269 = arith.constant 0 : i32
      %dma_start3A_270 = tpu.memref_slice %arg7[%dma_start3A_268, %dma_start3A_269] : memref<10000x128xf32, #tpu.memory_space<vmem_shared>> -> memref<10000x128xf32, #tpu.memory_space<vmem_shared>>
      tpu.enqueue_indirect_dma source(%arg9 : memref<50x128xf32, #tpu.memory_space<vmem>>) target(%dma_start3A_270 : memref<10000x128xf32, #tpu.memory_space<vmem_shared>>) offsets(%dma_start3A_267 : memref<50xi32, #tpu.memory_space<vmem>>) semaphore(%arg17 : memref<!tpu.dma_semaphore, #tpu.memory_space<semaphore_mem>>) {add = true}
      %sub3A_271 = arith.constant 1 : i32
      %sub3A_272 = arith.subi %add3A_258, %sub3A_271 : i32
      %dma_wait3A_273 = arith.constant 0 : i32
      %dma_wait3A_274 = tpu.memref_slice %arg6[%sub3A_272, %dma_wait3A_273] : memref<200x50xi32, #tpu.memory_space<vmem>> -> memref<1x50xi32, #tpu.memory_space<vmem>>
      %dma_wait3A_275 = tpu.memref_squeeze %dma_wait3A_274 : memref<1x50xi32, #tpu.memory_space<vmem>> -> memref<50xi32, #tpu.memory_space<vmem>>
      %dma_wait3A_276 = arith.constant 0 : i32
      %dma_wait3A_277 = arith.constant 0 : i32
      %dma_wait3A_278 = tpu.memref_slice %arg7[%dma_wait3A_276, %dma_wait3A_277] : memref<10000x128xf32, #tpu.memory_space<vmem_shared>> -> memref<10000x128xf32, #tpu.memory_space<vmem_shared>>
      tpu.wait_indirect_dma semaphore(%arg16 : memref<!tpu.dma_semaphore, #tpu.memory_space<semaphore_mem>>) src(%arg8 : memref<50x128xf32, #tpu.memory_space<vmem>>) dst(%dma_wait3A_278 : memref<10000x128xf32, #tpu.memory_space<vmem_shared>>)
      %lt3A_279 = arith.constant 49 : i32
      %lt3A_280 = arith.cmpi slt, %scan3A_224, %lt3A_279 : i32
      %convert_element_type3A_281 = arith.extui %lt3A_280 : i1 to i32
      %cond3A_282 = arith.constant 0 : i32
      %cond3A_283 = arith.cmpi ne, %convert_element_type3A_281, %cond3A_282 : i32
      scf.if %cond3A_283 {
        %add3A_343 = arith.constant 4 : i32
        %add3A_344 = arith.addi %add3A_258, %add3A_343 : i32
        %sub3A_345 = arith.constant 1 : i32
        %sub3A_346 = arith.subi %add3A_344, %sub3A_345 : i32
        %dma_start3A_347 = arith.constant 0 : i32
        %dma_start3A_348 = tpu.memref_slice %arg5[%sub3A_346, %dma_start3A_347] : memref<200x50xi32, #tpu.memory_space<vmem>> -> memref<1x50xi32, #tpu.memory_space<vmem>>
        %dma_start3A_349 = tpu.memref_squeeze %dma_start3A_348 : memref<1x50xi32, #tpu.memory_space<vmem>> -> memref<50xi32, #tpu.memory_space<vmem>>
        %dma_start3A_350 = arith.constant 0 : i32
        %dma_start3A_351 = arith.constant 0 : i32
        %dma_start3A_352 = tpu.memref_slice %arg2[%dma_start3A_350, %dma_start3A_351] : memref<10000x128xf32, #tpu.memory_space<hbm>> -> memref<10000x128xf32, #tpu.memory_space<hbm>>
        tpu.enqueue_indirect_dma source(%dma_start3A_352 : memref<10000x128xf32, #tpu.memory_space<hbm>>) target(%arg8 : memref<50x128xf32, #tpu.memory_space<vmem>>) offsets(%dma_start3A_349 : memref<50xi32, #tpu.memory_space<vmem>>) semaphore(%arg12 : memref<!tpu.dma_semaphore, #tpu.memory_space<semaphore_mem>>)
      } else {
      }
      %mul3A_284 = arith.constant 4 : i32
      %mul3A_285 = arith.muli %scan3A_224, %mul3A_284 : i32
      %add3A_286 = arith.constant 2 : i32
      %add3A_287 = arith.addi %mul3A_285, %add3A_286 : i32
      %dma_wait3A_288 = arith.constant 0 : i32
      %dma_wait3A_289 = tpu.memref_slice %arg5[%add3A_287, %dma_wait3A_288] : memref<200x50xi32, #tpu.memory_space<vmem>> -> memref<1x50xi32, #tpu.memory_space<vmem>>
      %dma_wait3A_290 = tpu.memref_squeeze %dma_wait3A_289 : memref<1x50xi32, #tpu.memory_space<vmem>> -> memref<50xi32, #tpu.memory_space<vmem>>
      %dma_wait3A_291 = arith.constant 0 : i32
      %dma_wait3A_292 = arith.constant 0 : i32
      %dma_wait3A_293 = tpu.memref_slice %arg2[%dma_wait3A_291, %dma_wait3A_292] : memref<10000x128xf32, #tpu.memory_space<hbm>> -> memref<10000x128xf32, #tpu.memory_space<hbm>>
      tpu.wait_indirect_dma semaphore(%arg14 : memref<!tpu.dma_semaphore, #tpu.memory_space<semaphore_mem>>) src(%dma_wait3A_293 : memref<10000x128xf32, #tpu.memory_space<hbm>>) dst(%arg10 : memref<50x128xf32, #tpu.memory_space<vmem>>)
      %dma_start3A_294 = arith.constant 0 : i32
      %dma_start3A_295 = tpu.memref_slice %arg6[%add3A_287, %dma_start3A_294] : memref<200x50xi32, #tpu.memory_space<vmem>> -> memref<1x50xi32, #tpu.memory_space<vmem>>
      %dma_start3A_296 = tpu.memref_squeeze %dma_start3A_295 : memref<1x50xi32, #tpu.memory_space<vmem>> -> memref<50xi32, #tpu.memory_space<vmem>>
      %dma_start3A_297 = arith.constant 0 : i32
      %dma_start3A_298 = arith.constant 0 : i32
      %dma_start3A_299 = tpu.memref_slice %arg7[%dma_start3A_297, %dma_start3A_298] : memref<10000x128xf32, #tpu.memory_space<vmem_shared>> -> memref<10000x128xf32, #tpu.memory_space<vmem_shared>>
      tpu.enqueue_indirect_dma source(%arg10 : memref<50x128xf32, #tpu.memory_space<vmem>>) target(%dma_start3A_299 : memref<10000x128xf32, #tpu.memory_space<vmem_shared>>) offsets(%dma_start3A_296 : memref<50xi32, #tpu.memory_space<vmem>>) semaphore(%arg18 : memref<!tpu.dma_semaphore, #tpu.memory_space<semaphore_mem>>) {add = true}
      %sub3A_300 = arith.constant 1 : i32
      %sub3A_301 = arith.subi %add3A_287, %sub3A_300 : i32
      %dma_wait3A_302 = arith.constant 0 : i32
      %dma_wait3A_303 = tpu.memref_slice %arg6[%sub3A_301, %dma_wait3A_302] : memref<200x50xi32, #tpu.memory_space<vmem>> -> memref<1x50xi32, #tpu.memory_space<vmem>>
      %dma_wait3A_304 = tpu.memref_squeeze %dma_wait3A_303 : memref<1x50xi32, #tpu.memory_space<vmem>> -> memref<50xi32, #tpu.memory_space<vmem>>
      %dma_wait3A_305 = arith.constant 0 : i32
      %dma_wait3A_306 = arith.constant 0 : i32
      %dma_wait3A_307 = tpu.memref_slice %arg7[%dma_wait3A_305, %dma_wait3A_306] : memref<10000x128xf32, #tpu.memory_space<vmem_shared>> -> memref<10000x128xf32, #tpu.memory_space<vmem_shared>>
      tpu.wait_indirect_dma semaphore(%arg17 : memref<!tpu.dma_semaphore, #tpu.memory_space<semaphore_mem>>) src(%arg9 : memref<50x128xf32, #tpu.memory_space<vmem>>) dst(%dma_wait3A_307 : memref<10000x128xf32, #tpu.memory_space<vmem_shared>>)
      %lt3A_308 = arith.constant 49 : i32
      %lt3A_309 = arith.cmpi slt, %scan3A_224, %lt3A_308 : i32
      %convert_element_type3A_310 = arith.extui %lt3A_309 : i1 to i32
      %cond3A_311 = arith.constant 0 : i32
      %cond3A_312 = arith.cmpi ne, %convert_element_type3A_310, %cond3A_311 : i32
      scf.if %cond3A_312 {
        %add3A_343 = arith.constant 4 : i32
        %add3A_344 = arith.addi %add3A_287, %add3A_343 : i32
        %sub3A_345 = arith.constant 1 : i32
        %sub3A_346 = arith.subi %add3A_344, %sub3A_345 : i32
        %dma_start3A_347 = arith.constant 0 : i32
        %dma_start3A_348 = tpu.memref_slice %arg5[%sub3A_346, %dma_start3A_347] : memref<200x50xi32, #tpu.memory_space<vmem>> -> memref<1x50xi32, #tpu.memory_space<vmem>>
        %dma_start3A_349 = tpu.memref_squeeze %dma_start3A_348 : memref<1x50xi32, #tpu.memory_space<vmem>> -> memref<50xi32, #tpu.memory_space<vmem>>
        %dma_start3A_350 = arith.constant 0 : i32
        %dma_start3A_351 = arith.constant 0 : i32
        %dma_start3A_352 = tpu.memref_slice %arg2[%dma_start3A_350, %dma_start3A_351] : memref<10000x128xf32, #tpu.memory_space<hbm>> -> memref<10000x128xf32, #tpu.memory_space<hbm>>
        tpu.enqueue_indirect_dma source(%dma_start3A_352 : memref<10000x128xf32, #tpu.memory_space<hbm>>) target(%arg9 : memref<50x128xf32, #tpu.memory_space<vmem>>) offsets(%dma_start3A_349 : memref<50xi32, #tpu.memory_space<vmem>>) semaphore(%arg13 : memref<!tpu.dma_semaphore, #tpu.memory_space<semaphore_mem>>)
      } else {
      }
      %mul3A_313 = arith.constant 4 : i32
      %mul3A_314 = arith.muli %scan3A_224, %mul3A_313 : i32
      %add3A_315 = arith.constant 3 : i32
      %add3A_316 = arith.addi %mul3A_314, %add3A_315 : i32
      %dma_wait3A_317 = arith.constant 0 : i32
      %dma_wait3A_318 = tpu.memref_slice %arg5[%add3A_316, %dma_wait3A_317] : memref<200x50xi32, #tpu.memory_space<vmem>> -> memref<1x50xi32, #tpu.memory_space<vmem>>
      %dma_wait3A_319 = tpu.memref_squeeze %dma_wait3A_318 : memref<1x50xi32, #tpu.memory_space<vmem>> -> memref<50xi32, #tpu.memory_space<vmem>>
      %dma_wait3A_320 = arith.constant 0 : i32
      %dma_wait3A_321 = arith.constant 0 : i32
      %dma_wait3A_322 = tpu.memref_slice %arg2[%dma_wait3A_320, %dma_wait3A_321] : memref<10000x128xf32, #tpu.memory_space<hbm>> -> memref<10000x128xf32, #tpu.memory_space<hbm>>
      tpu.wait_indirect_dma semaphore(%arg15 : memref<!tpu.dma_semaphore, #tpu.memory_space<semaphore_mem>>) src(%dma_wait3A_322 : memref<10000x128xf32, #tpu.memory_space<hbm>>) dst(%arg11 : memref<50x128xf32, #tpu.memory_space<vmem>>)
      %dma_start3A_323 = arith.constant 0 : i32
      %dma_start3A_324 = tpu.memref_slice %arg6[%add3A_316, %dma_start3A_323] : memref<200x50xi32, #tpu.memory_space<vmem>> -> memref<1x50xi32, #tpu.memory_space<vmem>>
      %dma_start3A_325 = tpu.memref_squeeze %dma_start3A_324 : memref<1x50xi32, #tpu.memory_space<vmem>> -> memref<50xi32, #tpu.memory_space<vmem>>
      %dma_start3A_326 = arith.constant 0 : i32
      %dma_start3A_327 = arith.constant 0 : i32
      %dma_start3A_328 = tpu.memref_slice %arg7[%dma_start3A_326, %dma_start3A_327] : memref<10000x128xf32, #tpu.memory_space<vmem_shared>> -> memref<10000x128xf32, #tpu.memory_space<vmem_shared>>
      tpu.enqueue_indirect_dma source(%arg11 : memref<50x128xf32, #tpu.memory_space<vmem>>) target(%dma_start3A_328 : memref<10000x128xf32, #tpu.memory_space<vmem_shared>>) offsets(%dma_start3A_325 : memref<50xi32, #tpu.memory_space<vmem>>) semaphore(%arg19 : memref<!tpu.dma_semaphore, #tpu.memory_space<semaphore_mem>>) {add = true}
      %sub3A_329 = arith.constant 1 : i32
      %sub3A_330 = arith.subi %add3A_316, %sub3A_329 : i32
      %dma_wait3A_331 = arith.constant 0 : i32
      %dma_wait3A_332 = tpu.memref_slice %arg6[%sub3A_330, %dma_wait3A_331] : memref<200x50xi32, #tpu.memory_space<vmem>> -> memref<1x50xi32, #tpu.memory_space<vmem>>
      %dma_wait3A_333 = tpu.memref_squeeze %dma_wait3A_332 : memref<1x50xi32, #tpu.memory_space<vmem>> -> memref<50xi32, #tpu.memory_space<vmem>>
      %dma_wait3A_334 = arith.constant 0 : i32
      %dma_wait3A_335 = arith.constant 0 : i32
      %dma_wait3A_336 = tpu.memref_slice %arg7[%dma_wait3A_334, %dma_wait3A_335] : memref<10000x128xf32, #tpu.memory_space<vmem_shared>> -> memref<10000x128xf32, #tpu.memory_space<vmem_shared>>
      tpu.wait_indirect_dma semaphore(%arg18 : memref<!tpu.dma_semaphore, #tpu.memory_space<semaphore_mem>>) src(%arg10 : memref<50x128xf32, #tpu.memory_space<vmem>>) dst(%dma_wait3A_336 : memref<10000x128xf32, #tpu.memory_space<vmem_shared>>)
      %lt3A_337 = arith.constant 49 : i32
      %lt3A_338 = arith.cmpi slt, %scan3A_224, %lt3A_337 : i32
      %convert_element_type3A_339 = arith.extui %lt3A_338 : i1 to i32
      %cond3A_340 = arith.constant 0 : i32
      %cond3A_341 = arith.cmpi ne, %convert_element_type3A_339, %cond3A_340 : i32
      scf.if %cond3A_341 {
        %add3A_343 = arith.constant 4 : i32
        %add3A_344 = arith.addi %add3A_316, %add3A_343 : i32
        %sub3A_345 = arith.constant 1 : i32
        %sub3A_346 = arith.subi %add3A_344, %sub3A_345 : i32
        %dma_start3A_347 = arith.constant 0 : i32
        %dma_start3A_348 = tpu.memref_slice %arg5[%sub3A_346, %dma_start3A_347] : memref<200x50xi32, #tpu.memory_space<vmem>> -> memref<1x50xi32, #tpu.memory_space<vmem>>
        %dma_start3A_349 = tpu.memref_squeeze %dma_start3A_348 : memref<1x50xi32, #tpu.memory_space<vmem>> -> memref<50xi32, #tpu.memory_space<vmem>>
        %dma_start3A_350 = arith.constant 0 : i32
        %dma_start3A_351 = arith.constant 0 : i32
        %dma_start3A_352 = tpu.memref_slice %arg2[%dma_start3A_350, %dma_start3A_351] : memref<10000x128xf32, #tpu.memory_space<hbm>> -> memref<10000x128xf32, #tpu.memory_space<hbm>>
        tpu.enqueue_indirect_dma source(%dma_start3A_352 : memref<10000x128xf32, #tpu.memory_space<hbm>>) target(%arg10 : memref<50x128xf32, #tpu.memory_space<vmem>>) offsets(%dma_start3A_349 : memref<50xi32, #tpu.memory_space<vmem>>) semaphore(%arg14 : memref<!tpu.dma_semaphore, #tpu.memory_space<semaphore_mem>>)
      } else {
      }
      %scan3A_342 = arith.constant 0 : i32
      scf.yield %scan3A_342 : i32
    }
    %scan3A_125 = arith.constant 50 : i32
    %dma_wait3A = arith.constant 199 : i32
    %dma_wait3A_126 = arith.constant 0 : i32
    %dma_wait3A_127 = tpu.memref_slice %arg6[%dma_wait3A, %dma_wait3A_126] : memref<200x50xi32, #tpu.memory_space<vmem>> -> memref<1x50xi32, #tpu.memory_space<vmem>>
    %dma_wait3A_128 = tpu.memref_squeeze %dma_wait3A_127 : memref<1x50xi32, #tpu.memory_space<vmem>> -> memref<50xi32, #tpu.memory_space<vmem>>
    %dma_wait3A_129 = arith.constant 0 : i32
    %dma_wait3A_130 = arith.constant 0 : i32
    %dma_wait3A_131 = tpu.memref_slice %arg7[%dma_wait3A_129, %dma_wait3A_130] : memref<10000x128xf32, #tpu.memory_space<vmem_shared>> -> memref<10000x128xf32, #tpu.memory_space<vmem_shared>>
    tpu.wait_indirect_dma semaphore(%arg19 : memref<!tpu.dma_semaphore, #tpu.memory_space<semaphore_mem>>) src(%arg11 : memref<50x128xf32, #tpu.memory_space<vmem>>) dst(%dma_wait3A_131 : memref<10000x128xf32, #tpu.memory_space<vmem_shared>>)
    %barrier3A_132 = arith.constant 0 : index
    tpu.barrier barrier_id(%barrier3A_132)
    %add3A_133 = arith.constant 0 : i32
    %add3A_134 = arith.addi %add3A_133, %arg1 : i32
    %lt3A_135 = arith.constant 200 : i32
    %lt3A_136 = arith.cmpi slt, %add3A_134, %lt3A_135 : i32
    %convert_element_type3A_137 = arith.extui %lt3A_136 : i1 to i32
    %cond3A_138 = arith.constant 0 : i32
    %cond3A_139 = arith.cmpi ne, %convert_element_type3A_137, %cond3A_138 : i32
    scf.if %cond3A_139 {
      %mul3A_224 = arith.constant 50 : i32
      %mul3A_225 = arith.muli %add3A_134, %mul3A_224 : i32
      %mul3A_226 = arith.constant 10000 : i32
      %mul3A_227 = arith.muli %arg0, %mul3A_226 : i32
      %mul3A_228 = arith.constant 50 : i32
      %mul3A_229 = arith.muli %add3A_134, %mul3A_228 : i32
      %add3A_230 = arith.addi %mul3A_227, %mul3A_229 : i32
      "tpu.region"() ({
        %run_scoped3A_231 = tpu.sem_alloc : memref<!tpu.dma_semaphore, #tpu.memory_space<semaphore_mem>>
        %dma_start3A_232 = arith.constant 0 : i32
        %dma_start3A_233 = tpu.memref_slice %arg4[%add3A_230, %dma_start3A_232] : memref<20000x128xf32, #tpu.memory_space<hbm>> -> memref<50x128xf32, #tpu.memory_space<hbm>>
        %dma_start3A_234 = arith.constant 0 : i32
        %dma_start3A_235 = tpu.memref_slice %arg7[%mul3A_225, %dma_start3A_234] : memref<10000x128xf32, #tpu.memory_space<vmem_shared>> -> memref<50x128xf32, #tpu.memory_space<vmem_shared>>
        tpu.enqueue_dma source(%dma_start3A_235 : memref<50x128xf32, #tpu.memory_space<vmem_shared>>) target(%dma_start3A_233 : memref<50x128xf32, #tpu.memory_space<hbm>>) target_semaphore(%run_scoped3A_231 : memref<!tpu.dma_semaphore, #tpu.memory_space<semaphore_mem>>)
        %dma_wait3A_236 = arith.constant 0 : i32
        %dma_wait3A_237 = tpu.memref_slice %arg4[%add3A_230, %dma_wait3A_236] : memref<20000x128xf32, #tpu.memory_space<hbm>> -> memref<50x128xf32, #tpu.memory_space<hbm>>
        %dma_wait3A_238 = arith.constant 0 : i32
        %dma_wait3A_239 = tpu.memref_slice %arg7[%mul3A_225, %dma_wait3A_238] : memref<10000x128xf32, #tpu.memory_space<vmem_shared>> -> memref<50x128xf32, #tpu.memory_space<vmem_shared>>
        tpu.wait_dma2 semaphore(%run_scoped3A_231 : memref<!tpu.dma_semaphore, #tpu.memory_space<semaphore_mem>>) src(%dma_wait3A_239 : memref<50x128xf32, #tpu.memory_space<vmem_shared>>) dst(%dma_wait3A_237 : memref<50x128xf32, #tpu.memory_space<hbm>>)
        tpu.yield
      }) : () -> ()
    } else {
    }
    %add3A_140 = arith.constant 16 : i32
    %add3A_141 = arith.addi %add3A_140, %arg1 : i32
    %lt3A_142 = arith.constant 200 : i32
    %lt3A_143 = arith.cmpi slt, %add3A_141, %lt3A_142 : i32
    %convert_element_type3A_144 = arith.extui %lt3A_143 : i1 to i32
    %cond3A_145 = arith.constant 0 : i32
    %cond3A_146 = arith.cmpi ne, %convert_element_type3A_144, %cond3A_145 : i32
    scf.if %cond3A_146 {
      %mul3A_224 = arith.constant 50 : i32
      %mul3A_225 = arith.muli %add3A_141, %mul3A_224 : i32
      %mul3A_226 = arith.constant 10000 : i32
      %mul3A_227 = arith.muli %arg0, %mul3A_226 : i32
      %mul3A_228 = arith.constant 50 : i32
      %mul3A_229 = arith.muli %add3A_141, %mul3A_228 : i32
      %add3A_230 = arith.addi %mul3A_227, %mul3A_229 : i32
      "tpu.region"() ({
        %run_scoped3A_231 = tpu.sem_alloc : memref<!tpu.dma_semaphore, #tpu.memory_space<semaphore_mem>>
        %dma_start3A_232 = arith.constant 0 : i32
        %dma_start3A_233 = tpu.memref_slice %arg4[%add3A_230, %dma_start3A_232] : memref<20000x128xf32, #tpu.memory_space<hbm>> -> memref<50x128xf32, #tpu.memory_space<hbm>>
        %dma_start3A_234 = arith.constant 0 : i32
        %dma_start3A_235 = tpu.memref_slice %arg7[%mul3A_225, %dma_start3A_234] : memref<10000x128xf32, #tpu.memory_space<vmem_shared>> -> memref<50x128xf32, #tpu.memory_space<vmem_shared>>
        tpu.enqueue_dma source(%dma_start3A_235 : memref<50x128xf32, #tpu.memory_space<vmem_shared>>) target(%dma_start3A_233 : memref<50x128xf32, #tpu.memory_space<hbm>>) target_semaphore(%run_scoped3A_231 : memref<!tpu.dma_semaphore, #tpu.memory_space<semaphore_mem>>)
        %dma_wait3A_236 = arith.constant 0 : i32
        %dma_wait3A_237 = tpu.memref_slice %arg4[%add3A_230, %dma_wait3A_236] : memref<20000x128xf32, #tpu.memory_space<hbm>> -> memref<50x128xf32, #tpu.memory_space<hbm>>
        %dma_wait3A_238 = arith.constant 0 : i32
        %dma_wait3A_239 = tpu.memref_slice %arg7[%mul3A_225, %dma_wait3A_238] : memref<10000x128xf32, #tpu.memory_space<vmem_shared>> -> memref<50x128xf32, #tpu.memory_space<vmem_shared>>
        tpu.wait_dma2 semaphore(%run_scoped3A_231 : memref<!tpu.dma_semaphore, #tpu.memory_space<semaphore_mem>>) src(%dma_wait3A_239 : memref<50x128xf32, #tpu.memory_space<vmem_shared>>) dst(%dma_wait3A_237 : memref<50x128xf32, #tpu.memory_space<hbm>>)
        tpu.yield
      }) : () -> ()
    } else {
    }
    %add3A_147 = arith.constant 32 : i32
    %add3A_148 = arith.addi %add3A_147, %arg1 : i32
    %lt3A_149 = arith.constant 200 : i32
    %lt3A_150 = arith.cmpi slt, %add3A_148, %lt3A_149 : i32
    %convert_element_type3A_151 = arith.extui %lt3A_150 : i1 to i32
    %cond3A_152 = arith.constant 0 : i32
    %cond3A_153 = arith.cmpi ne, %convert_element_type3A_151, %cond3A_152 : i32
    scf.if %cond3A_153 {
      %mul3A_224 = arith.constant 50 : i32
      %mul3A_225 = arith.muli %add3A_148, %mul3A_224 : i32
      %mul3A_226 = arith.constant 10000 : i32
      %mul3A_227 = arith.muli %arg0, %mul3A_226 : i32
      %mul3A_228 = arith.constant 50 : i32
      %mul3A_229 = arith.muli %add3A_148, %mul3A_228 : i32
      %add3A_230 = arith.addi %mul3A_227, %mul3A_229 : i32
      "tpu.region"() ({
        %run_scoped3A_231 = tpu.sem_alloc : memref<!tpu.dma_semaphore, #tpu.memory_space<semaphore_mem>>
        %dma_start3A_232 = arith.constant 0 : i32
        %dma_start3A_233 = tpu.memref_slice %arg4[%add3A_230, %dma_start3A_232] : memref<20000x128xf32, #tpu.memory_space<hbm>> -> memref<50x128xf32, #tpu.memory_space<hbm>>
        %dma_start3A_234 = arith.constant 0 : i32
        %dma_start3A_235 = tpu.memref_slice %arg7[%mul3A_225, %dma_start3A_234] : memref<10000x128xf32, #tpu.memory_space<vmem_shared>> -> memref<50x128xf32, #tpu.memory_space<vmem_shared>>
        tpu.enqueue_dma source(%dma_start3A_235 : memref<50x128xf32, #tpu.memory_space<vmem_shared>>) target(%dma_start3A_233 : memref<50x128xf32, #tpu.memory_space<hbm>>) target_semaphore(%run_scoped3A_231 : memref<!tpu.dma_semaphore, #tpu.memory_space<semaphore_mem>>)
        %dma_wait3A_236 = arith.constant 0 : i32
        %dma_wait3A_237 = tpu.memref_slice %arg4[%add3A_230, %dma_wait3A_236] : memref<20000x128xf32, #tpu.memory_space<hbm>> -> memref<50x128xf32, #tpu.memory_space<hbm>>
        %dma_wait3A_238 = arith.constant 0 : i32
        %dma_wait3A_239 = tpu.memref_slice %arg7[%mul3A_225, %dma_wait3A_238] : memref<10000x128xf32, #tpu.memory_space<vmem_shared>> -> memref<50x128xf32, #tpu.memory_space<vmem_shared>>
        tpu.wait_dma2 semaphore(%run_scoped3A_231 : memref<!tpu.dma_semaphore, #tpu.memory_space<semaphore_mem>>) src(%dma_wait3A_239 : memref<50x128xf32, #tpu.memory_space<vmem_shared>>) dst(%dma_wait3A_237 : memref<50x128xf32, #tpu.memory_space<hbm>>)
        tpu.yield
      }) : () -> ()
    } else {
    }
    %add3A_154 = arith.constant 48 : i32
    %add3A_155 = arith.addi %add3A_154, %arg1 : i32
    %lt3A_156 = arith.constant 200 : i32
    %lt3A_157 = arith.cmpi slt, %add3A_155, %lt3A_156 : i32
    %convert_element_type3A_158 = arith.extui %lt3A_157 : i1 to i32
    %cond3A_159 = arith.constant 0 : i32
    %cond3A_160 = arith.cmpi ne, %convert_element_type3A_158, %cond3A_159 : i32
    scf.if %cond3A_160 {
      %mul3A_224 = arith.constant 50 : i32
      %mul3A_225 = arith.muli %add3A_155, %mul3A_224 : i32
      %mul3A_226 = arith.constant 10000 : i32
      %mul3A_227 = arith.muli %arg0, %mul3A_226 : i32
      %mul3A_228 = arith.constant 50 : i32
      %mul3A_229 = arith.muli %add3A_155, %mul3A_228 : i32
      %add3A_230 = arith.addi %mul3A_227, %mul3A_229 : i32
      "tpu.region"() ({
        %run_scoped3A_231 = tpu.sem_alloc : memref<!tpu.dma_semaphore, #tpu.memory_space<semaphore_mem>>
        %dma_start3A_232 = arith.constant 0 : i32
        %dma_start3A_233 = tpu.memref_slice %arg4[%add3A_230, %dma_start3A_232] : memref<20000x128xf32, #tpu.memory_space<hbm>> -> memref<50x128xf32, #tpu.memory_space<hbm>>
        %dma_start3A_234 = arith.constant 0 : i32
        %dma_start3A_235 = tpu.memref_slice %arg7[%mul3A_225, %dma_start3A_234] : memref<10000x128xf32, #tpu.memory_space<vmem_shared>> -> memref<50x128xf32, #tpu.memory_space<vmem_shared>>
        tpu.enqueue_dma source(%dma_start3A_235 : memref<50x128xf32, #tpu.memory_space<vmem_shared>>) target(%dma_start3A_233 : memref<50x128xf32, #tpu.memory_space<hbm>>) target_semaphore(%run_scoped3A_231 : memref<!tpu.dma_semaphore, #tpu.memory_space<semaphore_mem>>)
        %dma_wait3A_236 = arith.constant 0 : i32
        %dma_wait3A_237 = tpu.memref_slice %arg4[%add3A_230, %dma_wait3A_236] : memref<20000x128xf32, #tpu.memory_space<hbm>> -> memref<50x128xf32, #tpu.memory_space<hbm>>
        %dma_wait3A_238 = arith.constant 0 : i32
        %dma_wait3A_239 = tpu.memref_slice %arg7[%mul3A_225, %dma_wait3A_238] : memref<10000x128xf32, #tpu.memory_space<vmem_shared>> -> memref<50x128xf32, #tpu.memory_space<vmem_shared>>
        tpu.wait_dma2 semaphore(%run_scoped3A_231 : memref<!tpu.dma_semaphore, #tpu.memory_space<semaphore_mem>>) src(%dma_wait3A_239 : memref<50x128xf32, #tpu.memory_space<vmem_shared>>) dst(%dma_wait3A_237 : memref<50x128xf32, #tpu.memory_space<hbm>>)
        tpu.yield
      }) : () -> ()
    } else {
    }
    %add3A_161 = arith.constant 64 : i32
    %add3A_162 = arith.addi %add3A_161, %arg1 : i32
    %lt3A_163 = arith.constant 200 : i32
    %lt3A_164 = arith.cmpi slt, %add3A_162, %lt3A_163 : i32
    %convert_element_type3A_165 = arith.extui %lt3A_164 : i1 to i32
    %cond3A_166 = arith.constant 0 : i32
    %cond3A_167 = arith.cmpi ne, %convert_element_type3A_165, %cond3A_166 : i32
    scf.if %cond3A_167 {
      %mul3A_224 = arith.constant 50 : i32
      %mul3A_225 = arith.muli %add3A_162, %mul3A_224 : i32
      %mul3A_226 = arith.constant 10000 : i32
      %mul3A_227 = arith.muli %arg0, %mul3A_226 : i32
      %mul3A_228 = arith.constant 50 : i32
      %mul3A_229 = arith.muli %add3A_162, %mul3A_228 : i32
      %add3A_230 = arith.addi %mul3A_227, %mul3A_229 : i32
      "tpu.region"() ({
        %run_scoped3A_231 = tpu.sem_alloc : memref<!tpu.dma_semaphore, #tpu.memory_space<semaphore_mem>>
        %dma_start3A_232 = arith.constant 0 : i32
        %dma_start3A_233 = tpu.memref_slice %arg4[%add3A_230, %dma_start3A_232] : memref<20000x128xf32, #tpu.memory_space<hbm>> -> memref<50x128xf32, #tpu.memory_space<hbm>>
        %dma_start3A_234 = arith.constant 0 : i32
        %dma_start3A_235 = tpu.memref_slice %arg7[%mul3A_225, %dma_start3A_234] : memref<10000x128xf32, #tpu.memory_space<vmem_shared>> -> memref<50x128xf32, #tpu.memory_space<vmem_shared>>
        tpu.enqueue_dma source(%dma_start3A_235 : memref<50x128xf32, #tpu.memory_space<vmem_shared>>) target(%dma_start3A_233 : memref<50x128xf32, #tpu.memory_space<hbm>>) target_semaphore(%run_scoped3A_231 : memref<!tpu.dma_semaphore, #tpu.memory_space<semaphore_mem>>)
        %dma_wait3A_236 = arith.constant 0 : i32
        %dma_wait3A_237 = tpu.memref_slice %arg4[%add3A_230, %dma_wait3A_236] : memref<20000x128xf32, #tpu.memory_space<hbm>> -> memref<50x128xf32, #tpu.memory_space<hbm>>
        %dma_wait3A_238 = arith.constant 0 : i32
        %dma_wait3A_239 = tpu.memref_slice %arg7[%mul3A_225, %dma_wait3A_238] : memref<10000x128xf32, #tpu.memory_space<vmem_shared>> -> memref<50x128xf32, #tpu.memory_space<vmem_shared>>
        tpu.wait_dma2 semaphore(%run_scoped3A_231 : memref<!tpu.dma_semaphore, #tpu.memory_space<semaphore_mem>>) src(%dma_wait3A_239 : memref<50x128xf32, #tpu.memory_space<vmem_shared>>) dst(%dma_wait3A_237 : memref<50x128xf32, #tpu.memory_space<hbm>>)
        tpu.yield
      }) : () -> ()
    } else {
    }
    %add3A_168 = arith.constant 80 : i32
    %add3A_169 = arith.addi %add3A_168, %arg1 : i32
    %lt3A_170 = arith.constant 200 : i32
    %lt3A_171 = arith.cmpi slt, %add3A_169, %lt3A_170 : i32
    %convert_element_type3A_172 = arith.extui %lt3A_171 : i1 to i32
    %cond3A_173 = arith.constant 0 : i32
    %cond3A_174 = arith.cmpi ne, %convert_element_type3A_172, %cond3A_173 : i32
    scf.if %cond3A_174 {
      %mul3A_224 = arith.constant 50 : i32
      %mul3A_225 = arith.muli %add3A_169, %mul3A_224 : i32
      %mul3A_226 = arith.constant 10000 : i32
      %mul3A_227 = arith.muli %arg0, %mul3A_226 : i32
      %mul3A_228 = arith.constant 50 : i32
      %mul3A_229 = arith.muli %add3A_169, %mul3A_228 : i32
      %add3A_230 = arith.addi %mul3A_227, %mul3A_229 : i32
      "tpu.region"() ({
        %run_scoped3A_231 = tpu.sem_alloc : memref<!tpu.dma_semaphore, #tpu.memory_space<semaphore_mem>>
        %dma_start3A_232 = arith.constant 0 : i32
        %dma_start3A_233 = tpu.memref_slice %arg4[%add3A_230, %dma_start3A_232] : memref<20000x128xf32, #tpu.memory_space<hbm>> -> memref<50x128xf32, #tpu.memory_space<hbm>>
        %dma_start3A_234 = arith.constant 0 : i32
        %dma_start3A_235 = tpu.memref_slice %arg7[%mul3A_225, %dma_start3A_234] : memref<10000x128xf32, #tpu.memory_space<vmem_shared>> -> memref<50x128xf32, #tpu.memory_space<vmem_shared>>
        tpu.enqueue_dma source(%dma_start3A_235 : memref<50x128xf32, #tpu.memory_space<vmem_shared>>) target(%dma_start3A_233 : memref<50x128xf32, #tpu.memory_space<hbm>>) target_semaphore(%run_scoped3A_231 : memref<!tpu.dma_semaphore, #tpu.memory_space<semaphore_mem>>)
        %dma_wait3A_236 = arith.constant 0 : i32
        %dma_wait3A_237 = tpu.memref_slice %arg4[%add3A_230, %dma_wait3A_236] : memref<20000x128xf32, #tpu.memory_space<hbm>> -> memref<50x128xf32, #tpu.memory_space<hbm>>
        %dma_wait3A_238 = arith.constant 0 : i32
        %dma_wait3A_239 = tpu.memref_slice %arg7[%mul3A_225, %dma_wait3A_238] : memref<10000x128xf32, #tpu.memory_space<vmem_shared>> -> memref<50x128xf32, #tpu.memory_space<vmem_shared>>
        tpu.wait_dma2 semaphore(%run_scoped3A_231 : memref<!tpu.dma_semaphore, #tpu.memory_space<semaphore_mem>>) src(%dma_wait3A_239 : memref<50x128xf32, #tpu.memory_space<vmem_shared>>) dst(%dma_wait3A_237 : memref<50x128xf32, #tpu.memory_space<hbm>>)
        tpu.yield
      }) : () -> ()
    } else {
    }
    %add3A_175 = arith.constant 96 : i32
    %add3A_176 = arith.addi %add3A_175, %arg1 : i32
    %lt3A_177 = arith.constant 200 : i32
    %lt3A_178 = arith.cmpi slt, %add3A_176, %lt3A_177 : i32
    %convert_element_type3A_179 = arith.extui %lt3A_178 : i1 to i32
    %cond3A_180 = arith.constant 0 : i32
    %cond3A_181 = arith.cmpi ne, %convert_element_type3A_179, %cond3A_180 : i32
    scf.if %cond3A_181 {
      %mul3A_224 = arith.constant 50 : i32
      %mul3A_225 = arith.muli %add3A_176, %mul3A_224 : i32
      %mul3A_226 = arith.constant 10000 : i32
      %mul3A_227 = arith.muli %arg0, %mul3A_226 : i32
      %mul3A_228 = arith.constant 50 : i32
      %mul3A_229 = arith.muli %add3A_176, %mul3A_228 : i32
      %add3A_230 = arith.addi %mul3A_227, %mul3A_229 : i32
      "tpu.region"() ({
        %run_scoped3A_231 = tpu.sem_alloc : memref<!tpu.dma_semaphore, #tpu.memory_space<semaphore_mem>>
        %dma_start3A_232 = arith.constant 0 : i32
        %dma_start3A_233 = tpu.memref_slice %arg4[%add3A_230, %dma_start3A_232] : memref<20000x128xf32, #tpu.memory_space<hbm>> -> memref<50x128xf32, #tpu.memory_space<hbm>>
        %dma_start3A_234 = arith.constant 0 : i32
        %dma_start3A_235 = tpu.memref_slice %arg7[%mul3A_225, %dma_start3A_234] : memref<10000x128xf32, #tpu.memory_space<vmem_shared>> -> memref<50x128xf32, #tpu.memory_space<vmem_shared>>
        tpu.enqueue_dma source(%dma_start3A_235 : memref<50x128xf32, #tpu.memory_space<vmem_shared>>) target(%dma_start3A_233 : memref<50x128xf32, #tpu.memory_space<hbm>>) target_semaphore(%run_scoped3A_231 : memref<!tpu.dma_semaphore, #tpu.memory_space<semaphore_mem>>)
        %dma_wait3A_236 = arith.constant 0 : i32
        %dma_wait3A_237 = tpu.memref_slice %arg4[%add3A_230, %dma_wait3A_236] : memref<20000x128xf32, #tpu.memory_space<hbm>> -> memref<50x128xf32, #tpu.memory_space<hbm>>
        %dma_wait3A_238 = arith.constant 0 : i32
        %dma_wait3A_239 = tpu.memref_slice %arg7[%mul3A_225, %dma_wait3A_238] : memref<10000x128xf32, #tpu.memory_space<vmem_shared>> -> memref<50x128xf32, #tpu.memory_space<vmem_shared>>
        tpu.wait_dma2 semaphore(%run_scoped3A_231 : memref<!tpu.dma_semaphore, #tpu.memory_space<semaphore_mem>>) src(%dma_wait3A_239 : memref<50x128xf32, #tpu.memory_space<vmem_shared>>) dst(%dma_wait3A_237 : memref<50x128xf32, #tpu.memory_space<hbm>>)
        tpu.yield
      }) : () -> ()
    } else {
    }
    %add3A_182 = arith.constant 112 : i32
    %add3A_183 = arith.addi %add3A_182, %arg1 : i32
    %lt3A_184 = arith.constant 200 : i32
    %lt3A_185 = arith.cmpi slt, %add3A_183, %lt3A_184 : i32
    %convert_element_type3A_186 = arith.extui %lt3A_185 : i1 to i32
    %cond3A_187 = arith.constant 0 : i32
    %cond3A_188 = arith.cmpi ne, %convert_element_type3A_186, %cond3A_187 : i32
    scf.if %cond3A_188 {
      %mul3A_224 = arith.constant 50 : i32
      %mul3A_225 = arith.muli %add3A_183, %mul3A_224 : i32
      %mul3A_226 = arith.constant 10000 : i32
      %mul3A_227 = arith.muli %arg0, %mul3A_226 : i32
      %mul3A_228 = arith.constant 50 : i32
      %mul3A_229 = arith.muli %add3A_183, %mul3A_228 : i32
      %add3A_230 = arith.addi %mul3A_227, %mul3A_229 : i32
      "tpu.region"() ({
        %run_scoped3A_231 = tpu.sem_alloc : memref<!tpu.dma_semaphore, #tpu.memory_space<semaphore_mem>>
        %dma_start3A_232 = arith.constant 0 : i32
        %dma_start3A_233 = tpu.memref_slice %arg4[%add3A_230, %dma_start3A_232] : memref<20000x128xf32, #tpu.memory_space<hbm>> -> memref<50x128xf32, #tpu.memory_space<hbm>>
        %dma_start3A_234 = arith.constant 0 : i32
        %dma_start3A_235 = tpu.memref_slice %arg7[%mul3A_225, %dma_start3A_234] : memref<10000x128xf32, #tpu.memory_space<vmem_shared>> -> memref<50x128xf32, #tpu.memory_space<vmem_shared>>
        tpu.enqueue_dma source(%dma_start3A_235 : memref<50x128xf32, #tpu.memory_space<vmem_shared>>) target(%dma_start3A_233 : memref<50x128xf32, #tpu.memory_space<hbm>>) target_semaphore(%run_scoped3A_231 : memref<!tpu.dma_semaphore, #tpu.memory_space<semaphore_mem>>)
        %dma_wait3A_236 = arith.constant 0 : i32
        %dma_wait3A_237 = tpu.memref_slice %arg4[%add3A_230, %dma_wait3A_236] : memref<20000x128xf32, #tpu.memory_space<hbm>> -> memref<50x128xf32, #tpu.memory_space<hbm>>
        %dma_wait3A_238 = arith.constant 0 : i32
        %dma_wait3A_239 = tpu.memref_slice %arg7[%mul3A_225, %dma_wait3A_238] : memref<10000x128xf32, #tpu.memory_space<vmem_shared>> -> memref<50x128xf32, #tpu.memory_space<vmem_shared>>
        tpu.wait_dma2 semaphore(%run_scoped3A_231 : memref<!tpu.dma_semaphore, #tpu.memory_space<semaphore_mem>>) src(%dma_wait3A_239 : memref<50x128xf32, #tpu.memory_space<vmem_shared>>) dst(%dma_wait3A_237 : memref<50x128xf32, #tpu.memory_space<hbm>>)
        tpu.yield
      }) : () -> ()
    } else {
    }
    %add3A_189 = arith.constant 128 : i32
    %add3A_190 = arith.addi %add3A_189, %arg1 : i32
    %lt3A_191 = arith.constant 200 : i32
    %lt3A_192 = arith.cmpi slt, %add3A_190, %lt3A_191 : i32
    %convert_element_type3A_193 = arith.extui %lt3A_192 : i1 to i32
    %cond3A_194 = arith.constant 0 : i32
    %cond3A_195 = arith.cmpi ne, %convert_element_type3A_193, %cond3A_194 : i32
    scf.if %cond3A_195 {
      %mul3A_224 = arith.constant 50 : i32
      %mul3A_225 = arith.muli %add3A_190, %mul3A_224 : i32
      %mul3A_226 = arith.constant 10000 : i32
      %mul3A_227 = arith.muli %arg0, %mul3A_226 : i32
      %mul3A_228 = arith.constant 50 : i32
      %mul3A_229 = arith.muli %add3A_190, %mul3A_228 : i32
      %add3A_230 = arith.addi %mul3A_227, %mul3A_229 : i32
      "tpu.region"() ({
        %run_scoped3A_231 = tpu.sem_alloc : memref<!tpu.dma_semaphore, #tpu.memory_space<semaphore_mem>>
        %dma_start3A_232 = arith.constant 0 : i32
        %dma_start3A_233 = tpu.memref_slice %arg4[%add3A_230, %dma_start3A_232] : memref<20000x128xf32, #tpu.memory_space<hbm>> -> memref<50x128xf32, #tpu.memory_space<hbm>>
        %dma_start3A_234 = arith.constant 0 : i32
        %dma_start3A_235 = tpu.memref_slice %arg7[%mul3A_225, %dma_start3A_234] : memref<10000x128xf32, #tpu.memory_space<vmem_shared>> -> memref<50x128xf32, #tpu.memory_space<vmem_shared>>
        tpu.enqueue_dma source(%dma_start3A_235 : memref<50x128xf32, #tpu.memory_space<vmem_shared>>) target(%dma_start3A_233 : memref<50x128xf32, #tpu.memory_space<hbm>>) target_semaphore(%run_scoped3A_231 : memref<!tpu.dma_semaphore, #tpu.memory_space<semaphore_mem>>)
        %dma_wait3A_236 = arith.constant 0 : i32
        %dma_wait3A_237 = tpu.memref_slice %arg4[%add3A_230, %dma_wait3A_236] : memref<20000x128xf32, #tpu.memory_space<hbm>> -> memref<50x128xf32, #tpu.memory_space<hbm>>
        %dma_wait3A_238 = arith.constant 0 : i32
        %dma_wait3A_239 = tpu.memref_slice %arg7[%mul3A_225, %dma_wait3A_238] : memref<10000x128xf32, #tpu.memory_space<vmem_shared>> -> memref<50x128xf32, #tpu.memory_space<vmem_shared>>
        tpu.wait_dma2 semaphore(%run_scoped3A_231 : memref<!tpu.dma_semaphore, #tpu.memory_space<semaphore_mem>>) src(%dma_wait3A_239 : memref<50x128xf32, #tpu.memory_space<vmem_shared>>) dst(%dma_wait3A_237 : memref<50x128xf32, #tpu.memory_space<hbm>>)
        tpu.yield
      }) : () -> ()
    } else {
    }
    %add3A_196 = arith.constant 144 : i32
    %add3A_197 = arith.addi %add3A_196, %arg1 : i32
    %lt3A_198 = arith.constant 200 : i32
    %lt3A_199 = arith.cmpi slt, %add3A_197, %lt3A_198 : i32
    %convert_element_type3A_200 = arith.extui %lt3A_199 : i1 to i32
    %cond3A_201 = arith.constant 0 : i32
    %cond3A_202 = arith.cmpi ne, %convert_element_type3A_200, %cond3A_201 : i32
    scf.if %cond3A_202 {
      %mul3A_224 = arith.constant 50 : i32
      %mul3A_225 = arith.muli %add3A_197, %mul3A_224 : i32
      %mul3A_226 = arith.constant 10000 : i32
      %mul3A_227 = arith.muli %arg0, %mul3A_226 : i32
      %mul3A_228 = arith.constant 50 : i32
      %mul3A_229 = arith.muli %add3A_197, %mul3A_228 : i32
      %add3A_230 = arith.addi %mul3A_227, %mul3A_229 : i32
      "tpu.region"() ({
        %run_scoped3A_231 = tpu.sem_alloc : memref<!tpu.dma_semaphore, #tpu.memory_space<semaphore_mem>>
        %dma_start3A_232 = arith.constant 0 : i32
        %dma_start3A_233 = tpu.memref_slice %arg4[%add3A_230, %dma_start3A_232] : memref<20000x128xf32, #tpu.memory_space<hbm>> -> memref<50x128xf32, #tpu.memory_space<hbm>>
        %dma_start3A_234 = arith.constant 0 : i32
        %dma_start3A_235 = tpu.memref_slice %arg7[%mul3A_225, %dma_start3A_234] : memref<10000x128xf32, #tpu.memory_space<vmem_shared>> -> memref<50x128xf32, #tpu.memory_space<vmem_shared>>
        tpu.enqueue_dma source(%dma_start3A_235 : memref<50x128xf32, #tpu.memory_space<vmem_shared>>) target(%dma_start3A_233 : memref<50x128xf32, #tpu.memory_space<hbm>>) target_semaphore(%run_scoped3A_231 : memref<!tpu.dma_semaphore, #tpu.memory_space<semaphore_mem>>)
        %dma_wait3A_236 = arith.constant 0 : i32
        %dma_wait3A_237 = tpu.memref_slice %arg4[%add3A_230, %dma_wait3A_236] : memref<20000x128xf32, #tpu.memory_space<hbm>> -> memref<50x128xf32, #tpu.memory_space<hbm>>
        %dma_wait3A_238 = arith.constant 0 : i32
        %dma_wait3A_239 = tpu.memref_slice %arg7[%mul3A_225, %dma_wait3A_238] : memref<10000x128xf32, #tpu.memory_space<vmem_shared>> -> memref<50x128xf32, #tpu.memory_space<vmem_shared>>
        tpu.wait_dma2 semaphore(%run_scoped3A_231 : memref<!tpu.dma_semaphore, #tpu.memory_space<semaphore_mem>>) src(%dma_wait3A_239 : memref<50x128xf32, #tpu.memory_space<vmem_shared>>) dst(%dma_wait3A_237 : memref<50x128xf32, #tpu.memory_space<hbm>>)
        tpu.yield
      }) : () -> ()
    } else {
    }
    %add3A_203 = arith.constant 160 : i32
    %add3A_204 = arith.addi %add3A_203, %arg1 : i32
    %lt3A_205 = arith.constant 200 : i32
    %lt3A_206 = arith.cmpi slt, %add3A_204, %lt3A_205 : i32
    %convert_element_type3A_207 = arith.extui %lt3A_206 : i1 to i32
    %cond3A_208 = arith.constant 0 : i32
    %cond3A_209 = arith.cmpi ne, %convert_element_type3A_207, %cond3A_208 : i32
    scf.if %cond3A_209 {
      %mul3A_224 = arith.constant 50 : i32
      %mul3A_225 = arith.muli %add3A_204, %mul3A_224 : i32
      %mul3A_226 = arith.constant 10000 : i32
      %mul3A_227 = arith.muli %arg0, %mul3A_226 : i32
      %mul3A_228 = arith.constant 50 : i32
      %mul3A_229 = arith.muli %add3A_204, %mul3A_228 : i32
      %add3A_230 = arith.addi %mul3A_227, %mul3A_229 : i32
      "tpu.region"() ({
        %run_scoped3A_231 = tpu.sem_alloc : memref<!tpu.dma_semaphore, #tpu.memory_space<semaphore_mem>>
        %dma_start3A_232 = arith.constant 0 : i32
        %dma_start3A_233 = tpu.memref_slice %arg4[%add3A_230, %dma_start3A_232] : memref<20000x128xf32, #tpu.memory_space<hbm>> -> memref<50x128xf32, #tpu.memory_space<hbm>>
        %dma_start3A_234 = arith.constant 0 : i32
        %dma_start3A_235 = tpu.memref_slice %arg7[%mul3A_225, %dma_start3A_234] : memref<10000x128xf32, #tpu.memory_space<vmem_shared>> -> memref<50x128xf32, #tpu.memory_space<vmem_shared>>
        tpu.enqueue_dma source(%dma_start3A_235 : memref<50x128xf32, #tpu.memory_space<vmem_shared>>) target(%dma_start3A_233 : memref<50x128xf32, #tpu.memory_space<hbm>>) target_semaphore(%run_scoped3A_231 : memref<!tpu.dma_semaphore, #tpu.memory_space<semaphore_mem>>)
        %dma_wait3A_236 = arith.constant 0 : i32
        %dma_wait3A_237 = tpu.memref_slice %arg4[%add3A_230, %dma_wait3A_236] : memref<20000x128xf32, #tpu.memory_space<hbm>> -> memref<50x128xf32, #tpu.memory_space<hbm>>
        %dma_wait3A_238 = arith.constant 0 : i32
        %dma_wait3A_239 = tpu.memref_slice %arg7[%mul3A_225, %dma_wait3A_238] : memref<10000x128xf32, #tpu.memory_space<vmem_shared>> -> memref<50x128xf32, #tpu.memory_space<vmem_shared>>
        tpu.wait_dma2 semaphore(%run_scoped3A_231 : memref<!tpu.dma_semaphore, #tpu.memory_space<semaphore_mem>>) src(%dma_wait3A_239 : memref<50x128xf32, #tpu.memory_space<vmem_shared>>) dst(%dma_wait3A_237 : memref<50x128xf32, #tpu.memory_space<hbm>>)
        tpu.yield
      }) : () -> ()
    } else {
    }
    %add3A_210 = arith.constant 176 : i32
    %add3A_211 = arith.addi %add3A_210, %arg1 : i32
    %lt3A_212 = arith.constant 200 : i32
    %lt3A_213 = arith.cmpi slt, %add3A_211, %lt3A_212 : i32
    %convert_element_type3A_214 = arith.extui %lt3A_213 : i1 to i32
    %cond3A_215 = arith.constant 0 : i32
    %cond3A_216 = arith.cmpi ne, %convert_element_type3A_214, %cond3A_215 : i32
    scf.if %cond3A_216 {
      %mul3A_224 = arith.constant 50 : i32
      %mul3A_225 = arith.muli %add3A_211, %mul3A_224 : i32
      %mul3A_226 = arith.constant 10000 : i32
      %mul3A_227 = arith.muli %arg0, %mul3A_226 : i32
      %mul3A_228 = arith.constant 50 : i32
      %mul3A_229 = arith.muli %add3A_211, %mul3A_228 : i32
      %add3A_230 = arith.addi %mul3A_227, %mul3A_229 : i32
      "tpu.region"() ({
        %run_scoped3A_231 = tpu.sem_alloc : memref<!tpu.dma_semaphore, #tpu.memory_space<semaphore_mem>>
        %dma_start3A_232 = arith.constant 0 : i32
        %dma_start3A_233 = tpu.memref_slice %arg4[%add3A_230, %dma_start3A_232] : memref<20000x128xf32, #tpu.memory_space<hbm>> -> memref<50x128xf32, #tpu.memory_space<hbm>>
        %dma_start3A_234 = arith.constant 0 : i32
        %dma_start3A_235 = tpu.memref_slice %arg7[%mul3A_225, %dma_start3A_234] : memref<10000x128xf32, #tpu.memory_space<vmem_shared>> -> memref<50x128xf32, #tpu.memory_space<vmem_shared>>
        tpu.enqueue_dma source(%dma_start3A_235 : memref<50x128xf32, #tpu.memory_space<vmem_shared>>) target(%dma_start3A_233 : memref<50x128xf32, #tpu.memory_space<hbm>>) target_semaphore(%run_scoped3A_231 : memref<!tpu.dma_semaphore, #tpu.memory_space<semaphore_mem>>)
        %dma_wait3A_236 = arith.constant 0 : i32
        %dma_wait3A_237 = tpu.memref_slice %arg4[%add3A_230, %dma_wait3A_236] : memref<20000x128xf32, #tpu.memory_space<hbm>> -> memref<50x128xf32, #tpu.memory_space<hbm>>
        %dma_wait3A_238 = arith.constant 0 : i32
        %dma_wait3A_239 = tpu.memref_slice %arg7[%mul3A_225, %dma_wait3A_238] : memref<10000x128xf32, #tpu.memory_space<vmem_shared>> -> memref<50x128xf32, #tpu.memory_space<vmem_shared>>
        tpu.wait_dma2 semaphore(%run_scoped3A_231 : memref<!tpu.dma_semaphore, #tpu.memory_space<semaphore_mem>>) src(%dma_wait3A_239 : memref<50x128xf32, #tpu.memory_space<vmem_shared>>) dst(%dma_wait3A_237 : memref<50x128xf32, #tpu.memory_space<hbm>>)
        tpu.yield
      }) : () -> ()
    } else {
    }
    %add3A_217 = arith.constant 192 : i32
    %add3A_218 = arith.addi %add3A_217, %arg1 : i32
    %lt3A_219 = arith.constant 200 : i32
    %lt3A_220 = arith.cmpi slt, %add3A_218, %lt3A_219 : i32
    %convert_element_type3A_221 = arith.extui %lt3A_220 : i1 to i32
    %cond3A_222 = arith.constant 0 : i32
    %cond3A_223 = arith.cmpi ne, %convert_element_type3A_221, %cond3A_222 : i32
    scf.if %cond3A_223 {
      %mul3A_224 = arith.constant 50 : i32
      %mul3A_225 = arith.muli %add3A_218, %mul3A_224 : i32
      %mul3A_226 = arith.constant 10000 : i32
      %mul3A_227 = arith.muli %arg0, %mul3A_226 : i32
      %mul3A_228 = arith.constant 50 : i32
      %mul3A_229 = arith.muli %add3A_218, %mul3A_228 : i32
      %add3A_230 = arith.addi %mul3A_227, %mul3A_229 : i32
      "tpu.region"() ({
        %run_scoped3A_231 = tpu.sem_alloc : memref<!tpu.dma_semaphore, #tpu.memory_space<semaphore_mem>>
        %dma_start3A_232 = arith.constant 0 : i32
        %dma_start3A_233 = tpu.memref_slice %arg4[%add3A_230, %dma_start3A_232] : memref<20000x128xf32, #tpu.memory_space<hbm>> -> memref<50x128xf32, #tpu.memory_space<hbm>>
        %dma_start3A_234 = arith.constant 0 : i32
        %dma_start3A_235 = tpu.memref_slice %arg7[%mul3A_225, %dma_start3A_234] : memref<10000x128xf32, #tpu.memory_space<vmem_shared>> -> memref<50x128xf32, #tpu.memory_space<vmem_shared>>
        tpu.enqueue_dma source(%dma_start3A_235 : memref<50x128xf32, #tpu.memory_space<vmem_shared>>) target(%dma_start3A_233 : memref<50x128xf32, #tpu.memory_space<hbm>>) target_semaphore(%run_scoped3A_231 : memref<!tpu.dma_semaphore, #tpu.memory_space<semaphore_mem>>)
        %dma_wait3A_236 = arith.constant 0 : i32
        %dma_wait3A_237 = tpu.memref_slice %arg4[%add3A_230, %dma_wait3A_236] : memref<20000x128xf32, #tpu.memory_space<hbm>> -> memref<50x128xf32, #tpu.memory_space<hbm>>
        %dma_wait3A_238 = arith.constant 0 : i32
        %dma_wait3A_239 = tpu.memref_slice %arg7[%mul3A_225, %dma_wait3A_238] : memref<10000x128xf32, #tpu.memory_space<vmem_shared>> -> memref<50x128xf32, #tpu.memory_space<vmem_shared>>
        tpu.wait_dma2 semaphore(%run_scoped3A_231 : memref<!tpu.dma_semaphore, #tpu.memory_space<semaphore_mem>>) src(%dma_wait3A_239 : memref<50x128xf32, #tpu.memory_space<vmem_shared>>) dst(%dma_wait3A_237 : memref<50x128xf32, #tpu.memory_space<hbm>>)
        tpu.yield
      }) : () -> ()
    } else {
    }
    return
  }
}

module attributes {stable_mosaic.version = 14 : i64} {
  func.func @body(%arg0: i32, %arg1: memref<2000x128xf32, #tpu.memory_space<vmem>>, %arg2: memref<2000x128xf32, #tpu.memory_space<vmem>>, %arg3: memref<2000x128xf32, #tpu.memory_space<vmem>>, %arg4: memref<2000x16xf32, #tpu.memory_space<vmem>>, %arg5: memref<2000x16xf32, #tpu.memory_space<vmem>>, %arg6: memref<128x128xf32, #tpu.memory_space<vmem>>, %arg7: memref<128x128xf32, #tpu.memory_space<vmem>>, %arg8: memref<1x128xf32, #tpu.memory_space<vmem>>, %arg9: memref<2000x128xf32, #tpu.memory_space<vmem>>) attributes {dimension_semantics = [#tpu.dimension_semantics<arbitrary>], iteration_bounds = array<i64: 5>, scalar_prefetch = 0 : i64, scratch_operands = 0 : i64, tpu.core_type = #tpu.core_type<tc>, window_params = [{transform_indices = @transform_0, window_bounds = array<i64: 2000, 128>}, {transform_indices = @transform_1, window_bounds = array<i64: 2000, 128>}, {transform_indices = @transform_2, window_bounds = array<i64: 2000, 128>}, {transform_indices = @transform_3, window_bounds = array<i64: 2000, 16>}, {transform_indices = @transform_4, window_bounds = array<i64: 2000, 16>}, {pipeline_mode = #tpu.pipeline_mode<synchronous>, transform_indices = @transform_5, window_bounds = array<i64: 128, 128>}, {pipeline_mode = #tpu.pipeline_mode<synchronous>, transform_indices = @transform_6, window_bounds = array<i64: 128, 128>}, {pipeline_mode = #tpu.pipeline_mode<synchronous>, transform_indices = @transform_7, window_bounds = array<i64: 1, 128>}, {transform_indices = @transform_8, window_bounds = array<i64: 2000, 128>}]} {
    %get3A = arith.constant 0 : index
    %get3A_0 = arith.constant 0 : index
    %get3A_1 = vector.load %arg4[%get3A, %get3A_0] : memref<2000x16xf32, #tpu.memory_space<vmem>>, vector<2000x16xf32>
    %get3A_2 = arith.constant 0 : index
    %get3A_3 = arith.constant 0 : index
    %get3A_4 = vector.load %arg5[%get3A_2, %get3A_3] : memref<2000x16xf32, #tpu.memory_space<vmem>>, vector<2000x16xf32>
    %add3A = arith.addf %get3A_1, %get3A_4 : vector<2000x16xf32>
    %slice3A = vector.extract_strided_slice %add3A {offsets = [0, 0], sizes = [2000, 1], strides = [1, 1]} : vector<2000x16xf32> to vector<2000x1xf32>
    %get3A_5 = arith.constant 0 : index
    %get3A_6 = arith.constant 0 : index
    %get3A_7 = vector.load %arg2[%get3A_5, %get3A_6] : memref<2000x128xf32, #tpu.memory_space<vmem>>, vector<2000x128xf32>
    %get3A_8 = arith.constant 0 : index
    %get3A_9 = arith.constant 0 : index
    %get3A_10 = vector.load %arg3[%get3A_8, %get3A_9] : memref<2000x128xf32, #tpu.memory_space<vmem>>, vector<2000x128xf32>
    %add3A_11 = arith.addf %get3A_7, %get3A_10 : vector<2000x128xf32>
    %max3A = arith.constant 1.000000e+00 : f32
    %max3A_12 = vector.broadcast %max3A : f32 to vector<2000x1xf32>
    %max3A_13 = arith.maximumf %slice3A, %max3A_12 : vector<2000x1xf32>
    %div3A = vector.broadcast %max3A_13 : vector<2000x1xf32> to vector<2000x128xf32>
    %div3A_14 = arith.divf %add3A_11, %div3A : vector<2000x128xf32>
    %get3A_15 = arith.constant 0 : index
    %get3A_16 = arith.constant 0 : index
    %get3A_17 = vector.load %arg1[%get3A_15, %get3A_16] : memref<2000x128xf32, #tpu.memory_space<vmem>>, vector<2000x128xf32>
    %get3A_18 = arith.constant 0 : index
    %get3A_19 = arith.constant 0 : index
    %get3A_20 = vector.load %arg6[%get3A_18, %get3A_19] : memref<128x128xf32, #tpu.memory_space<vmem>>, vector<128x128xf32>
    %dot_general3A = arith.constant dense<0.000000e+00> : vector<2000x128xf32>
    %dot_general3A_21 = tpu.matmul %get3A_17, %get3A_20, %dot_general3A {dimension_numbers = #tpu.dot_dimension_numbers<[1], [0], [0], [1], [0, 0, 1, 1], [], []>, transpose_lhs_hint = false} : vector<2000x128xf32>, vector<128x128xf32>, vector<2000x128xf32> -> vector<2000x128xf32>
    %get3A_22 = arith.constant 0 : index
    %get3A_23 = arith.constant 0 : index
    %get3A_24 = vector.load %arg7[%get3A_22, %get3A_23] : memref<128x128xf32, #tpu.memory_space<vmem>>, vector<128x128xf32>
    %dot_general3A_25 = arith.constant dense<0.000000e+00> : vector<2000x128xf32>
    %dot_general3A_26 = tpu.matmul %div3A_14, %get3A_24, %dot_general3A_25 {dimension_numbers = #tpu.dot_dimension_numbers<[1], [0], [0], [1], [0, 0, 1, 1], [], []>, transpose_lhs_hint = false} : vector<2000x128xf32>, vector<128x128xf32>, vector<2000x128xf32> -> vector<2000x128xf32>
    %add3A_27 = arith.addf %dot_general3A_21, %dot_general3A_26 : vector<2000x128xf32>
    %get3A_28 = arith.constant 0 : index
    %get3A_29 = arith.constant 0 : index
    %get3A_30 = vector.load %arg8[%get3A_28, %get3A_29] : memref<1x128xf32, #tpu.memory_space<vmem>>, vector<1x128xf32>
    %add3A_31 = vector.broadcast %get3A_30 : vector<1x128xf32> to vector<2000x128xf32>
    %add3A_32 = arith.addf %add3A_27, %add3A_31 : vector<2000x128xf32>
    %max3A_33 = arith.constant 0.000000e+00 : f32
    %max3A_34 = vector.broadcast %max3A_33 : f32 to vector<2000x128xf32>
    %max3A_35 = arith.maximumf %add3A_32, %max3A_34 : vector<2000x128xf32>
    %swap3A = arith.constant 0 : index
    %swap3A_36 = arith.constant 0 : index
    %swap3A_37 = vector.load %arg9[%swap3A, %swap3A_36] : memref<2000x128xf32, #tpu.memory_space<vmem>>, vector<2000x128xf32>
    tpu.vector_store %arg9[%swap3A, %swap3A_36], %max3A_35 {strides = array<i32>} : memref<2000x128xf32, #tpu.memory_space<vmem>>, vector<2000x128xf32>,
    return
  }
  func.func @transform_0(%arg0: i32) -> (i32, i32) {
    %c0_i32 = arith.constant 0 : i32
    %c0_i32_0 = arith.constant 0 : i32
    return %arg0, %c0_i32 : i32, i32
  }
  func.func @transform_1(%arg0: i32) -> (i32, i32) {
    %c0_i32 = arith.constant 0 : i32
    %c0_i32_0 = arith.constant 0 : i32
    return %arg0, %c0_i32 : i32, i32
  }
  func.func @transform_2(%arg0: i32) -> (i32, i32) {
    %add3A = arith.constant 5 : i32
    %add3A_0 = arith.addi %arg0, %add3A : i32
    %c0_i32 = arith.constant 0 : i32
    %c0_i32_1 = arith.constant 0 : i32
    return %add3A_0, %c0_i32 : i32, i32
  }
  func.func @transform_3(%arg0: i32) -> (i32, i32) {
    %c0_i32 = arith.constant 0 : i32
    %c0_i32_0 = arith.constant 0 : i32
    return %arg0, %c0_i32 : i32, i32
  }
  func.func @transform_4(%arg0: i32) -> (i32, i32) {
    %add3A = arith.constant 5 : i32
    %add3A_0 = arith.addi %arg0, %add3A : i32
    %c0_i32 = arith.constant 0 : i32
    %c0_i32_1 = arith.constant 0 : i32
    return %add3A_0, %c0_i32 : i32, i32
  }
  func.func @transform_5(%arg0: i32) -> (i32, i32) {
    %c0_i32 = arith.constant 0 : i32
    %c0_i32_0 = arith.constant 0 : i32
    %c0_i32_1 = arith.constant 0 : i32
    return %c0_i32, %c0_i32_0 : i32, i32
  }
  func.func @transform_6(%arg0: i32) -> (i32, i32) {
    %c0_i32 = arith.constant 0 : i32
    %c0_i32_0 = arith.constant 0 : i32
    %c0_i32_1 = arith.constant 0 : i32
    return %c0_i32, %c0_i32_0 : i32, i32
  }
  func.func @transform_7(%arg0: i32) -> (i32, i32) {
    %c0_i32 = arith.constant 0 : i32
    %c0_i32_0 = arith.constant 0 : i32
    %c0_i32_1 = arith.constant 0 : i32
    return %c0_i32, %c0_i32_0 : i32, i32
  }
  func.func @transform_8(%arg0: i32) -> (i32, i32) {
    %c0_i32 = arith.constant 0 : i32
    %c0_i32_0 = arith.constant 0 : i32
    return %arg0, %c0_i32 : i32, i32
  }
}

module attributes {stable_mosaic.version = 14 : i64} {
  func.func @body(%arg0: i32, %arg1: memref<2000x128xf32, #tpu.memory_space<vmem>>, %arg2: memref<2000x128xf32, #tpu.memory_space<vmem>>, %arg3: memref<2000x128xf32, #tpu.memory_space<vmem>>, %arg4: memref<2000x16xf32, #tpu.memory_space<vmem>>, %arg5: memref<2000x16xf32, #tpu.memory_space<vmem>>, %arg6: memref<128x128xf32, #tpu.memory_space<vmem>>, %arg7: memref<128x128xf32, #tpu.memory_space<vmem>>, %arg8: memref<1x128xf32, #tpu.memory_space<vmem>>, %arg9: memref<128x48xf32, #tpu.memory_space<vmem>>, %arg10: memref<2000x128xf32, #tpu.memory_space<vmem>>, %arg11: memref<2000x48xf32, #tpu.memory_space<vmem>>) attributes {dimension_semantics = [#tpu.dimension_semantics<arbitrary>], iteration_bounds = array<i64: 5>, scalar_prefetch = 0 : i64, scratch_operands = 0 : i64, tpu.core_type = #tpu.core_type<tc>, window_params = [{transform_indices = @transform_0, window_bounds = array<i64: 2000, 128>}, {transform_indices = @transform_1, window_bounds = array<i64: 2000, 128>}, {transform_indices = @transform_2, window_bounds = array<i64: 2000, 128>}, {transform_indices = @transform_3, window_bounds = array<i64: 2000, 16>}, {transform_indices = @transform_4, window_bounds = array<i64: 2000, 16>}, {pipeline_mode = #tpu.pipeline_mode<synchronous>, transform_indices = @transform_5, window_bounds = array<i64: 128, 128>}, {pipeline_mode = #tpu.pipeline_mode<synchronous>, transform_indices = @transform_6, window_bounds = array<i64: 128, 128>}, {pipeline_mode = #tpu.pipeline_mode<synchronous>, transform_indices = @transform_7, window_bounds = array<i64: 1, 128>}, {pipeline_mode = #tpu.pipeline_mode<synchronous>, transform_indices = @transform_8, window_bounds = array<i64: 128, 48>}, {transform_indices = @transform_9, window_bounds = array<i64: 2000, 128>}, {transform_indices = @transform_10, window_bounds = array<i64: 2000, 48>}]} {
    %get3A = arith.constant 0 : index
    %get3A_0 = arith.constant 0 : index
    %get3A_1 = vector.load %arg4[%get3A, %get3A_0] : memref<2000x16xf32, #tpu.memory_space<vmem>>, vector<2000x16xf32>
    %get3A_2 = arith.constant 0 : index
    %get3A_3 = arith.constant 0 : index
    %get3A_4 = vector.load %arg5[%get3A_2, %get3A_3] : memref<2000x16xf32, #tpu.memory_space<vmem>>, vector<2000x16xf32>
    %add3A = arith.addf %get3A_1, %get3A_4 : vector<2000x16xf32>
    %slice3A = vector.extract_strided_slice %add3A {offsets = [0, 0], sizes = [2000, 1], strides = [1, 1]} : vector<2000x16xf32> to vector<2000x1xf32>
    %get3A_5 = arith.constant 0 : index
    %get3A_6 = arith.constant 0 : index
    %get3A_7 = vector.load %arg2[%get3A_5, %get3A_6] : memref<2000x128xf32, #tpu.memory_space<vmem>>, vector<2000x128xf32>
    %get3A_8 = arith.constant 0 : index
    %get3A_9 = arith.constant 0 : index
    %get3A_10 = vector.load %arg3[%get3A_8, %get3A_9] : memref<2000x128xf32, #tpu.memory_space<vmem>>, vector<2000x128xf32>
    %add3A_11 = arith.addf %get3A_7, %get3A_10 : vector<2000x128xf32>
    %max3A = arith.constant 1.000000e+00 : f32
    %max3A_12 = vector.broadcast %max3A : f32 to vector<2000x1xf32>
    %max3A_13 = arith.maximumf %slice3A, %max3A_12 : vector<2000x1xf32>
    %div3A = vector.broadcast %max3A_13 : vector<2000x1xf32> to vector<2000x128xf32>
    %div3A_14 = arith.divf %add3A_11, %div3A : vector<2000x128xf32>
    %get3A_15 = arith.constant 0 : index
    %get3A_16 = arith.constant 0 : index
    %get3A_17 = vector.load %arg1[%get3A_15, %get3A_16] : memref<2000x128xf32, #tpu.memory_space<vmem>>, vector<2000x128xf32>
    %get3A_18 = arith.constant 0 : index
    %get3A_19 = arith.constant 0 : index
    %get3A_20 = vector.load %arg6[%get3A_18, %get3A_19] : memref<128x128xf32, #tpu.memory_space<vmem>>, vector<128x128xf32>
    %dot_general3A = arith.constant dense<0.000000e+00> : vector<2000x128xf32>
    %dot_general3A_21 = tpu.matmul %get3A_17, %get3A_20, %dot_general3A {dimension_numbers = #tpu.dot_dimension_numbers<[1], [0], [0], [1], [0, 0, 1, 1], [], []>, transpose_lhs_hint = false} : vector<2000x128xf32>, vector<128x128xf32>, vector<2000x128xf32> -> vector<2000x128xf32>
    %get3A_22 = arith.constant 0 : index
    %get3A_23 = arith.constant 0 : index
    %get3A_24 = vector.load %arg7[%get3A_22, %get3A_23] : memref<128x128xf32, #tpu.memory_space<vmem>>, vector<128x128xf32>
    %dot_general3A_25 = arith.constant dense<0.000000e+00> : vector<2000x128xf32>
    %dot_general3A_26 = tpu.matmul %div3A_14, %get3A_24, %dot_general3A_25 {dimension_numbers = #tpu.dot_dimension_numbers<[1], [0], [0], [1], [0, 0, 1, 1], [], []>, transpose_lhs_hint = false} : vector<2000x128xf32>, vector<128x128xf32>, vector<2000x128xf32> -> vector<2000x128xf32>
    %add3A_27 = arith.addf %dot_general3A_21, %dot_general3A_26 : vector<2000x128xf32>
    %get3A_28 = arith.constant 0 : index
    %get3A_29 = arith.constant 0 : index
    %get3A_30 = vector.load %arg8[%get3A_28, %get3A_29] : memref<1x128xf32, #tpu.memory_space<vmem>>, vector<1x128xf32>
    %add3A_31 = vector.broadcast %get3A_30 : vector<1x128xf32> to vector<2000x128xf32>
    %add3A_32 = arith.addf %add3A_27, %add3A_31 : vector<2000x128xf32>
    %max3A_33 = arith.constant 0.000000e+00 : f32
    %max3A_34 = vector.broadcast %max3A_33 : f32 to vector<2000x128xf32>
    %max3A_35 = arith.maximumf %add3A_32, %max3A_34 : vector<2000x128xf32>
    %swap3A = arith.constant 0 : index
    %swap3A_36 = arith.constant 0 : index
    %swap3A_37 = vector.load %arg10[%swap3A, %swap3A_36] : memref<2000x128xf32, #tpu.memory_space<vmem>>, vector<2000x128xf32>
    tpu.vector_store %arg10[%swap3A, %swap3A_36], %max3A_35 {strides = array<i32>} : memref<2000x128xf32, #tpu.memory_space<vmem>>, vector<2000x128xf32>,
    %get3A_38 = arith.constant 0 : index
    %get3A_39 = arith.constant 0 : index
    %get3A_40 = vector.load %arg9[%get3A_38, %get3A_39] : memref<128x48xf32, #tpu.memory_space<vmem>>, vector<128x48xf32>
    %dot_general3A_41 = arith.constant dense<0.000000e+00> : vector<2000x48xf32>
    %dot_general3A_42 = tpu.matmul %max3A_35, %get3A_40, %dot_general3A_41 {dimension_numbers = #tpu.dot_dimension_numbers<[1], [0], [0], [1], [0, 0, 1, 1], [], []>, transpose_lhs_hint = false} : vector<2000x128xf32>, vector<128x48xf32>, vector<2000x48xf32> -> vector<2000x48xf32>
    %swap3A_43 = arith.constant 0 : index
    %swap3A_44 = arith.constant 0 : index
    %swap3A_45 = vector.load %arg11[%swap3A_43, %swap3A_44] : memref<2000x48xf32, #tpu.memory_space<vmem>>, vector<2000x48xf32>
    tpu.vector_store %arg11[%swap3A_43, %swap3A_44], %dot_general3A_42 {strides = array<i32>} : memref<2000x48xf32, #tpu.memory_space<vmem>>, vector<2000x48xf32>,
    return
  }
  func.func @transform_0(%arg0: i32) -> (i32, i32) {
    %c0_i32 = arith.constant 0 : i32
    %c0_i32_0 = arith.constant 0 : i32
    return %arg0, %c0_i32 : i32, i32
  }
  func.func @transform_1(%arg0: i32) -> (i32, i32) {
    %c0_i32 = arith.constant 0 : i32
    %c0_i32_0 = arith.constant 0 : i32
    return %arg0, %c0_i32 : i32, i32
  }
  func.func @transform_2(%arg0: i32) -> (i32, i32) {
    %add3A = arith.constant 5 : i32
    %add3A_0 = arith.addi %arg0, %add3A : i32
    %c0_i32 = arith.constant 0 : i32
    %c0_i32_1 = arith.constant 0 : i32
    return %add3A_0, %c0_i32 : i32, i32
  }
  func.func @transform_3(%arg0: i32) -> (i32, i32) {
    %c0_i32 = arith.constant 0 : i32
    %c0_i32_0 = arith.constant 0 : i32
    return %arg0, %c0_i32 : i32, i32
  }
  func.func @transform_4(%arg0: i32) -> (i32, i32) {
    %add3A = arith.constant 5 : i32
    %add3A_0 = arith.addi %arg0, %add3A : i32
    %c0_i32 = arith.constant 0 : i32
    %c0_i32_1 = arith.constant 0 : i32
    return %add3A_0, %c0_i32 : i32, i32
  }
  func.func @transform_5(%arg0: i32) -> (i32, i32) {
    %c0_i32 = arith.constant 0 : i32
    %c0_i32_0 = arith.constant 0 : i32
    %c0_i32_1 = arith.constant 0 : i32
    return %c0_i32, %c0_i32_0 : i32, i32
  }
  func.func @transform_6(%arg0: i32) -> (i32, i32) {
    %c0_i32 = arith.constant 0 : i32
    %c0_i32_0 = arith.constant 0 : i32
    %c0_i32_1 = arith.constant 0 : i32
    return %c0_i32, %c0_i32_0 : i32, i32
  }
  func.func @transform_7(%arg0: i32) -> (i32, i32) {
    %c0_i32 = arith.constant 0 : i32
    %c0_i32_0 = arith.constant 0 : i32
    %c0_i32_1 = arith.constant 0 : i32
    return %c0_i32, %c0_i32_0 : i32, i32
  }
  func.func @transform_8(%arg0: i32) -> (i32, i32) {
    %c0_i32 = arith.constant 0 : i32
    %c0_i32_0 = arith.constant 0 : i32
    %c0_i32_1 = arith.constant 0 : i32
    return %c0_i32, %c0_i32_0 : i32, i32
  }
  func.func @transform_9(%arg0: i32) -> (i32, i32) {
    %c0_i32 = arith.constant 0 : i32
    %c0_i32_0 = arith.constant 0 : i32
    return %arg0, %c0_i32 : i32, i32
  }
  func.func @transform_10(%arg0: i32) -> (i32, i32) {
    %c0_i32 = arith.constant 0 : i32
    %c0_i32_0 = arith.constant 0 : i32
    return %arg0, %c0_i32 : i32, i32
  }
}

module attributes {stable_mosaic.version = 14 : i64} {
  func.func @body(%arg0: i32, %arg1: memref<2000x128xf32, #tpu.memory_space<vmem>>, %arg2: memref<2000x48xf32, #tpu.memory_space<vmem>>, %arg3: memref<2000x48xf32, #tpu.memory_space<vmem>>, %arg4: memref<2000x16xf32, #tpu.memory_space<vmem>>, %arg5: memref<2000x16xf32, #tpu.memory_space<vmem>>, %arg6: memref<128x48xf32, #tpu.memory_space<vmem>>, %arg7: memref<1x48xf32, #tpu.memory_space<vmem>>, %arg8: memref<2000x47xf32, #tpu.memory_space<vmem>>) attributes {dimension_semantics = [#tpu.dimension_semantics<arbitrary>], iteration_bounds = array<i64: 5>, scalar_prefetch = 0 : i64, scratch_operands = 0 : i64, tpu.core_type = #tpu.core_type<tc>, window_params = [{transform_indices = @transform_0, window_bounds = array<i64: 2000, 128>}, {transform_indices = @transform_1, window_bounds = array<i64: 2000, 48>}, {transform_indices = @transform_2, window_bounds = array<i64: 2000, 48>}, {transform_indices = @transform_3, window_bounds = array<i64: 2000, 16>}, {transform_indices = @transform_4, window_bounds = array<i64: 2000, 16>}, {pipeline_mode = #tpu.pipeline_mode<synchronous>, transform_indices = @transform_5, window_bounds = array<i64: 128, 48>}, {pipeline_mode = #tpu.pipeline_mode<synchronous>, transform_indices = @transform_6, window_bounds = array<i64: 1, 48>}, {transform_indices = @transform_7, window_bounds = array<i64: 2000, 47>}]} {
    %get3A = arith.constant 0 : index
    %get3A_0 = arith.constant 0 : index
    %get3A_1 = vector.load %arg4[%get3A, %get3A_0] : memref<2000x16xf32, #tpu.memory_space<vmem>>, vector<2000x16xf32>
    %get3A_2 = arith.constant 0 : index
    %get3A_3 = arith.constant 0 : index
    %get3A_4 = vector.load %arg5[%get3A_2, %get3A_3] : memref<2000x16xf32, #tpu.memory_space<vmem>>, vector<2000x16xf32>
    %add3A = arith.addf %get3A_1, %get3A_4 : vector<2000x16xf32>
    %slice3A = vector.extract_strided_slice %add3A {offsets = [0, 0], sizes = [2000, 1], strides = [1, 1]} : vector<2000x16xf32> to vector<2000x1xf32>
    %get3A_5 = arith.constant 0 : index
    %get3A_6 = arith.constant 0 : index
    %get3A_7 = vector.load %arg2[%get3A_5, %get3A_6] : memref<2000x48xf32, #tpu.memory_space<vmem>>, vector<2000x48xf32>
    %get3A_8 = arith.constant 0 : index
    %get3A_9 = arith.constant 0 : index
    %get3A_10 = vector.load %arg3[%get3A_8, %get3A_9] : memref<2000x48xf32, #tpu.memory_space<vmem>>, vector<2000x48xf32>
    %add3A_11 = arith.addf %get3A_7, %get3A_10 : vector<2000x48xf32>
    %max3A = arith.constant 1.000000e+00 : f32
    %max3A_12 = vector.broadcast %max3A : f32 to vector<2000x1xf32>
    %max3A_13 = arith.maximumf %slice3A, %max3A_12 : vector<2000x1xf32>
    %div3A = vector.broadcast %max3A_13 : vector<2000x1xf32> to vector<2000x48xf32>
    %div3A_14 = arith.divf %add3A_11, %div3A : vector<2000x48xf32>
    %get3A_15 = arith.constant 0 : index
    %get3A_16 = arith.constant 0 : index
    %get3A_17 = vector.load %arg1[%get3A_15, %get3A_16] : memref<2000x128xf32, #tpu.memory_space<vmem>>, vector<2000x128xf32>
    %get3A_18 = arith.constant 0 : index
    %get3A_19 = arith.constant 0 : index
    %get3A_20 = vector.load %arg6[%get3A_18, %get3A_19] : memref<128x48xf32, #tpu.memory_space<vmem>>, vector<128x48xf32>
    %dot_general3A = arith.constant dense<0.000000e+00> : vector<2000x48xf32>
    %dot_general3A_21 = tpu.matmul %get3A_17, %get3A_20, %dot_general3A {dimension_numbers = #tpu.dot_dimension_numbers<[1], [0], [0], [1], [0, 0, 1, 1], [], []>, transpose_lhs_hint = false} : vector<2000x128xf32>, vector<128x48xf32>, vector<2000x48xf32> -> vector<2000x48xf32>
    %add3A_22 = arith.addf %dot_general3A_21, %div3A_14 : vector<2000x48xf32>
    %get3A_23 = arith.constant 0 : index
    %get3A_24 = arith.constant 0 : index
    %get3A_25 = vector.load %arg7[%get3A_23, %get3A_24] : memref<1x48xf32, #tpu.memory_space<vmem>>, vector<1x48xf32>
    %add3A_26 = vector.broadcast %get3A_25 : vector<1x48xf32> to vector<2000x48xf32>
    %add3A_27 = arith.addf %add3A_22, %add3A_26 : vector<2000x48xf32>
    %iota3A = tpu.iota {dimensions = array<i32: 1>} : vector<2000x48xi32>
    %lt3A = arith.constant 47 : i32
    %lt3A_28 = vector.broadcast %lt3A : i32 to vector<2000x48xi32>
    %lt3A_29 = arith.cmpi slt, %iota3A, %lt3A_28 : vector<2000x48xi32>
    %jit3A = arith.constant -1.000000e+30 : f32
    %broadcast_in_dim3A = vector.broadcast %jit3A : f32 to vector<2000x48xf32>
    %select_n3A = arith.select %lt3A_29, %add3A_27, %broadcast_in_dim3A : vector<2000x48xi1>, vector<2000x48xf32>
    %reduce_max3A = arith.constant dense<0xFF800000> : vector<2000xf32>
    %reduce_max3A_30 = vector.multi_reduction <maximumf>, %select_n3A, %reduce_max3A [1] : vector<2000x48xf32> to vector<2000xf32>
    %broadcast_in_dim3A_31 = vector.shape_cast %reduce_max3A_30 : vector<2000xf32> to vector<2000x1xf32>
    %lt3A_32 = arith.constant 47 : i32
    %lt3A_33 = vector.broadcast %lt3A_32 : i32 to vector<2000x48xi32>
    %lt3A_34 = arith.cmpi slt, %iota3A, %lt3A_33 : vector<2000x48xi32>
    %sub3A = vector.broadcast %broadcast_in_dim3A_31 : vector<2000x1xf32> to vector<2000x48xf32>
    %sub3A_35 = arith.subf %select_n3A, %sub3A : vector<2000x48xf32>
    %exp3A = math.exp %sub3A_35 : vector<2000x48xf32>
    %jit3A_36 = arith.constant 0.000000e+00 : f32
    %broadcast_in_dim3A_37 = vector.broadcast %jit3A_36 : f32 to vector<2000x48xf32>
    %select_n3A_38 = arith.select %lt3A_34, %exp3A, %broadcast_in_dim3A_37 : vector<2000x48xi1>, vector<2000x48xf32>
    %reduce_sum3A = arith.constant dense<0.000000e+00> : vector<2000xf32>
    %reduce_sum3A_39 = vector.multi_reduction <add>, %select_n3A_38, %reduce_sum3A [1] : vector<2000x48xf32> to vector<2000xf32>
    %broadcast_in_dim3A_40 = vector.shape_cast %reduce_sum3A_39 : vector<2000xf32> to vector<2000x1xf32>
    %sub3A_41 = vector.broadcast %broadcast_in_dim3A_31 : vector<2000x1xf32> to vector<2000x48xf32>
    %sub3A_42 = arith.subf %select_n3A, %sub3A_41 : vector<2000x48xf32>
    %log3A = math.log %broadcast_in_dim3A_40 : vector<2000x1xf32>
    %sub3A_43 = vector.broadcast %log3A : vector<2000x1xf32> to vector<2000x48xf32>
    %sub3A_44 = arith.subf %sub3A_42, %sub3A_43 : vector<2000x48xf32>
    %slice3A_45 = vector.extract_strided_slice %sub3A_44 {offsets = [0, 0], sizes = [2000, 47], strides = [1, 1]} : vector<2000x48xf32> to vector<2000x47xf32>
    %swap3A = arith.constant 0 : index
    %swap3A_46 = arith.constant 0 : index
    %swap3A_47 = vector.load %arg8[%swap3A, %swap3A_46] : memref<2000x47xf32, #tpu.memory_space<vmem>>, vector<2000x47xf32>
    tpu.vector_store %arg8[%swap3A, %swap3A_46], %slice3A_45 {strides = array<i32>} : memref<2000x47xf32, #tpu.memory_space<vmem>>, vector<2000x47xf32>,
    return
  }
  func.func @transform_0(%arg0: i32) -> (i32, i32) {
    %c0_i32 = arith.constant 0 : i32
    %c0_i32_0 = arith.constant 0 : i32
    return %arg0, %c0_i32 : i32, i32
  }
  func.func @transform_1(%arg0: i32) -> (i32, i32) {
    %c0_i32 = arith.constant 0 : i32
    %c0_i32_0 = arith.constant 0 : i32
    return %arg0, %c0_i32 : i32, i32
  }
  func.func @transform_2(%arg0: i32) -> (i32, i32) {
    %add3A = arith.constant 5 : i32
    %add3A_0 = arith.addi %arg0, %add3A : i32
    %c0_i32 = arith.constant 0 : i32
    %c0_i32_1 = arith.constant 0 : i32
    return %add3A_0, %c0_i32 : i32, i32
  }
  func.func @transform_3(%arg0: i32) -> (i32, i32) {
    %c0_i32 = arith.constant 0 : i32
    %c0_i32_0 = arith.constant 0 : i32
    return %arg0, %c0_i32 : i32, i32
  }
  func.func @transform_4(%arg0: i32) -> (i32, i32) {
    %add3A = arith.constant 5 : i32
    %add3A_0 = arith.addi %arg0, %add3A : i32
    %c0_i32 = arith.constant 0 : i32
    %c0_i32_1 = arith.constant 0 : i32
    return %add3A_0, %c0_i32 : i32, i32
  }
  func.func @transform_5(%arg0: i32) -> (i32, i32) {
    %c0_i32 = arith.constant 0 : i32
    %c0_i32_0 = arith.constant 0 : i32
    %c0_i32_1 = arith.constant 0 : i32
    return %c0_i32, %c0_i32_0 : i32, i32
  }
  func.func @transform_6(%arg0: i32) -> (i32, i32) {
    %c0_i32 = arith.constant 0 : i32
    %c0_i32_0 = arith.constant 0 : i32
    %c0_i32_1 = arith.constant 0 : i32
    return %c0_i32, %c0_i32_0 : i32, i32
  }
  func.func @transform_7(%arg0: i32) -> (i32, i32) {
    %c0_i32 = arith.constant 0 : i32
    %c0_i32_0 = arith.constant 0 : i32
    return %arg0, %c0_i32 : i32, i32
  }
}

</mosaic_0001>

<sc_bundles>
// kernel: kernel.12.cloned.1.call-start
scs
__scs_entry_jumppad:
0x0: {  	(pc) =	sbr.rel $0x88, $3  }
0x1: {  	(tag) =	ssettag $0x0;
	lr =	simm.s32 $0x1  }
0x2: {  	[smem:$0x3F96] =	sst lr;
	_ =	strace $0xD0000000  }
0x3: {  	_ = 	snop  }
0x4: {  	_ = 	snop  }
0x5: {  	_ = 	snop  }
0x6: {  	_ = 	snop  }
0x7: {  	_ = 	snop  }
__scs_overlays_trampoline_lowered:
0x8: {  	[smem:$0x3FA5] =	sst s0  }
0x9: {  	[smem:$0x3FA6] =	sst s1  }
0xa: {  	[smem:$0x3FA7] =	sst s2  }
0xb: {  	[smem:$0x3FA8] =	sst s3  }
0xc: {  	[smem:$0x3FA9] =	sst s4  }
0xd: {  	[smem:$0x3FAA] =	sst s5  }
0xe: {  	[smem:$0x3FAB] =	sst s6  }
0xf: {  	[smem:$0x3FAC] =	sst s7  }
0x10: {  	[smem:$0x3FAD] =	sst s8  }
0x11: {  	[smem:$0x3FAE] =	sst s9;
	s0 =	simm.s32 @!p0 $0x0  }
0x12: {  	s1 =	sld [smem:$0x3F94];
	s0 =	simm.s32 @p0 $0x1  }
0x13: {  	[smem:$0x3FAF] =	sst s0;
	s0 =	simm.s32 @!p1 $0x0  }
0x14: {  	s2 =	sld [smem:$0x3F93];
	s0 =	simm.s32 @p1 $0x1  }
0x15: {  	[smem:$0x3FB0] =	sst s0;
	s0 =	simm.s32 @!p2 $0x0  }
0x16: {  	s3 =	sld [smem:$0x3FDB];
	s0 =	simm.s32 @p2 $0x1  }
0x17: {  	s4 =	simm.s32 $0x1BF5;
	[smem:$0x3FB2] =	sst s0  }
0x18: {  	s0 =	sld [smem:$0x3F95];
	_ =	swait.ge [sflag:s4], $0x0  }
0x19: {  	s7 =	sld [smem:$0x3F96]  }
0x1a: {  	s8 =	sadd.s32 $0xFFFFE003, lr  }
0x1b: {  	s9 =	sadd.s32 $0xFFFFFEF7, lr;
	s5 =	simm.s32 $0xFFFFFFFF;
	p2 =	slt.u32 s8, $0xFFFFF086  }
0x1c: {  	p1 =	slt.u32 s9, $0xF7A;
	s5 =	simm.s32 @!p2 $0x0  }
0x1d: {  	s5 =	simm.s32 @p1 $0x1;
	p0 =	seq.s32 s7, s2  }
0x1e: {  	s7 =	smul.u32 @!p0 $0xF7A, s2;
	p2 =	seq.s32 @!p0 s5, $0x0  }
0x1f: {  	s9 =	smul.u32 $0xF7A, s1;
	s8 =	simm.s32 @!p0 $0x1BF5;
	p2 =	por !p2, p0  }
0x20: {  	[sflag:s8] =	ssyncset.s32 @!p0 $0xFFFFF086;
	s6 =	sadd.s32 @!p0 s3, s7;
	s7 =	simm.s32 @!p0 $0x108  }
0x21: {  	s3 =	sadd.s32 s3, s9;
	s6 =	sadd.s32 @!p0 $0x88, s6;
	s7 =	simm.s32 @p2 $0x1082  }
0x22: {  	[simem:s7], [sflag:s8] =	dma.local @!p0 [hbm:s6], $0xF7A  }
0x23: {  	s9 =	sor.u32 $0xD0000000, s2;
	s6 =	simm.s32 $0x108;
	_ =	swait.ge @!p0 [sflag:s8], $0x0  }
0x24: {  	s3 =	sadd.s32 $0x88, s3;
	s6 =	simm.s32 @!p1 $0x1082;
	[sflag:s4] =	ssyncset.s32 $0xFFFFF086  }
0x25: {  	[simem:s6], [sflag:s4] =	dma.local [hbm:s3], $0xF7A  }
0x26: {  	[smem:$0x3F96] =	sst s1;
	(tag) =	ssettag s2;
	_ =	strace s9  }
0x27: {  	s1 =	sld [smem:$0x3FA6]  }
0x28: {  	s2 =	sld [smem:$0x3FA7]  }
0x29: {  	s4 =	sld [smem:$0x3FA9]  }
0x2a: {  	p0 =	seq.s32 s5, $0x0;
	s5 =	sld [smem:$0x3FAA]  }
0x2b: {  	s6 =	sld [smem:$0x3FAB]  }
0x2c: {  	s7 =	sld [smem:$0x3FAC]  }
0x2d: {  	s3 =	simm.s32 $0x108;
	s8 =	sld [smem:$0x3FAD]  }
0x2e: {  	s3 =	simm.s32 @!p0 $0x1082;
	s9 =	sld [smem:$0x3FAE]  }
0x2f: {  	lr =	sadd.s32 s0, s3;
	s0 =	sld [smem:$0x3FA5]  }
0x30: {  	s3 =	sld [smem:$0x3FA8]  }
0x31: {  	[smem:$0x3FB1] =	sst s10  }
0x32: {  	s10 =	sld [smem:$0x3FAF];
	_ =	sdelay $0x3  }
0x33: {  	p0 =	seq.s32 s10, $0x1;
	s10 =	sld [smem:$0x3FB1];
	_ =	sdelay $0x3  }
0x34: {  	[smem:$0x3FB1] =	sst s10  }
0x35: {  	s10 =	sld [smem:$0x3FB0];
	_ =	sdelay $0x3  }
0x36: {  	p1 =	seq.s32 s10, $0x1;
	s10 =	sld [smem:$0x3FB1];
	_ =	sdelay $0x3  }
0x37: {  	[smem:$0x3FB1] =	sst s10  }
0x38: {  	s10 =	sld [smem:$0x3FB2]  }
0x39: {  	_ = 	snop;
	(pc) =	sbr.ind lr, $3  }
0x3a: {  	_ = 	snop  }
0x3b: {  	_ = 	snop  }
0x3c: {  	p2 =	seq.s32 s10, $0x1;
	s10 =	sld [smem:$0x3FB1]  }
0x3d: {  	_ =	shalt  }
0x3e: {  	_ =	shalt  }
0x3f: {  	_ =	shalt  }
0x40: {  	_ =	shalt  }
0x41: {  	_ =	shalt  }
0x42: {  	_ =	shalt  }
0x43: {  	_ =	shalt  }
0x44: {  	_ =	shalt  }
0x45: {  	_ =	shalt  }
0x46: {  	_ =	shalt  }
0x47: {  	_ =	shalt  }
0x48: {  	_ =	shalt  }
0x49: {  	_ =	shalt  }
0x4a: {  	_ =	shalt  }
0x4b: {  	_ =	shalt  }
0x4c: {  	_ =	shalt  }
0x4d: {  	_ =	shalt  }
0x4e: {  	_ =	shalt  }
0x4f: {  	_ =	shalt  }
0x50: {  	_ =	shalt  }
0x51: {  	_ =	shalt  }
0x52: {  	_ =	shalt  }
0x53: {  	_ =	shalt  }
0x54: {  	_ =	shalt  }
0x55: {  	_ =	shalt  }
0x56: {  	_ =	shalt  }
0x57: {  	_ =	shalt  }
0x58: {  	_ =	shalt  }
0x59: {  	_ =	shalt  }
0x5a: {  	_ =	shalt  }
0x5b: {  	_ =	shalt  }
0x5c: {  	_ =	shalt  }
0x5d: {  	_ =	shalt  }
0x5e: {  	_ =	shalt  }
0x5f: {  	_ =	shalt  }
0x60: {  	_ =	shalt  }
0x61: {  	_ =	shalt  }
0x62: {  	_ =	shalt  }
0x63: {  	_ =	shalt  }
0x64: {  	_ =	shalt  }
0x65: {  	_ =	shalt  }
0x66: {  	_ =	shalt  }
0x67: {  	_ =	shalt  }
0x68: {  	_ =	shalt  }
0x69: {  	_ =	shalt  }
0x6a: {  	_ =	shalt  }
0x6b: {  	_ =	shalt  }
0x6c: {  	_ =	shalt  }
0x6d: {  	_ =	shalt  }
0x6e: {  	_ =	shalt  }
0x6f: {  	_ =	shalt  }
0x70: {  	_ =	shalt  }
0x71: {  	_ =	shalt  }
0x72: {  	_ =	shalt  }
0x73: {  	_ =	shalt  }
0x74: {  	_ =	shalt  }
0x75: {  	_ =	shalt  }
0x76: {  	_ =	shalt  }
0x77: {  	_ =	shalt  }
0x78: {  	_ =	shalt  }
0x79: {  	_ =	shalt  }
0x7a: {  	_ =	shalt  }
0x7b: {  	_ =	shalt  }
0x7c: {  	_ =	shalt  }
0x7d: {  	_ =	shalt  }
0x7e: {  	_ =	shalt  }
0x7f: {  	_ =	shalt  }
0x80: {  	_ =	shalt  }
0x81: {  	_ =	shalt  }
0x82: {  	_ =	shalt  }
0x83: {  	_ =	shalt  }
0x84: {  	_ =	shalt  }
0x85: {  	_ =	shalt  }
0x86: {  	_ =	shalt  }
0x87: {  	_ =	shalt  }
.Lfunc_end0:
.L_simem_size_0:
called_computation.1_lowered:
.L_overlay_start_0:
0x88: {  	s2 =	sld [smem:$0x3FD9]  }
0x89: {  	s3 =	sld [smem:$0x3FFE];
	_ =	sdelay $0x1  }
0x8a: {  	s1 =	srdreg.scid  }
0x8b: {  	s0 =	sand.u32 $0x1, s1  }
0x8c: {  	s17 =	sshll.u32 s0, $0xA;
	s2 =	sadd.s32 s3, s2  }
0x8d: {  	s2 =	sadd.s32 s2, s17  }
0x8e: {  	[smem:$0x3FBD] =	sst s2  }
0x8f: {  	_ = 	snop  }
0x90: {  	s18 =	sld [smem:$0x3FC9];
	(tm) =	ssettm $0x1  }
0x91: {  	s19 =	sld [smem:$0x3FFB];
	_ =	sdelay $0x3  }
0x92: {  	_ =	strace s19  }
0x93: {  	s2 =	sld [smem:$0x3FFC];
	_ =	sdelay $0x3  }
0x94: {  	_ =	strace s2  }
0x95: {  	s2 =	sld [smem:$0x3FFD];
	_ =	sdelay $0x3  }
0x96: {  	_ =	strace s2  }
0x97: {  	_ =	strace $0x8FFFFFFF  }
0x98: {  	s20 =	sld [smem:$0x3FDB];
	_ =	sdelay $0x1  }
0x99: {  	s4 =	simm.s32 $_scs_section_size  }
0x9a: {  	s5 =	simm.s32 $_size__tile_overlayer_lowered;
	s6 =	simm.s32 $_tile_overlayer_lowered  }
0x9b: {  	s7 =	simm.s32 $0x1BFF;
	s21 =	sshll.u32 s6, $0x1;
	s4 =	sadd.s32 s4, s20  }
0x9c: {  	s22 =	simm.s32 $0x0;
	s5 =	sshll.u32 s5, $0x1;
	s6 =	sadd.s32 s21, s4  }
0x9d: {  	[timem:s22], [sflag:s7] =	dma.local [hbm:s6], s5  }
0x9e: {  	_ =	swait.ge [sflag:s7], s5  }
0x9f: {  	s5 =	ssub.s32 $0x0, s5;
	[sflag:s7] =	ssyncset.done $0x0  }
0xa0: {  	[sflag:s7] =	ssyncadd.s32 s5;
	_ =	sdelay $0x1  }
0xa1: {  	s23 =	simm.s32 $0x1B8B  }
0xa2: {  	_ =	swait.ge [sflag:s23], $0x1  }
0xa3: {  	[sflag:s23] =	ssyncset.done $0x0  }
0xa4: {  	[sflag:s23] =	ssyncadd.s32 $0xFFFFFFFF  }
0xa5: {  	s5 =	sld [smem:$0x0]  }
0xa6: {  	s6 =	sand.u32 $0xFFFFFFFE, s1  }
0xa7: {  	p0 =	sne.s32 s1, s6  }
0xa8: {  	s6 =	sshll.u32 @p0 s6, $0xE  }
0xa9: {  	s6 =	sadd.s32 @p0 $0x11B8D, s6;
	s7 =	sshll.u32 @p0 s5, $0x11  }
0xaa: {  	s6 =	sor.u32 @p0 s7, s6  }
0xab: {  	[sflag:s6] =	ssyncadd.remote.s32 @p0 $0x1;
	_ =	sdelay $0x1  }
0xac: {  	s6 =	simm.s32 @p0 $0x1B8D  }
0xad: {  	_ =	swait.eq @p0 [sflag:s6], $0x1  }
0xae: {  	[sflag:s6] =	ssyncadd.s32 @p0 $0xFFFFFFFF  }
0xaf: {  	s7 =	sshll.u32 @!p0 s1, $0xE  }
0xb0: {  	s7 =	sor.u32 @!p0 $0x4000, s7;
	s6 =	simm.s32 @!p0 $0x1B8D  }
0xb1: {  	s5 =	sshll.u32 @!p0 s5, $0x11;
	s7 =	sadd.s32 @!p0 $0x11B8D, s7;
	_ =	swait.eq @!p0 [sflag:s6], $0x1  }
0xb2: {  	s5 =	sor.u32 @!p0 s5, s7;
	[sflag:s6] =	ssyncadd.s32 @!p0 $0xFFFFFFFF  }
0xb3: {  	s25 =	simm.s32 $0x1B8E;
	s24 =	sld [smem:$0x3FFE];
	[sflag:s5] =	ssyncadd.remote.s32 @!p0 $0x1  }
0xb4: {  	s26 =	simm.s32 $execute0_lowered;
	[smem:$0x3FD2] =	sst s25  }
0xb5: {  	s6 =	sshll.u32 s26, $0x1;
	_ =	strace $0x80000049;
	[dreg:$0x1] =	wrdreg $0xFFFFFFFF  }
0xb6: {  	s28 =	simm.s32 $_size_execute0_lowered;
	s4 =	sadd.s32 s4, s6;
	[dreg:$0x0] =	wrdreg $0x0  }
0xb7: {  	s6 =	sshll.u32 s28, $0x1;
	[dreg:$0x2] =	wrdreg s4  }
0xb8: {  	[dreg:$0x3] =	wrdreg s6  }
0xb9: {  	[dreg:$0x4] =	wrdreg $0xC0  }
0xba: {  	_ =	task [dreg:s22], $0x5FFFF  }
0xbb: {  	[dreg:$0x1] =	wrdreg $0xFFFFFFFF  }
0xbc: {  	[dreg:$0x0] =	wrdreg $0x60  }
0xbd: {  	[dreg:$0x2] =	wrdreg s18  }
0xbe: {  	[dreg:$0x3] =	wrdreg s24  }
0xbf: {  	[dreg:$0x4] =	wrdreg $0x57800  }
0xc0: {  	[dreg:$0x5] =	wrdreg $0xA  }
0xc1: {  	_ =	task.clear_ibuf [dreg:s22], $0x6FFFF;
	_ =	strace $0x90000049  }
0xc2: {  	s29 =	simm.s32 $0xA;
	_ =	strace $0x8000004B  }
0xc3: {  	_ =	swait.ge [sflag:s29], $0x1  }
0xc4: {  	[sflag:s29] =	ssyncadd.s32 $0xFFFFFFFF  }
0xc5: {  	_ =	strace $0x9000004B  }
0xc6: {  	_ =	sfence  }
0xc7: {  	s30 =	sld [smem:$0x0];
	_ =	sdelay $0x2  }
0xc8: {  	s31 =	sshll.u32 s1, $0xD;
	s1 =	sshrl.u32 s1, $0x2  }
0xc9: {  	s4 =	sand.u32 $0x4000, s31;
	s1 =	sadd.s32 s1, s30  }
0xca: {  	s0 =	sor.u32 s4, s0;
	s1 =	sshll.u32 s1, $0x11  }
0xcb: {  	s0 =	sor.u32 s1, s0  }
0xcc: {  	s0 =	sadd.s32 $0x8F2B, s0  }
0xcd: {  	[sflag:s0] =	ssyncadd.remote.s32 $0x1  }
0xce: {  	_ =	sfence.sel $0xFFFF  }
0xcf: {  	[dreg:$0x0] =	wrdreg $0xFFFFFFFF;
	(pc) =	sbr.abs _section_cstart, $3  }
0xd0: {  	[dreg:$0x1] =	wrdreg $0xFFFFFFFF  }
0xd1: {  	_ =	task.clear_ibuf [dreg:s22], $0x2FFFF;
	_ =	strace $0x9FFFFFFF  }
0xd2: {  	(tm) =	ssettm $0x7FFFFFFF  }
0xd3: {  	_ =	shalt  }
tec
execute0_lowered:
.L_overlay_start_1:
0x0: {  	(tag) =	ssettag $0x1  }
0x1: {  	s0 =	srdreg.scid;
	s11 =	stileid.u32  }
0x2: {  	s0 =	sand.u32 $0x1, s0;
	s10 =	smul.u32 $0x32, s11  }
0x3: {  	s14 =	sor.u32 $0x10, s11;
	s13 =	smul.u32 $0x2710, s0  }
0x4: {  	s12 =	sor.u32 $0x20, s11;
	s15 =	smul.u32 $0x32, s14  }
0x5: {  	s9 =	sor.u32 $0x30, s11;
	s16 =	smul.u32 $0x32, s12  }
0x6: {  	s8 =	sor.u32 $0x40, s11;
	s17 =	smul.u32 $0x32, s9  }
0x7: {  	s7 =	sor.u32 $0x50, s11;
	s18 =	smul.u32 $0x32, s8  }
0x8: {  	s6 =	sor.u32 $0x60, s11;
	s19 =	smul.u32 $0x32, s7  }
0x9: {  	s4 =	sor.u32 $0x80, s11;
	s20 =	smul.u32 $0x32, s6  }
0xa: {  	s3 =	sor.u32 $0x90, s11;
	s22 =	smul.u32 $0x32, s4  }
0xb: {  	s2 =	sor.u32 $0xA0, s11;
	s23 =	smul.u32 $0x32, s3  }
0xc: {  	s25 =	smul.u32 $0x32, s2  }
0xd: {  	s14 =	smul.u32 $0x6400, s14  }
0xe: {  	s12 =	smul.u32 $0x6400, s12  }
0xf: {  	s9 =	smul.u32 $0x6400, s9  }
0x10: {  	s8 =	smul.u32 $0x6400, s8  }
0x11: {  	s7 =	smul.u32 $0x6400, s7  }
0x12: {  	s6 =	smul.u32 $0x6400, s6  }
0x13: {  	s29 =	rddreg [dreg:$0x1];
	s5 =	sor.u32 $0x70, s11;
	s4 =	smul.u32 $0x6400, s4  }
0x14: {  	s1 =	sshll.u32 s0, $0x4;
	s0 =	ssub.s32 $0x2, s0;
	s3 =	smul.u32 $0x6400, s3  }
0x15: {  	s2 =	smul.u32 $0x6400, s2;
	s1 =	sor.u32 s11, s1;
	s26 =	sshrl.u32 s0, $0x1  }
0x16: {  	p0 =	sgt.u32 s11, $0x7;
	s1 =	smul.u32 $0x2BC0, s1;
	s0 =	ssub.s32 s0, s26  }
0x17: {  	s21 =	sadd.s32 s10, s13;
	s15 =	sadd.s32 s13, s15;
	s16 =	sadd.s32 s13, s16  }
0x18: {  	s17 =	sadd.s32 s13, s17;
	s18 =	sadd.s32 s13, s18;
	s19 =	sadd.s32 s13, s19  }
0x19: {  	s20 =	sadd.s32 s13, s20;
	s22 =	sadd.s32 s13, s22;
	s10 =	sor.u32 $0xC0, s11  }
0x1a: {  	s23 =	sadd.s32 s13, s23;
	s25 =	sadd.s32 s13, s25;
	s14 =	sshrl.u32 s14, $0x2  }
0x1b: {  	s12 =	sshrl.u32 s12, $0x2;
	s9 =	sshrl.u32 s9, $0x2;
	s8 =	sshrl.u32 s8, $0x2  }
0x1c: {  	s7 =	sshrl.u32 s7, $0x2;
	s6 =	sshrl.u32 s6, $0x2;
	s4 =	sshrl.u32 s4, $0x2  }
0x1d: {  	s3 =	sshrl.u32 s3, $0x2;
	[dreg:$0x17] =	wrdreg s0;
	s0 =	smul.u32 $0x32, s5  }
0x1e: {  	s2 =	sshrl.u32 s2, $0x2;
	s28 =	smul.u32 $0x32, s10;
	s21 =	sshll.u32 s21, $0x4  }
0x1f: {  	s15 =	sshll.u32 s15, $0x4;
	s16 =	sshll.u32 s16, $0x4;
	s17 =	sshll.u32 s17, $0x4  }
0x20: {  	s5 =	smul.u32 $0x6400, s5;
	s30 =	sshrl.u32 s1, $0x3;
	s1 =	sor.u32 $0xB0, s11  }
0x21: {  	s18 =	sshll.u32 s18, $0x4;
	s24 =	sadd.s32 s13, s0;
	s26 =	smul.u32 $0x32, s1  }
0x22: {  	s0 =	simm.s32 $0x0;
	s5 =	sshrl.u32 s5, $0x2;
	s1 =	smul.u32 $0x6400, s1  }
0x23: {  	s26 =	sadd.s32 s13, s26;
	s13 =	sadd.s32 s13, s28;
	s28 =	sadd.s32 $0x2D800, s29  }
0x24: {  	[smem:$0x7FF] =	sst s0;
	s0 =	sadd.s32 s30, s29;
	s21 =	sadd.s32 s28, s21  }
0x25: {  	s1 =	sshrl.u32 s1, $0x2;
	s15 =	sadd.s32 s28, s15;
	[dreg:$0x4] =	wrdreg s21  }
0x26: {  	s16 =	sadd.s32 s28, s16;
	s13 =	sshll.u32 s13, $0x4;
	[dreg:$0x5] =	wrdreg s15  }
0x27: {  	[dreg:$0x6] =	wrdreg s16;
	s15 =	sadd.s32 s28, s17;
	s21 =	sshll.u32 s19, $0x4  }
0x28: {  	s17 =	sshll.u32 s20, $0x4;
	s19 =	sshll.u32 s22, $0x4;
	s22 =	sshll.u32 s25, $0x4  }
0x29: {  	s25 =	smul.u32 $0x6400, s11;
	s13 =	sadd.s32 s28, s13;
	[dreg:$0x7] =	wrdreg s15  }
0x2a: {  	s11 =	simm.s32 $0x5;
	s15 =	sadd.s32 s28, s18;
	[dreg:$0x10] =	wrdreg s13  }
0x2b: {  	s16 =	sadd.s32 s28, s21;
	s18 =	sshll.u32 s24, $0x4;
	[dreg:$0x8] =	wrdreg s15  }
0x2c: {  	s20 =	sadd.s32 s28, s19;
	s21 =	sshll.u32 s23, $0x4;
	[dreg:$0x9] =	wrdreg s16  }
0x2d: {  	s23 =	sshll.u32 s26, $0x4;
	s15 =	sadd.s32 s28, s17;
	[dreg:$0xc] =	wrdreg s20  }
0x2e: {  	s24 =	sadd.s32 s28, s23;
	s16 =	rddreg [dreg:$0x2];
	s26 =	sshrl.u32 s25, $0x2  }
0x2f: {  	s17 =	smul.u32 $0x6400, s10;
	s10 =	simm.s32 $0x2;
	[dreg:$0xa] =	wrdreg s15  }
0x30: {  	s15 =	sadd.s32 s28, s18;
	[dreg:$0xf] =	wrdreg s24;
	s19 =	sadd.s32 s26, s16  }
0x31: {  	s20 =	sadd.s32 s14, s16;
	s12 =	sadd.s32 s12, s16;
	s9 =	sadd.s32 s9, s16  }
0x32: {  	s8 =	sadd.s32 s8, s16;
	s23 =	sadd.s32 s7, s16;
	s24 =	sadd.s32 s6, s16  }
0x33: {  	s25 =	sadd.s32 s5, s16;
	s26 =	sadd.s32 s4, s16;
	s29 =	sadd.s32 s2, s16  }
0x34: {  	s30 =	sadd.s32 s1, s16;
	[dreg:$0xb] =	wrdreg s15;
	s15 =	sadd.s32 s28, s21  }
0x35: {  	s2 =	simm.s32 $0x19000;
	[dreg:$0xd] =	wrdreg s15;
	s15 =	sadd.s32 s28, s22  }
0x36: {  	s5 =	simm.s32 $0x32;
	s6 =	simm.s32 $0x1A900;
	[dreg:$0xe] =	wrdreg s15  }
0x37: {  	s7 =	simm.s32 $0x1C200;
	s14 =	simm.s32 $0x7;
	s15 =	rddreg [dreg:$0x0]  }
0x38: {  	s4 =	simm.s32 $0x0;
	_ =	strace $0x8000004A;
	[dreg:$0x11] =	wrdreg s12  }
0x39: {  	s18 =	sshrl.u32 s17, $0x2;
	s21 =	sadd.s32 $0x17A00, s0;
	[dreg:$0x12] =	wrdreg s9  }
.Ltmp0:
0x3a: {  	s0 =	sadd.s32 $0x22900, s0;
	[dreg:$0x13] =	wrdreg s8;
	(pc) =	sbr.rel .LBB2_1-.Ltmp0, $4  }
0x3b: {  	s17 =	simm.s32 $0x4;
	s28 =	sadd.s32 s3, s16;
	[dreg:$0x14] =	wrdreg s21  }
0x3c: {  	s31 =	sadd.s32 s18, s16;
	s3 =	simm.s32 $0x9;
	s22 =	rddreg [dreg:$0x17]  }
0x3d: {  	[dreg:$0x15] =	wrdreg s0;
	s8 =	simm.s32 $0x1;
	s0 =	smax.u32 s22, $0x1  }
0x3e: {  	v0 =	vimm.f32 $0.0e+00;
	s9 =	simm.s32 $0x1DB00;
	[dreg:$0x16] =	wrdreg s0;
	s0 =	simm.s32 $0x8  }
.LBB2_6:
0x3f: {  	_ =	swait.ge [sflag:s0], $0x1900  }
0x40: {  	[sflag:s0] =	ssyncset.done $0x0  }
0x41: {  	s1 =	stileid.u32;
	[sflag:s0] =	ssyncadd.s32 $0xFFFFE700  }
0x42: {  	s1 =	sshll.u32 s1, $0x6;
	[bflag:$0x0] =	sbarrier.arrive $0xFFFF  }
0x43: {  	s12 =	sshrl.u32 s21, $0x3;
	s1 =	sor.u32 $0x1C09, s1;
	s13 =	rddreg [dreg:$0x4]  }
0x44: {  	[hbm:s13], [sflag:s1] =	dma.local [spmem:s12], $0x320  }
0x45: {  	_ =	swait.ge [sflag:s3], $0x320  }
0x46: {  	[sflag:s3] =	ssyncset.done $0x0  }
0x47: {  	s13 =	sshrl.u32 s22, $0x3;
	s18 =	rddreg [dreg:$0x5];
	[sflag:s3] =	ssyncadd.s32 $0xFFFFFCE0  }
0x48: {  	[hbm:s18], [sflag:s1] =	dma.local [spmem:s13], $0x320  }
0x49: {  	s19 =	smov.u32 s21;
	_ =	swait.ge [sflag:s3], $0x320  }
0x4a: {  	s20 =	smov.u32 s22;
	[sflag:s3] =	ssyncset.done $0x0;
	s21 =	rddreg [dreg:$0x11]  }
0x4b: {  	s22 =	rddreg [dreg:$0x6];
	[sflag:s3] =	ssyncadd.s32 $0xFFFFFCE0;
	s12 =	sshrl.u32 s21, $0x3  }
0x4c: {  	[hbm:s22], [sflag:s1] =	dma.local [spmem:s12], $0x320  }
0x4d: {  	_ =	swait.ge [sflag:s3], $0x320  }
0x4e: {  	[sflag:s3] =	ssyncset.done $0x0;
	s13 =	rddreg [dreg:$0x12]  }
0x4f: {  	s18 =	rddreg [dreg:$0x7];
	[sflag:s3] =	ssyncadd.s32 $0xFFFFFCE0;
	s12 =	sshrl.u32 s13, $0x3  }
0x50: {  	[hbm:s18], [sflag:s1] =	dma.local [spmem:s12], $0x320  }
0x51: {  	_ =	swait.ge [sflag:s3], $0x320  }
0x52: {  	[sflag:s3] =	ssyncset.done $0x0;
	s21 =	rddreg [dreg:$0x13]  }
0x53: {  	s22 =	rddreg [dreg:$0x8];
	[sflag:s3] =	ssyncadd.s32 $0xFFFFFCE0;
	s12 =	sshrl.u32 s21, $0x3  }
0x54: {  	[hbm:s22], [sflag:s1] =	dma.local [spmem:s12], $0x320  }
0x55: {  	_ =	swait.ge [sflag:s3], $0x320  }
0x56: {  	[sflag:s3] =	ssyncset.done $0x0  }
0x57: {  	s13 =	sshrl.u32 s23, $0x3;
	s18 =	rddreg [dreg:$0x9];
	[sflag:s3] =	ssyncadd.s32 $0xFFFFFCE0  }
0x58: {  	[hbm:s18], [sflag:s1] =	dma.local [spmem:s13], $0x320  }
0x59: {  	_ =	swait.ge [sflag:s3], $0x320  }
0x5a: {  	[sflag:s3] =	ssyncset.done $0x0  }
0x5b: {  	s21 =	sshrl.u32 s24, $0x3;
	s22 =	rddreg [dreg:$0xa];
	[sflag:s3] =	ssyncadd.s32 $0xFFFFFCE0  }
0x5c: {  	[hbm:s22], [sflag:s1] =	dma.local [spmem:s21], $0x320  }
0x5d: {  	_ =	swait.ge [sflag:s3], $0x320  }
0x5e: {  	[sflag:s3] =	ssyncset.done $0x0  }
0x5f: {  	s13 =	sshrl.u32 s25, $0x3;
	s18 =	rddreg [dreg:$0xb];
	[sflag:s3] =	ssyncadd.s32 $0xFFFFFCE0  }
0x60: {  	[hbm:s18], [sflag:s1] =	dma.local [spmem:s13], $0x320  }
0x61: {  	_ =	swait.ge [sflag:s3], $0x320  }
0x62: {  	[sflag:s3] =	ssyncset.done $0x0  }
0x63: {  	s21 =	sshrl.u32 s26, $0x3;
	s22 =	rddreg [dreg:$0xc];
	[sflag:s3] =	ssyncadd.s32 $0xFFFFFCE0  }
0x64: {  	[hbm:s22], [sflag:s1] =	dma.local [spmem:s21], $0x320  }
0x65: {  	_ =	swait.ge [sflag:s3], $0x320  }
0x66: {  	[sflag:s3] =	ssyncset.done $0x0  }
0x67: {  	s13 =	sshrl.u32 s28, $0x3;
	s18 =	rddreg [dreg:$0xd];
	[sflag:s3] =	ssyncadd.s32 $0xFFFFFCE0  }
0x68: {  	[hbm:s18], [sflag:s1] =	dma.local [spmem:s13], $0x320  }
0x69: {  	_ =	swait.ge [sflag:s3], $0x320  }
0x6a: {  	[sflag:s3] =	ssyncset.done $0x0  }
0x6b: {  	s21 =	sshrl.u32 s29, $0x3;
	s22 =	rddreg [dreg:$0xe];
	[sflag:s3] =	ssyncadd.s32 $0xFFFFFCE0  }
0x6c: {  	[hbm:s22], [sflag:s1] =	dma.local [spmem:s21], $0x320  }
0x6d: {  	_ =	swait.ge [sflag:s3], $0x320  }
0x6e: {  	[sflag:s3] =	ssyncset.done $0x0  }
0x6f: {  	s18 =	sshrl.u32 s30, $0x3;
	s21 =	rddreg [dreg:$0xf];
	[sflag:s3] =	ssyncadd.s32 $0xFFFFFCE0  }
0x70: {  	[hbm:s21], [sflag:s1] =	dma.local [spmem:s18], $0x320  }
0x71: {  	_ =	swait.ge [sflag:s3], $0x320  }
0x72: {  	[sflag:s3] =	ssyncset.done $0x0  }
0x73: {  	s12 =	sshrl.u32 @!p0 s31, $0x3;
	s13 =	rddreg [dreg:$0x10];
	[sflag:s3] =	ssyncadd.s32 $0xFFFFFCE0  }
0x74: {  	[hbm:s13], [sflag:s1] =	dma.local @!p0 [spmem:s12], $0x320  }
0x75: {  	s1 =	simm.s32 @!p0 $0x9  }
0x76: {  	_ =	swait.ge @!p0 [sflag:s1], $0x320  }
0x77: {  	s4 =	sadd.s32 $0x1, s4;
	s22 =	rddreg [dreg:$0x16]  }
0x78: {  	p1 =	sne.s32 s4, s22  }
.Ltmp1:
0x79: {  	_ = 	snop;
	(pc) =	sbr.rel @!p1 .LBB2_7-.Ltmp1, $3  }
0x7a: {  	_ =	sdelay $0x1  }
0x7b: {  	[sflag:s1] =	ssyncset.done @!p0 $0x0  }
0x7c: {  	[sflag:s1] =	ssyncadd.s32 @!p0 $0xFFFFFCE0  }
.LBB2_1:
0x7d: {  	s12 =	simm.s32 $0x0  }
0x7e: {  	s1 =	sand.u32 $0x7E00, s12  }
0x7f: {  	s12 =	sand.u32 $0x70, s12;
	s13 =	sshrl.u32 s1, $0x2  }
0x80: {  	s1 =	simm.s32 $0x40;
	s13 =	sor.u32 s12, s13;
	s12 =	simm.s32 $0x0  }
.LBB2_2:
0x81: {  	p1 =	sne.s32 s1, $0x63C0  }
0x82: {  	[tilespmem:s13+$0x19000] =	vst v0;
	s12 =	sadd.s32 $0x10, s12;
	s13 =	smov.u32 s1;
	s1 =	sadd.s32 $0x40, s1  }
.Ltmp2:
0x83: {  	(pc) =	sbr.rel @p1 .LBB2_2-.Ltmp2, $4  }
0x84: {  	_ = 	snop  }
0x85: {  	s13 =	sand.u32 $0x7E00, s13  }
0x86: {  	s18 =	sand.u32 $0x70, s12;
	s13 =	sshrl.u32 s13, $0x2  }
0x87: {  	s13 =	sor.u32 s18, s13  }
0x88: {  	[tilespmem:s13+$0x19000] =	vst v0  }
0x89: {  	[spmem:s19] =	stream.linear.scatter [tilespmem:s2], [sflag:$0x9], $0x1900, $0x38;
	[tilespmem:$0x1F400] =	vst v63  }
0x8a: {  	_ =	swait.ge [sflag:s3], $0x1900  }
0x8b: {  	[sflag:s3] =	ssyncset.done $0x0  }
0x8c: {  	[sflag:s3] =	ssyncadd.s32 $0xFFFFE700  }
0x8d: {  	[spmem:s20] =	stream.linear.scatter [tilespmem:s2], [sflag:$0x9], $0x1900, $0x38;
	[tilespmem:$0x1F400] =	vst v63  }
0x8e: {  	_ =	swait.ge [sflag:s3], $0x1900  }
0x8f: {  	[sflag:s3] =	ssyncset.done $0x0  }
0x90: {  	s1 =	rddreg [dreg:$0x11];
	[sflag:s3] =	ssyncadd.s32 $0xFFFFE700  }
0x91: {  	[spmem:s1] =	stream.linear.scatter [tilespmem:s2], [sflag:$0x9], $0x1900, $0x38;
	[tilespmem:$0x1F400] =	vst v63  }
0x92: {  	_ =	swait.ge [sflag:s3], $0x1900  }
0x93: {  	[sflag:s3] =	ssyncset.done $0x0  }
0x94: {  	s13 =	rddreg [dreg:$0x12];
	[sflag:s3] =	ssyncadd.s32 $0xFFFFE700  }
0x95: {  	[spmem:s13] =	stream.linear.scatter [tilespmem:s2], [sflag:$0x9], $0x1900, $0x38;
	[tilespmem:$0x1F400] =	vst v63  }
0x96: {  	_ =	swait.ge [sflag:s3], $0x1900  }
0x97: {  	[sflag:s3] =	ssyncset.done $0x0  }
0x98: {  	s18 =	rddreg [dreg:$0x13];
	[sflag:s3] =	ssyncadd.s32 $0xFFFFE700  }
0x99: {  	[spmem:s18] =	stream.linear.scatter [tilespmem:s2], [sflag:$0x9], $0x1900, $0x38;
	[tilespmem:$0x1F400] =	vst v63  }
0x9a: {  	_ =	swait.ge [sflag:s3], $0x1900  }
0x9b: {  	[sflag:s3] =	ssyncset.done $0x0  }
0x9c: {  	[sflag:s3] =	ssyncadd.s32 $0xFFFFE700  }
0x9d: {  	[spmem:s23] =	stream.linear.scatter [tilespmem:s2], [sflag:$0x9], $0x1900, $0x38;
	[tilespmem:$0x1F400] =	vst v63  }
0x9e: {  	_ =	swait.ge [sflag:s3], $0x1900  }
0x9f: {  	[sflag:s3] =	ssyncset.done $0x0  }
0xa0: {  	[sflag:s3] =	ssyncadd.s32 $0xFFFFE700  }
0xa1: {  	[spmem:s24] =	stream.linear.scatter [tilespmem:s2], [sflag:$0x9], $0x1900, $0x38;
	[tilespmem:$0x1F400] =	vst v63  }
0xa2: {  	_ =	swait.ge [sflag:s3], $0x1900  }
0xa3: {  	[sflag:s3] =	ssyncset.done $0x0  }
0xa4: {  	[sflag:s3] =	ssyncadd.s32 $0xFFFFE700  }
0xa5: {  	[spmem:s25] =	stream.linear.scatter [tilespmem:s2], [sflag:$0x9], $0x1900, $0x38;
	[tilespmem:$0x1F400] =	vst v63  }
0xa6: {  	_ =	swait.ge [sflag:s3], $0x1900  }
0xa7: {  	[sflag:s3] =	ssyncset.done $0x0  }
0xa8: {  	[sflag:s3] =	ssyncadd.s32 $0xFFFFE700  }
0xa9: {  	[spmem:s26] =	stream.linear.scatter [tilespmem:s2], [sflag:$0x9], $0x1900, $0x38;
	[tilespmem:$0x1F400] =	vst v63  }
0xaa: {  	_ =	swait.ge [sflag:s3], $0x1900  }
0xab: {  	[sflag:s3] =	ssyncset.done $0x0  }
0xac: {  	[sflag:s3] =	ssyncadd.s32 $0xFFFFE700  }
0xad: {  	[spmem:s28] =	stream.linear.scatter [tilespmem:s2], [sflag:$0x9], $0x1900, $0x38;
	[tilespmem:$0x1F400] =	vst v63  }
0xae: {  	_ =	swait.ge [sflag:s3], $0x1900  }
0xaf: {  	[sflag:s3] =	ssyncset.done $0x0  }
0xb0: {  	[sflag:s3] =	ssyncadd.s32 $0xFFFFE700  }
0xb1: {  	[spmem:s29] =	stream.linear.scatter [tilespmem:s2], [sflag:$0x9], $0x1900, $0x38;
	[tilespmem:$0x1F400] =	vst v63  }
0xb2: {  	_ =	swait.ge [sflag:s3], $0x1900  }
0xb3: {  	[sflag:s3] =	ssyncset.done $0x0  }
0xb4: {  	[sflag:s3] =	ssyncadd.s32 $0xFFFFE700  }
0xb5: {  	[spmem:s30] =	stream.linear.scatter [tilespmem:s2], [sflag:$0x9], $0x1900, $0x38;
	[tilespmem:$0x1F400] =	vst v63  }
0xb6: {  	_ =	swait.ge [sflag:s3], $0x1900  }
0xb7: {  	[sflag:s3] =	ssyncset.done $0x0  }
0xb8: {  	s1 =	simm.s32 @!p0 $0x19000;
	[sflag:s3] =	ssyncadd.s32 $0xFFFFE700  }
0xb9: {  	[spmem:s31] =	stream.linear.scatter @!p0 [tilespmem:s1], [sflag:$0x9], $0x1900, $0x38;
	[tilespmem:$0x1F400] =	vst v63  }
0xba: {  	s1 =	simm.s32 @!p0 $0x9  }
0xbb: {  	_ =	swait.ge @!p0 [sflag:s1], $0x1900  }
0xbc: {  	[sflag:s1] =	ssyncset.done @!p0 $0x0  }
0xbd: {  	[sflag:s1] =	ssyncadd.s32 @!p0 $0xFFFFE700  }
0xbe: {  	[bflag:$0x0] =	sbarrier.arrive $0xFFFF  }
0xbf: {  	s1 =	simm.s32 $0x0;
	s12 =	rddreg [dreg:$0x14]  }
0xc0: {  	[tilespmem:s1], [sflag:$0x9] =	stream.linear.gather [hbm4b:s12+s1], $0x2BC0, $0x38;
	[tilespmem:$0x1F400] =	vst v63  }
0xc1: {  	_ =	swait.ge [sflag:s3], $0x2BC0  }
0xc2: {  	s21 =	smov.u32 s19;
	s22 =	smov.u32 s20;
	[sflag:s3] =	ssyncset.done $0x0  }
0xc3: {  	s20 =	simm.s32 $0x2BC0;
	s19 =	rddreg [dreg:$0x15];
	[sflag:s3] =	ssyncadd.s32 $0xFFFFD440  }
0xc4: {  	[tilespmem:s20], [sflag:$0x9] =	stream.linear.gather [hbm4b:s19+s1], $0x2BC0, $0x38;
	[tilespmem:$0x1F400] =	vst v63  }
0xc5: {  	_ =	swait.ge [sflag:s3], $0x2BC0  }
0xc6: {  	[sflag:s3] =	ssyncset.done $0x0  }
0xc7: {  	[sflag:s3] =	ssyncadd.s32 $0xFFFFD440  }
0xc8: {  	[tilespmem:s2], [sflag:$0x1] =	stream.indirect.gather [hbm4b:s15+s5], $0x80, s1, s5, $0xb8;
	[tilespmem:$0x1F400] =	vst v63  }
0xc9: {  	s18 =	simm.s32 $0x38  }
0xca: {  	[tilespmem:s6], [sflag:$0x2] =	stream.indirect.gather [hbm4b:s15+s5], $0x80, s18, s5, $0xb8;
	[tilespmem:$0x1F400] =	vst v63  }
0xcb: {  	s19 =	simm.s32 $0x70  }
0xcc: {  	[tilespmem:s7], [sflag:$0x3] =	stream.indirect.gather [hbm4b:s15+s5], $0x80, s19, s5, $0xb8;
	[tilespmem:$0x1F400] =	vst v63  }
0xcd: {  	_ =	swait.ge [sflag:s8], $0x1900  }
0xce: {  	[sflag:s8] =	ssyncset.done $0x0  }
0xcf: {  	[sflag:s8] =	ssyncadd.s32 $0xFFFFE700  }
0xd0: {  	[spmem:s16] =	stream.indirect.scatter.add.f32 [tilespmem:s2], [sflag:$0x5], $0x80, s20, s5, $0xb8;
	[tilespmem:$0x1F400] =	vst v63  }
0xd1: {  	s20 =	simm.s32 $0xA8  }
0xd2: {  	[tilespmem:s9], [sflag:$0x4] =	stream.indirect.gather [hbm4b:s15+s5], $0x80, s20, s5, $0xb8;
	[tilespmem:$0x1F400] =	vst v63  }
0xd3: {  	_ =	swait.ge [sflag:s10], $0x1900  }
0xd4: {  	[sflag:s10] =	ssyncset.done $0x0  }
0xd5: {  	s13 =	simm.s32 $0x2BF8;
	[sflag:s10] =	ssyncadd.s32 $0xFFFFE700  }
0xd6: {  	[spmem:s16] =	stream.indirect.scatter.add.f32 [tilespmem:s6], [sflag:$0x6], $0x80, s13, s5, $0xb8;
	[tilespmem:$0x1F400] =	vst v63  }
0xd7: {  	_ =	swait.ge [sflag:s11], $0x1900  }
0xd8: {  	[sflag:s11] =	ssyncset.done $0x0  }
0xd9: {  	s18 =	simm.s32 $0xE0;
	s19 =	simm.s32 $0x3;
	[sflag:s11] =	ssyncadd.s32 $0xFFFFE700  }
0xda: {  	[tilespmem:s2], [sflag:$0x1] =	stream.indirect.gather [hbm4b:s15+s5], $0x80, s18, s5, $0xb8;
	[tilespmem:$0x1F400] =	vst v63  }
0xdb: {  	_ =	swait.ge [sflag:s19], $0x1900  }
0xdc: {  	[sflag:s19] =	ssyncset.done $0x0  }
0xdd: {  	s20 =	simm.s32 $0x2C30;
	s13 =	simm.s32 $0x6;
	[sflag:s19] =	ssyncadd.s32 $0xFFFFE700  }
0xde: {  	[spmem:s16] =	stream.indirect.scatter.add.f32 [tilespmem:s7], [sflag:$0x7], $0x80, s20, s5, $0xb8;
	[tilespmem:$0x1F400] =	vst v63  }
0xdf: {  	_ =	swait.ge [sflag:s13], $0x1900  }
0xe0: {  	[sflag:s13] =	ssyncset.done $0x0  }
0xe1: {  	s18 =	simm.s32 $0x118;
	[sflag:s13] =	ssyncadd.s32 $0xFFFFE700  }
0xe2: {  	[tilespmem:s6], [sflag:$0x2] =	stream.indirect.gather [hbm4b:s15+s5], $0x80, s18, s5, $0xb8;
	[tilespmem:$0x1F400] =	vst v63  }
0xe3: {  	_ =	swait.ge [sflag:s17], $0x1900  }
0xe4: {  	[sflag:s17] =	ssyncset.done $0x0  }
0xe5: {  	s19 =	simm.s32 $0x2C68;
	[sflag:s17] =	ssyncadd.s32 $0xFFFFE700  }
0xe6: {  	[spmem:s16] =	stream.indirect.scatter.add.f32 [tilespmem:s9], [sflag:$0x8], $0x80, s19, s5, $0xb8;
	[tilespmem:$0x1F400] =	vst v63  }
0xe7: {  	_ =	swait.ge [sflag:s14], $0x1900  }
0xe8: {  	[sflag:s14] =	ssyncset.done $0x0  }
0xe9: {  	s20 =	simm.s32 $0x150;
	[sflag:s14] =	ssyncadd.s32 $0xFFFFE700  }
0xea: {  	[tilespmem:s7], [sflag:$0x3] =	stream.indirect.gather [hbm4b:s15+s5], $0x80, s20, s5, $0xb8;
	[tilespmem:$0x1F400] =	vst v63  }
.LBB2_4:
0xeb: {  	_ =	swait.ge [sflag:s8], $0x1900  }
0xec: {  	s12 =	sshra.s32 s1, $0x2;
	[sflag:s8] =	ssyncset.done $0x0  }
0xed: {  	s13 =	sadd.s32 $0x2CA0, s12;
	[sflag:s8] =	ssyncadd.s32 $0xFFFFE700  }
0xee: {  	[spmem:s16] =	stream.indirect.scatter.add.f32 [tilespmem:s2], [sflag:$0x5], $0x80, s13, s5, $0xb8;
	[tilespmem:$0x1F400] =	vst v63  }
0xef: {  	_ =	swait.ge [sflag:s0], $0x1900  }
0xf0: {  	[sflag:s0] =	ssyncset.done $0x0  }
0xf1: {  	s18 =	sadd.s32 $0x188, s12;
	[sflag:s0] =	ssyncadd.s32 $0xFFFFE700  }
0xf2: {  	[tilespmem:s9], [sflag:$0x4] =	stream.indirect.gather [hbm4b:s15+s5], $0x80, s18, s5, $0xb8;
	[tilespmem:$0x1F400] =	vst v63  }
0xf3: {  	_ =	swait.ge [sflag:s10], $0x1900  }
0xf4: {  	[sflag:s10] =	ssyncset.done $0x0  }
0xf5: {  	s19 =	sadd.s32 $0x2CD8, s12;
	[sflag:s10] =	ssyncadd.s32 $0xFFFFE700  }
0xf6: {  	[spmem:s16] =	stream.indirect.scatter.add.f32 [tilespmem:s6], [sflag:$0x6], $0x80, s19, s5, $0xb8;
	[tilespmem:$0x1F400] =	vst v63  }
0xf7: {  	_ =	swait.ge [sflag:s11], $0x1900  }
0xf8: {  	p1 =	seq.s32 s1, $0xA800;
	[sflag:s11] =	ssyncset.done $0x0  }
0xf9: {  	s13 =	simm.s32 @p1 $0x3;
	[sflag:s11] =	ssyncadd.s32 $0xFFFFE700  }
0xfa: {  	_ =	swait.ge @p1 [sflag:s13], $0x1900  }
0xfb: {  	[sflag:s13] =	ssyncset.done @p1 $0x0  }
0xfc: {  	[sflag:s13] =	ssyncadd.s32 @p1 $0xFFFFE700;
	s13 =	sshra.s32 @p1 s1, $0x2  }
0xfd: {  	s18 =	simm.s32 @p1 $0x32;
	s19 =	simm.s32 @p1 $0x1C200;
	s13 =	sadd.s32 @p1 $0x2D10, s13  }
0xfe: {  	[spmem:s16] =	stream.indirect.scatter.add.f32 @p1 [tilespmem:s19], [sflag:$0x7], $0x80, s13, s18, $0xb8;
	[tilespmem:$0x1F400] =	vst v63  }
0xff: {  	s13 =	simm.s32 @p1 $0x6  }
0x100: {  	_ =	swait.ge @p1 [sflag:s13], $0x1900  }
0x101: {  	[sflag:s13] =	ssyncset.done @p1 $0x0  }
0x102: {  	[sflag:s13] =	ssyncadd.s32 @p1 $0xFFFFE700;
	s13 =	sshra.s32 @!p1 s1, $0x2  }
0x103: {  	s20 =	simm.s32 @!p1 $0x19000;
	s19 =	simm.s32 @!p1 $0x32;
	s18 =	sadd.s32 @!p1 $0x1C0, s13  }
0x104: {  	[tilespmem:s20], [sflag:$0x1] =	stream.indirect.gather @!p1 [hbm4b:s15+s19], $0x80, s18, s19, $0xb8;
	[tilespmem:$0x1F400] =	vst v63  }
0x105: {  	s18 =	simm.s32 @!p1 $0x3  }
0x106: {  	_ =	swait.ge @!p1 [sflag:s18], $0x1900  }
0x107: {  	[sflag:s18] =	ssyncset.done @!p1 $0x0  }
0x108: {  	s20 =	simm.s32 @!p1 $0x1C200;
	[sflag:s18] =	ssyncadd.s32 @!p1 $0xFFFFE700;
	s18 =	sadd.s32 @!p1 $0x2D10, s13  }
0x109: {  	[spmem:s16] =	stream.indirect.scatter.add.f32 @!p1 [tilespmem:s20], [sflag:$0x7], $0x80, s18, s19, $0xb8;
	[tilespmem:$0x1F400] =	vst v63  }
0x10a: {  	s18 =	simm.s32 @!p1 $0x6  }
0x10b: {  	_ =	swait.ge @!p1 [sflag:s18], $0x1900  }
0x10c: {  	[sflag:s18] =	ssyncset.done @!p1 $0x0  }
0x10d: {  	s13 =	sadd.s32 @!p1 $0x1F8, s13;
	[sflag:s18] =	ssyncadd.s32 @!p1 $0xFFFFE700;
	s18 =	simm.s32 @!p1 $0x1A900  }
0x10e: {  	[tilespmem:s18], [sflag:$0x2] =	stream.indirect.gather @!p1 [hbm4b:s15+s19], $0x80, s13, s19, $0xb8;
	[tilespmem:$0x1F400] =	vst v63  }
0x10f: {  	_ =	swait.ge [sflag:s17], $0x1900  }
0x110: {  	[sflag:s17] =	ssyncset.done $0x0  }
.Ltmp3:
0x111: {  	s20 =	sadd.s32 $0x2D48, s12;
	[sflag:s17] =	ssyncadd.s32 $0xFFFFE700;
	(pc) =	sbr.rel @p1 .LBB2_6-.Ltmp3, $4  }
0x112: {  	[spmem:s16] =	stream.indirect.scatter.add.f32 [tilespmem:s9], [sflag:$0x8], $0x80, s20, s5, $0xb8;
	[tilespmem:$0x1F400] =	vst v63  }
0x113: {  	_ =	swait.ge [sflag:s14], $0x1900  }
0x114: {  	[sflag:s14] =	ssyncset.done $0x0  }
0x115: {  	[sflag:s14] =	ssyncadd.s32 $0xFFFFE700  }
.Ltmp4:
0x116: {  	(pc) =	sbr.rel .LBB2_4-.Ltmp4, $3  }
0x117: {  	_ =	sdelay $0x1  }
0x118: {  	s12 =	sadd.s32 $0x230, s12;
	s1 =	sadd.s32 $0x380, s1  }
0x119: {  	[tilespmem:s7], [sflag:$0x3] =	stream.indirect.gather [hbm4b:s15+s5], $0x80, s12, s5, $0xb8;
	[tilespmem:$0x1F400] =	vst v63  }
.LBB2_7:
0x11a: {  	_ =	sfence.sel $0x180000  }
0x11b: {  	[bflag:$0x0] =	sbarrier.arrive $0xFFFF  }
0x11c: {  	_ =	strace $0x9000004A  }
0x11d: {  	s0 =	stileid.u32;
	[bflag:$0x2] =	sbarrier.arrive $0xFFFF  }
0x11e: {  	p0 =	sne.s32 s0, $0x0;
	s0 =	rddreg [dreg:$0x3]  }
0x11f: {  	s0 =	sadd.s32 @!p0 $0x100000, s0  }
0x120: {  	[sflag:s0] =	ssyncadd.tile.s32 @!p0 $0x1;
	_ =	shalt  }
.Lfunc_end2:
_tile_overlayer_lowered:
.L_overlay_start_2:
0x121: {  	(tag) =	ssettag $0x2  }
0x122: {  	s0 =	rddreg [dreg:$0x0];
	s2 =	stileid.u32  }
0x123: {  	s1 =	rddreg [dreg:$0x1];
	p0 =	sne.s32 s2, $0x0  }
0x124: {  	s3 =	rddreg [dreg:$0x2];
	[bflag:$0x3] =	sbarrier.arrive $0xFFFF;
	s2 =	simm.s32 @!p0 $0x1C09  }
0x125: {  	[timem:s3], [sflag:s2] =	dma.local @!p0 [hbm:s0], s1  }
0x126: {  	s0 =	simm.s32 @!p0 $0x9  }
0x127: {  	_ =	swait.ge @!p0 [sflag:s0], s1  }
0x128: {  	s1 =	ssub.s32 @!p0 $0x0, s1;
	[sflag:s0] =	ssyncset.done @!p0 $0x0  }
0x129: {  	[sflag:s0] =	ssyncadd.s32 @!p0 s1  }
0x12a: {  	[bflag:$0x3] =	sbarrier.arrive $0xFFFF  }
0x12b: {  	_ =	shalt  }

// kernel: kernel.15.cloned.1.call-start
scs
__scs_entry_jumppad:
0x0: {  	(pc) =	sbr.rel $0x88, $3  }
0x1: {  	(tag) =	ssettag $0x0;
	lr =	simm.s32 $0x1  }
0x2: {  	[smem:$0x3F96] =	sst lr;
	_ =	strace $0xD0000000  }
0x3: {  	_ = 	snop  }
0x4: {  	_ = 	snop  }
0x5: {  	_ = 	snop  }
0x6: {  	_ = 	snop  }
0x7: {  	_ = 	snop  }
__scs_overlays_trampoline_lowered:
0x8: {  	[smem:$0x3FA5] =	sst s0  }
0x9: {  	[smem:$0x3FA6] =	sst s1  }
0xa: {  	[smem:$0x3FA7] =	sst s2  }
0xb: {  	[smem:$0x3FA8] =	sst s3  }
0xc: {  	[smem:$0x3FA9] =	sst s4  }
0xd: {  	[smem:$0x3FAA] =	sst s5  }
0xe: {  	[smem:$0x3FAB] =	sst s6  }
0xf: {  	[smem:$0x3FAC] =	sst s7  }
0x10: {  	[smem:$0x3FAD] =	sst s8  }
0x11: {  	[smem:$0x3FAE] =	sst s9;
	s0 =	simm.s32 @!p0 $0x0  }
0x12: {  	s1 =	sld [smem:$0x3F94];
	s0 =	simm.s32 @p0 $0x1  }
0x13: {  	[smem:$0x3FAF] =	sst s0;
	s0 =	simm.s32 @!p1 $0x0  }
0x14: {  	s2 =	sld [smem:$0x3F93];
	s0 =	simm.s32 @p1 $0x1  }
0x15: {  	[smem:$0x3FB0] =	sst s0;
	s0 =	simm.s32 @!p2 $0x0  }
0x16: {  	s3 =	sld [smem:$0x3FDB];
	s0 =	simm.s32 @p2 $0x1  }
0x17: {  	s4 =	simm.s32 $0x1BF5;
	[smem:$0x3FB2] =	sst s0  }
0x18: {  	s0 =	sld [smem:$0x3F95];
	_ =	swait.ge [sflag:s4], $0x0  }
0x19: {  	s7 =	sld [smem:$0x3F96]  }
0x1a: {  	s8 =	sadd.s32 $0xFFFFE003, lr  }
0x1b: {  	s9 =	sadd.s32 $0xFFFFFEF7, lr;
	s5 =	simm.s32 $0xFFFFFFFF;
	p2 =	slt.u32 s8, $0xFFFFF086  }
0x1c: {  	p1 =	slt.u32 s9, $0xF7A;
	s5 =	simm.s32 @!p2 $0x0  }
0x1d: {  	s5 =	simm.s32 @p1 $0x1;
	p0 =	seq.s32 s7, s2  }
0x1e: {  	s7 =	smul.u32 @!p0 $0xF7A, s2;
	p2 =	seq.s32 @!p0 s5, $0x0  }
0x1f: {  	s9 =	smul.u32 $0xF7A, s1;
	s8 =	simm.s32 @!p0 $0x1BF5;
	p2 =	por !p2, p0  }
0x20: {  	[sflag:s8] =	ssyncset.s32 @!p0 $0xFFFFF086;
	s6 =	sadd.s32 @!p0 s3, s7;
	s7 =	simm.s32 @!p0 $0x108  }
0x21: {  	s3 =	sadd.s32 s3, s9;
	s6 =	sadd.s32 @!p0 $0x88, s6;
	s7 =	simm.s32 @p2 $0x1082  }
0x22: {  	[simem:s7], [sflag:s8] =	dma.local @!p0 [hbm:s6], $0xF7A  }
0x23: {  	s9 =	sor.u32 $0xD0000000, s2;
	s6 =	simm.s32 $0x108;
	_ =	swait.ge @!p0 [sflag:s8], $0x0  }
0x24: {  	s3 =	sadd.s32 $0x88, s3;
	s6 =	simm.s32 @!p1 $0x1082;
	[sflag:s4] =	ssyncset.s32 $0xFFFFF086  }
0x25: {  	[simem:s6], [sflag:s4] =	dma.local [hbm:s3], $0xF7A  }
0x26: {  	[smem:$0x3F96] =	sst s1;
	(tag) =	ssettag s2;
	_ =	strace s9  }
0x27: {  	s1 =	sld [smem:$0x3FA6]  }
0x28: {  	s2 =	sld [smem:$0x3FA7]  }
0x29: {  	s4 =	sld [smem:$0x3FA9]  }
0x2a: {  	p0 =	seq.s32 s5, $0x0;
	s5 =	sld [smem:$0x3FAA]  }
0x2b: {  	s6 =	sld [smem:$0x3FAB]  }
0x2c: {  	s7 =	sld [smem:$0x3FAC]  }
0x2d: {  	s3 =	simm.s32 $0x108;
	s8 =	sld [smem:$0x3FAD]  }
0x2e: {  	s3 =	simm.s32 @!p0 $0x1082;
	s9 =	sld [smem:$0x3FAE]  }
0x2f: {  	lr =	sadd.s32 s0, s3;
	s0 =	sld [smem:$0x3FA5]  }
0x30: {  	s3 =	sld [smem:$0x3FA8]  }
0x31: {  	[smem:$0x3FB1] =	sst s10  }
0x32: {  	s10 =	sld [smem:$0x3FAF];
	_ =	sdelay $0x3  }
0x33: {  	p0 =	seq.s32 s10, $0x1;
	s10 =	sld [smem:$0x3FB1];
	_ =	sdelay $0x3  }
0x34: {  	[smem:$0x3FB1] =	sst s10  }
0x35: {  	s10 =	sld [smem:$0x3FB0];
	_ =	sdelay $0x3  }
0x36: {  	p1 =	seq.s32 s10, $0x1;
	s10 =	sld [smem:$0x3FB1];
	_ =	sdelay $0x3  }
0x37: {  	[smem:$0x3FB1] =	sst s10  }
0x38: {  	s10 =	sld [smem:$0x3FB2]  }
0x39: {  	_ = 	snop;
	(pc) =	sbr.ind lr, $3  }
0x3a: {  	_ = 	snop  }
0x3b: {  	_ = 	snop  }
0x3c: {  	p2 =	seq.s32 s10, $0x1;
	s10 =	sld [smem:$0x3FB1]  }
0x3d: {  	_ =	shalt  }
0x3e: {  	_ =	shalt  }
0x3f: {  	_ =	shalt  }
0x40: {  	_ =	shalt  }
0x41: {  	_ =	shalt  }
0x42: {  	_ =	shalt  }
0x43: {  	_ =	shalt  }
0x44: {  	_ =	shalt  }
0x45: {  	_ =	shalt  }
0x46: {  	_ =	shalt  }
0x47: {  	_ =	shalt  }
0x48: {  	_ =	shalt  }
0x49: {  	_ =	shalt  }
0x4a: {  	_ =	shalt  }
0x4b: {  	_ =	shalt  }
0x4c: {  	_ =	shalt  }
0x4d: {  	_ =	shalt  }
0x4e: {  	_ =	shalt  }
0x4f: {  	_ =	shalt  }
0x50: {  	_ =	shalt  }
0x51: {  	_ =	shalt  }
0x52: {  	_ =	shalt  }
0x53: {  	_ =	shalt  }
0x54: {  	_ =	shalt  }
0x55: {  	_ =	shalt  }
0x56: {  	_ =	shalt  }
0x57: {  	_ =	shalt  }
0x58: {  	_ =	shalt  }
0x59: {  	_ =	shalt  }
0x5a: {  	_ =	shalt  }
0x5b: {  	_ =	shalt  }
0x5c: {  	_ =	shalt  }
0x5d: {  	_ =	shalt  }
0x5e: {  	_ =	shalt  }
0x5f: {  	_ =	shalt  }
0x60: {  	_ =	shalt  }
0x61: {  	_ =	shalt  }
0x62: {  	_ =	shalt  }
0x63: {  	_ =	shalt  }
0x64: {  	_ =	shalt  }
0x65: {  	_ =	shalt  }
0x66: {  	_ =	shalt  }
0x67: {  	_ =	shalt  }
0x68: {  	_ =	shalt  }
0x69: {  	_ =	shalt  }
0x6a: {  	_ =	shalt  }
0x6b: {  	_ =	shalt  }
0x6c: {  	_ =	shalt  }
0x6d: {  	_ =	shalt  }
0x6e: {  	_ =	shalt  }
0x6f: {  	_ =	shalt  }
0x70: {  	_ =	shalt  }
0x71: {  	_ =	shalt  }
0x72: {  	_ =	shalt  }
0x73: {  	_ =	shalt  }
0x74: {  	_ =	shalt  }
0x75: {  	_ =	shalt  }
0x76: {  	_ =	shalt  }
0x77: {  	_ =	shalt  }
0x78: {  	_ =	shalt  }
0x79: {  	_ =	shalt  }
0x7a: {  	_ =	shalt  }
0x7b: {  	_ =	shalt  }
0x7c: {  	_ =	shalt  }
0x7d: {  	_ =	shalt  }
0x7e: {  	_ =	shalt  }
0x7f: {  	_ =	shalt  }
0x80: {  	_ =	shalt  }
0x81: {  	_ =	shalt  }
0x82: {  	_ =	shalt  }
0x83: {  	_ =	shalt  }
0x84: {  	_ =	shalt  }
0x85: {  	_ =	shalt  }
0x86: {  	_ =	shalt  }
0x87: {  	_ =	shalt  }
.Lfunc_end0:
.L_simem_size_0:
called_computation.2_lowered:
.L_overlay_start_0:
0x88: {  	s2 =	sld [smem:$0x3FD9]  }
0x89: {  	s3 =	sld [smem:$0x3FFE];
	_ =	sdelay $0x1  }
0x8a: {  	s1 =	srdreg.scid  }
0x8b: {  	s0 =	sand.u32 $0x1, s1  }
0x8c: {  	s16 =	sshll.u32 s0, $0xA;
	s2 =	sadd.s32 s3, s2  }
0x8d: {  	s2 =	sadd.s32 s2, s16  }
0x8e: {  	[smem:$0x3FBD] =	sst s2  }
0x8f: {  	_ = 	snop  }
0x90: {  	(tm) =	ssettm $0x1  }
0x91: {  	s17 =	sld [smem:$0x3FFB];
	_ =	sdelay $0x3  }
0x92: {  	_ =	strace s17  }
0x93: {  	s2 =	sld [smem:$0x3FFC];
	_ =	sdelay $0x3  }
0x94: {  	_ =	strace s2  }
0x95: {  	s2 =	sld [smem:$0x3FFD];
	_ =	sdelay $0x3  }
0x96: {  	_ =	strace s2  }
0x97: {  	_ =	strace $0x8FFFFFFF  }
0x98: {  	s18 =	sld [smem:$0x3FDB];
	_ =	sdelay $0x1  }
0x99: {  	s19 =	simm.s32 $_scs_section_size  }
0x9a: {  	s4 =	simm.s32 $_size__tile_overlayer_lowered;
	s5 =	simm.s32 $_tile_overlayer_lowered  }
0x9b: {  	s22 =	simm.s32 $0x1BFF;
	s21 =	sshll.u32 s5, $0x1;
	s2 =	sadd.s32 s19, s18  }
0x9c: {  	s6 =	simm.s32 $0x0;
	s20 =	sshll.u32 s4, $0x1;
	s4 =	sadd.s32 s21, s2  }
0x9d: {  	[timem:s6], [sflag:s22] =	dma.local [hbm:s4], s20  }
0x9e: {  	_ =	swait.ge [sflag:s22], s20  }
0x9f: {  	s3 =	ssub.s32 $0x0, s20;
	[sflag:s22] =	ssyncset.done $0x0  }
0xa0: {  	[sflag:s22] =	ssyncadd.s32 s3;
	_ =	sdelay $0x1  }
0xa1: {  	s23 =	simm.s32 $0x1B8B  }
0xa2: {  	_ =	swait.ge [sflag:s23], $0x1  }
0xa3: {  	[sflag:s23] =	ssyncset.done $0x0  }
0xa4: {  	s25 =	simm.s32 $0x1B8E;
	s24 =	sld [smem:$0x3FFE];
	[sflag:s23] =	ssyncadd.s32 $0xFFFFFFFF  }
0xa5: {  	s26 =	simm.s32 $execute0_lowered;
	[smem:$0x3FD2] =	sst s25  }
0xa6: {  	s4 =	sshll.u32 s26, $0x1;
	_ =	strace $0x8000004C;
	[dreg:$0x1] =	wrdreg $0xFFFFFFFF  }
0xa7: {  	s28 =	simm.s32 $_size_execute0_lowered;
	s2 =	sadd.s32 s2, s4;
	[dreg:$0x0] =	wrdreg $0x0  }
0xa8: {  	s4 =	sshll.u32 s28, $0x1;
	[dreg:$0x2] =	wrdreg s2  }
0xa9: {  	[dreg:$0x3] =	wrdreg s4  }
0xaa: {  	[dreg:$0x4] =	wrdreg $0xC0  }
0xab: {  	_ =	task [dreg:s6], $0x5FFFF  }
0xac: {  	[dreg:$0x1] =	wrdreg $0xFFFFFFFF  }
0xad: {  	[dreg:$0x0] =	wrdreg $0x60  }
0xae: {  	[dreg:$0x2] =	wrdreg s24  }
0xaf: {  	[dreg:$0x3] =	wrdreg $0x57800  }
0xb0: {  	[dreg:$0x4] =	wrdreg $0x9  }
0xb1: {  	_ =	task.clear_ibuf [dreg:s6], $0x5FFFF;
	_ =	strace $0x9000004C  }
0xb2: {  	s29 =	simm.s32 $0x9;
	_ =	strace $0x8000004E  }
0xb3: {  	_ =	swait.ge [sflag:s29], $0x1  }
0xb4: {  	[sflag:s29] =	ssyncadd.s32 $0xFFFFFFFF  }
0xb5: {  	_ =	strace $0x9000004E  }
0xb6: {  	_ =	sfence  }
0xb7: {  	s30 =	sld [smem:$0x0];
	_ =	sdelay $0x2  }
0xb8: {  	s31 =	sshll.u32 s1, $0xD;
	s1 =	sshrl.u32 s1, $0x2  }
0xb9: {  	s3 =	sand.u32 $0x4000, s31;
	s1 =	sadd.s32 s1, s30  }
0xba: {  	s0 =	sor.u32 s3, s0;
	s1 =	sshll.u32 s1, $0x11  }
0xbb: {  	s0 =	sor.u32 s1, s0  }
0xbc: {  	s0 =	sadd.s32 $0x8F2B, s0  }
0xbd: {  	[sflag:s0] =	ssyncadd.remote.s32 $0x1  }
0xbe: {  	_ =	sfence.sel $0xFFFF  }
0xbf: {  	[dreg:$0x0] =	wrdreg $0xFFFFFFFF;
	(pc) =	sbr.abs _section_cstart, $3  }
0xc0: {  	[dreg:$0x1] =	wrdreg $0xFFFFFFFF  }
0xc1: {  	_ =	task.clear_ibuf [dreg:s6], $0x2FFFF;
	_ =	strace $0x9FFFFFFF  }
0xc2: {  	(tm) =	ssettm $0x7FFFFFFF  }
0xc3: {  	_ =	shalt  }
tec
execute0_lowered:
.L_overlay_start_1:
0x0: {  	(tag) =	ssettag $0x1  }
0x1: {  	s0 =	srdreg.scid;
	s11 =	stileid.u32  }
0x2: {  	s0 =	sand.u32 $0x1, s0;
	s22 =	smul.u32 $0x32, s11  }
0x3: {  	s12 =	sor.u32 $0x10, s11;
	s13 =	smul.u32 $0x2710, s0  }
0x4: {  	s7 =	sor.u32 $0x20, s11;
	s15 =	smul.u32 $0x32, s12  }
0x5: {  	s8 =	sor.u32 $0x30, s11;
	s16 =	smul.u32 $0x32, s7  }
0x6: {  	s9 =	sor.u32 $0x40, s11;
	s17 =	smul.u32 $0x32, s8  }
0x7: {  	s6 =	sor.u32 $0x60, s11;
	s18 =	smul.u32 $0x32, s9  }
0x8: {  	s5 =	sor.u32 $0x70, s11;
	s20 =	smul.u32 $0x32, s6  }
0x9: {  	s4 =	sor.u32 $0x80, s11;
	s21 =	smul.u32 $0x32, s5  }
0xa: {  	s3 =	sor.u32 $0x90, s11;
	s23 =	smul.u32 $0x32, s4  }
0xb: {  	s1 =	simm.s32 $0x0;
	s2 =	sor.u32 $0xA0, s11;
	s24 =	smul.u32 $0x32, s3  }
0xc: {  	[smem:$0x7FF] =	sst s1;
	s1 =	sor.u32 $0xB0, s11;
	s25 =	smul.u32 $0x32, s2  }
0xd: {  	s30 =	sor.u32 $0xC0, s11;
	s26 =	smul.u32 $0x32, s1  }
0xe: {  	s28 =	smul.u32 $0x32, s30  }
0xf: {  	s12 =	smul.u32 $0x6400, s12  }
0x10: {  	s7 =	smul.u32 $0x6400, s7  }
0x11: {  	s8 =	smul.u32 $0x6400, s8  }
0x12: {  	s9 =	smul.u32 $0x6400, s9  }
0x13: {  	s6 =	smul.u32 $0x6400, s6  }
0x14: {  	s5 =	smul.u32 $0x6400, s5  }
0x15: {  	s4 =	smul.u32 $0x6400, s4  }
0x16: {  	s14 =	sshll.u32 s0, $0x4;
	s0 =	ssub.s32 $0x2, s0;
	s3 =	smul.u32 $0x6400, s3  }
0x17: {  	p0 =	sgt.u32 s11, $0x7;
	s2 =	smul.u32 $0x6400, s2;
	s10 =	sshrl.u32 s0, $0x1  }
0x18: {  	s1 =	smul.u32 $0x6400, s1;
	s14 =	sor.u32 s11, s14;
	s0 =	ssub.s32 s0, s10  }
0x19: {  	s10 =	sor.u32 $0x50, s11;
	s22 =	sadd.s32 s22, s13;
	s15 =	sadd.s32 s13, s15  }
0x1a: {  	s16 =	sadd.s32 s13, s16;
	s17 =	sadd.s32 s13, s17;
	s18 =	sadd.s32 s13, s18  }
0x1b: {  	s20 =	sadd.s32 s13, s20;
	s21 =	sadd.s32 s13, s21;
	s23 =	sadd.s32 s13, s23  }
0x1c: {  	s24 =	sadd.s32 s13, s24;
	s25 =	sadd.s32 s13, s25;
	s26 =	sadd.s32 s13, s26  }
0x1d: {  	s14 =	smul.u32 $0x2BC0, s14;
	s12 =	sshrl.u32 s12, $0x2;
	s7 =	sshrl.u32 s7, $0x2  }
0x1e: {  	s8 =	sshrl.u32 s8, $0x2;
	s6 =	sshrl.u32 s6, $0x2;
	s5 =	sshrl.u32 s5, $0x2  }
0x1f: {  	s4 =	sshrl.u32 s4, $0x2;
	s3 =	sshrl.u32 s3, $0x2;
	s19 =	smul.u32 $0x32, s10  }
0x20: {  	s2 =	sshrl.u32 s2, $0x2;
	s1 =	sshrl.u32 s1, $0x2;
	s22 =	sshll.u32 s22, $0x4  }
0x21: {  	s19 =	sadd.s32 s13, s19;
	s13 =	sadd.s32 s13, s28;
	s28 =	rddreg [dreg:$0x0]  }
0x22: {  	s15 =	sshll.u32 s15, $0x4;
	s16 =	sshll.u32 s16, $0x4;
	s29 =	sadd.s32 $0xC9C00, s28  }
0x23: {  	s17 =	sshll.u32 s17, $0x4;
	s18 =	sshll.u32 s18, $0x4;
	s22 =	sadd.s32 s29, s22  }
0x24: {  	s10 =	smul.u32 $0x6400, s10;
	s15 =	sadd.s32 s29, s15;
	[dreg:$0x3] =	wrdreg s22  }
0x25: {  	s13 =	sshll.u32 s13, $0x4;
	s16 =	sadd.s32 s29, s16;
	[dreg:$0x4] =	wrdreg s15  }
0x26: {  	s0 =	smax.u32 s0, $0x1;
	s13 =	sadd.s32 s29, s13;
	[dreg:$0x5] =	wrdreg s16  }
0x27: {  	s15 =	sadd.s32 s29, s17;
	s22 =	sshll.u32 s19, $0x4;
	s17 =	sshll.u32 s20, $0x4  }
0x28: {  	s19 =	sshll.u32 s23, $0x4;
	s23 =	sshll.u32 s26, $0x4;
	[dreg:$0xf] =	wrdreg s13  }
0x29: {  	s26 =	smul.u32 $0x6400, s11;
	[dreg:$0x6] =	wrdreg s15;
	s15 =	sadd.s32 s29, s18  }
0x2a: {  	s11 =	simm.s32 $0x5;
	s16 =	sadd.s32 s29, s22;
	[dreg:$0x7] =	wrdreg s15  }
0x2b: {  	s18 =	sshll.u32 s21, $0x4;
	s20 =	sadd.s32 s29, s19;
	[dreg:$0x8] =	wrdreg s16  }
0x2c: {  	s21 =	sshll.u32 s24, $0x4;
	s24 =	sadd.s32 s29, s23;
	[dreg:$0xb] =	wrdreg s20  }
0x2d: {  	s22 =	sshll.u32 s25, $0x4;
	s25 =	sshrl.u32 s14, $0x3;
	[dreg:$0xe] =	wrdreg s24  }
0x2e: {  	s15 =	sadd.s32 s29, s17;
	s16 =	rddreg [dreg:$0x1];
	s13 =	sadd.s32 s25, s28  }
0x2f: {  	s17 =	sadd.s32 $0x2D800, s28;
	s14 =	sshrl.u32 s26, $0x2;
	[dreg:$0x9] =	wrdreg s15  }
0x30: {  	s15 =	sadd.s32 s29, s18;
	s19 =	sadd.s32 s14, s16;
	s20 =	sadd.s32 s12, s16  }
0x31: {  	s7 =	sadd.s32 s7, s16;
	s12 =	sshrl.u32 s9, $0x2;
	s14 =	sshrl.u32 s10, $0x2  }
0x32: {  	s24 =	sadd.s32 s6, s16;
	s25 =	sadd.s32 s5, s16;
	s26 =	sadd.s32 s4, s16  }
0x33: {  	s28 =	sadd.s32 s3, s16;
	s3 =	simm.s32 $0x9;
	s5 =	simm.s32 $0x32  }
0x34: {  	s6 =	simm.s32 $0x1A900;
	s9 =	simm.s32 $0x1DB00;
	s10 =	simm.s32 $0x2  }
0x35: {  	s4 =	simm.s32 $0x0;
	[dreg:$0xa] =	wrdreg s15;
	s15 =	sadd.s32 s29, s21  }
0x36: {  	s23 =	sadd.s32 s14, s16;
	[dreg:$0xc] =	wrdreg s15;
	s15 =	sadd.s32 s29, s22  }
0x37: {  	s21 =	sadd.s32 $0x17A00, s13;
	s29 =	sadd.s32 s2, s16;
	[dreg:$0xd] =	wrdreg s15  }
0x38: {  	s22 =	sadd.s32 $0x22900, s13;
	_ =	strace $0x8000004D;
	[dreg:$0x10] =	wrdreg s7  }
0x39: {  	s2 =	simm.s32 $0x19000;
	s15 =	smul.u32 $0x6400, s30;
	[dreg:$0x13] =	wrdreg s21  }
.Ltmp0:
0x3a: {  	s13 =	simm.s32 $0x7;
	[dreg:$0x14] =	wrdreg s22;
	(pc) =	sbr.rel .LBB2_1-.Ltmp0, $4  }
0x3b: {  	s30 =	sadd.s32 s1, s16;
	s7 =	sadd.s32 s8, s16;
	[dreg:$0x15] =	wrdreg s0  }
0x3c: {  	s8 =	simm.s32 $0x1;
	s0 =	simm.s32 $0x8;
	[dreg:$0x11] =	wrdreg s7  }
0x3d: {  	s7 =	sadd.s32 s12, s16;
	s18 =	sshrl.u32 s15, $0x2;
	s15 =	simm.s32 $0x4  }
0x3e: {  	v0 =	vimm.f32 $0.0e+00;
	[dreg:$0x12] =	wrdreg s7;
	s31 =	sadd.s32 s18, s16;
	s7 =	simm.s32 $0x1C200  }
.LBB2_6:
0x3f: {  	_ =	swait.ge [sflag:s0], $0x1900  }
0x40: {  	[sflag:s0] =	ssyncset.done $0x0  }
0x41: {  	s1 =	stileid.u32;
	[sflag:s0] =	ssyncadd.s32 $0xFFFFE700  }
0x42: {  	s1 =	sshll.u32 s1, $0x6;
	[bflag:$0x0] =	sbarrier.arrive $0xFFFF  }
0x43: {  	s12 =	sshrl.u32 s21, $0x3;
	s1 =	sor.u32 $0x1C09, s1;
	s14 =	rddreg [dreg:$0x3]  }
0x44: {  	[hbm:s14], [sflag:s1] =	dma.local [spmem:s12], $0x320  }
0x45: {  	_ =	swait.ge [sflag:s3], $0x320  }
0x46: {  	[sflag:s3] =	ssyncset.done $0x0  }
0x47: {  	s14 =	sshrl.u32 s22, $0x3;
	s18 =	rddreg [dreg:$0x4];
	[sflag:s3] =	ssyncadd.s32 $0xFFFFFCE0  }
0x48: {  	[hbm:s18], [sflag:s1] =	dma.local [spmem:s14], $0x320  }
0x49: {  	s19 =	smov.u32 s21;
	_ =	swait.ge [sflag:s3], $0x320  }
0x4a: {  	s20 =	smov.u32 s22;
	[sflag:s3] =	ssyncset.done $0x0;
	s21 =	rddreg [dreg:$0x10]  }
0x4b: {  	s22 =	rddreg [dreg:$0x5];
	[sflag:s3] =	ssyncadd.s32 $0xFFFFFCE0;
	s12 =	sshrl.u32 s21, $0x3  }
0x4c: {  	[hbm:s22], [sflag:s1] =	dma.local [spmem:s12], $0x320  }
0x4d: {  	_ =	swait.ge [sflag:s3], $0x320  }
0x4e: {  	[sflag:s3] =	ssyncset.done $0x0;
	s14 =	rddreg [dreg:$0x11]  }
0x4f: {  	s18 =	rddreg [dreg:$0x6];
	[sflag:s3] =	ssyncadd.s32 $0xFFFFFCE0;
	s12 =	sshrl.u32 s14, $0x3  }
0x50: {  	[hbm:s18], [sflag:s1] =	dma.local [spmem:s12], $0x320  }
0x51: {  	_ =	swait.ge [sflag:s3], $0x320  }
0x52: {  	[sflag:s3] =	ssyncset.done $0x0;
	s21 =	rddreg [dreg:$0x12]  }
0x53: {  	s22 =	rddreg [dreg:$0x7];
	[sflag:s3] =	ssyncadd.s32 $0xFFFFFCE0;
	s12 =	sshrl.u32 s21, $0x3  }
0x54: {  	[hbm:s22], [sflag:s1] =	dma.local [spmem:s12], $0x320  }
0x55: {  	_ =	swait.ge [sflag:s3], $0x320  }
0x56: {  	[sflag:s3] =	ssyncset.done $0x0  }
0x57: {  	s14 =	sshrl.u32 s23, $0x3;
	s18 =	rddreg [dreg:$0x8];
	[sflag:s3] =	ssyncadd.s32 $0xFFFFFCE0  }
0x58: {  	[hbm:s18], [sflag:s1] =	dma.local [spmem:s14], $0x320  }
0x59: {  	_ =	swait.ge [sflag:s3], $0x320  }
0x5a: {  	[sflag:s3] =	ssyncset.done $0x0  }
0x5b: {  	s21 =	sshrl.u32 s24, $0x3;
	s22 =	rddreg [dreg:$0x9];
	[sflag:s3] =	ssyncadd.s32 $0xFFFFFCE0  }
0x5c: {  	[hbm:s22], [sflag:s1] =	dma.local [spmem:s21], $0x320  }
0x5d: {  	_ =	swait.ge [sflag:s3], $0x320  }
0x5e: {  	[sflag:s3] =	ssyncset.done $0x0  }
0x5f: {  	s14 =	sshrl.u32 s25, $0x3;
	s18 =	rddreg [dreg:$0xa];
	[sflag:s3] =	ssyncadd.s32 $0xFFFFFCE0  }
0x60: {  	[hbm:s18], [sflag:s1] =	dma.local [spmem:s14], $0x320  }
0x61: {  	_ =	swait.ge [sflag:s3], $0x320  }
0x62: {  	[sflag:s3] =	ssyncset.done $0x0  }
0x63: {  	s21 =	sshrl.u32 s26, $0x3;
	s22 =	rddreg [dreg:$0xb];
	[sflag:s3] =	ssyncadd.s32 $0xFFFFFCE0  }
0x64: {  	[hbm:s22], [sflag:s1] =	dma.local [spmem:s21], $0x320  }
0x65: {  	_ =	swait.ge [sflag:s3], $0x320  }
0x66: {  	[sflag:s3] =	ssyncset.done $0x0  }
0x67: {  	s14 =	sshrl.u32 s28, $0x3;
	s18 =	rddreg [dreg:$0xc];
	[sflag:s3] =	ssyncadd.s32 $0xFFFFFCE0  }
0x68: {  	[hbm:s18], [sflag:s1] =	dma.local [spmem:s14], $0x320  }
0x69: {  	_ =	swait.ge [sflag:s3], $0x320  }
0x6a: {  	[sflag:s3] =	ssyncset.done $0x0  }
0x6b: {  	s21 =	sshrl.u32 s29, $0x3;
	s22 =	rddreg [dreg:$0xd];
	[sflag:s3] =	ssyncadd.s32 $0xFFFFFCE0  }
0x6c: {  	[hbm:s22], [sflag:s1] =	dma.local [spmem:s21], $0x320  }
0x6d: {  	_ =	swait.ge [sflag:s3], $0x320  }
0x6e: {  	[sflag:s3] =	ssyncset.done $0x0  }
0x6f: {  	s18 =	sshrl.u32 s30, $0x3;
	s21 =	rddreg [dreg:$0xe];
	[sflag:s3] =	ssyncadd.s32 $0xFFFFFCE0  }
0x70: {  	[hbm:s21], [sflag:s1] =	dma.local [spmem:s18], $0x320  }
0x71: {  	_ =	swait.ge [sflag:s3], $0x320  }
0x72: {  	[sflag:s3] =	ssyncset.done $0x0  }
0x73: {  	s12 =	sshrl.u32 @!p0 s31, $0x3;
	s14 =	rddreg [dreg:$0xf];
	[sflag:s3] =	ssyncadd.s32 $0xFFFFFCE0  }
0x74: {  	[hbm:s14], [sflag:s1] =	dma.local @!p0 [spmem:s12], $0x320  }
0x75: {  	s1 =	simm.s32 @!p0 $0x9  }
0x76: {  	_ =	swait.ge @!p0 [sflag:s1], $0x320  }
0x77: {  	s4 =	sadd.s32 $0x1, s4;
	s22 =	rddreg [dreg:$0x15]  }
0x78: {  	p1 =	sne.s32 s4, s22  }
.Ltmp1:
0x79: {  	_ = 	snop;
	(pc) =	sbr.rel @!p1 .LBB2_7-.Ltmp1, $3  }
0x7a: {  	_ =	sdelay $0x1  }
0x7b: {  	[sflag:s1] =	ssyncset.done @!p0 $0x0  }
0x7c: {  	[sflag:s1] =	ssyncadd.s32 @!p0 $0xFFFFFCE0  }
.LBB2_1:
0x7d: {  	s12 =	simm.s32 $0x0  }
0x7e: {  	s1 =	sand.u32 $0x7E00, s12  }
0x7f: {  	s12 =	sand.u32 $0x70, s12;
	s14 =	sshrl.u32 s1, $0x2  }
0x80: {  	s1 =	simm.s32 $0x40;
	s14 =	sor.u32 s12, s14;
	s12 =	simm.s32 $0x0  }
.LBB2_2:
0x81: {  	p1 =	sne.s32 s1, $0x63C0  }
0x82: {  	[tilespmem:s14+$0x19000] =	vst v0;
	s12 =	sadd.s32 $0x10, s12;
	s14 =	smov.u32 s1;
	s1 =	sadd.s32 $0x40, s1  }
.Ltmp2:
0x83: {  	(pc) =	sbr.rel @p1 .LBB2_2-.Ltmp2, $4  }
0x84: {  	_ = 	snop  }
0x85: {  	s14 =	sand.u32 $0x7E00, s14  }
0x86: {  	s18 =	sand.u32 $0x70, s12;
	s14 =	sshrl.u32 s14, $0x2  }
0x87: {  	s14 =	sor.u32 s18, s14  }
0x88: {  	[tilespmem:s14+$0x19000] =	vst v0  }
0x89: {  	[spmem:s19] =	stream.linear.scatter [tilespmem:s2], [sflag:$0x9], $0x1900, $0x38;
	[tilespmem:$0x1F400] =	vst v63  }
0x8a: {  	_ =	swait.ge [sflag:s3], $0x1900  }
0x8b: {  	[sflag:s3] =	ssyncset.done $0x0  }
0x8c: {  	[sflag:s3] =	ssyncadd.s32 $0xFFFFE700  }
0x8d: {  	[spmem:s20] =	stream.linear.scatter [tilespmem:s2], [sflag:$0x9], $0x1900, $0x38;
	[tilespmem:$0x1F400] =	vst v63  }
0x8e: {  	_ =	swait.ge [sflag:s3], $0x1900  }
0x8f: {  	[sflag:s3] =	ssyncset.done $0x0  }
0x90: {  	s1 =	rddreg [dreg:$0x10];
	[sflag:s3] =	ssyncadd.s32 $0xFFFFE700  }
0x91: {  	[spmem:s1] =	stream.linear.scatter [tilespmem:s2], [sflag:$0x9], $0x1900, $0x38;
	[tilespmem:$0x1F400] =	vst v63  }
0x92: {  	_ =	swait.ge [sflag:s3], $0x1900  }
0x93: {  	[sflag:s3] =	ssyncset.done $0x0  }
0x94: {  	s14 =	rddreg [dreg:$0x11];
	[sflag:s3] =	ssyncadd.s32 $0xFFFFE700  }
0x95: {  	[spmem:s14] =	stream.linear.scatter [tilespmem:s2], [sflag:$0x9], $0x1900, $0x38;
	[tilespmem:$0x1F400] =	vst v63  }
0x96: {  	_ =	swait.ge [sflag:s3], $0x1900  }
0x97: {  	[sflag:s3] =	ssyncset.done $0x0  }
0x98: {  	s18 =	rddreg [dreg:$0x12];
	[sflag:s3] =	ssyncadd.s32 $0xFFFFE700  }
0x99: {  	[spmem:s18] =	stream.linear.scatter [tilespmem:s2], [sflag:$0x9], $0x1900, $0x38;
	[tilespmem:$0x1F400] =	vst v63  }
0x9a: {  	_ =	swait.ge [sflag:s3], $0x1900  }
0x9b: {  	[sflag:s3] =	ssyncset.done $0x0  }
0x9c: {  	[sflag:s3] =	ssyncadd.s32 $0xFFFFE700  }
0x9d: {  	[spmem:s23] =	stream.linear.scatter [tilespmem:s2], [sflag:$0x9], $0x1900, $0x38;
	[tilespmem:$0x1F400] =	vst v63  }
0x9e: {  	_ =	swait.ge [sflag:s3], $0x1900  }
0x9f: {  	[sflag:s3] =	ssyncset.done $0x0  }
0xa0: {  	[sflag:s3] =	ssyncadd.s32 $0xFFFFE700  }
0xa1: {  	[spmem:s24] =	stream.linear.scatter [tilespmem:s2], [sflag:$0x9], $0x1900, $0x38;
	[tilespmem:$0x1F400] =	vst v63  }
0xa2: {  	_ =	swait.ge [sflag:s3], $0x1900  }
0xa3: {  	[sflag:s3] =	ssyncset.done $0x0  }
0xa4: {  	[sflag:s3] =	ssyncadd.s32 $0xFFFFE700  }
0xa5: {  	[spmem:s25] =	stream.linear.scatter [tilespmem:s2], [sflag:$0x9], $0x1900, $0x38;
	[tilespmem:$0x1F400] =	vst v63  }
0xa6: {  	_ =	swait.ge [sflag:s3], $0x1900  }
0xa7: {  	[sflag:s3] =	ssyncset.done $0x0  }
0xa8: {  	[sflag:s3] =	ssyncadd.s32 $0xFFFFE700  }
0xa9: {  	[spmem:s26] =	stream.linear.scatter [tilespmem:s2], [sflag:$0x9], $0x1900, $0x38;
	[tilespmem:$0x1F400] =	vst v63  }
0xaa: {  	_ =	swait.ge [sflag:s3], $0x1900  }
0xab: {  	[sflag:s3] =	ssyncset.done $0x0  }
0xac: {  	[sflag:s3] =	ssyncadd.s32 $0xFFFFE700  }
0xad: {  	[spmem:s28] =	stream.linear.scatter [tilespmem:s2], [sflag:$0x9], $0x1900, $0x38;
	[tilespmem:$0x1F400] =	vst v63  }
0xae: {  	_ =	swait.ge [sflag:s3], $0x1900  }
0xaf: {  	[sflag:s3] =	ssyncset.done $0x0  }
0xb0: {  	[sflag:s3] =	ssyncadd.s32 $0xFFFFE700  }
0xb1: {  	[spmem:s29] =	stream.linear.scatter [tilespmem:s2], [sflag:$0x9], $0x1900, $0x38;
	[tilespmem:$0x1F400] =	vst v63  }
0xb2: {  	_ =	swait.ge [sflag:s3], $0x1900  }
0xb3: {  	[sflag:s3] =	ssyncset.done $0x0  }
0xb4: {  	[sflag:s3] =	ssyncadd.s32 $0xFFFFE700  }
0xb5: {  	[spmem:s30] =	stream.linear.scatter [tilespmem:s2], [sflag:$0x9], $0x1900, $0x38;
	[tilespmem:$0x1F400] =	vst v63  }
0xb6: {  	_ =	swait.ge [sflag:s3], $0x1900  }
0xb7: {  	[sflag:s3] =	ssyncset.done $0x0  }
0xb8: {  	s1 =	simm.s32 @!p0 $0x19000;
	[sflag:s3] =	ssyncadd.s32 $0xFFFFE700  }
0xb9: {  	[spmem:s31] =	stream.linear.scatter @!p0 [tilespmem:s1], [sflag:$0x9], $0x1900, $0x38;
	[tilespmem:$0x1F400] =	vst v63  }
0xba: {  	s1 =	simm.s32 @!p0 $0x9  }
0xbb: {  	_ =	swait.ge @!p0 [sflag:s1], $0x1900  }
0xbc: {  	[sflag:s1] =	ssyncset.done @!p0 $0x0  }
0xbd: {  	[sflag:s1] =	ssyncadd.s32 @!p0 $0xFFFFE700  }
0xbe: {  	[bflag:$0x0] =	sbarrier.arrive $0xFFFF  }
0xbf: {  	s1 =	simm.s32 $0x0;
	s12 =	rddreg [dreg:$0x13]  }
0xc0: {  	[tilespmem:s1], [sflag:$0x9] =	stream.linear.gather [hbm4b:s12+s1], $0x2BC0, $0x38;
	[tilespmem:$0x1F400] =	vst v63  }
0xc1: {  	_ =	swait.ge [sflag:s3], $0x2BC0  }
0xc2: {  	s21 =	smov.u32 s19;
	s22 =	smov.u32 s20;
	[sflag:s3] =	ssyncset.done $0x0  }
0xc3: {  	s20 =	simm.s32 $0x2BC0;
	s19 =	rddreg [dreg:$0x14];
	[sflag:s3] =	ssyncadd.s32 $0xFFFFD440  }
0xc4: {  	[tilespmem:s20], [sflag:$0x9] =	stream.linear.gather [hbm4b:s19+s1], $0x2BC0, $0x38;
	[tilespmem:$0x1F400] =	vst v63  }
0xc5: {  	_ =	swait.ge [sflag:s3], $0x2BC0  }
0xc6: {  	[sflag:s3] =	ssyncset.done $0x0  }
0xc7: {  	[sflag:s3] =	ssyncadd.s32 $0xFFFFD440  }
0xc8: {  	[tilespmem:s2], [sflag:$0x1] =	stream.indirect.gather [hbm4b:s17+s5], $0x80, s1, s5, $0xb8;
	[tilespmem:$0x1F400] =	vst v63  }
0xc9: {  	s18 =	simm.s32 $0x38  }
0xca: {  	[tilespmem:s6], [sflag:$0x2] =	stream.indirect.gather [hbm4b:s17+s5], $0x80, s18, s5, $0xb8;
	[tilespmem:$0x1F400] =	vst v63  }
0xcb: {  	s19 =	simm.s32 $0x70  }
0xcc: {  	[tilespmem:s7], [sflag:$0x3] =	stream.indirect.gather [hbm4b:s17+s5], $0x80, s19, s5, $0xb8;
	[tilespmem:$0x1F400] =	vst v63  }
0xcd: {  	_ =	swait.ge [sflag:s8], $0x1900  }
0xce: {  	[sflag:s8] =	ssyncset.done $0x0  }
0xcf: {  	[sflag:s8] =	ssyncadd.s32 $0xFFFFE700  }
0xd0: {  	[spmem:s16] =	stream.indirect.scatter.add.f32 [tilespmem:s2], [sflag:$0x5], $0x80, s20, s5, $0xb8;
	[tilespmem:$0x1F400] =	vst v63  }
0xd1: {  	s20 =	simm.s32 $0xA8  }
0xd2: {  	[tilespmem:s9], [sflag:$0x4] =	stream.indirect.gather [hbm4b:s17+s5], $0x80, s20, s5, $0xb8;
	[tilespmem:$0x1F400] =	vst v63  }
0xd3: {  	_ =	swait.ge [sflag:s10], $0x1900  }
0xd4: {  	[sflag:s10] =	ssyncset.done $0x0  }
0xd5: {  	s14 =	simm.s32 $0x2BF8;
	[sflag:s10] =	ssyncadd.s32 $0xFFFFE700  }
0xd6: {  	[spmem:s16] =	stream.indirect.scatter.add.f32 [tilespmem:s6], [sflag:$0x6], $0x80, s14, s5, $0xb8;
	[tilespmem:$0x1F400] =	vst v63  }
0xd7: {  	_ =	swait.ge [sflag:s11], $0x1900  }
0xd8: {  	[sflag:s11] =	ssyncset.done $0x0  }
0xd9: {  	s18 =	simm.s32 $0xE0;
	s19 =	simm.s32 $0x3;
	[sflag:s11] =	ssyncadd.s32 $0xFFFFE700  }
0xda: {  	[tilespmem:s2], [sflag:$0x1] =	stream.indirect.gather [hbm4b:s17+s5], $0x80, s18, s5, $0xb8;
	[tilespmem:$0x1F400] =	vst v63  }
0xdb: {  	_ =	swait.ge [sflag:s19], $0x1900  }
0xdc: {  	[sflag:s19] =	ssyncset.done $0x0  }
0xdd: {  	s20 =	simm.s32 $0x2C30;
	s14 =	simm.s32 $0x6;
	[sflag:s19] =	ssyncadd.s32 $0xFFFFE700  }
0xde: {  	[spmem:s16] =	stream.indirect.scatter.add.f32 [tilespmem:s7], [sflag:$0x7], $0x80, s20, s5, $0xb8;
	[tilespmem:$0x1F400] =	vst v63  }
0xdf: {  	_ =	swait.ge [sflag:s14], $0x1900  }
0xe0: {  	[sflag:s14] =	ssyncset.done $0x0  }
0xe1: {  	s18 =	simm.s32 $0x118;
	[sflag:s14] =	ssyncadd.s32 $0xFFFFE700  }
0xe2: {  	[tilespmem:s6], [sflag:$0x2] =	stream.indirect.gather [hbm4b:s17+s5], $0x80, s18, s5, $0xb8;
	[tilespmem:$0x1F400] =	vst v63  }
0xe3: {  	_ =	swait.ge [sflag:s15], $0x1900  }
0xe4: {  	[sflag:s15] =	ssyncset.done $0x0  }
0xe5: {  	s19 =	simm.s32 $0x2C68;
	[sflag:s15] =	ssyncadd.s32 $0xFFFFE700  }
0xe6: {  	[spmem:s16] =	stream.indirect.scatter.add.f32 [tilespmem:s9], [sflag:$0x8], $0x80, s19, s5, $0xb8;
	[tilespmem:$0x1F400] =	vst v63  }
0xe7: {  	_ =	swait.ge [sflag:s13], $0x1900  }
0xe8: {  	[sflag:s13] =	ssyncset.done $0x0  }
0xe9: {  	s20 =	simm.s32 $0x150;
	[sflag:s13] =	ssyncadd.s32 $0xFFFFE700  }
0xea: {  	[tilespmem:s7], [sflag:$0x3] =	stream.indirect.gather [hbm4b:s17+s5], $0x80, s20, s5, $0xb8;
	[tilespmem:$0x1F400] =	vst v63  }
.LBB2_4:
0xeb: {  	_ =	swait.ge [sflag:s8], $0x1900  }
0xec: {  	s12 =	sshra.s32 s1, $0x2;
	[sflag:s8] =	ssyncset.done $0x0  }
0xed: {  	s14 =	sadd.s32 $0x2CA0, s12;
	[sflag:s8] =	ssyncadd.s32 $0xFFFFE700  }
0xee: {  	[spmem:s16] =	stream.indirect.scatter.add.f32 [tilespmem:s2], [sflag:$0x5], $0x80, s14, s5, $0xb8;
	[tilespmem:$0x1F400] =	vst v63  }
0xef: {  	_ =	swait.ge [sflag:s0], $0x1900  }
0xf0: {  	[sflag:s0] =	ssyncset.done $0x0  }
0xf1: {  	s18 =	sadd.s32 $0x188, s12;
	[sflag:s0] =	ssyncadd.s32 $0xFFFFE700  }
0xf2: {  	[tilespmem:s9], [sflag:$0x4] =	stream.indirect.gather [hbm4b:s17+s5], $0x80, s18, s5, $0xb8;
	[tilespmem:$0x1F400] =	vst v63  }
0xf3: {  	_ =	swait.ge [sflag:s10], $0x1900  }
0xf4: {  	[sflag:s10] =	ssyncset.done $0x0  }
0xf5: {  	s19 =	sadd.s32 $0x2CD8, s12;
	[sflag:s10] =	ssyncadd.s32 $0xFFFFE700  }
0xf6: {  	[spmem:s16] =	stream.indirect.scatter.add.f32 [tilespmem:s6], [sflag:$0x6], $0x80, s19, s5, $0xb8;
	[tilespmem:$0x1F400] =	vst v63  }
0xf7: {  	_ =	swait.ge [sflag:s11], $0x1900  }
0xf8: {  	p1 =	seq.s32 s1, $0xA800;
	[sflag:s11] =	ssyncset.done $0x0  }
0xf9: {  	s14 =	simm.s32 @p1 $0x3;
	[sflag:s11] =	ssyncadd.s32 $0xFFFFE700  }
0xfa: {  	_ =	swait.ge @p1 [sflag:s14], $0x1900  }
0xfb: {  	[sflag:s14] =	ssyncset.done @p1 $0x0  }
0xfc: {  	[sflag:s14] =	ssyncadd.s32 @p1 $0xFFFFE700;
	s14 =	sshra.s32 @p1 s1, $0x2  }
0xfd: {  	s18 =	simm.s32 @p1 $0x32;
	s19 =	simm.s32 @p1 $0x1C200;
	s14 =	sadd.s32 @p1 $0x2D10, s14  }
0xfe: {  	[spmem:s16] =	stream.indirect.scatter.add.f32 @p1 [tilespmem:s19], [sflag:$0x7], $0x80, s14, s18, $0xb8;
	[tilespmem:$0x1F400] =	vst v63  }
0xff: {  	s14 =	simm.s32 @p1 $0x6  }
0x100: {  	_ =	swait.ge @p1 [sflag:s14], $0x1900  }
0x101: {  	[sflag:s14] =	ssyncset.done @p1 $0x0  }
0x102: {  	[sflag:s14] =	ssyncadd.s32 @p1 $0xFFFFE700;
	s14 =	sshra.s32 @!p1 s1, $0x2  }
0x103: {  	s20 =	simm.s32 @!p1 $0x19000;
	s19 =	simm.s32 @!p1 $0x32;
	s18 =	sadd.s32 @!p1 $0x1C0, s14  }
0x104: {  	[tilespmem:s20], [sflag:$0x1] =	stream.indirect.gather @!p1 [hbm4b:s17+s19], $0x80, s18, s19, $0xb8;
	[tilespmem:$0x1F400] =	vst v63  }
0x105: {  	s18 =	simm.s32 @!p1 $0x3  }
0x106: {  	_ =	swait.ge @!p1 [sflag:s18], $0x1900  }
0x107: {  	[sflag:s18] =	ssyncset.done @!p1 $0x0  }
0x108: {  	s20 =	simm.s32 @!p1 $0x1C200;
	[sflag:s18] =	ssyncadd.s32 @!p1 $0xFFFFE700;
	s18 =	sadd.s32 @!p1 $0x2D10, s14  }
0x109: {  	[spmem:s16] =	stream.indirect.scatter.add.f32 @!p1 [tilespmem:s20], [sflag:$0x7], $0x80, s18, s19, $0xb8;
	[tilespmem:$0x1F400] =	vst v63  }
0x10a: {  	s18 =	simm.s32 @!p1 $0x6  }
0x10b: {  	_ =	swait.ge @!p1 [sflag:s18], $0x1900  }
0x10c: {  	[sflag:s18] =	ssyncset.done @!p1 $0x0  }
0x10d: {  	s14 =	sadd.s32 @!p1 $0x1F8, s14;
	[sflag:s18] =	ssyncadd.s32 @!p1 $0xFFFFE700;
	s18 =	simm.s32 @!p1 $0x1A900  }
0x10e: {  	[tilespmem:s18], [sflag:$0x2] =	stream.indirect.gather @!p1 [hbm4b:s17+s19], $0x80, s14, s19, $0xb8;
	[tilespmem:$0x1F400] =	vst v63  }
0x10f: {  	_ =	swait.ge [sflag:s15], $0x1900  }
0x110: {  	[sflag:s15] =	ssyncset.done $0x0  }
.Ltmp3:
0x111: {  	s20 =	sadd.s32 $0x2D48, s12;
	[sflag:s15] =	ssyncadd.s32 $0xFFFFE700;
	(pc) =	sbr.rel @p1 .LBB2_6-.Ltmp3, $4  }
0x112: {  	[spmem:s16] =	stream.indirect.scatter.add.f32 [tilespmem:s9], [sflag:$0x8], $0x80, s20, s5, $0xb8;
	[tilespmem:$0x1F400] =	vst v63  }
0x113: {  	_ =	swait.ge [sflag:s13], $0x1900  }
0x114: {  	[sflag:s13] =	ssyncset.done $0x0  }
0x115: {  	[sflag:s13] =	ssyncadd.s32 $0xFFFFE700  }
.Ltmp4:
0x116: {  	(pc) =	sbr.rel .LBB2_4-.Ltmp4, $3  }
0x117: {  	_ =	sdelay $0x1  }
0x118: {  	s12 =	sadd.s32 $0x230, s12;
	s1 =	sadd.s32 $0x380, s1  }
0x119: {  	[tilespmem:s7], [sflag:$0x3] =	stream.indirect.gather [hbm4b:s17+s5], $0x80, s12, s5, $0xb8;
	[tilespmem:$0x1F400] =	vst v63  }
.LBB2_7:
0x11a: {  	_ =	sfence.sel $0x180000  }
0x11b: {  	[bflag:$0x0] =	sbarrier.arrive $0xFFFF  }
0x11c: {  	_ =	strace $0x9000004D  }
0x11d: {  	s0 =	stileid.u32;
	[bflag:$0x2] =	sbarrier.arrive $0xFFFF  }
0x11e: {  	p0 =	sne.s32 s0, $0x0;
	s0 =	rddreg [dreg:$0x2]  }
0x11f: {  	s0 =	sadd.s32 @!p0 $0x100000, s0  }
0x120: {  	[sflag:s0] =	ssyncadd.tile.s32 @!p0 $0x1;
	_ =	shalt  }
.Lfunc_end2:
_tile_overlayer_lowered:
.L_overlay_start_2:
0x121: {  	(tag) =	ssettag $0x2  }
0x122: {  	s0 =	rddreg [dreg:$0x0];
	s2 =	stileid.u32  }
0x123: {  	s1 =	rddreg [dreg:$0x1];
	p0 =	sne.s32 s2, $0x0  }
0x124: {  	s3 =	rddreg [dreg:$0x2];
	[bflag:$0x3] =	sbarrier.arrive $0xFFFF;
	s2 =	simm.s32 @!p0 $0x1C09  }
0x125: {  	[timem:s3], [sflag:s2] =	dma.local @!p0 [hbm:s0], s1  }
0x126: {  	s0 =	simm.s32 @!p0 $0x9  }
0x127: {  	_ =	swait.ge @!p0 [sflag:s0], s1  }
0x128: {  	s1 =	ssub.s32 @!p0 $0x0, s1;
	[sflag:s0] =	ssyncset.done @!p0 $0x0  }
0x129: {  	[sflag:s0] =	ssyncadd.s32 @!p0 s1  }
0x12a: {  	[bflag:$0x3] =	sbarrier.arrive $0xFFFF  }
0x12b: {  	_ =	shalt  }

// kernel: kernel.18.cloned.1.call-start
scs
__scs_entry_jumppad:
0x0: {  	(pc) =	sbr.rel $0x88, $3  }
0x1: {  	(tag) =	ssettag $0x0;
	lr =	simm.s32 $0x1  }
0x2: {  	[smem:$0x3F96] =	sst lr;
	_ =	strace $0xD0000000  }
0x3: {  	_ = 	snop  }
0x4: {  	_ = 	snop  }
0x5: {  	_ = 	snop  }
0x6: {  	_ = 	snop  }
0x7: {  	_ = 	snop  }
__scs_overlays_trampoline_lowered:
0x8: {  	[smem:$0x3FA5] =	sst s0  }
0x9: {  	[smem:$0x3FA6] =	sst s1  }
0xa: {  	[smem:$0x3FA7] =	sst s2  }
0xb: {  	[smem:$0x3FA8] =	sst s3  }
0xc: {  	[smem:$0x3FA9] =	sst s4  }
0xd: {  	[smem:$0x3FAA] =	sst s5  }
0xe: {  	[smem:$0x3FAB] =	sst s6  }
0xf: {  	[smem:$0x3FAC] =	sst s7  }
0x10: {  	[smem:$0x3FAD] =	sst s8  }
0x11: {  	[smem:$0x3FAE] =	sst s9;
	s0 =	simm.s32 @!p0 $0x0  }
0x12: {  	s1 =	sld [smem:$0x3F94];
	s0 =	simm.s32 @p0 $0x1  }
0x13: {  	[smem:$0x3FAF] =	sst s0;
	s0 =	simm.s32 @!p1 $0x0  }
0x14: {  	s2 =	sld [smem:$0x3F93];
	s0 =	simm.s32 @p1 $0x1  }
0x15: {  	[smem:$0x3FB0] =	sst s0;
	s0 =	simm.s32 @!p2 $0x0  }
0x16: {  	s3 =	sld [smem:$0x3FDB];
	s0 =	simm.s32 @p2 $0x1  }
0x17: {  	s4 =	simm.s32 $0x1BF5;
	[smem:$0x3FB2] =	sst s0  }
0x18: {  	s0 =	sld [smem:$0x3F95];
	_ =	swait.ge [sflag:s4], $0x0  }
0x19: {  	s7 =	sld [smem:$0x3F96]  }
0x1a: {  	s8 =	sadd.s32 $0xFFFFE003, lr  }
0x1b: {  	s9 =	sadd.s32 $0xFFFFFEF7, lr;
	s5 =	simm.s32 $0xFFFFFFFF;
	p2 =	slt.u32 s8, $0xFFFFF086  }
0x1c: {  	p1 =	slt.u32 s9, $0xF7A;
	s5 =	simm.s32 @!p2 $0x0  }
0x1d: {  	s5 =	simm.s32 @p1 $0x1;
	p0 =	seq.s32 s7, s2  }
0x1e: {  	s7 =	smul.u32 @!p0 $0xF7A, s2;
	p2 =	seq.s32 @!p0 s5, $0x0  }
0x1f: {  	s9 =	smul.u32 $0xF7A, s1;
	s8 =	simm.s32 @!p0 $0x1BF5;
	p2 =	por !p2, p0  }
0x20: {  	[sflag:s8] =	ssyncset.s32 @!p0 $0xFFFFF086;
	s6 =	sadd.s32 @!p0 s3, s7;
	s7 =	simm.s32 @!p0 $0x108  }
0x21: {  	s3 =	sadd.s32 s3, s9;
	s6 =	sadd.s32 @!p0 $0x88, s6;
	s7 =	simm.s32 @p2 $0x1082  }
0x22: {  	[simem:s7], [sflag:s8] =	dma.local @!p0 [hbm:s6], $0xF7A  }
0x23: {  	s9 =	sor.u32 $0xD0000000, s2;
	s6 =	simm.s32 $0x108;
	_ =	swait.ge @!p0 [sflag:s8], $0x0  }
0x24: {  	s3 =	sadd.s32 $0x88, s3;
	s6 =	simm.s32 @!p1 $0x1082;
	[sflag:s4] =	ssyncset.s32 $0xFFFFF086  }
0x25: {  	[simem:s6], [sflag:s4] =	dma.local [hbm:s3], $0xF7A  }
0x26: {  	[smem:$0x3F96] =	sst s1;
	(tag) =	ssettag s2;
	_ =	strace s9  }
0x27: {  	s1 =	sld [smem:$0x3FA6]  }
0x28: {  	s2 =	sld [smem:$0x3FA7]  }
0x29: {  	s4 =	sld [smem:$0x3FA9]  }
0x2a: {  	p0 =	seq.s32 s5, $0x0;
	s5 =	sld [smem:$0x3FAA]  }
0x2b: {  	s6 =	sld [smem:$0x3FAB]  }
0x2c: {  	s7 =	sld [smem:$0x3FAC]  }
0x2d: {  	s3 =	simm.s32 $0x108;
	s8 =	sld [smem:$0x3FAD]  }
0x2e: {  	s3 =	simm.s32 @!p0 $0x1082;
	s9 =	sld [smem:$0x3FAE]  }
0x2f: {  	lr =	sadd.s32 s0, s3;
	s0 =	sld [smem:$0x3FA5]  }
0x30: {  	s3 =	sld [smem:$0x3FA8]  }
0x31: {  	[smem:$0x3FB1] =	sst s10  }
0x32: {  	s10 =	sld [smem:$0x3FAF];
	_ =	sdelay $0x3  }
0x33: {  	p0 =	seq.s32 s10, $0x1;
	s10 =	sld [smem:$0x3FB1];
	_ =	sdelay $0x3  }
0x34: {  	[smem:$0x3FB1] =	sst s10  }
0x35: {  	s10 =	sld [smem:$0x3FB0];
	_ =	sdelay $0x3  }
0x36: {  	p1 =	seq.s32 s10, $0x1;
	s10 =	sld [smem:$0x3FB1];
	_ =	sdelay $0x3  }
0x37: {  	[smem:$0x3FB1] =	sst s10  }
0x38: {  	s10 =	sld [smem:$0x3FB2]  }
0x39: {  	_ = 	snop;
	(pc) =	sbr.ind lr, $3  }
0x3a: {  	_ = 	snop  }
0x3b: {  	_ = 	snop  }
0x3c: {  	p2 =	seq.s32 s10, $0x1;
	s10 =	sld [smem:$0x3FB1]  }
0x3d: {  	_ =	shalt  }
0x3e: {  	_ =	shalt  }
0x3f: {  	_ =	shalt  }
0x40: {  	_ =	shalt  }
0x41: {  	_ =	shalt  }
0x42: {  	_ =	shalt  }
0x43: {  	_ =	shalt  }
0x44: {  	_ =	shalt  }
0x45: {  	_ =	shalt  }
0x46: {  	_ =	shalt  }
0x47: {  	_ =	shalt  }
0x48: {  	_ =	shalt  }
0x49: {  	_ =	shalt  }
0x4a: {  	_ =	shalt  }
0x4b: {  	_ =	shalt  }
0x4c: {  	_ =	shalt  }
0x4d: {  	_ =	shalt  }
0x4e: {  	_ =	shalt  }
0x4f: {  	_ =	shalt  }
0x50: {  	_ =	shalt  }
0x51: {  	_ =	shalt  }
0x52: {  	_ =	shalt  }
0x53: {  	_ =	shalt  }
0x54: {  	_ =	shalt  }
0x55: {  	_ =	shalt  }
0x56: {  	_ =	shalt  }
0x57: {  	_ =	shalt  }
0x58: {  	_ =	shalt  }
0x59: {  	_ =	shalt  }
0x5a: {  	_ =	shalt  }
0x5b: {  	_ =	shalt  }
0x5c: {  	_ =	shalt  }
0x5d: {  	_ =	shalt  }
0x5e: {  	_ =	shalt  }
0x5f: {  	_ =	shalt  }
0x60: {  	_ =	shalt  }
0x61: {  	_ =	shalt  }
0x62: {  	_ =	shalt  }
0x63: {  	_ =	shalt  }
0x64: {  	_ =	shalt  }
0x65: {  	_ =	shalt  }
0x66: {  	_ =	shalt  }
0x67: {  	_ =	shalt  }
0x68: {  	_ =	shalt  }
0x69: {  	_ =	shalt  }
0x6a: {  	_ =	shalt  }
0x6b: {  	_ =	shalt  }
0x6c: {  	_ =	shalt  }
0x6d: {  	_ =	shalt  }
0x6e: {  	_ =	shalt  }
0x6f: {  	_ =	shalt  }
0x70: {  	_ =	shalt  }
0x71: {  	_ =	shalt  }
0x72: {  	_ =	shalt  }
0x73: {  	_ =	shalt  }
0x74: {  	_ =	shalt  }
0x75: {  	_ =	shalt  }
0x76: {  	_ =	shalt  }
0x77: {  	_ =	shalt  }
0x78: {  	_ =	shalt  }
0x79: {  	_ =	shalt  }
0x7a: {  	_ =	shalt  }
0x7b: {  	_ =	shalt  }
0x7c: {  	_ =	shalt  }
0x7d: {  	_ =	shalt  }
0x7e: {  	_ =	shalt  }
0x7f: {  	_ =	shalt  }
0x80: {  	_ =	shalt  }
0x81: {  	_ =	shalt  }
0x82: {  	_ =	shalt  }
0x83: {  	_ =	shalt  }
0x84: {  	_ =	shalt  }
0x85: {  	_ =	shalt  }
0x86: {  	_ =	shalt  }
0x87: {  	_ =	shalt  }
.Lfunc_end0:
.L_simem_size_0:
called_computation.3_lowered:
.L_overlay_start_0:
0x88: {  	s2 =	sld [smem:$0x3FD9]  }
0x89: {  	s3 =	sld [smem:$0x3FFE];
	_ =	sdelay $0x1  }
0x8a: {  	s1 =	srdreg.scid  }
0x8b: {  	s0 =	sand.u32 $0x1, s1  }
0x8c: {  	s17 =	sshll.u32 s0, $0xA;
	s2 =	sadd.s32 s3, s2  }
0x8d: {  	s2 =	sadd.s32 s2, s17  }
0x8e: {  	[smem:$0x3FBD] =	sst s2  }
0x8f: {  	_ = 	snop  }
0x90: {  	s2 =	sld [smem:$0x3FD0];
	(tm) =	ssettm $0x1  }
0x91: {  	s18 =	sld [smem:$0x3FFB];
	_ =	sdelay $0x3  }
0x92: {  	_ =	strace s18  }
0x93: {  	s3 =	sld [smem:$0x3FFC];
	_ =	sdelay $0x3  }
0x94: {  	_ =	strace s3  }
0x95: {  	s3 =	sld [smem:$0x3FFD];
	_ =	sdelay $0x3  }
0x96: {  	_ =	strace s3  }
0x97: {  	_ =	strace $0x8FFFFFFF  }
0x98: {  	s19 =	sld [smem:$0x3FDB];
	_ =	sdelay $0x1  }
0x99: {  	s4 =	simm.s32 $_scs_section_size  }
0x9a: {  	s5 =	simm.s32 $_size__tile_overlayer_lowered;
	s6 =	simm.s32 $_tile_overlayer_lowered  }
0x9b: {  	s22 =	simm.s32 $0x1BFF;
	s21 =	sshll.u32 s6, $0x1;
	s3 =	sadd.s32 s4, s19  }
0x9c: {  	s7 =	simm.s32 $0x0;
	s20 =	sshll.u32 s5, $0x1;
	s5 =	sadd.s32 s21, s3  }
0x9d: {  	[timem:s7], [sflag:s22] =	dma.local [hbm:s5], s20  }
0x9e: {  	_ =	swait.ge [sflag:s22], s20  }
0x9f: {  	s4 =	ssub.s32 $0x0, s20;
	[sflag:s22] =	ssyncset.done $0x0  }
0xa0: {  	[sflag:s22] =	ssyncadd.s32 s4;
	_ =	sdelay $0x1  }
0xa1: {  	s23 =	simm.s32 $0x1B8B  }
0xa2: {  	_ =	swait.ge [sflag:s23], $0x1  }
0xa3: {  	[sflag:s23] =	ssyncset.done $0x0  }
0xa4: {  	s25 =	simm.s32 $0x1B8E;
	s24 =	sld [smem:$0x3FFE];
	[sflag:s23] =	ssyncadd.s32 $0xFFFFFFFF  }
0xa5: {  	s26 =	simm.s32 $execute0_lowered;
	[smem:$0x3FD2] =	sst s25  }
0xa6: {  	s5 =	sshll.u32 s26, $0x1;
	_ =	strace $0x8000004F;
	[dreg:$0x1] =	wrdreg $0xFFFFFFFF  }
0xa7: {  	s28 =	simm.s32 $_size_execute0_lowered;
	s3 =	sadd.s32 s3, s5;
	[dreg:$0x0] =	wrdreg $0x0  }
0xa8: {  	s5 =	sshll.u32 s28, $0x1;
	[dreg:$0x2] =	wrdreg s3  }
0xa9: {  	[dreg:$0x3] =	wrdreg s5  }
0xaa: {  	[dreg:$0x4] =	wrdreg $0xC0  }
0xab: {  	_ =	task [dreg:s7], $0x5FFFF  }
0xac: {  	[dreg:$0x1] =	wrdreg $0xFFFFFFFF  }
0xad: {  	[dreg:$0x0] =	wrdreg $0x60  }
0xae: {  	[dreg:$0x2] =	wrdreg s2  }
0xaf: {  	[dreg:$0x3] =	wrdreg s24  }
0xb0: {  	[dreg:$0x4] =	wrdreg $0x57800  }
0xb1: {  	[dreg:$0x5] =	wrdreg $0x9  }
0xb2: {  	_ =	task.clear_ibuf [dreg:s7], $0x6FFFF;
	_ =	strace $0x9000004F  }
0xb3: {  	s29 =	simm.s32 $0x9;
	_ =	strace $0x80000051  }
0xb4: {  	_ =	swait.ge [sflag:s29], $0x1  }
0xb5: {  	[sflag:s29] =	ssyncadd.s32 $0xFFFFFFFF  }
0xb6: {  	_ =	strace $0x90000051  }
0xb7: {  	_ =	sfence  }
0xb8: {  	s30 =	sld [smem:$0x0];
	_ =	sdelay $0x2  }
0xb9: {  	s31 =	sshll.u32 s1, $0xD;
	s1 =	sshrl.u32 s1, $0x2  }
0xba: {  	s3 =	sand.u32 $0x4000, s31;
	s1 =	sadd.s32 s1, s30  }
0xbb: {  	s0 =	sor.u32 s3, s0;
	s1 =	sshll.u32 s1, $0x11  }
0xbc: {  	s0 =	sor.u32 s1, s0  }
0xbd: {  	s0 =	sadd.s32 $0x8F2B, s0  }
0xbe: {  	[sflag:s0] =	ssyncadd.remote.s32 $0x1  }
0xbf: {  	_ =	sfence.sel $0xFFFF  }
0xc0: {  	[dreg:$0x0] =	wrdreg $0xFFFFFFFF;
	(pc) =	sbr.abs _section_cstart, $3  }
0xc1: {  	[dreg:$0x1] =	wrdreg $0xFFFFFFFF  }
0xc2: {  	_ =	task.clear_ibuf [dreg:s7], $0x2FFFF;
	_ =	strace $0x9FFFFFFF  }
0xc3: {  	(tm) =	ssettm $0x7FFFFFFF  }
tec
execute0_lowered:
.L_overlay_start_1:
0x0: {  	(tag) =	ssettag $0x1  }
0x1: {  	s0 =	srdreg.scid;
	s18 =	stileid.u32  }
0x2: {  	s0 =	sand.u32 $0x1, s0;
	s2 =	smul.u32 $0x32, s18  }
0x3: {  	s5 =	sor.u32 $0x20, s18;
	s13 =	smul.u32 $0x2710, s0  }
0x4: {  	s12 =	sor.u32 $0x40, s18;
	s4 =	smul.u32 $0x32, s5  }
0x5: {  	s7 =	sor.u32 $0x50, s18;
	s11 =	smul.u32 $0x32, s12  }
0x6: {  	s8 =	sor.u32 $0x60, s18;
	s19 =	smul.u32 $0x32, s7  }
0x7: {  	s9 =	sor.u32 $0x70, s18;
	s20 =	smul.u32 $0x32, s8  }
0x8: {  	s10 =	sor.u32 $0x80, s18;
	s21 =	smul.u32 $0x32, s9  }
0x9: {  	s22 =	smul.u32 $0x32, s10  }
0xa: {  	s5 =	smul.u32 $0x2580, s5  }
0xb: {  	s1 =	sshll.u32 s0, $0x4;
	s12 =	smul.u32 $0x2580, s12  }
0xc: {  	s7 =	smul.u32 $0x2580, s7;
	s1 =	sor.u32 s18, s1  }
0xd: {  	s3 =	sor.u32 $0x10, s18;
	s14 =	smul.u32 $0x2BC0, s1  }
0xe: {  	s1 =	smul.u32 $0x2580, s3  }
0xf: {  	s2 =	sadd.s32 s2, s13;
	s3 =	smul.u32 $0x32, s3  }
0x10: {  	s24 =	sadd.s32 s13, s4;
	s15 =	smul.u32 $0x6, s2  }
0x11: {  	s23 =	sadd.s32 s13, s11;
	s11 =	sor.u32 $0xC0, s18;
	s17 =	smul.u32 $0x6, s24  }
0x12: {  	s28 =	smul.u32 $0x32, s11  }
0x13: {  	s20 =	sadd.s32 s13, s20;
	s23 =	smul.u32 $0x6, s23  }
0x14: {  	s20 =	smul.u32 $0x6, s20  }
0x15: {  	s2 =	sor.u32 $0x30, s18;
	s11 =	smul.u32 $0x2580, s11  }
0x16: {  	s30 =	simm.s32 $0x0;
	s6 =	smul.u32 $0x32, s2  }
0x17: {  	s0 =	ssub.s32 $0x2, s0;
	s3 =	sadd.s32 s13, s3;
	s2 =	smul.u32 $0x2580, s2  }
0x18: {  	s26 =	sshrl.u32 s0, $0x1;
	s16 =	smul.u32 $0x6, s3;
	s3 =	sor.u32 $0xB0, s18  }
0x19: {  	s31 =	rddreg [dreg:$0x1];
	s0 =	ssub.s32 s0, s26;
	s26 =	smul.u32 $0x32, s3  }
0x1a: {  	[smem:$0x7FF] =	sst s30;
	s25 =	sadd.s32 s13, s6;
	s3 =	smul.u32 $0x2580, s3  }
0x1b: {  	p0 =	sgt.u32 s18, $0x7;
	s6 =	sor.u32 $0x90, s18;
	s29 =	smul.u32 $0x6, s25  }
0x1c: {  	s4 =	sor.u32 $0xA0, s18;
	s19 =	sadd.s32 s13, s19;
	s24 =	smul.u32 $0x32, s6  }
0x1d: {  	s21 =	sadd.s32 s13, s21;
	s22 =	sadd.s32 s13, s22;
	s25 =	smul.u32 $0x32, s4  }
0x1e: {  	s5 =	sshrl.u32 s5, $0x2;
	s0 =	smax.u32 s0, $0x1;
	s6 =	smul.u32 $0x2580, s6  }
0x1f: {  	s1 =	sshrl.u32 s1, $0x2;
	s28 =	sadd.s32 s13, s28;
	s4 =	smul.u32 $0x2580, s4  }
0x20: {  	s26 =	sadd.s32 s13, s26;
	s24 =	sadd.s32 s13, s24;
	s25 =	sadd.s32 s13, s25  }
0x21: {  	s13 =	sshrl.u32 s14, $0x3;
	s14 =	smul.u32 $0x6, s19;
	s19 =	sadd.s32 $0x2D800, s31  }
0x22: {  	s13 =	sadd.s32 s13, s31;
	s15 =	sadd.s32 s19, s15;
	s31 =	smul.u32 $0x6, s24  }
0x23: {  	s16 =	sadd.s32 s19, s16;
	[dreg:$0x4] =	wrdreg s15;
	s15 =	smul.u32 $0x6, s21  }
0x24: {  	s17 =	sadd.s32 s19, s17;
	[dreg:$0x5] =	wrdreg s16;
	s16 =	smul.u32 $0x6, s22  }
0x25: {  	s23 =	sadd.s32 s19, s23;
	[dreg:$0x6] =	wrdreg s17;
	s22 =	smul.u32 $0x6, s25  }
0x26: {  	s21 =	sadd.s32 s19, s29;
	[dreg:$0x8] =	wrdreg s23;
	s23 =	smul.u32 $0x6, s26  }
0x27: {  	s14 =	sadd.s32 s19, s14;
	s25 =	smul.u32 $0x6, s28;
	[dreg:$0x7] =	wrdreg s21  }
0x28: {  	s26 =	smul.u32 $0x2580, s18;
	[dreg:$0x9] =	wrdreg s14;
	s21 =	sadd.s32 s19, s20  }
0x29: {  	s17 =	smul.u32 $0x2580, s8;
	s14 =	sadd.s32 s19, s31;
	[dreg:$0xa] =	wrdreg s21  }
0x2a: {  	s3 =	sshrl.u32 s3, $0x2;
	s20 =	smul.u32 $0x2580, s9;
	[dreg:$0xd] =	wrdreg s14  }
0x2b: {  	s15 =	sadd.s32 s19, s15;
	s16 =	sadd.s32 s19, s16;
	s14 =	rddreg [dreg:$0x0]  }
0x2c: {  	s24 =	sadd.s32 s19, s22;
	s31 =	sshrl.u32 s26, $0x2;
	[dreg:$0xb] =	wrdreg s15  }
0x2d: {  	s26 =	sshrl.u32 s7, $0x2;
	s7 =	simm.s32 $0xDF70;
	[dreg:$0xc] =	wrdreg s16  }
0x2e: {  	[dreg:$0xe] =	wrdreg s24;
	s16 =	sadd.s32 s19, s23;
	s15 =	sadd.s32 s19, s25  }
0x2f: {  	s19 =	sshrl.u32 s12, $0x2;
	s8 =	sshrl.u32 s20, $0x2;
	[dreg:$0xf] =	wrdreg s16  }
0x30: {  	s12 =	sshrl.u32 s4, $0x2;
	s20 =	sadd.s32 $0x22900, s13;
	s16 =	rddreg [dreg:$0x2]  }
0x31: {  	s4 =	simm.s32 $0x8;
	[dreg:$0x10] =	wrdreg s15;
	s15 =	sshrl.u32 s2, $0x2  }
0x32: {  	s2 =	sshrl.u32 s17, $0x2;
	s17 =	sshrl.u32 s11, $0x2;
	s11 =	simm.s32 $0x5  }
0x33: {  	_ =	strace $0x80000050;
	s21 =	sadd.s32 s31, s16;
	s22 =	sadd.s32 s1, s16  }
0x34: {  	s23 =	sadd.s32 s5, s16;
	s24 =	sadd.s32 s15, s16;
	s25 =	sadd.s32 s19, s16  }
0x35: {  	s31 =	smul.u32 $0x2580, s10;
	s26 =	sadd.s32 s26, s16;
	s28 =	sadd.s32 s2, s16  }
0x36: {  	s29 =	sadd.s32 s8, s16;
	s10 =	sshrl.u32 s6, $0x2;
	s1 =	sadd.s32 s12, s16  }
0x37: {  	s15 =	sadd.s32 s3, s16;
	s19 =	sadd.s32 $0x17A00, s13;
	[dreg:$0x16] =	wrdreg s20  }
0x38: {  	[dreg:$0x17] =	wrdreg s0;
	s2 =	simm.s32 $0xCCB0;
	s3 =	simm.s32 $0x9  }
0x39: {  	s5 =	simm.s32 $0x32;
	s6 =	simm.s32 $0xD610;
	[dreg:$0x12] =	wrdreg s1  }
.Ltmp0:
0x3a: {  	s8 =	simm.s32 $0x1;
	[dreg:$0x13] =	wrdreg s15;
	(pc) =	sbr.rel .LBB2_1-.Ltmp0, $4  }
0x3b: {  	s13 =	simm.s32 $0x7;
	s1 =	sadd.s32 s17, s16;
	[dreg:$0x15] =	wrdreg s19  }
0x3c: {  	s17 =	simm.s32 $0x4;
	s9 =	sshrl.u32 s31, $0x2;
	s31 =	sadd.s32 s10, s16  }
0x3d: {  	[dreg:$0x14] =	wrdreg s1;
	s10 =	simm.s32 $0x2;
	s1 =	simm.s32 $0x0  }
0x3e: {  	v0 =	vimm.f32 $0.0e+00;
	s30 =	sadd.s32 s9, s16;
	s9 =	simm.s32 $0xE8D0;
	[dreg:$0x11] =	wrdreg s31  }
.LBB2_6:
0x3f: {  	_ =	swait.ge [sflag:s4], $0x960  }
0x40: {  	[sflag:s4] =	ssyncset.done $0x0  }
0x41: {  	s0 =	stileid.u32;
	[sflag:s4] =	ssyncadd.s32 $0xFFFFF6A0  }
0x42: {  	s0 =	sshll.u32 s0, $0x6;
	[bflag:$0x0] =	sbarrier.arrive $0xFFFF  }
0x43: {  	s12 =	sshrl.u32 s21, $0x3;
	s0 =	sor.u32 $0x1C09, s0;
	s15 =	rddreg [dreg:$0x4]  }
0x44: {  	[hbm:s15], [sflag:s0] =	dma.local [spmem:s12], $0x12C  }
0x45: {  	_ =	swait.ge [sflag:s3], $0x12C  }
0x46: {  	[sflag:s3] =	ssyncset.done $0x0  }
0x47: {  	s19 =	sshrl.u32 s22, $0x3;
	s20 =	rddreg [dreg:$0x5];
	[sflag:s3] =	ssyncadd.s32 $0xFFFFFED4  }
0x48: {  	[hbm:s20], [sflag:s0] =	dma.local [spmem:s19], $0x12C  }
0x49: {  	_ =	swait.ge [sflag:s3], $0x12C  }
0x4a: {  	[sflag:s3] =	ssyncset.done $0x0  }
0x4b: {  	s15 =	sshrl.u32 s23, $0x3;
	s18 =	rddreg [dreg:$0x6];
	[sflag:s3] =	ssyncadd.s32 $0xFFFFFED4  }
0x4c: {  	[hbm:s18], [sflag:s0] =	dma.local [spmem:s15], $0x12C  }
0x4d: {  	_ =	swait.ge [sflag:s3], $0x12C  }
0x4e: {  	[sflag:s3] =	ssyncset.done $0x0  }
0x4f: {  	s19 =	sshrl.u32 s24, $0x3;
	s20 =	rddreg [dreg:$0x7];
	[sflag:s3] =	ssyncadd.s32 $0xFFFFFED4  }
0x50: {  	[hbm:s20], [sflag:s0] =	dma.local [spmem:s19], $0x12C  }
0x51: {  	_ =	swait.ge [sflag:s3], $0x12C  }
0x52: {  	[sflag:s3] =	ssyncset.done $0x0  }
0x53: {  	s15 =	sshrl.u32 s25, $0x3;
	s18 =	rddreg [dreg:$0x8];
	[sflag:s3] =	ssyncadd.s32 $0xFFFFFED4  }
0x54: {  	[hbm:s18], [sflag:s0] =	dma.local [spmem:s15], $0x12C  }
0x55: {  	_ =	swait.ge [sflag:s3], $0x12C  }
0x56: {  	[sflag:s3] =	ssyncset.done $0x0  }
0x57: {  	s19 =	sshrl.u32 s26, $0x3;
	s20 =	rddreg [dreg:$0x9];
	[sflag:s3] =	ssyncadd.s32 $0xFFFFFED4  }
0x58: {  	[hbm:s20], [sflag:s0] =	dma.local [spmem:s19], $0x12C  }
0x59: {  	_ =	swait.ge [sflag:s3], $0x12C  }
0x5a: {  	[sflag:s3] =	ssyncset.done $0x0  }
0x5b: {  	s15 =	sshrl.u32 s28, $0x3;
	s18 =	rddreg [dreg:$0xa];
	[sflag:s3] =	ssyncadd.s32 $0xFFFFFED4  }
0x5c: {  	[hbm:s18], [sflag:s0] =	dma.local [spmem:s15], $0x12C  }
0x5d: {  	_ =	swait.ge [sflag:s3], $0x12C  }
0x5e: {  	[sflag:s3] =	ssyncset.done $0x0  }
0x5f: {  	s19 =	sshrl.u32 s29, $0x3;
	s20 =	rddreg [dreg:$0xb];
	[sflag:s3] =	ssyncadd.s32 $0xFFFFFED4  }
0x60: {  	[hbm:s20], [sflag:s0] =	dma.local [spmem:s19], $0x12C  }
0x61: {  	_ =	swait.ge [sflag:s3], $0x12C  }
0x62: {  	[sflag:s3] =	ssyncset.done $0x0  }
0x63: {  	s18 =	sshrl.u32 s30, $0x3;
	s19 =	rddreg [dreg:$0xc];
	[sflag:s3] =	ssyncadd.s32 $0xFFFFFED4  }
0x64: {  	[hbm:s19], [sflag:s0] =	dma.local [spmem:s18], $0x12C  }
0x65: {  	_ =	swait.ge [sflag:s3], $0x12C  }
0x66: {  	[sflag:s3] =	ssyncset.done $0x0  }
0x67: {  	s20 =	sshrl.u32 s31, $0x3;
	s31 =	rddreg [dreg:$0xd];
	[sflag:s3] =	ssyncadd.s32 $0xFFFFFED4  }
0x68: {  	[hbm:s31], [sflag:s0] =	dma.local [spmem:s20], $0x12C  }
0x69: {  	_ =	swait.ge [sflag:s3], $0x12C  }
0x6a: {  	[sflag:s3] =	ssyncset.done $0x0;
	s15 =	rddreg [dreg:$0x12]  }
0x6b: {  	s18 =	rddreg [dreg:$0xe];
	[sflag:s3] =	ssyncadd.s32 $0xFFFFFED4;
	s12 =	sshrl.u32 s15, $0x3  }
0x6c: {  	[hbm:s18], [sflag:s0] =	dma.local [spmem:s12], $0x12C  }
0x6d: {  	_ =	swait.ge [sflag:s3], $0x12C  }
0x6e: {  	[sflag:s3] =	ssyncset.done $0x0;
	s19 =	rddreg [dreg:$0x13]  }
0x6f: {  	s20 =	rddreg [dreg:$0xf];
	[sflag:s3] =	ssyncadd.s32 $0xFFFFFED4;
	s12 =	sshrl.u32 s19, $0x3  }
0x70: {  	[hbm:s20], [sflag:s0] =	dma.local [spmem:s12], $0x12C  }
0x71: {  	_ =	swait.ge [sflag:s3], $0x12C  }
0x72: {  	[sflag:s3] =	ssyncset.done $0x0;
	s12 =	rddreg [dreg:$0x14]  }
0x73: {  	s15 =	rddreg [dreg:$0x10];
	[sflag:s3] =	ssyncadd.s32 $0xFFFFFED4;
	s12 =	sshrl.u32 @!p0 s12, $0x3  }
0x74: {  	[hbm:s15], [sflag:s0] =	dma.local @!p0 [spmem:s12], $0x12C  }
0x75: {  	s0 =	simm.s32 @!p0 $0x9  }
0x76: {  	_ =	swait.ge @!p0 [sflag:s0], $0x12C  }
0x77: {  	s1 =	sadd.s32 $0x1, s1;
	s31 =	rddreg [dreg:$0x17]  }
0x78: {  	p1 =	sne.s32 s1, s31  }
.Ltmp1:
0x79: {  	_ = 	snop;
	(pc) =	sbr.rel @!p1 .LBB2_7-.Ltmp1, $3  }
0x7a: {  	_ =	sdelay $0x1  }
0x7b: {  	[sflag:s0] =	ssyncset.done @!p0 $0x0  }
0x7c: {  	[sflag:s0] =	ssyncadd.s32 @!p0 $0xFFFFFED4  }
.LBB2_1:
0x7d: {  	s0 =	simm.s32 $0x0  }
0x7e: {  	s0 =	smul.u32 $0xAB, s0;
	_ =	sdelay $0x1  }
0x7f: {  	s31 =	smov.u32 s30;
	s30 =	smov.u32 s29;
	s0 =	sshrl.u32 s0, $0x9  }
0x80: {  	s29 =	smov.u32 s28;
	s28 =	smov.u32 s26;
	s12 =	sand.u32 $0x7F, s0  }
0x81: {  	s26 =	smov.u32 s25;
	s0 =	simm.s32 $0x1;
	s15 =	smul.u32 $0x3, s12  }
0x82: {  	s25 =	smov.u32 s24;
	s24 =	smov.u32 s23;
	s18 =	smul.u32 $0xAB, s0  }
0x83: {  	s23 =	smov.u32 s22;
	s20 =	smul.u32 $0xC0, s12;
	s15 =	ssub.s32 $0x0, s15  }
0x84: {  	s22 =	smov.u32 s21;
	s12 =	simm.s32 $0x2;
	s21 =	sand.u32 $0xFF, s15  }
0x85: {  	s19 =	sshrl.u32 s18, $0x9;
	s15 =	sshrl.u32 s20, $0x2;
	s18 =	sshll.u32 s21, $0x4  }
.LBB2_2:
0x86: {  	s20 =	smul.u32 $0xAB, s12;
	s19 =	sand.u32 $0x7F, s19  }
0x87: {  	s15 =	sadd.s32 s18, s15;
	p1 =	sne.s32 s12, $0x95;
	s18 =	smul.u32 $0x3, s19  }
.Ltmp2:
0x88: {  	[tilespmem:s15+$0xCCB0] =	vst v0;
	(pc) =	sbr.rel @p1 .LBB2_2-.Ltmp2, $4  }
0x89: {  	s15 =	smul.u32 $0xC0, s19;
	s19 =	smov.u32 s12  }
0x8a: {  	s12 =	sadd.s32 $0x1, s12;
	s0 =	ssub.s32 s0, s18  }
0x8b: {  	s18 =	sand.u32 $0xFF, s0;
	s0 =	smov.u32 s19  }
0x8c: {  	s15 =	sshrl.u32 s15, $0x2;
	s19 =	sshrl.u32 s20, $0x9;
	s18 =	sshll.u32 s18, $0x4  }
0x8d: {  	s12 =	sand.u32 $0x7F, s19  }
0x8e: {  	s19 =	smul.u32 $0x3, s12;
	_ =	sdelay $0x1  }
0x8f: {  	s12 =	smul.u32 $0xC0, s12;
	s0 =	ssub.s32 s0, s19  }
0x90: {  	s0 =	sand.u32 $0xFF, s0  }
0x91: {  	s15 =	sadd.s32 s18, s15;
	s12 =	sshrl.u32 s12, $0x2;
	s0 =	sshll.u32 s0, $0x4  }
0x92: {  	[tilespmem:s15+$0xCCB0] =	vst v0;
	s0 =	sadd.s32 s0, s12  }
0x93: {  	[tilespmem:s0+$0xCCB0] =	vst v0  }
0x94: {  	[spmem:s22] =	stream.linear.scatter [tilespmem:s2], [sflag:$0x9], $0x960, $0x38;
	[tilespmem:$0xF230] =	vst v63  }
0x95: {  	_ =	swait.ge [sflag:s3], $0x960  }
0x96: {  	[sflag:s3] =	ssyncset.done $0x0  }
0x97: {  	[sflag:s3] =	ssyncadd.s32 $0xFFFFF6A0  }
0x98: {  	[spmem:s23] =	stream.linear.scatter [tilespmem:s2], [sflag:$0x9], $0x960, $0x38;
	[tilespmem:$0xF230] =	vst v63  }
0x99: {  	_ =	swait.ge [sflag:s3], $0x960  }
0x9a: {  	[sflag:s3] =	ssyncset.done $0x0  }
0x9b: {  	[sflag:s3] =	ssyncadd.s32 $0xFFFFF6A0  }
0x9c: {  	[spmem:s24] =	stream.linear.scatter [tilespmem:s2], [sflag:$0x9], $0x960, $0x38;
	[tilespmem:$0xF230] =	vst v63  }
0x9d: {  	_ =	swait.ge [sflag:s3], $0x960  }
0x9e: {  	[sflag:s3] =	ssyncset.done $0x0  }
0x9f: {  	[sflag:s3] =	ssyncadd.s32 $0xFFFFF6A0  }
0xa0: {  	[spmem:s25] =	stream.linear.scatter [tilespmem:s2], [sflag:$0x9], $0x960, $0x38;
	[tilespmem:$0xF230] =	vst v63  }
0xa1: {  	_ =	swait.ge [sflag:s3], $0x960  }
0xa2: {  	[sflag:s3] =	ssyncset.done $0x0  }
0xa3: {  	[sflag:s3] =	ssyncadd.s32 $0xFFFFF6A0  }
0xa4: {  	[spmem:s26] =	stream.linear.scatter [tilespmem:s2], [sflag:$0x9], $0x960, $0x38;
	[tilespmem:$0xF230] =	vst v63  }
0xa5: {  	_ =	swait.ge [sflag:s3], $0x960  }
0xa6: {  	[sflag:s3] =	ssyncset.done $0x0  }
0xa7: {  	[sflag:s3] =	ssyncadd.s32 $0xFFFFF6A0  }
0xa8: {  	[spmem:s28] =	stream.linear.scatter [tilespmem:s2], [sflag:$0x9], $0x960, $0x38;
	[tilespmem:$0xF230] =	vst v63  }
0xa9: {  	_ =	swait.ge [sflag:s3], $0x960  }
0xaa: {  	[sflag:s3] =	ssyncset.done $0x0  }
0xab: {  	[sflag:s3] =	ssyncadd.s32 $0xFFFFF6A0  }
0xac: {  	[spmem:s29] =	stream.linear.scatter [tilespmem:s2], [sflag:$0x9], $0x960, $0x38;
	[tilespmem:$0xF230] =	vst v63  }
0xad: {  	_ =	swait.ge [sflag:s3], $0x960  }
0xae: {  	[sflag:s3] =	ssyncset.done $0x0  }
0xaf: {  	[sflag:s3] =	ssyncadd.s32 $0xFFFFF6A0  }
0xb0: {  	[spmem:s30] =	stream.linear.scatter [tilespmem:s2], [sflag:$0x9], $0x960, $0x38;
	[tilespmem:$0xF230] =	vst v63  }
0xb1: {  	_ =	swait.ge [sflag:s3], $0x960  }
0xb2: {  	s21 =	smov.u32 s22;
	s22 =	smov.u32 s23;
	[sflag:s3] =	ssyncset.done $0x0  }
0xb3: {  	s23 =	smov.u32 s24;
	s24 =	smov.u32 s25;
	[sflag:s3] =	ssyncadd.s32 $0xFFFFF6A0  }
0xb4: {  	[spmem:s31] =	stream.linear.scatter [tilespmem:s2], [sflag:$0x9], $0x960, $0x38;
	[tilespmem:$0xF230] =	vst v63  }
0xb5: {  	s25 =	smov.u32 s26;
	s26 =	smov.u32 s28;
	_ =	swait.ge [sflag:s3], $0x960  }
0xb6: {  	s28 =	smov.u32 s29;
	s29 =	smov.u32 s30;
	[sflag:s3] =	ssyncset.done $0x0  }
0xb7: {  	s30 =	smov.u32 s31;
	s31 =	rddreg [dreg:$0x11];
	[sflag:s3] =	ssyncadd.s32 $0xFFFFF6A0  }
0xb8: {  	[spmem:s31] =	stream.linear.scatter [tilespmem:s2], [sflag:$0x9], $0x960, $0x38;
	[tilespmem:$0xF230] =	vst v63  }
0xb9: {  	_ =	swait.ge [sflag:s3], $0x960  }
0xba: {  	[sflag:s3] =	ssyncset.done $0x0  }
0xbb: {  	s12 =	rddreg [dreg:$0x12];
	[sflag:s3] =	ssyncadd.s32 $0xFFFFF6A0  }
0xbc: {  	[spmem:s12] =	stream.linear.scatter [tilespmem:s2], [sflag:$0x9], $0x960, $0x38;
	[tilespmem:$0xF230] =	vst v63  }
0xbd: {  	_ =	swait.ge [sflag:s3], $0x960  }
0xbe: {  	[sflag:s3] =	ssyncset.done $0x0  }
0xbf: {  	s15 =	rddreg [dreg:$0x13];
	[sflag:s3] =	ssyncadd.s32 $0xFFFFF6A0  }
0xc0: {  	[spmem:s15] =	stream.linear.scatter [tilespmem:s2], [sflag:$0x9], $0x960, $0x38;
	[tilespmem:$0xF230] =	vst v63  }
0xc1: {  	_ =	swait.ge [sflag:s3], $0x960  }
0xc2: {  	[sflag:s3] =	ssyncset.done $0x0  }
0xc3: {  	s0 =	simm.s32 @!p0 $0xCCB0;
	s12 =	rddreg [dreg:$0x14];
	[sflag:s3] =	ssyncadd.s32 $0xFFFFF6A0  }
0xc4: {  	[spmem:s12] =	stream.linear.scatter @!p0 [tilespmem:s0], [sflag:$0x9], $0x960, $0x38;
	[tilespmem:$0xF230] =	vst v63  }
0xc5: {  	s0 =	simm.s32 @!p0 $0x9  }
0xc6: {  	_ =	swait.ge @!p0 [sflag:s0], $0x960  }
0xc7: {  	[sflag:s0] =	ssyncset.done @!p0 $0x0  }
0xc8: {  	[sflag:s0] =	ssyncadd.s32 @!p0 $0xFFFFF6A0  }
0xc9: {  	[bflag:$0x0] =	sbarrier.arrive $0xFFFF  }
0xca: {  	s0 =	simm.s32 $0x0;
	s18 =	rddreg [dreg:$0x15]  }
0xcb: {  	[tilespmem:s0], [sflag:$0x9] =	stream.linear.gather [hbm4b:s18+s0], $0x2BC0, $0x38;
	[tilespmem:$0xF230] =	vst v63  }
0xcc: {  	_ =	swait.ge [sflag:s3], $0x2BC0  }
0xcd: {  	[sflag:s3] =	ssyncset.done $0x0  }
0xce: {  	s20 =	simm.s32 $0x2BC0;
	s19 =	rddreg [dreg:$0x16];
	[sflag:s3] =	ssyncadd.s32 $0xFFFFD440  }
0xcf: {  	[tilespmem:s20], [sflag:$0x9] =	stream.linear.gather [hbm4b:s19+s0], $0x2BC0, $0x38;
	[tilespmem:$0xF230] =	vst v63  }
0xd0: {  	_ =	swait.ge [sflag:s3], $0x2BC0  }
0xd1: {  	[sflag:s3] =	ssyncset.done $0x0  }
0xd2: {  	[sflag:s3] =	ssyncadd.s32 $0xFFFFD440  }
0xd3: {  	[tilespmem:s2], [sflag:$0x1] =	stream.indirect.gather [hbm4b:s14+s5], $0x30, s0, s5, $0xb8;
	[tilespmem:$0xF230] =	vst v63  }
0xd4: {  	s18 =	simm.s32 $0x38  }
0xd5: {  	[tilespmem:s6], [sflag:$0x2] =	stream.indirect.gather [hbm4b:s14+s5], $0x30, s18, s5, $0xb8;
	[tilespmem:$0xF230] =	vst v63  }
0xd6: {  	s19 =	simm.s32 $0x70  }
0xd7: {  	[tilespmem:s7], [sflag:$0x3] =	stream.indirect.gather [hbm4b:s14+s5], $0x30, s19, s5, $0xb8;
	[tilespmem:$0xF230] =	vst v63  }
0xd8: {  	_ =	swait.ge [sflag:s8], $0x960  }
0xd9: {  	[sflag:s8] =	ssyncset.done $0x0  }
0xda: {  	[sflag:s8] =	ssyncadd.s32 $0xFFFFF6A0  }
0xdb: {  	[spmem:s16] =	stream.indirect.scatter.add.f32 [tilespmem:s2], [sflag:$0x5], $0x30, s20, s5, $0xb8;
	[tilespmem:$0xF230] =	vst v63  }
0xdc: {  	s20 =	simm.s32 $0xA8  }
0xdd: {  	[tilespmem:s9], [sflag:$0x4] =	stream.indirect.gather [hbm4b:s14+s5], $0x30, s20, s5, $0xb8;
	[tilespmem:$0xF230] =	vst v63  }
0xde: {  	_ =	swait.ge [sflag:s10], $0x960  }
0xdf: {  	[sflag:s10] =	ssyncset.done $0x0  }
0xe0: {  	s15 =	simm.s32 $0x2BF8;
	[sflag:s10] =	ssyncadd.s32 $0xFFFFF6A0  }
0xe1: {  	[spmem:s16] =	stream.indirect.scatter.add.f32 [tilespmem:s6], [sflag:$0x6], $0x30, s15, s5, $0xb8;
	[tilespmem:$0xF230] =	vst v63  }
0xe2: {  	_ =	swait.ge [sflag:s11], $0x960  }
0xe3: {  	[sflag:s11] =	ssyncset.done $0x0  }
0xe4: {  	s18 =	simm.s32 $0xE0;
	s19 =	simm.s32 $0x3;
	[sflag:s11] =	ssyncadd.s32 $0xFFFFF6A0  }
0xe5: {  	[tilespmem:s2], [sflag:$0x1] =	stream.indirect.gather [hbm4b:s14+s5], $0x30, s18, s5, $0xb8;
	[tilespmem:$0xF230] =	vst v63  }
0xe6: {  	_ =	swait.ge [sflag:s19], $0x960  }
0xe7: {  	[sflag:s19] =	ssyncset.done $0x0  }
0xe8: {  	s20 =	simm.s32 $0x2C30;
	s15 =	simm.s32 $0x6;
	[sflag:s19] =	ssyncadd.s32 $0xFFFFF6A0  }
0xe9: {  	[spmem:s16] =	stream.indirect.scatter.add.f32 [tilespmem:s7], [sflag:$0x7], $0x30, s20, s5, $0xb8;
	[tilespmem:$0xF230] =	vst v63  }
0xea: {  	_ =	swait.ge [sflag:s15], $0x960  }
0xeb: {  	[sflag:s15] =	ssyncset.done $0x0  }
0xec: {  	s18 =	simm.s32 $0x118;
	[sflag:s15] =	ssyncadd.s32 $0xFFFFF6A0  }
0xed: {  	[tilespmem:s6], [sflag:$0x2] =	stream.indirect.gather [hbm4b:s14+s5], $0x30, s18, s5, $0xb8;
	[tilespmem:$0xF230] =	vst v63  }
0xee: {  	_ =	swait.ge [sflag:s17], $0x960  }
0xef: {  	[sflag:s17] =	ssyncset.done $0x0  }
0xf0: {  	s19 =	simm.s32 $0x2C68;
	[sflag:s17] =	ssyncadd.s32 $0xFFFFF6A0  }
0xf1: {  	[spmem:s16] =	stream.indirect.scatter.add.f32 [tilespmem:s9], [sflag:$0x8], $0x30, s19, s5, $0xb8;
	[tilespmem:$0xF230] =	vst v63  }
0xf2: {  	_ =	swait.ge [sflag:s13], $0x960  }
0xf3: {  	[sflag:s13] =	ssyncset.done $0x0  }
0xf4: {  	s20 =	simm.s32 $0x150;
	[sflag:s13] =	ssyncadd.s32 $0xFFFFF6A0  }
0xf5: {  	[tilespmem:s7], [sflag:$0x3] =	stream.indirect.gather [hbm4b:s14+s5], $0x30, s20, s5, $0xb8;
	[tilespmem:$0xF230] =	vst v63  }
.LBB2_4:
0xf6: {  	_ =	swait.ge [sflag:s8], $0x960  }
0xf7: {  	s12 =	sshra.s32 s0, $0x2;
	[sflag:s8] =	ssyncset.done $0x0  }
0xf8: {  	s15 =	sadd.s32 $0x2CA0, s12;
	[sflag:s8] =	ssyncadd.s32 $0xFFFFF6A0  }
0xf9: {  	[spmem:s16] =	stream.indirect.scatter.add.f32 [tilespmem:s2], [sflag:$0x5], $0x30, s15, s5, $0xb8;
	[tilespmem:$0xF230] =	vst v63  }
0xfa: {  	_ =	swait.ge [sflag:s4], $0x960  }
0xfb: {  	[sflag:s4] =	ssyncset.done $0x0  }
0xfc: {  	s18 =	sadd.s32 $0x188, s12;
	[sflag:s4] =	ssyncadd.s32 $0xFFFFF6A0  }
0xfd: {  	[tilespmem:s9], [sflag:$0x4] =	stream.indirect.gather [hbm4b:s14+s5], $0x30, s18, s5, $0xb8;
	[tilespmem:$0xF230] =	vst v63  }
0xfe: {  	_ =	swait.ge [sflag:s10], $0x960  }
0xff: {  	[sflag:s10] =	ssyncset.done $0x0  }
0x100: {  	s19 =	sadd.s32 $0x2CD8, s12;
	[sflag:s10] =	ssyncadd.s32 $0xFFFFF6A0  }
0x101: {  	[spmem:s16] =	stream.indirect.scatter.add.f32 [tilespmem:s6], [sflag:$0x6], $0x30, s19, s5, $0xb8;
	[tilespmem:$0xF230] =	vst v63  }
0x102: {  	_ =	swait.ge [sflag:s11], $0x960  }
0x103: {  	p1 =	seq.s32 s0, $0xA800;
	[sflag:s11] =	ssyncset.done $0x0  }
0x104: {  	s15 =	simm.s32 @p1 $0x3;
	[sflag:s11] =	ssyncadd.s32 $0xFFFFF6A0  }
0x105: {  	_ =	swait.ge @p1 [sflag:s15], $0x960  }
0x106: {  	[sflag:s15] =	ssyncset.done @p1 $0x0  }
0x107: {  	[sflag:s15] =	ssyncadd.s32 @p1 $0xFFFFF6A0;
	s15 =	sshra.s32 @p1 s0, $0x2  }
0x108: {  	s18 =	simm.s32 @p1 $0x32;
	s19 =	simm.s32 @p1 $0xDF70;
	s15 =	sadd.s32 @p1 $0x2D10, s15  }
0x109: {  	[spmem:s16] =	stream.indirect.scatter.add.f32 @p1 [tilespmem:s19], [sflag:$0x7], $0x30, s15, s18, $0xb8;
	[tilespmem:$0xF230] =	vst v63  }
0x10a: {  	s15 =	simm.s32 @p1 $0x6  }
0x10b: {  	_ =	swait.ge @p1 [sflag:s15], $0x960  }
0x10c: {  	[sflag:s15] =	ssyncset.done @p1 $0x0  }
0x10d: {  	[sflag:s15] =	ssyncadd.s32 @p1 $0xFFFFF6A0;
	s15 =	sshra.s32 @!p1 s0, $0x2  }
0x10e: {  	s20 =	simm.s32 @!p1 $0xCCB0;
	s19 =	simm.s32 @!p1 $0x32;
	s18 =	sadd.s32 @!p1 $0x1C0, s15  }
0x10f: {  	[tilespmem:s20], [sflag:$0x1] =	stream.indirect.gather @!p1 [hbm4b:s14+s19], $0x30, s18, s19, $0xb8;
	[tilespmem:$0xF230] =	vst v63  }
0x110: {  	s18 =	simm.s32 @!p1 $0x3  }
0x111: {  	_ =	swait.ge @!p1 [sflag:s18], $0x960  }
0x112: {  	[sflag:s18] =	ssyncset.done @!p1 $0x0  }
0x113: {  	s20 =	simm.s32 @!p1 $0xDF70;
	[sflag:s18] =	ssyncadd.s32 @!p1 $0xFFFFF6A0;
	s18 =	sadd.s32 @!p1 $0x2D10, s15  }
0x114: {  	[spmem:s16] =	stream.indirect.scatter.add.f32 @!p1 [tilespmem:s20], [sflag:$0x7], $0x30, s18, s19, $0xb8;
	[tilespmem:$0xF230] =	vst v63  }
0x115: {  	s18 =	simm.s32 @!p1 $0x6  }
0x116: {  	_ =	swait.ge @!p1 [sflag:s18], $0x960  }
0x117: {  	[sflag:s18] =	ssyncset.done @!p1 $0x0  }
0x118: {  	s15 =	sadd.s32 @!p1 $0x1F8, s15;
	[sflag:s18] =	ssyncadd.s32 @!p1 $0xFFFFF6A0;
	s18 =	simm.s32 @!p1 $0xD610  }
0x119: {  	[tilespmem:s18], [sflag:$0x2] =	stream.indirect.gather @!p1 [hbm4b:s14+s19], $0x30, s15, s19, $0xb8;
	[tilespmem:$0xF230] =	vst v63  }
0x11a: {  	_ =	swait.ge [sflag:s17], $0x960  }
0x11b: {  	[sflag:s17] =	ssyncset.done $0x0  }
.Ltmp3:
0x11c: {  	s20 =	sadd.s32 $0x2D48, s12;
	[sflag:s17] =	ssyncadd.s32 $0xFFFFF6A0;
	(pc) =	sbr.rel @p1 .LBB2_6-.Ltmp3, $4  }
0x11d: {  	[spmem:s16] =	stream.indirect.scatter.add.f32 [tilespmem:s9], [sflag:$0x8], $0x30, s20, s5, $0xb8;
	[tilespmem:$0xF230] =	vst v63  }
0x11e: {  	_ =	swait.ge [sflag:s13], $0x960  }
0x11f: {  	[sflag:s13] =	ssyncset.done $0x0  }
0x120: {  	[sflag:s13] =	ssyncadd.s32 $0xFFFFF6A0  }
.Ltmp4:
0x121: {  	(pc) =	sbr.rel .LBB2_4-.Ltmp4, $3  }
0x122: {  	_ =	sdelay $0x1  }
0x123: {  	s12 =	sadd.s32 $0x230, s12;
	s0 =	sadd.s32 $0x380, s0  }
0x124: {  	[tilespmem:s7], [sflag:$0x3] =	stream.indirect.gather [hbm4b:s14+s5], $0x30, s12, s5, $0xb8;
	[tilespmem:$0xF230] =	vst v63  }
.LBB2_7:
0x125: {  	_ =	sfence.sel $0x180000  }
0x126: {  	[bflag:$0x0] =	sbarrier.arrive $0xFFFF  }
0x127: {  	_ =	strace $0x90000050  }
0x128: {  	s0 =	stileid.u32;
	[bflag:$0x2] =	sbarrier.arrive $0xFFFF  }
0x129: {  	p0 =	sne.s32 s0, $0x0;
	s0 =	rddreg [dreg:$0x3]  }
0x12a: {  	s0 =	sadd.s32 @!p0 $0x100000, s0  }
0x12b: {  	[sflag:s0] =	ssyncadd.tile.s32 @!p0 $0x1;
	_ =	shalt  }
.Lfunc_end2:
_tile_overlayer_lowered:
.L_overlay_start_2:
0x12c: {  	(tag) =	ssettag $0x2  }
0x12d: {  	s0 =	rddreg [dreg:$0x0];
	s2 =	stileid.u32  }
0x12e: {  	s1 =	rddreg [dreg:$0x1];
	p0 =	sne.s32 s2, $0x0  }
0x12f: {  	s3 =	rddreg [dreg:$0x2];
	[bflag:$0x3] =	sbarrier.arrive $0xFFFF;
	s2 =	simm.s32 @!p0 $0x1C09  }
0x130: {  	[timem:s3], [sflag:s2] =	dma.local @!p0 [hbm:s0], s1  }
0x131: {  	s0 =	simm.s32 @!p0 $0x9  }
0x132: {  	_ =	swait.ge @!p0 [sflag:s0], s1  }
0x133: {  	s1 =	ssub.s32 @!p0 $0x0, s1;
	[sflag:s0] =	ssyncset.done @!p0 $0x0  }
0x134: {  	[sflag:s0] =	ssyncadd.s32 @!p0 s1  }
0x135: {  	[bflag:$0x3] =	sbarrier.arrive $0xFFFF  }
0x136: {  	_ =	shalt  }

// kernel: kernel.9.cloned.1.call-start
scs
__scs_entry_jumppad:
0x0: {  	(pc) =	sbr.rel $0x88, $3  }
0x1: {  	(tag) =	ssettag $0x0;
	lr =	simm.s32 $0x1  }
0x2: {  	[smem:$0x3F96] =	sst lr;
	_ =	strace $0xD0000000  }
0x3: {  	_ = 	snop  }
0x4: {  	_ = 	snop  }
0x5: {  	_ = 	snop  }
0x6: {  	_ = 	snop  }
0x7: {  	_ = 	snop  }
__scs_overlays_trampoline_lowered:
0x8: {  	[smem:$0x3FA5] =	sst s0  }
0x9: {  	[smem:$0x3FA6] =	sst s1  }
0xa: {  	[smem:$0x3FA7] =	sst s2  }
0xb: {  	[smem:$0x3FA8] =	sst s3  }
0xc: {  	[smem:$0x3FA9] =	sst s4  }
0xd: {  	[smem:$0x3FAA] =	sst s5  }
0xe: {  	[smem:$0x3FAB] =	sst s6  }
0xf: {  	[smem:$0x3FAC] =	sst s7  }
0x10: {  	[smem:$0x3FAD] =	sst s8  }
0x11: {  	[smem:$0x3FAE] =	sst s9;
	s0 =	simm.s32 @!p0 $0x0  }
0x12: {  	s1 =	sld [smem:$0x3F94];
	s0 =	simm.s32 @p0 $0x1  }
0x13: {  	[smem:$0x3FAF] =	sst s0;
	s0 =	simm.s32 @!p1 $0x0  }
0x14: {  	s2 =	sld [smem:$0x3F93];
	s0 =	simm.s32 @p1 $0x1  }
0x15: {  	[smem:$0x3FB0] =	sst s0;
	s0 =	simm.s32 @!p2 $0x0  }
0x16: {  	s3 =	sld [smem:$0x3FDB];
	s0 =	simm.s32 @p2 $0x1  }
0x17: {  	s4 =	simm.s32 $0x1BF5;
	[smem:$0x3FB2] =	sst s0  }
0x18: {  	s0 =	sld [smem:$0x3F95];
	_ =	swait.ge [sflag:s4], $0x0  }
0x19: {  	s7 =	sld [smem:$0x3F96]  }
0x1a: {  	s8 =	sadd.s32 $0xFFFFE003, lr  }
0x1b: {  	s9 =	sadd.s32 $0xFFFFFEF7, lr;
	s5 =	simm.s32 $0xFFFFFFFF;
	p2 =	slt.u32 s8, $0xFFFFF086  }
0x1c: {  	p1 =	slt.u32 s9, $0xF7A;
	s5 =	simm.s32 @!p2 $0x0  }
0x1d: {  	s5 =	simm.s32 @p1 $0x1;
	p0 =	seq.s32 s7, s2  }
0x1e: {  	s7 =	smul.u32 @!p0 $0xF7A, s2;
	p2 =	seq.s32 @!p0 s5, $0x0  }
0x1f: {  	s9 =	smul.u32 $0xF7A, s1;
	s8 =	simm.s32 @!p0 $0x1BF5;
	p2 =	por !p2, p0  }
0x20: {  	[sflag:s8] =	ssyncset.s32 @!p0 $0xFFFFF086;
	s6 =	sadd.s32 @!p0 s3, s7;
	s7 =	simm.s32 @!p0 $0x108  }
0x21: {  	s3 =	sadd.s32 s3, s9;
	s6 =	sadd.s32 @!p0 $0x88, s6;
	s7 =	simm.s32 @p2 $0x1082  }
0x22: {  	[simem:s7], [sflag:s8] =	dma.local @!p0 [hbm:s6], $0xF7A  }
0x23: {  	s9 =	sor.u32 $0xD0000000, s2;
	s6 =	simm.s32 $0x108;
	_ =	swait.ge @!p0 [sflag:s8], $0x0  }
0x24: {  	s3 =	sadd.s32 $0x88, s3;
	s6 =	simm.s32 @!p1 $0x1082;
	[sflag:s4] =	ssyncset.s32 $0xFFFFF086  }
0x25: {  	[simem:s6], [sflag:s4] =	dma.local [hbm:s3], $0xF7A  }
0x26: {  	[smem:$0x3F96] =	sst s1;
	(tag) =	ssettag s2;
	_ =	strace s9  }
0x27: {  	s1 =	sld [smem:$0x3FA6]  }
0x28: {  	s2 =	sld [smem:$0x3FA7]  }
0x29: {  	s4 =	sld [smem:$0x3FA9]  }
0x2a: {  	p0 =	seq.s32 s5, $0x0;
	s5 =	sld [smem:$0x3FAA]  }
0x2b: {  	s6 =	sld [smem:$0x3FAB]  }
0x2c: {  	s7 =	sld [smem:$0x3FAC]  }
0x2d: {  	s3 =	simm.s32 $0x108;
	s8 =	sld [smem:$0x3FAD]  }
0x2e: {  	s3 =	simm.s32 @!p0 $0x1082;
	s9 =	sld [smem:$0x3FAE]  }
0x2f: {  	lr =	sadd.s32 s0, s3;
	s0 =	sld [smem:$0x3FA5]  }
0x30: {  	s3 =	sld [smem:$0x3FA8]  }
0x31: {  	[smem:$0x3FB1] =	sst s10  }
0x32: {  	s10 =	sld [smem:$0x3FAF];
	_ =	sdelay $0x3  }
0x33: {  	p0 =	seq.s32 s10, $0x1;
	s10 =	sld [smem:$0x3FB1];
	_ =	sdelay $0x3  }
0x34: {  	[smem:$0x3FB1] =	sst s10  }
0x35: {  	s10 =	sld [smem:$0x3FB0];
	_ =	sdelay $0x3  }
0x36: {  	p1 =	seq.s32 s10, $0x1;
	s10 =	sld [smem:$0x3FB1];
	_ =	sdelay $0x3  }
0x37: {  	[smem:$0x3FB1] =	sst s10  }
0x38: {  	s10 =	sld [smem:$0x3FB2]  }
0x39: {  	_ = 	snop;
	(pc) =	sbr.ind lr, $3  }
0x3a: {  	_ = 	snop  }
0x3b: {  	_ = 	snop  }
0x3c: {  	p2 =	seq.s32 s10, $0x1;
	s10 =	sld [smem:$0x3FB1]  }
0x3d: {  	_ =	shalt  }
0x3e: {  	_ =	shalt  }
0x3f: {  	_ =	shalt  }
0x40: {  	_ =	shalt  }
0x41: {  	_ =	shalt  }
0x42: {  	_ =	shalt  }
0x43: {  	_ =	shalt  }
0x44: {  	_ =	shalt  }
0x45: {  	_ =	shalt  }
0x46: {  	_ =	shalt  }
0x47: {  	_ =	shalt  }
0x48: {  	_ =	shalt  }
0x49: {  	_ =	shalt  }
0x4a: {  	_ =	shalt  }
0x4b: {  	_ =	shalt  }
0x4c: {  	_ =	shalt  }
0x4d: {  	_ =	shalt  }
0x4e: {  	_ =	shalt  }
0x4f: {  	_ =	shalt  }
0x50: {  	_ =	shalt  }
0x51: {  	_ =	shalt  }
0x52: {  	_ =	shalt  }
0x53: {  	_ =	shalt  }
0x54: {  	_ =	shalt  }
0x55: {  	_ =	shalt  }
0x56: {  	_ =	shalt  }
0x57: {  	_ =	shalt  }
0x58: {  	_ =	shalt  }
0x59: {  	_ =	shalt  }
0x5a: {  	_ =	shalt  }
0x5b: {  	_ =	shalt  }
0x5c: {  	_ =	shalt  }
0x5d: {  	_ =	shalt  }
0x5e: {  	_ =	shalt  }
0x5f: {  	_ =	shalt  }
0x60: {  	_ =	shalt  }
0x61: {  	_ =	shalt  }
0x62: {  	_ =	shalt  }
0x63: {  	_ =	shalt  }
0x64: {  	_ =	shalt  }
0x65: {  	_ =	shalt  }
0x66: {  	_ =	shalt  }
0x67: {  	_ =	shalt  }
0x68: {  	_ =	shalt  }
0x69: {  	_ =	shalt  }
0x6a: {  	_ =	shalt  }
0x6b: {  	_ =	shalt  }
0x6c: {  	_ =	shalt  }
0x6d: {  	_ =	shalt  }
0x6e: {  	_ =	shalt  }
0x6f: {  	_ =	shalt  }
0x70: {  	_ =	shalt  }
0x71: {  	_ =	shalt  }
0x72: {  	_ =	shalt  }
0x73: {  	_ =	shalt  }
0x74: {  	_ =	shalt  }
0x75: {  	_ =	shalt  }
0x76: {  	_ =	shalt  }
0x77: {  	_ =	shalt  }
0x78: {  	_ =	shalt  }
0x79: {  	_ =	shalt  }
0x7a: {  	_ =	shalt  }
0x7b: {  	_ =	shalt  }
0x7c: {  	_ =	shalt  }
0x7d: {  	_ =	shalt  }
0x7e: {  	_ =	shalt  }
0x7f: {  	_ =	shalt  }
0x80: {  	_ =	shalt  }
0x81: {  	_ =	shalt  }
0x82: {  	_ =	shalt  }
0x83: {  	_ =	shalt  }
0x84: {  	_ =	shalt  }
0x85: {  	_ =	shalt  }
0x86: {  	_ =	shalt  }
0x87: {  	_ =	shalt  }
.Lfunc_end0:
.L_simem_size_0:
called_computation_lowered:
.L_overlay_start_0:
0x88: {  	s2 =	sld [smem:$0x3FD9]  }
0x89: {  	s3 =	sld [smem:$0x3FFE];
	_ =	sdelay $0x1  }
0x8a: {  	s1 =	srdreg.scid  }
0x8b: {  	s0 =	sand.u32 $0x1, s1  }
0x8c: {  	s17 =	sshll.u32 s0, $0xA;
	s2 =	sadd.s32 s3, s2  }
0x8d: {  	s2 =	sadd.s32 s2, s17  }
0x8e: {  	[smem:$0x3FBD] =	sst s2  }
0x8f: {  	_ = 	snop  }
0x90: {  	s2 =	sld [smem:$0x3FD0];
	(tm) =	ssettm $0x1  }
0x91: {  	s18 =	sld [smem:$0x3FFB];
	_ =	sdelay $0x3  }
0x92: {  	_ =	strace s18  }
0x93: {  	s3 =	sld [smem:$0x3FFC];
	_ =	sdelay $0x3  }
0x94: {  	_ =	strace s3  }
0x95: {  	s3 =	sld [smem:$0x3FFD];
	_ =	sdelay $0x3  }
0x96: {  	_ =	strace s3  }
0x97: {  	_ =	strace $0x8FFFFFFF  }
0x98: {  	s19 =	sld [smem:$0x3FDB];
	_ =	sdelay $0x1  }
0x99: {  	s4 =	simm.s32 $_scs_section_size  }
0x9a: {  	s5 =	simm.s32 $_size__tile_overlayer_lowered;
	s6 =	simm.s32 $_tile_overlayer_lowered  }
0x9b: {  	s22 =	simm.s32 $0x1BFF;
	s21 =	sshll.u32 s6, $0x1;
	s3 =	sadd.s32 s4, s19  }
0x9c: {  	s7 =	simm.s32 $0x0;
	s20 =	sshll.u32 s5, $0x1;
	s5 =	sadd.s32 s21, s3  }
0x9d: {  	[timem:s7], [sflag:s22] =	dma.local [hbm:s5], s20  }
0x9e: {  	_ =	swait.ge [sflag:s22], s20  }
0x9f: {  	s4 =	ssub.s32 $0x0, s20;
	[sflag:s22] =	ssyncset.done $0x0  }
0xa0: {  	[sflag:s22] =	ssyncadd.s32 s4;
	_ =	sdelay $0x1  }
0xa1: {  	s23 =	simm.s32 $0x1B8B  }
0xa2: {  	_ =	swait.ge [sflag:s23], $0x1  }
0xa3: {  	[sflag:s23] =	ssyncset.done $0x0  }
0xa4: {  	s25 =	simm.s32 $0x1B8E;
	s24 =	sld [smem:$0x3FFE];
	[sflag:s23] =	ssyncadd.s32 $0xFFFFFFFF  }
0xa5: {  	s26 =	simm.s32 $execute0_lowered;
	[smem:$0x3FD2] =	sst s25  }
0xa6: {  	s5 =	sshll.u32 s26, $0x1;
	_ =	strace $0x80000046;
	[dreg:$0x1] =	wrdreg $0xFFFFFFFF  }
0xa7: {  	s28 =	simm.s32 $_size_execute0_lowered;
	s3 =	sadd.s32 s3, s5;
	[dreg:$0x0] =	wrdreg $0x0  }
0xa8: {  	s5 =	sshll.u32 s28, $0x1;
	[dreg:$0x2] =	wrdreg s3  }
0xa9: {  	[dreg:$0x3] =	wrdreg s5  }
0xaa: {  	[dreg:$0x4] =	wrdreg $0xC0  }
0xab: {  	_ =	task [dreg:s7], $0x5FFFF  }
0xac: {  	[dreg:$0x1] =	wrdreg $0xFFFFFFFF  }
0xad: {  	[dreg:$0x0] =	wrdreg $0x60  }
0xae: {  	[dreg:$0x2] =	wrdreg s24  }
0xaf: {  	[dreg:$0x3] =	wrdreg s2  }
0xb0: {  	[dreg:$0x4] =	wrdreg $0x2EE00  }
0xb1: {  	[dreg:$0x5] =	wrdreg $0x9  }
0xb2: {  	_ =	task.clear_ibuf [dreg:s7], $0x6FFFF;
	_ =	strace $0x90000046  }
0xb3: {  	s29 =	simm.s32 $0x9;
	_ =	strace $0x80000048  }
0xb4: {  	_ =	swait.ge [sflag:s29], $0x1  }
0xb5: {  	[sflag:s29] =	ssyncadd.s32 $0xFFFFFFFF  }
0xb6: {  	_ =	strace $0x90000048  }
0xb7: {  	_ =	sfence  }
0xb8: {  	s30 =	sld [smem:$0x0];
	_ =	sdelay $0x2  }
0xb9: {  	s31 =	sshll.u32 s1, $0xD;
	s1 =	sshrl.u32 s1, $0x2  }
0xba: {  	s3 =	sand.u32 $0x4000, s31;
	s1 =	sadd.s32 s1, s30  }
0xbb: {  	s0 =	sor.u32 s3, s0;
	s1 =	sshll.u32 s1, $0x11  }
0xbc: {  	s0 =	sor.u32 s1, s0  }
0xbd: {  	s0 =	sadd.s32 $0x8F2B, s0  }
0xbe: {  	[sflag:s0] =	ssyncadd.remote.s32 $0x1  }
0xbf: {  	_ =	sfence.sel $0xFFFF  }
0xc0: {  	[dreg:$0x0] =	wrdreg $0xFFFFFFFF;
	(pc) =	sbr.abs _section_cstart, $3  }
0xc1: {  	[dreg:$0x1] =	wrdreg $0xFFFFFFFF  }
0xc2: {  	_ =	task.clear_ibuf [dreg:s7], $0x2FFFF;
	_ =	strace $0x9FFFFFFF  }
0xc3: {  	(tm) =	ssettm $0x7FFFFFFF  }
tec
execute0_lowered:
.L_overlay_start_1:
0x0: {  	(tag) =	ssettag $0x1  }
0x1: {  	s2 =	stileid.u32  }
0x2: {  	s26 =	smul.u32 $0x1900, s2  }
0x3: {  	s12 =	sor.u32 $0x10, s2;
	s23 =	smul.u32 $0x64, s2  }
0x4: {  	s13 =	sor.u32 $0x20, s2;
	s6 =	smul.u32 $0x1900, s12  }
0x5: {  	s14 =	sor.u32 $0x30, s2;
	s8 =	smul.u32 $0x1900, s13  }
0x6: {  	s15 =	sor.u32 $0x40, s2;
	s30 =	smul.u32 $0x1900, s14  }
0x7: {  	s16 =	sor.u32 $0x50, s2;
	s31 =	smul.u32 $0x1900, s15  }
0x8: {  	s4 =	srdreg.scid;
	s17 =	sor.u32 $0x60, s2;
	s9 =	smul.u32 $0x1900, s16  }
0x9: {  	s11 =	rddreg [dreg:$0x0];
	s10 =	sand.u32 $0x1, s4;
	s21 =	smul.u32 $0x1900, s17  }
0xa: {  	s18 =	rddreg [dreg:$0x1];
	s22 =	smul.u32 $0x2710, s10  }
0xb: {  	s1 =	rddreg [dreg:$0x2];
	s12 =	smul.u32 $0x64, s12  }
0xc: {  	s0 =	rddreg [dreg:$0x3];
	s3 =	simm.s32 $0x0;
	s13 =	smul.u32 $0x64, s13  }
0xd: {  	[smem:$0x7FF] =	sst s3;
	s14 =	smul.u32 $0x64, s14  }
0xe: {  	p0 =	sgt.u32 s2, $0x3;
	_ =	strace $0x80000047;
	s16 =	smul.u32 $0x64, s16  }
0xf: {  	s5 =	ssub.s32 $0x2, s10;
	s20 =	sshll.u32 s10, $0x4;
	s17 =	smul.u32 $0x64, s17  }
0x10: {  	s7 =	sshrl.u32 s5, $0x1;
	s4 =	sshrl.u32 s26, $0x2;
	s20 =	sor.u32 s2, s20  }
0x11: {  	s19 =	ssub.s32 s5, s7;
	s4 =	sadd.s32 s4, s1;
	s28 =	sshrl.u32 s6, $0x2  }
0x12: {  	s29 =	sshrl.u32 s8, $0x2;
	s7 =	sshrl.u32 s30, $0x2;
	s8 =	sshrl.u32 s31, $0x2  }
0x13: {  	s9 =	sshrl.u32 s9, $0x2;
	s20 =	smul.u32 $0x28A0, s20;
	s21 =	sshrl.u32 s21, $0x2  }
0x14: {  	s24 =	sadd.s32 s23, s22;
	s25 =	sadd.s32 s22, s12;
	s13 =	sadd.s32 s22, s13  }
0x15: {  	s14 =	sadd.s32 s22, s14;
	s16 =	sadd.s32 s22, s16;
	s17 =	sadd.s32 s22, s17  }
0x16: {  	s5 =	sadd.s32 s28, s1;
	s6 =	sadd.s32 s29, s1;
	s7 =	sadd.s32 s7, s1  }
0x17: {  	s8 =	sadd.s32 s8, s1;
	s9 =	sadd.s32 s9, s1;
	s10 =	sadd.s32 s21, s1  }
0x18: {  	s26 =	sshll.u32 s25, $0x1;
	s28 =	smul.u32 $0x64, s15;
	s29 =	sshll.u32 s13, $0x1  }
0x19: {  	s23 =	sshll.u32 s14, $0x1;
	s31 =	sshll.u32 s16, $0x1;
	s19 =	smax.u32 s19, $0x1  }
0x1a: {  	s21 =	simm.s32 $0x2;
	s20 =	sshrl.u32 s20, $0x3;
	s13 =	sadd.s32 s18, s26  }
0x1b: {  	s14 =	sadd.s32 s18, s29;
	s15 =	sadd.s32 s18, s23;
	s23 =	simm.s32 $0x1  }
0x1c: {  	s11 =	sadd.s32 s11, s20;
	s20 =	sshll.u32 s24, $0x1;
	s30 =	sadd.s32 s22, s28  }
0x1d: {  	s22 =	sshll.u32 s17, $0x1;
	s12 =	sadd.s32 s18, s20;
	s20 =	sshll.u32 s30, $0x1  }
0x1e: {  	s17 =	sadd.s32 s18, s31;
	s11 =	sadd.s32 $0xD680, s11;
	s16 =	sadd.s32 s18, s20  }
0x1f: {  	v0 =	vimm.f32 $0.0e+00;
	v1 =	vimm.f32 $1.000000000e+00;
	s18 =	sadd.s32 s18, s22;
	s20 =	simm.s32 $0x28A0;
	s22 =	simm.s32 $0x64  }
.LBB2_1:
0x20: {  	s24 =	simm.s32 $0x40;
	s25 =	simm.s32 $0x0  }
.LBB2_2:
0x21: {  	p1 =	sne.s32 s24, $0x18C0;
	[tilespmem:s25+$0x28A0] =	vst v0;
	s25 =	smov.u32 s24;
	s24 =	sadd.s32 $0x40, s24  }
.Ltmp0:
0x22: {  	(pc) =	sbr.rel @p1 .LBB2_2-.Ltmp0, $2  }
0x23: {  	_ =	sdelay $0x2  }
0x24: {  	s25 =	sshra.s32 s25, $0x2  }
0x25: {  	[tilespmem:s25+$0x28A0] =	vst v0  }
0x26: {  	[spmem:s4] =	stream.linear.scatter [tilespmem:s20], [sflag:$0x2], $0x640, $0x38;
	[tilespmem:$0x55F0] =	vst v63  }
0x27: {  	_ =	swait.ge [sflag:s21], $0x640  }
0x28: {  	[sflag:s21] =	ssyncset.done $0x0  }
0x29: {  	[sflag:s21] =	ssyncadd.s32 $0xFFFFF9C0  }
0x2a: {  	[spmem:s5] =	stream.linear.scatter [tilespmem:s20], [sflag:$0x2], $0x640, $0x38;
	[tilespmem:$0x55F0] =	vst v63  }
0x2b: {  	_ =	swait.ge [sflag:s21], $0x640  }
0x2c: {  	[sflag:s21] =	ssyncset.done $0x0  }
0x2d: {  	[sflag:s21] =	ssyncadd.s32 $0xFFFFF9C0  }
0x2e: {  	[spmem:s6] =	stream.linear.scatter [tilespmem:s20], [sflag:$0x2], $0x640, $0x38;
	[tilespmem:$0x55F0] =	vst v63  }
0x2f: {  	_ =	swait.ge [sflag:s21], $0x640  }
0x30: {  	[sflag:s21] =	ssyncset.done $0x0  }
0x31: {  	[sflag:s21] =	ssyncadd.s32 $0xFFFFF9C0  }
0x32: {  	[spmem:s7] =	stream.linear.scatter [tilespmem:s20], [sflag:$0x2], $0x640, $0x38;
	[tilespmem:$0x55F0] =	vst v63  }
0x33: {  	_ =	swait.ge [sflag:s21], $0x640  }
0x34: {  	[sflag:s21] =	ssyncset.done $0x0  }
0x35: {  	[sflag:s21] =	ssyncadd.s32 $0xFFFFF9C0  }
0x36: {  	[spmem:s8] =	stream.linear.scatter [tilespmem:s20], [sflag:$0x2], $0x640, $0x38;
	[tilespmem:$0x55F0] =	vst v63  }
0x37: {  	_ =	swait.ge [sflag:s21], $0x640  }
0x38: {  	[sflag:s21] =	ssyncset.done $0x0  }
0x39: {  	[sflag:s21] =	ssyncadd.s32 $0xFFFFF9C0  }
0x3a: {  	[spmem:s9] =	stream.linear.scatter [tilespmem:s20], [sflag:$0x2], $0x640, $0x38;
	[tilespmem:$0x55F0] =	vst v63  }
0x3b: {  	_ =	swait.ge [sflag:s21], $0x640  }
0x3c: {  	[sflag:s21] =	ssyncset.done $0x0  }
0x3d: {  	s24 =	simm.s32 @!p0 $0x28A0;
	[sflag:s21] =	ssyncadd.s32 $0xFFFFF9C0  }
0x3e: {  	[spmem:s10] =	stream.linear.scatter @!p0 [tilespmem:s24], [sflag:$0x2], $0x640, $0x38;
	[tilespmem:$0x55F0] =	vst v63  }
0x3f: {  	s24 =	simm.s32 @!p0 $0x2  }
0x40: {  	_ =	swait.ge @!p0 [sflag:s24], $0x640  }
0x41: {  	[sflag:s24] =	ssyncset.done @!p0 $0x0  }
0x42: {  	s25 =	simm.s32 $0x0;
	[sflag:s24] =	ssyncadd.s32 @!p0 $0xFFFFF9C0;
	s24 =	simm.s32 $0x40  }
.LBB2_4:
0x43: {  	p1 =	sne.s32 s24, $0x18C0;
	[tilespmem:s25+$0x28A0] =	vst v1;
	s25 =	smov.u32 s24;
	s24 =	sadd.s32 $0x40, s24  }
.Ltmp1:
0x44: {  	(pc) =	sbr.rel @p1 .LBB2_4-.Ltmp1, $2  }
0x45: {  	_ =	sdelay $0x2  }
0x46: {  	s25 =	sshra.s32 s25, $0x2  }
0x47: {  	[tilespmem:s25+$0x28A0] =	vst v1  }
0x48: {  	s24 =	simm.s32 $0x0;
	[bflag:$0x0] =	sbarrier.arrive $0xFFFF  }
0x49: {  	[tilespmem:s24], [sflag:$0x2] =	stream.linear.gather [hbm4b:s11+s24], $0x28A0, $0x38;
	[tilespmem:$0x55F0] =	vst v63  }
0x4a: {  	_ =	swait.ge [sflag:s21], $0x28A0  }
0x4b: {  	[sflag:s21] =	ssyncset.done $0x0  }
0x4c: {  	s28 =	simm.s32 $0x0;
	[sflag:s21] =	ssyncadd.s32 $0xFFFFD760  }
0x4d: {  	[spmem:s1] =	stream.indirect.scatter.add.f32 [tilespmem:s20], [sflag:$0x1], $0x10, s28, s22, $0xb8;
	[tilespmem:$0x55F0] =	vst v63  }
0x4e: {  	s29 =	simm.s32 $0x68  }
0x4f: {  	[spmem:s1] =	stream.indirect.scatter.add.f32 [tilespmem:s20], [sflag:$0x1], $0x10, s29, s22, $0xb8;
	[tilespmem:$0x55F0] =	vst v63  }
0x50: {  	s30 =	simm.s32 $0xD0  }
0x51: {  	[spmem:s1] =	stream.indirect.scatter.add.f32 [tilespmem:s20], [sflag:$0x1], $0x10, s30, s22, $0xb8;
	[tilespmem:$0x55F0] =	vst v63  }
0x52: {  	s31 =	simm.s32 $0x138  }
0x53: {  	[spmem:s1] =	stream.indirect.scatter.add.f32 [tilespmem:s20], [sflag:$0x1], $0x10, s31, s22, $0xb8;
	[tilespmem:$0x55F0] =	vst v63  }
0x54: {  	s25 =	simm.s32 $0x1A0  }
0x55: {  	[spmem:s1] =	stream.indirect.scatter.add.f32 [tilespmem:s20], [sflag:$0x1], $0x10, s25, s22, $0xb8;
	[tilespmem:$0x55F0] =	vst v63  }
0x56: {  	s26 =	simm.s32 $0x208  }
0x57: {  	[spmem:s1] =	stream.indirect.scatter.add.f32 [tilespmem:s20], [sflag:$0x1], $0x10, s26, s22, $0xb8;
	[tilespmem:$0x55F0] =	vst v63  }
0x58: {  	s28 =	simm.s32 $0x270  }
0x59: {  	[spmem:s1] =	stream.indirect.scatter.add.f32 [tilespmem:s20], [sflag:$0x1], $0x10, s28, s22, $0xb8;
	[tilespmem:$0x55F0] =	vst v63  }
0x5a: {  	s29 =	simm.s32 $0x2D8  }
0x5b: {  	[spmem:s1] =	stream.indirect.scatter.add.f32 [tilespmem:s20], [sflag:$0x1], $0x10, s29, s22, $0xb8;
	[tilespmem:$0x55F0] =	vst v63  }
0x5c: {  	s30 =	simm.s32 $0x340  }
0x5d: {  	[spmem:s1] =	stream.indirect.scatter.add.f32 [tilespmem:s20], [sflag:$0x1], $0x10, s30, s22, $0xb8;
	[tilespmem:$0x55F0] =	vst v63  }
0x5e: {  	s31 =	simm.s32 $0x3A8  }
0x5f: {  	[spmem:s1] =	stream.indirect.scatter.add.f32 [tilespmem:s20], [sflag:$0x1], $0x10, s31, s22, $0xb8;
	[tilespmem:$0x55F0] =	vst v63  }
0x60: {  	_ =	swait.ge [sflag:s23], $0x640  }
0x61: {  	[sflag:s23] =	ssyncset.done $0x0  }
0x62: {  	[sflag:s23] =	ssyncadd.s32 $0xFFFFF9C0  }
0x63: {  	_ =	swait.ge [sflag:s23], $0x640  }
0x64: {  	[sflag:s23] =	ssyncset.done $0x0  }
0x65: {  	[sflag:s23] =	ssyncadd.s32 $0xFFFFF9C0  }
0x66: {  	_ =	swait.ge [sflag:s23], $0x640  }
0x67: {  	[sflag:s23] =	ssyncset.done $0x0  }
0x68: {  	[sflag:s23] =	ssyncadd.s32 $0xFFFFF9C0  }
0x69: {  	_ =	swait.ge [sflag:s23], $0x640  }
0x6a: {  	[sflag:s23] =	ssyncset.done $0x0  }
0x6b: {  	[sflag:s23] =	ssyncadd.s32 $0xFFFFF9C0  }
0x6c: {  	_ =	swait.ge [sflag:s23], $0x640  }
0x6d: {  	[sflag:s23] =	ssyncset.done $0x0  }
0x6e: {  	[sflag:s23] =	ssyncadd.s32 $0xFFFFF9C0  }
0x6f: {  	_ =	swait.ge [sflag:s23], $0x640  }
0x70: {  	[sflag:s23] =	ssyncset.done $0x0  }
0x71: {  	[sflag:s23] =	ssyncadd.s32 $0xFFFFF9C0  }
0x72: {  	_ =	swait.ge [sflag:s23], $0x640  }
0x73: {  	[sflag:s23] =	ssyncset.done $0x0  }
0x74: {  	[sflag:s23] =	ssyncadd.s32 $0xFFFFF9C0  }
0x75: {  	_ =	swait.ge [sflag:s23], $0x640  }
0x76: {  	[sflag:s23] =	ssyncset.done $0x0  }
0x77: {  	[sflag:s23] =	ssyncadd.s32 $0xFFFFF9C0  }
0x78: {  	_ =	swait.ge [sflag:s23], $0x640  }
0x79: {  	[sflag:s23] =	ssyncset.done $0x0  }
0x7a: {  	[sflag:s23] =	ssyncadd.s32 $0xFFFFF9C0  }
0x7b: {  	_ =	swait.ge [sflag:s23], $0x640  }
0x7c: {  	s24 =	simm.s32 $0x1040;
	s26 =	simm.s32 $0x2080;
	[sflag:s23] =	ssyncset.done $0x0  }
.LBB2_6:
0x7d: {  	s28 =	sshra.s32 s24, $0x2  }
0x7e: {  	[sflag:s23] =	ssyncadd.s32 $0xFFFFF9C0;
	s24 =	smov.u32 s26;
	s25 =	sadd.s32 $0x1040, s26  }
0x7f: {  	[spmem:s1] =	stream.indirect.scatter.add.f32 [tilespmem:s20], [sflag:$0x1], $0x10, s28, s22, $0xb8;
	[tilespmem:$0x55F0] =	vst v63  }
0x80: {  	p1 =	sne.s32 s26, $0x9240;
	s26 =	sadd.s32 $0x68, s28  }
0x81: {  	[spmem:s1] =	stream.indirect.scatter.add.f32 [tilespmem:s20], [sflag:$0x1], $0x10, s26, s22, $0xb8;
	[tilespmem:$0x55F0] =	vst v63  }
0x82: {  	s26 =	sadd.s32 $0xD0, s28  }
0x83: {  	[spmem:s1] =	stream.indirect.scatter.add.f32 [tilespmem:s20], [sflag:$0x1], $0x10, s26, s22, $0xb8;
	[tilespmem:$0x55F0] =	vst v63  }
0x84: {  	s26 =	sadd.s32 $0x138, s28  }
0x85: {  	[spmem:s1] =	stream.indirect.scatter.add.f32 [tilespmem:s20], [sflag:$0x1], $0x10, s26, s22, $0xb8;
	[tilespmem:$0x55F0] =	vst v63  }
0x86: {  	s26 =	sadd.s32 $0x1A0, s28  }
0x87: {  	[spmem:s1] =	stream.indirect.scatter.add.f32 [tilespmem:s20], [sflag:$0x1], $0x10, s26, s22, $0xb8;
	[tilespmem:$0x55F0] =	vst v63  }
0x88: {  	s26 =	sadd.s32 $0x208, s28  }
0x89: {  	[spmem:s1] =	stream.indirect.scatter.add.f32 [tilespmem:s20], [sflag:$0x1], $0x10, s26, s22, $0xb8;
	[tilespmem:$0x55F0] =	vst v63  }
0x8a: {  	s26 =	sadd.s32 $0x270, s28  }
0x8b: {  	[spmem:s1] =	stream.indirect.scatter.add.f32 [tilespmem:s20], [sflag:$0x1], $0x10, s26, s22, $0xb8;
	[tilespmem:$0x55F0] =	vst v63  }
0x8c: {  	s26 =	sadd.s32 $0x2D8, s28  }
0x8d: {  	[spmem:s1] =	stream.indirect.scatter.add.f32 [tilespmem:s20], [sflag:$0x1], $0x10, s26, s22, $0xb8;
	[tilespmem:$0x55F0] =	vst v63  }
0x8e: {  	s26 =	sadd.s32 $0x340, s28  }
0x8f: {  	[spmem:s1] =	stream.indirect.scatter.add.f32 [tilespmem:s20], [sflag:$0x1], $0x10, s26, s22, $0xb8;
	[tilespmem:$0x55F0] =	vst v63  }
0x90: {  	s26 =	sadd.s32 $0x3A8, s28  }
0x91: {  	[spmem:s1] =	stream.indirect.scatter.add.f32 [tilespmem:s20], [sflag:$0x1], $0x10, s26, s22, $0xb8;
	[tilespmem:$0x55F0] =	vst v63  }
0x92: {  	_ =	swait.ge [sflag:s23], $0x640  }
0x93: {  	[sflag:s23] =	ssyncset.done $0x0  }
0x94: {  	[sflag:s23] =	ssyncadd.s32 $0xFFFFF9C0  }
0x95: {  	_ =	swait.ge [sflag:s23], $0x640  }
0x96: {  	[sflag:s23] =	ssyncset.done $0x0  }
0x97: {  	[sflag:s23] =	ssyncadd.s32 $0xFFFFF9C0  }
0x98: {  	_ =	swait.ge [sflag:s23], $0x640  }
0x99: {  	[sflag:s23] =	ssyncset.done $0x0  }
0x9a: {  	[sflag:s23] =	ssyncadd.s32 $0xFFFFF9C0  }
0x9b: {  	_ =	swait.ge [sflag:s23], $0x640  }
0x9c: {  	[sflag:s23] =	ssyncset.done $0x0  }
0x9d: {  	[sflag:s23] =	ssyncadd.s32 $0xFFFFF9C0  }
0x9e: {  	_ =	swait.ge [sflag:s23], $0x640  }
0x9f: {  	[sflag:s23] =	ssyncset.done $0x0  }
0xa0: {  	[sflag:s23] =	ssyncadd.s32 $0xFFFFF9C0  }
0xa1: {  	_ =	swait.ge [sflag:s23], $0x640  }
0xa2: {  	[sflag:s23] =	ssyncset.done $0x0  }
0xa3: {  	[sflag:s23] =	ssyncadd.s32 $0xFFFFF9C0  }
0xa4: {  	_ =	swait.ge [sflag:s23], $0x640  }
0xa5: {  	[sflag:s23] =	ssyncset.done $0x0  }
0xa6: {  	[sflag:s23] =	ssyncadd.s32 $0xFFFFF9C0  }
0xa7: {  	_ =	swait.ge [sflag:s23], $0x640  }
0xa8: {  	[sflag:s23] =	ssyncset.done $0x0  }
0xa9: {  	[sflag:s23] =	ssyncadd.s32 $0xFFFFF9C0  }
.Ltmp2:
0xaa: {  	_ =	swait.ge [sflag:s23], $0x640;
	(pc) =	sbr.rel @p1 .LBB2_6-.Ltmp2, $4  }
0xab: {  	[sflag:s23] =	ssyncset.done $0x0  }
0xac: {  	[sflag:s23] =	ssyncadd.s32 $0xFFFFF9C0  }
0xad: {  	_ =	swait.ge [sflag:s23], $0x640  }
0xae: {  	s26 =	smov.u32 s25;
	[sflag:s23] =	ssyncset.done $0x0  }
0xaf: {  	s24 =	sshra.s32 s24, $0x2;
	[sflag:s23] =	ssyncadd.s32 $0xFFFFF9C0  }
0xb0: {  	[spmem:s1] =	stream.indirect.scatter.add.f32 [tilespmem:s20], [sflag:$0x1], $0x10, s24, s22, $0xb8;
	[tilespmem:$0x55F0] =	vst v63  }
0xb1: {  	s25 =	sadd.s32 $0x68, s24  }
0xb2: {  	[spmem:s1] =	stream.indirect.scatter.add.f32 [tilespmem:s20], [sflag:$0x1], $0x10, s25, s22, $0xb8;
	[tilespmem:$0x55F0] =	vst v63  }
0xb3: {  	s28 =	sadd.s32 $0xD0, s24  }
0xb4: {  	[spmem:s1] =	stream.indirect.scatter.add.f32 [tilespmem:s20], [sflag:$0x1], $0x10, s28, s22, $0xb8;
	[tilespmem:$0x55F0] =	vst v63  }
0xb5: {  	s29 =	sadd.s32 $0x138, s24  }
0xb6: {  	[spmem:s1] =	stream.indirect.scatter.add.f32 [tilespmem:s20], [sflag:$0x1], $0x10, s29, s22, $0xb8;
	[tilespmem:$0x55F0] =	vst v63  }
0xb7: {  	s30 =	sadd.s32 $0x1A0, s24  }
0xb8: {  	[spmem:s1] =	stream.indirect.scatter.add.f32 [tilespmem:s20], [sflag:$0x1], $0x10, s30, s22, $0xb8;
	[tilespmem:$0x55F0] =	vst v63  }
0xb9: {  	s31 =	sadd.s32 $0x208, s24  }
0xba: {  	[spmem:s1] =	stream.indirect.scatter.add.f32 [tilespmem:s20], [sflag:$0x1], $0x10, s31, s22, $0xb8;
	[tilespmem:$0x55F0] =	vst v63  }
0xbb: {  	s26 =	sadd.s32 $0x270, s24  }
0xbc: {  	[spmem:s1] =	stream.indirect.scatter.add.f32 [tilespmem:s20], [sflag:$0x1], $0x10, s26, s22, $0xb8;
	[tilespmem:$0x55F0] =	vst v63  }
0xbd: {  	s28 =	sadd.s32 $0x2D8, s24  }
0xbe: {  	[spmem:s1] =	stream.indirect.scatter.add.f32 [tilespmem:s20], [sflag:$0x1], $0x10, s28, s22, $0xb8;
	[tilespmem:$0x55F0] =	vst v63  }
0xbf: {  	s29 =	sadd.s32 $0x340, s24  }
0xc0: {  	[spmem:s1] =	stream.indirect.scatter.add.f32 [tilespmem:s20], [sflag:$0x1], $0x10, s29, s22, $0xb8;
	[tilespmem:$0x55F0] =	vst v63  }
0xc1: {  	s24 =	sadd.s32 $0x3A8, s24  }
0xc2: {  	[spmem:s1] =	stream.indirect.scatter.add.f32 [tilespmem:s20], [sflag:$0x1], $0x10, s24, s22, $0xb8;
	[tilespmem:$0x55F0] =	vst v63  }
0xc3: {  	_ =	swait.ge [sflag:s23], $0x640  }
0xc4: {  	[sflag:s23] =	ssyncset.done $0x0  }
0xc5: {  	[sflag:s23] =	ssyncadd.s32 $0xFFFFF9C0  }
0xc6: {  	_ =	swait.ge [sflag:s23], $0x640  }
0xc7: {  	[sflag:s23] =	ssyncset.done $0x0  }
0xc8: {  	[sflag:s23] =	ssyncadd.s32 $0xFFFFF9C0  }
0xc9: {  	_ =	swait.ge [sflag:s23], $0x640  }
0xca: {  	[sflag:s23] =	ssyncset.done $0x0  }
0xcb: {  	[sflag:s23] =	ssyncadd.s32 $0xFFFFF9C0  }
0xcc: {  	_ =	swait.ge [sflag:s23], $0x640  }
0xcd: {  	[sflag:s23] =	ssyncset.done $0x0  }
0xce: {  	[sflag:s23] =	ssyncadd.s32 $0xFFFFF9C0  }
0xcf: {  	_ =	swait.ge [sflag:s23], $0x640  }
0xd0: {  	[sflag:s23] =	ssyncset.done $0x0  }
0xd1: {  	[sflag:s23] =	ssyncadd.s32 $0xFFFFF9C0  }
0xd2: {  	_ =	swait.ge [sflag:s23], $0x640  }
0xd3: {  	[sflag:s23] =	ssyncset.done $0x0  }
0xd4: {  	[sflag:s23] =	ssyncadd.s32 $0xFFFFF9C0  }
0xd5: {  	_ =	swait.ge [sflag:s23], $0x640  }
0xd6: {  	[sflag:s23] =	ssyncset.done $0x0  }
0xd7: {  	[sflag:s23] =	ssyncadd.s32 $0xFFFFF9C0  }
0xd8: {  	_ =	swait.ge [sflag:s23], $0x640  }
0xd9: {  	[sflag:s23] =	ssyncset.done $0x0  }
0xda: {  	[sflag:s23] =	ssyncadd.s32 $0xFFFFF9C0  }
0xdb: {  	_ =	swait.ge [sflag:s23], $0x640  }
0xdc: {  	[sflag:s23] =	ssyncset.done $0x0  }
0xdd: {  	[sflag:s23] =	ssyncadd.s32 $0xFFFFF9C0  }
0xde: {  	_ =	swait.ge [sflag:s23], $0x640  }
0xdf: {  	[sflag:s23] =	ssyncset.done $0x0  }
0xe0: {  	s30 =	sshll.u32 s2, $0x6;
	[sflag:s23] =	ssyncadd.s32 $0xFFFFF9C0  }
0xe1: {  	s31 =	sshrl.u32 s4, $0x3;
	s24 =	sor.u32 $0x1C02, s30;
	[bflag:$0x0] =	sbarrier.arrive $0xFFFF  }
0xe2: {  	[hbm:s12], [sflag:s24] =	dma.local [spmem:s31], $0xC8  }
0xe3: {  	_ =	swait.ge [sflag:s21], $0xC8  }
0xe4: {  	[sflag:s21] =	ssyncset.done $0x0  }
0xe5: {  	s26 =	sshrl.u32 s5, $0x3;
	[sflag:s21] =	ssyncadd.s32 $0xFFFFFF38  }
0xe6: {  	[hbm:s13], [sflag:s24] =	dma.local [spmem:s26], $0xC8  }
0xe7: {  	_ =	swait.ge [sflag:s21], $0xC8  }
0xe8: {  	[sflag:s21] =	ssyncset.done $0x0  }
0xe9: {  	s28 =	sshrl.u32 s6, $0x3;
	[sflag:s21] =	ssyncadd.s32 $0xFFFFFF38  }
0xea: {  	[hbm:s14], [sflag:s24] =	dma.local [spmem:s28], $0xC8  }
0xeb: {  	_ =	swait.ge [sflag:s21], $0xC8  }
0xec: {  	[sflag:s21] =	ssyncset.done $0x0  }
0xed: {  	s29 =	sshrl.u32 s7, $0x3;
	[sflag:s21] =	ssyncadd.s32 $0xFFFFFF38  }
0xee: {  	[hbm:s15], [sflag:s24] =	dma.local [spmem:s29], $0xC8  }
0xef: {  	_ =	swait.ge [sflag:s21], $0xC8  }
0xf0: {  	[sflag:s21] =	ssyncset.done $0x0  }
0xf1: {  	s30 =	sshrl.u32 s8, $0x3;
	[sflag:s21] =	ssyncadd.s32 $0xFFFFFF38  }
0xf2: {  	[hbm:s16], [sflag:s24] =	dma.local [spmem:s30], $0xC8  }
0xf3: {  	_ =	swait.ge [sflag:s21], $0xC8  }
0xf4: {  	[sflag:s21] =	ssyncset.done $0x0  }
0xf5: {  	s31 =	sshrl.u32 s9, $0x3;
	[sflag:s21] =	ssyncadd.s32 $0xFFFFFF38  }
0xf6: {  	[hbm:s17], [sflag:s24] =	dma.local [spmem:s31], $0xC8  }
0xf7: {  	_ =	swait.ge [sflag:s21], $0xC8  }
0xf8: {  	s3 =	sadd.s32 $0x1, s3;
	[sflag:s21] =	ssyncset.done $0x0  }
0xf9: {  	p1 =	sne.s32 s3, s19;
	s25 =	sshrl.u32 @!p0 s10, $0x3;
	[sflag:s21] =	ssyncadd.s32 $0xFFFFFF38  }
0xfa: {  	[hbm:s18], [sflag:s24] =	dma.local @!p0 [spmem:s25], $0xC8  }
.Ltmp3:
0xfb: {  	_ = 	snop;
	(pc) =	sbr.rel @p1 .LBB2_1-.Ltmp3, $4  }
0xfc: {  	s24 =	simm.s32 @!p0 $0x2  }
0xfd: {  	_ =	swait.ge @!p0 [sflag:s24], $0xC8  }
0xfe: {  	[sflag:s24] =	ssyncset.done @!p0 $0x0  }
0xff: {  	[sflag:s24] =	ssyncadd.s32 @!p0 $0xFFFFFF38  }
0x100: {  	_ =	sfence.sel $0x180000  }
0x101: {  	[bflag:$0x0] =	sbarrier.arrive $0xFFFF  }
0x102: {  	p0 =	sne.s32 s2, $0x0;
	_ =	strace $0x90000047  }
0x103: {  	s0 =	sadd.s32 @!p0 $0x100000, s0;
	[bflag:$0x2] =	sbarrier.arrive $0xFFFF  }
0x104: {  	[sflag:s0] =	ssyncadd.tile.s32 @!p0 $0x1;
	_ =	shalt  }
.Lfunc_end2:
_tile_overlayer_lowered:
.L_overlay_start_2:
0x105: {  	(tag) =	ssettag $0x2  }
0x106: {  	s0 =	rddreg [dreg:$0x0];
	s2 =	stileid.u32  }
0x107: {  	s1 =	rddreg [dreg:$0x1];
	p0 =	sne.s32 s2, $0x0  }
0x108: {  	s3 =	rddreg [dreg:$0x2];
	[bflag:$0x3] =	sbarrier.arrive $0xFFFF;
	s2 =	simm.s32 @!p0 $0x1C02  }
0x109: {  	[timem:s3], [sflag:s2] =	dma.local @!p0 [hbm:s0], s1  }
0x10a: {  	s0 =	simm.s32 @!p0 $0x2  }
0x10b: {  	_ =	swait.ge @!p0 [sflag:s0], s1  }
0x10c: {  	s1 =	ssub.s32 @!p0 $0x0, s1;
	[sflag:s0] =	ssyncset.done @!p0 $0x0  }
0x10d: {  	[sflag:s0] =	ssyncadd.s32 @!p0 s1  }
0x10e: {  	[bflag:$0x3] =	sbarrier.arrive $0xFFFF  }
0x10f: {  	_ =	shalt  }

</sc_bundles>
